<compile_context>
chip_gen: v7x
topology: tpu7x:2x2x1
jax: 0.10.2.dev20260603
libtpu: 0.0.44.dev20260713+nightly
codegen_flags: <defaults>
</compile_context>

<pallas_src>
import functools

import jax
import jax.numpy as jnp
from jax import lax
from jax.experimental import pallas as pl
from jax.experimental.pallas import tpu as pltpu
from jax.experimental.pallas import tpu_sc as plsc

_NC = 2
_NS = 16
_NW = _NC * _NS
_CHUNK = 128
_IDXW = 128
_HP = 128



def _proj_body(twin, x_ref, w_ref, b_ref, *o_refs):
    v = jnp.maximum(
        jnp.dot(x_ref[...], w_ref[...], preferred_element_type=jnp.float32)
        + b_ref[...], 0.0)
    for o in o_refs:
        o[...] = v


def _proj(x, w, b2d, block_rows, twin=False):
    rows, k = x.shape
    h = w.shape[1]
    n_out = 2 if twin else 1
    out_spec = pl.BlockSpec((block_rows, h), lambda i: (i, 0))
    out_shape = jax.ShapeDtypeStruct((rows, h), jnp.float32)
    return pl.pallas_call(
        functools.partial(_proj_body, twin),
        grid=(rows // block_rows,),
        in_specs=[
            pl.BlockSpec((block_rows, k), lambda i: (i, 0)),
            pl.BlockSpec((k, h), lambda i: (0, 0)),
            pl.BlockSpec((1, h), lambda i: (0, 0)),
        ],
        out_specs=[out_spec] * n_out if twin else out_spec,
        out_shape=[out_shape] * n_out if twin else out_shape,
    )(x, w, b2d)


def _layer_body(nparts, with_mean, twin, *refs):
    h_ref = refs[0]
    part_refs = refs[1:1 + nparts]
    ws_ref, wm_ref, b_ref = refs[1 + nparts:4 + nparts]
    o_refs = refs[4 + nparts:4 + nparts + (2 if twin else 1)]
    agg = part_refs[0][...]
    for r in part_refs[1:]:
        agg = agg + r[...]
    o = jnp.maximum(
        jnp.dot(h_ref[...], ws_ref[...], preferred_element_type=jnp.float32)
        + jnp.dot(agg, wm_ref[...], preferred_element_type=jnp.float32)
        + b_ref[...], 0.0)
    for o_ref in o_refs:
        o_ref[...] = o
    if with_mean:
        ms_ref = refs[-1]

        @pl.when(pl.program_id(0) == 0)
        def _():
            ms_ref[...] = jnp.zeros_like(ms_ref)

        ms_ref[...] += jnp.sum(o, axis=0, keepdims=True)


def _layer(h, parts, w_self, w_msg, b2d, block_rows, with_mean, twin=False):
    n, hd = h.shape
    nparts = len(parts)
    grid = n // block_rows
    part_spec = pl.BlockSpec((block_rows, hd), lambda i: (i, 0))
    in_specs = (
        [pl.BlockSpec((block_rows, hd), lambda i: (i, 0))]
        + [part_spec] * nparts
        + [pl.BlockSpec((hd, hd), lambda i: (0, 0))] * 2
        + [pl.BlockSpec((1, hd), lambda i: (0, 0))]
    )
    o_spec = pl.BlockSpec((block_rows, hd), lambda i: (i, 0))
    o_shape = jax.ShapeDtypeStruct((n, hd), jnp.float32)
    out_specs = [o_spec] * (2 if twin else 1)
    out_shape = [o_shape] * (2 if twin else 1)
    if with_mean:
        out_specs.append(pl.BlockSpec((1, hd), lambda i: (0, 0)))
        out_shape.append(jax.ShapeDtypeStruct((1, hd), jnp.float32))
    res = pl.pallas_call(
        functools.partial(_layer_body, nparts, with_mean, twin),
        grid=(grid,),
        in_specs=in_specs,
        out_specs=out_specs,
        out_shape=out_shape,
    )(h, *parts, w_self, w_msg, b2d)
    return res


def _head_body(n_nodes, o0_ref, o1_ref, ws1a_ref, ws1b_ref, bs1_ref, ws2t_ref,
               bs2_ref, ms_ref, ts_ref, wk1h_ref, wk1t_ref, bk1_ref, wk2_ref,
               bk2_ref, wk3_ref, bk3_ref, sc_ref, kc_ref, ki_ref):
    z = jnp.maximum(
        jnp.dot(o0_ref[...], ws1a_ref[...], preferred_element_type=jnp.float32)
        + jnp.dot(o1_ref[...], ws1b_ref[...], preferred_element_type=jnp.float32)
        + bs1_ref[...], 0.0)
    sc_ref[...] = lax.dot_general(
        ws2t_ref[...], z, (((1,), (1,)), ((), ())),
        preferred_element_type=jnp.float32) + bs2_ref[...]
    ge = ms_ref[...] * (1.0 / n_nodes)
    h1 = jnp.maximum(
        jnp.dot(ge, wk1h_ref[...], preferred_element_type=jnp.float32)
        + jnp.dot(ts_ref[...], wk1t_ref[...], preferred_element_type=jnp.float32)
        + bk1_ref[...], 0.0)
    h2 = jnp.maximum(
        jnp.dot(h1, wk2_ref[...], preferred_element_type=jnp.float32)
        + bk2_ref[...], 0.0)
    raw = jnp.dot(h2, wk3_ref[...], preferred_element_type=jnp.float32) + bk3_ref[...]
    kc = 1.0 + 49.0 / (1.0 + jnp.exp(-raw))
    kc_ref[...] = kc
    ki_ref[...] = jnp.clip(jnp.round(kc), 1.0, 50.0).astype(jnp.int32)



def _acc_copies(zr):
    pieces, off = [], 0
    while off < zr:
        sz = min(_CHUNK, zr - off)
        pieces.append((off, sz))
        off += sz
    return pieces


def _build_segsum(n_acc, ep, gather, split=None):
    pw = ep // _NW
    ch = pw // _CHUNK
    if split is None:
        split = (ch, ch)
    ir = max(split)
    zr = n_acc // _NS
    mesh = plsc.VectorSubcoreMesh(core_axis_name="c", subcore_axis_name="s")
    out_type = [jax.ShapeDtypeStruct((n_acc, _HP), jnp.float32)] * _NC
    scratch = [
        pltpu.VMEM((2, _IDXW), jnp.int32),
        pltpu.VMEM((_CHUNK, _HP), jnp.float32),
        pltpu.VMEM((_CHUNK, _HP), jnp.float32),
        pltpu.VMEM_SHARED((n_acc, _HP), jnp.float32),
        pltpu.SemaphoreType.DMA,
        pltpu.SemaphoreType.DMA,
    ]
    if gather:
        scratch.insert(0, pltpu.VMEM((ir, _IDXW), jnp.int32))

    def body(*refs):
        if gather:
            tab0_hbm, tab1_hbm, src_hbm, dst_hbm = refs[:4]
            outs = refs[4:4 + _NC]
            src_a, dstp, buf0, buf1, acc, sem0, sem1 = refs[4 + _NC:]
        else:
            tab0_hbm, dst_hbm = refs[:2]
            outs = refs[2:2 + _NC]
            dstp, buf0, buf1, acc, sem0, sem1 = refs[2 + _NC:]
            src_a = None
        cid = lax.axis_index("c")
        sid = lax.axis_index("s")

        def zrow(i, carry):
            for j in range(_HP // 16):
                buf0[i, pl.ds(j * 16, 16)] = jnp.zeros((16,), jnp.float32)
            return carry

        lax.fori_loop(0, min(zr, _CHUNK), zrow, 0)
        for off, sz in _acc_copies(zr):
            pltpu.sync_copy(buf0.at[pl.ds(0, sz)],
                            acc.at[pl.ds(sid * zr + off, sz)])
        plsc.subcore_barrier()

        def run_core(tab_hbm, row0, nch):
            if gather:
                pltpu.sync_copy(src_hbm.at[pl.ds(row0, nch)],
                                src_a.at[pl.ds(0, nch)])

            def issue(t, buf, sem):
                if gather:
                    return pltpu.async_copy(tab_hbm.at[src_a.at[t]], buf, sem)
                return pltpu.async_copy(
                    tab_hbm.at[pl.ds((row0 + t) * _IDXW, _CHUNK)], buf, sem)

            def pair(i, carry):
                t0 = 2 * i
                d0 = issue(t0, buf0, sem0)
                d1 = issue(t0 + 1, buf1, sem1)
                pltpu.sync_copy(dst_hbm.at[pl.ds(row0 + t0, 2)], dstp)
                d0.wait()
                pltpu.sync_copy(buf0, acc.at[dstp.at[0]], add=True)
                d1.wait()
                pltpu.sync_copy(buf1, acc.at[dstp.at[1]], add=True)
                return carry

            lax.fori_loop(0, nch // 2, pair, 0)

        @pl.when(cid == 0)
        def _():
            run_core(tab0_hbm, sid * split[0], split[0])

        @pl.when(cid == 1)
        def _():
            run_core(tab1_hbm if gather else tab0_hbm,
                     _NS * split[0] + sid * split[1], split[1])

        plsc.subcore_barrier()

        for off, sz in _acc_copies(zr):
            pltpu.sync_copy(acc.at[pl.ds(sid * zr + off, sz)],
                            buf0.at[pl.ds(0, sz)])
            for c in range(_NC):
                @pl.when(cid == c)
                def _():
                    pltpu.sync_copy(buf0.at[pl.ds(0, sz)],
                                    outs[c].at[pl.ds(sid * zr + off, sz)])

    return pl.kernel(body, out_type=out_type, mesh=mesh,
                     scratch_types=scratch)


def _build_odgather(nod):
    pw = nod // _NW
    mesh = plsc.VectorSubcoreMesh(core_axis_name="c", subcore_axis_name="s")

    @functools.partial(
        pl.kernel,
        out_type=[jax.ShapeDtypeStruct((nod, _HP), jnp.float32),
                  jax.ShapeDtypeStruct((nod, _HP), jnp.float32)],
        mesh=mesh,
        scratch_types=[
            pltpu.VMEM((1, pw), jnp.int32),
            pltpu.VMEM((pw, _HP), jnp.float32),
            pltpu.SemaphoreType.DMA,
        ],
    )
    def body(h_hbm, od0_hbm, od1_hbm, o0, o1, idx_v, rows_v, sem):
        cid = lax.axis_index("c")
        sid = lax.axis_index("s")
        wid = sid * _NC + cid
        for odh, out in ((od0_hbm, o0), (od1_hbm, o1)):
            pltpu.sync_copy(odh.at[pl.ds(wid, 1)], idx_v)
            pltpu.async_copy(h_hbm.at[idx_v.at[0]], rows_v, sem).wait()
            pltpu.sync_copy(rows_v, out.at[pl.ds(wid * pw, pw)])

    return body



def _pad_w(w):
    r, c = w.shape
    return jnp.pad(w, ((0, _HP - r if r == 64 else 0),
                       (0, _HP - c if c == 64 else 0)))


def kernel(node_features, edge_features, traffic_stats, edge_index, od_pairs,
           W_node, b_node, W_edge, b_edge,
           W_self0, W_msg0, b0, W_self1, W_msg1, b1,
           W_s1, b_s1, W_s2, b_s2,
           W_k1, b_k1, W_k2, b_k2, W_k3, b_k3):
    n, _ = node_features.shape
    e_cnt, _ = edge_features.shape
    hd = W_node.shape[1]
    nod = od_pairs.shape[0]

    pw = -(-e_cnt // (_NW * 2 * _CHUNK)) * (2 * _CHUNK)
    ep = pw * _NW
    n_acc = (8 * _NS) * (-(-(n + 1) // (8 * _NS)))

    src = edge_index[0]
    dst = edge_index[1]
    pad = ep - e_cnt
    src2d = jnp.concatenate(
        [src, jnp.zeros((pad,), jnp.int32)]).reshape(ep // _IDXW, _IDXW)
    dst2d = jnp.concatenate(
        [dst, jnp.full((pad,), n, jnp.int32)]).reshape(ep // _IDXW, _IDXW)
    ef_p = jnp.pad(edge_features, ((0, pad), (0, 0)))

    wn_p = jnp.pad(W_node, ((0, 0), (0, _HP - hd)))
    we_p = jnp.pad(W_edge, ((0, 0), (0, _HP - hd)))
    bn_p = jnp.pad(b_node, (0, _HP - hd)).reshape(1, _HP)
    be_p = jnp.pad(b_edge, (0, _HP - hd)).reshape(1, _HP)
    ws0_p, wm0_p = _pad_w(W_self0), _pad_w(W_msg0)
    ws1_p, wm1_p = _pad_w(W_self1), _pad_w(W_msg1)
    b0_p = jnp.pad(b0, (0, _HP - hd)).reshape(1, _HP)
    b1_p = jnp.pad(b1, (0, _HP - hd)).reshape(1, _HP)

    h0a, h0b = _proj(node_features, wn_p, bn_p, 1000, twin=True)
    e = _proj(ef_p, we_p, be_p, 2048)

    c_tot = ep // (_NS * _CHUNK)
    c0 = (c_tot * 3 // 4) // 8 * 8
    split = (c0, c_tot - c0)

    se_parts = _build_segsum(n_acc, ep, gather=False)(e, dst2d)
    g0_parts = _build_segsum(n_acc, ep, gather=True,
                             split=split)(h0a, h0b, src2d, dst2d)

    h1a, h1b = _layer(h0a, list(g0_parts) + list(se_parts), ws0_p, wm0_p,
                      b0_p, 1000, with_mean=False, twin=True)

    g1_parts = _build_segsum(n_acc, ep, gather=True,
                             split=split)(h1a, h1b, src2d, dst2d)
    h2, msum = _layer(h1a, list(g1_parts) + list(se_parts), ws1_p, wm1_p,
                      b1_p, 1000, with_mean=True)

    od0 = od_pairs[:, 0].reshape(_NW, nod // _NW)
    od1 = od_pairs[:, 1].reshape(_NW, nod // _NW)
    o0, o1 = _build_odgather(nod)(h2, od0, od1)

    ws1a_p = jnp.pad(W_s1[:hd], ((0, _HP - hd), (0, 0)))
    ws1b_p = jnp.pad(W_s1[hd:], ((0, _HP - hd), (0, 0)))
    wk1h_p = jnp.pad(W_k1[:hd], ((0, _HP - hd), (0, 0)))
    scores_t, kc, ki = pl.pallas_call(
        functools.partial(_head_body, n),
        out_shape=[
            jax.ShapeDtypeStruct((1, nod), jnp.float32),
            jax.ShapeDtypeStruct((1, 1), jnp.float32),
            jax.ShapeDtypeStruct((1, 1), jnp.int32),
        ],
    )(o0, o1, ws1a_p, ws1b_p, b_s1.reshape(1, hd),
      W_s2.reshape(1, hd), b_s2.reshape(1, 1), msum,
      traffic_stats.reshape(1, 4), wk1h_p, W_k1[hd:],
      b_k1.reshape(1, 32), W_k2, b_k2.reshape(1, 16), W_k3,
      b_k3.reshape(1, 1))

    return (scores_t.reshape(nod), kc.reshape(()), ki.reshape(()))

# --- scband reference (transcript-rebuilt; emitter-appended) ---
"""Pipeline reference for scband-gnnwith-dynamic-k-45672682226325 (READ-ONLY COPY).

The authoritative reference and input builder live on the scoring server;
editing this copy changes nothing except your own understanding.
"""

import jax, jax.numpy as jnp
import numpy as np

N, E, D_FEAT, D_EDGE, H, N_OD = 10000, 320000, 128, 16, 64, 4096
K_MIN, K_MAX = 1.0, 50.0


def setup_inputs(seed: int = 0):
    key = jax.random.key(seed)
    ks = jax.random.split(key, 30)

    def w(i, shape, fan_in):
        return jax.random.normal(ks[i], shape, dtype=jnp.float32) * (1.0 / np.sqrt(fan_in))

    inp = {}
    inp["node_features"] = jax.random.normal(ks[0], (N, D_FEAT), dtype=jnp.float32)
    inp["edge_features"] = jax.random.normal(ks[1], (E, D_EDGE), dtype=jnp.float32)
    inp["traffic_stats"] = jax.random.uniform(ks[2], (4,), dtype=jnp.float32)
    inp["edge_index"] = jax.random.randint(ks[3], (2, E), 0, N, dtype=jnp.int32)
    inp["od_pairs"] = jax.random.randint(ks[4], (N_OD, 2), 0, N, dtype=jnp.int32)
    inp["W_node"] = w(5, (D_FEAT, H), D_FEAT); inp["b_node"] = jnp.zeros((H,), jnp.float32)
    inp["W_edge"] = w(6, (D_EDGE, H), D_EDGE); inp["b_edge"] = jnp.zeros((H,), jnp.float32)
    inp["W_self0"] = w(7, (H, H), H); inp["W_msg0"] = w(8, (H, H), H); inp["b0"] = jnp.zeros((H,), jnp.float32)
    inp["W_self1"] = w(9, (H, H), H); inp["W_msg1"] = w(10, (H, H), H); inp["b1"] = jnp.zeros((H,), jnp.float32)
    inp["W_s1"] = w(11, (2 * H, H), 2 * H); inp["b_s1"] = jnp.zeros((H,), jnp.float32)
    inp["W_s2"] = w(12, (H, 1), H); inp["b_s2"] = jnp.zeros((1,), jnp.float32)
    inp["W_k1"] = w(13, (H + 4, 32), H + 4); inp["b_k1"] = jnp.zeros((32,), jnp.float32)
    inp["W_k2"] = w(14, (32, 16), 32); inp["b_k2"] = jnp.zeros((16,), jnp.float32)
    inp["W_k3"] = w(15, (16, 1), 16); inp["b_k3"] = jnp.zeros((1,), jnp.float32)
    return inp


def _forward(node_features, edge_features, traffic_stats,
             W_node, b_node, W_edge, b_edge,
             W_self0, W_msg0, b0, W_self1, W_msg1, b1,
             W_s1, b_s1, W_s2, b_s2,
             W_k1, b_k1, W_k2, b_k2, W_k3, b_k3,
             edge_index, od_pairs):
    src, dst = edge_index[0], edge_index[1]
    # base: node/edge projections
    h = jax.nn.relu(node_features @ W_node + b_node)
    e = jax.nn.relu(edge_features @ W_edge + b_edge)
    # gnn message-passing layers: gather at src, edge-conditioned message, scatter-add to dst
    for (W_self, W_msg, b) in ((W_self0, W_msg0, b0), (W_self1, W_msg1, b1)):
        msg = (h[src] + e) @ W_msg
        agg = jax.ops.segment_sum(msg, dst, num_segments=N)
        h = jax.nn.relu(h @ W_self + agg + b)
    # base score head over OD pairs (gather endpoint embeddings)
    z = jnp.concatenate([h[od_pairs[:, 0]], h[od_pairs[:, 1]]], axis=-1)
    scores = (jax.nn.relu(z @ W_s1 + b_s1) @ W_s2 + b_s2)[:, 0]
    # dynamic-K head (dropout in eval mode = identity)
    graph_embed = h.mean(axis=0)
    x = jnp.concatenate([graph_embed, traffic_stats], axis=-1)
    h1 = jax.nn.relu(x @ W_k1 + b_k1)
    h2 = jax.nn.relu(h1 @ W_k2 + b_k2)
    raw = (h2 @ W_k3 + b_k3)[0]
    k_cont = K_MIN + jax.nn.sigmoid(raw) * (K_MAX - K_MIN)
    return scores, k_cont


def reference(node_features, edge_features, traffic_stats, edge_index, od_pairs,
              W_node, b_node, W_edge, b_edge,
              W_self0, W_msg0, b0, W_self1, W_msg1, b1,
              W_s1, b_s1, W_s2, b_s2,
              W_k1, b_k1, W_k2, b_k2, W_k3, b_k3):
    scores, k_cont = _forward(node_features, edge_features, traffic_stats,
                              W_node, b_node, W_edge, b_edge,
                              W_self0, W_msg0, b0, W_self1, W_msg1, b1,
                              W_s1, b_s1, W_s2, b_s2,
                              W_k1, b_k1, W_k2, b_k2, W_k3, b_k3,
                              edge_index, od_pairs)
    k_int = jnp.clip(jnp.round(k_cont), K_MIN, K_MAX).astype(jnp.int32)
    return (scores, k_cont, k_int)

if __name__ == "__main__":
    import jax
    _d = setup_inputs()
    print(jax.jit(kernel)(*tuple(_d.values())))

</pallas_src>

<mosaic_0001>
#map = affine_map<(d0, d1) -> (0, 0)>
module attributes {stable_mosaic.version = 14 : i64} {
  func.func @body(%arg0: i32, %arg1: i32, %arg2: memref<10000x128xf32, #tpu.memory_space<hbm>>, %arg3: memref<32x128xi32, #tpu.memory_space<hbm>>, %arg4: memref<32x128xi32, #tpu.memory_space<hbm>>, %arg5: memref<4096x128xf32, #tpu.memory_space<hbm>>, %arg6: memref<4096x128xf32, #tpu.memory_space<hbm>>, %arg7: memref<1x128xi32, #tpu.memory_space<vmem>>, %arg8: memref<128x128xf32, #tpu.memory_space<vmem>>, %arg9: memref<!tpu.dma_semaphore, #tpu.memory_space<semaphore_mem>>) attributes {dimension_semantics = [#tpu.dimension_semantics<core_parallel>, #tpu.dimension_semantics<subcore_parallel>], iteration_bounds = array<i64: 2, 16>, scalar_prefetch = 0 : i64, scratch_operands = 3 : i64, tpu.core_type = #tpu.core_type<sc_vector_subcore>, window_params = [{transform_indices = #map}, {transform_indices = #map}, {transform_indices = #map}, {transform_indices = #map}, {transform_indices = #map}]} {
    %mul3A = arith.constant 2 : i32
    %mul3A_0 = arith.muli %arg1, %mul3A : i32
    %add3A = arith.addi %mul3A_0, %arg0 : i32
    "tpu.region"() ({
      %run_scoped3A = tpu.sem_alloc : memref<!tpu.dma_semaphore, #tpu.memory_space<semaphore_mem>>
      %dma_start3A_31 = arith.constant 0 : i32
      %dma_start3A_32 = tpu.memref_slice %arg3[%add3A, %dma_start3A_31] : memref<32x128xi32, #tpu.memory_space<hbm>> -> memref<1x128xi32, #tpu.memory_space<hbm>>
      %dma_start3A_33 = arith.constant 0 : i32
      %dma_start3A_34 = tpu.memref_slice %arg3[%add3A, %dma_start3A_33] : memref<32x128xi32, #tpu.memory_space<hbm>> -> memref<1x128xi32, #tpu.memory_space<hbm>>
      tpu.enqueue_dma source(%dma_start3A_34 : memref<1x128xi32, #tpu.memory_space<hbm>>) target(%arg7 : memref<1x128xi32, #tpu.memory_space<vmem>>) target_semaphore(%run_scoped3A : memref<!tpu.dma_semaphore, #tpu.memory_space<semaphore_mem>>)
      %dma_wait3A_35 = arith.constant 0 : i32
      %dma_wait3A_36 = tpu.memref_slice %arg3[%add3A, %dma_wait3A_35] : memref<32x128xi32, #tpu.memory_space<hbm>> -> memref<1x128xi32, #tpu.memory_space<hbm>>
      %dma_wait3A_37 = arith.constant 0 : i32
      %dma_wait3A_38 = tpu.memref_slice %arg3[%add3A, %dma_wait3A_37] : memref<32x128xi32, #tpu.memory_space<hbm>> -> memref<1x128xi32, #tpu.memory_space<hbm>>
      tpu.wait_dma2 semaphore(%run_scoped3A : memref<!tpu.dma_semaphore, #tpu.memory_space<semaphore_mem>>) src(%dma_wait3A_38 : memref<1x128xi32, #tpu.memory_space<hbm>>) dst(%arg7 : memref<1x128xi32, #tpu.memory_space<vmem>>)
      tpu.yield
    }) : () -> ()
    %dma_start3A = arith.constant 0 : i32
    %dma_start3A_1 = arith.constant 0 : i32
    %dma_start3A_2 = tpu.memref_slice %arg7[%dma_start3A, %dma_start3A_1] : memref<1x128xi32, #tpu.memory_space<vmem>> -> memref<1x128xi32, #tpu.memory_space<vmem>>
    %dma_start3A_3 = tpu.memref_squeeze %dma_start3A_2 : memref<1x128xi32, #tpu.memory_space<vmem>> -> memref<128xi32, #tpu.memory_space<vmem>>
    %dma_start3A_4 = arith.constant 0 : i32
    %dma_start3A_5 = arith.constant 0 : i32
    %dma_start3A_6 = tpu.memref_slice %arg2[%dma_start3A_4, %dma_start3A_5] : memref<10000x128xf32, #tpu.memory_space<hbm>> -> memref<10000x128xf32, #tpu.memory_space<hbm>>
    tpu.enqueue_indirect_dma source(%dma_start3A_6 : memref<10000x128xf32, #tpu.memory_space<hbm>>) target(%arg8 : memref<128x128xf32, #tpu.memory_space<vmem>>) offsets(%dma_start3A_3 : memref<128xi32, #tpu.memory_space<vmem>>) semaphore(%arg9 : memref<!tpu.dma_semaphore, #tpu.memory_space<semaphore_mem>>)
    %dma_wait3A = arith.constant 0 : i32
    %dma_wait3A_7 = arith.constant 0 : i32
    %dma_wait3A_8 = tpu.memref_slice %arg7[%dma_wait3A, %dma_wait3A_7] : memref<1x128xi32, #tpu.memory_space<vmem>> -> memref<1x128xi32, #tpu.memory_space<vmem>>
    %dma_wait3A_9 = tpu.memref_squeeze %dma_wait3A_8 : memref<1x128xi32, #tpu.memory_space<vmem>> -> memref<128xi32, #tpu.memory_space<vmem>>
    %dma_wait3A_10 = arith.constant 0 : i32
    %dma_wait3A_11 = arith.constant 0 : i32
    %dma_wait3A_12 = tpu.memref_slice %arg2[%dma_wait3A_10, %dma_wait3A_11] : memref<10000x128xf32, #tpu.memory_space<hbm>> -> memref<10000x128xf32, #tpu.memory_space<hbm>>
    tpu.wait_indirect_dma semaphore(%arg9 : memref<!tpu.dma_semaphore, #tpu.memory_space<semaphore_mem>>) src(%dma_wait3A_12 : memref<10000x128xf32, #tpu.memory_space<hbm>>) dst(%arg8 : memref<128x128xf32, #tpu.memory_space<vmem>>)
    %mul3A_13 = arith.constant 128 : i32
    %mul3A_14 = arith.muli %add3A, %mul3A_13 : i32
    "tpu.region"() ({
      %run_scoped3A = tpu.sem_alloc : memref<!tpu.dma_semaphore, #tpu.memory_space<semaphore_mem>>
      %dma_start3A_31 = arith.constant 0 : i32
      %dma_start3A_32 = tpu.memref_slice %arg5[%mul3A_14, %dma_start3A_31] : memref<4096x128xf32, #tpu.memory_space<hbm>> -> memref<128x128xf32, #tpu.memory_space<hbm>>
      %dma_start3A_33 = arith.constant 0 : i32
      %dma_start3A_34 = tpu.memref_slice %arg5[%mul3A_14, %dma_start3A_33] : memref<4096x128xf32, #tpu.memory_space<hbm>> -> memref<128x128xf32, #tpu.memory_space<hbm>>
      tpu.enqueue_dma source(%arg8 : memref<128x128xf32, #tpu.memory_space<vmem>>) target(%dma_start3A_34 : memref<128x128xf32, #tpu.memory_space<hbm>>) target_semaphore(%run_scoped3A : memref<!tpu.dma_semaphore, #tpu.memory_space<semaphore_mem>>)
      %dma_wait3A_35 = arith.constant 0 : i32
      %dma_wait3A_36 = tpu.memref_slice %arg5[%mul3A_14, %dma_wait3A_35] : memref<4096x128xf32, #tpu.memory_space<hbm>> -> memref<128x128xf32, #tpu.memory_space<hbm>>
      %dma_wait3A_37 = arith.constant 0 : i32
      %dma_wait3A_38 = tpu.memref_slice %arg5[%mul3A_14, %dma_wait3A_37] : memref<4096x128xf32, #tpu.memory_space<hbm>> -> memref<128x128xf32, #tpu.memory_space<hbm>>
      tpu.wait_dma2 semaphore(%run_scoped3A : memref<!tpu.dma_semaphore, #tpu.memory_space<semaphore_mem>>) src(%arg8 : memref<128x128xf32, #tpu.memory_space<vmem>>) dst(%dma_wait3A_38 : memref<128x128xf32, #tpu.memory_space<hbm>>)
      tpu.yield
    }) : () -> ()
    "tpu.region"() ({
      %run_scoped3A = tpu.sem_alloc : memref<!tpu.dma_semaphore, #tpu.memory_space<semaphore_mem>>
      %dma_start3A_31 = arith.constant 0 : i32
      %dma_start3A_32 = tpu.memref_slice %arg4[%add3A, %dma_start3A_31] : memref<32x128xi32, #tpu.memory_space<hbm>> -> memref<1x128xi32, #tpu.memory_space<hbm>>
      %dma_start3A_33 = arith.constant 0 : i32
      %dma_start3A_34 = tpu.memref_slice %arg4[%add3A, %dma_start3A_33] : memref<32x128xi32, #tpu.memory_space<hbm>> -> memref<1x128xi32, #tpu.memory_space<hbm>>
      tpu.enqueue_dma source(%dma_start3A_34 : memref<1x128xi32, #tpu.memory_space<hbm>>) target(%arg7 : memref<1x128xi32, #tpu.memory_space<vmem>>) target_semaphore(%run_scoped3A : memref<!tpu.dma_semaphore, #tpu.memory_space<semaphore_mem>>)
      %dma_wait3A_35 = arith.constant 0 : i32
      %dma_wait3A_36 = tpu.memref_slice %arg4[%add3A, %dma_wait3A_35] : memref<32x128xi32, #tpu.memory_space<hbm>> -> memref<1x128xi32, #tpu.memory_space<hbm>>
      %dma_wait3A_37 = arith.constant 0 : i32
      %dma_wait3A_38 = tpu.memref_slice %arg4[%add3A, %dma_wait3A_37] : memref<32x128xi32, #tpu.memory_space<hbm>> -> memref<1x128xi32, #tpu.memory_space<hbm>>
      tpu.wait_dma2 semaphore(%run_scoped3A : memref<!tpu.dma_semaphore, #tpu.memory_space<semaphore_mem>>) src(%dma_wait3A_38 : memref<1x128xi32, #tpu.memory_space<hbm>>) dst(%arg7 : memref<1x128xi32, #tpu.memory_space<vmem>>)
      tpu.yield
    }) : () -> ()
    %dma_start3A_15 = arith.constant 0 : i32
    %dma_start3A_16 = arith.constant 0 : i32
    %dma_start3A_17 = tpu.memref_slice %arg7[%dma_start3A_15, %dma_start3A_16] : memref<1x128xi32, #tpu.memory_space<vmem>> -> memref<1x128xi32, #tpu.memory_space<vmem>>
    %dma_start3A_18 = tpu.memref_squeeze %dma_start3A_17 : memref<1x128xi32, #tpu.memory_space<vmem>> -> memref<128xi32, #tpu.memory_space<vmem>>
    %dma_start3A_19 = arith.constant 0 : i32
    %dma_start3A_20 = arith.constant 0 : i32
    %dma_start3A_21 = tpu.memref_slice %arg2[%dma_start3A_19, %dma_start3A_20] : memref<10000x128xf32, #tpu.memory_space<hbm>> -> memref<10000x128xf32, #tpu.memory_space<hbm>>
    tpu.enqueue_indirect_dma source(%dma_start3A_21 : memref<10000x128xf32, #tpu.memory_space<hbm>>) target(%arg8 : memref<128x128xf32, #tpu.memory_space<vmem>>) offsets(%dma_start3A_18 : memref<128xi32, #tpu.memory_space<vmem>>) semaphore(%arg9 : memref<!tpu.dma_semaphore, #tpu.memory_space<semaphore_mem>>)
    %dma_wait3A_22 = arith.constant 0 : i32
    %dma_wait3A_23 = arith.constant 0 : i32
    %dma_wait3A_24 = tpu.memref_slice %arg7[%dma_wait3A_22, %dma_wait3A_23] : memref<1x128xi32, #tpu.memory_space<vmem>> -> memref<1x128xi32, #tpu.memory_space<vmem>>
    %dma_wait3A_25 = tpu.memref_squeeze %dma_wait3A_24 : memref<1x128xi32, #tpu.memory_space<vmem>> -> memref<128xi32, #tpu.memory_space<vmem>>
    %dma_wait3A_26 = arith.constant 0 : i32
    %dma_wait3A_27 = arith.constant 0 : i32
    %dma_wait3A_28 = tpu.memref_slice %arg2[%dma_wait3A_26, %dma_wait3A_27] : memref<10000x128xf32, #tpu.memory_space<hbm>> -> memref<10000x128xf32, #tpu.memory_space<hbm>>
    tpu.wait_indirect_dma semaphore(%arg9 : memref<!tpu.dma_semaphore, #tpu.memory_space<semaphore_mem>>) src(%dma_wait3A_28 : memref<10000x128xf32, #tpu.memory_space<hbm>>) dst(%arg8 : memref<128x128xf32, #tpu.memory_space<vmem>>)
    %mul3A_29 = arith.constant 128 : i32
    %mul3A_30 = arith.muli %add3A, %mul3A_29 : i32
    "tpu.region"() ({
      %run_scoped3A = tpu.sem_alloc : memref<!tpu.dma_semaphore, #tpu.memory_space<semaphore_mem>>
      %dma_start3A_31 = arith.constant 0 : i32
      %dma_start3A_32 = tpu.memref_slice %arg6[%mul3A_30, %dma_start3A_31] : memref<4096x128xf32, #tpu.memory_space<hbm>> -> memref<128x128xf32, #tpu.memory_space<hbm>>
      %dma_start3A_33 = arith.constant 0 : i32
      %dma_start3A_34 = tpu.memref_slice %arg6[%mul3A_30, %dma_start3A_33] : memref<4096x128xf32, #tpu.memory_space<hbm>> -> memref<128x128xf32, #tpu.memory_space<hbm>>
      tpu.enqueue_dma source(%arg8 : memref<128x128xf32, #tpu.memory_space<vmem>>) target(%dma_start3A_34 : memref<128x128xf32, #tpu.memory_space<hbm>>) target_semaphore(%run_scoped3A : memref<!tpu.dma_semaphore, #tpu.memory_space<semaphore_mem>>)
      %dma_wait3A_35 = arith.constant 0 : i32
      %dma_wait3A_36 = tpu.memref_slice %arg6[%mul3A_30, %dma_wait3A_35] : memref<4096x128xf32, #tpu.memory_space<hbm>> -> memref<128x128xf32, #tpu.memory_space<hbm>>
      %dma_wait3A_37 = arith.constant 0 : i32
      %dma_wait3A_38 = tpu.memref_slice %arg6[%mul3A_30, %dma_wait3A_37] : memref<4096x128xf32, #tpu.memory_space<hbm>> -> memref<128x128xf32, #tpu.memory_space<hbm>>
      tpu.wait_dma2 semaphore(%run_scoped3A : memref<!tpu.dma_semaphore, #tpu.memory_space<semaphore_mem>>) src(%arg8 : memref<128x128xf32, #tpu.memory_space<vmem>>) dst(%dma_wait3A_38 : memref<128x128xf32, #tpu.memory_space<hbm>>)
      tpu.yield
    }) : () -> ()
    return
  }
}

#map = affine_map<(d0, d1) -> (0, 0)>
module attributes {stable_mosaic.version = 14 : i64} {
  func.func @body(%arg0: i32, %arg1: i32, %arg2: memref<10000x128xf32, #tpu.memory_space<hbm>>, %arg3: memref<10000x128xf32, #tpu.memory_space<hbm>>, %arg4: memref<2560x128xi32, #tpu.memory_space<hbm>>, %arg5: memref<2560x128xi32, #tpu.memory_space<hbm>>, %arg6: memref<10112x128xf32, #tpu.memory_space<hbm>>, %arg7: memref<10112x128xf32, #tpu.memory_space<hbm>>, %arg8: memref<120x128xi32, #tpu.memory_space<vmem>>, %arg9: memref<2x128xi32, #tpu.memory_space<vmem>>, %arg10: memref<128x128xf32, #tpu.memory_space<vmem>>, %arg11: memref<128x128xf32, #tpu.memory_space<vmem>>, %arg12: memref<10112x128xf32, #tpu.memory_space<vmem_shared>>, %arg13: memref<!tpu.dma_semaphore, #tpu.memory_space<semaphore_mem>>, %arg14: memref<!tpu.dma_semaphore, #tpu.memory_space<semaphore_mem>>) attributes {dimension_semantics = [#tpu.dimension_semantics<core_parallel>, #tpu.dimension_semantics<subcore_parallel>], iteration_bounds = array<i64: 2, 16>, scalar_prefetch = 0 : i64, scratch_operands = 7 : i64, tpu.core_type = #tpu.core_type<sc_vector_subcore>, window_params = [{transform_indices = #map}, {transform_indices = #map}, {transform_indices = #map}, {transform_indices = #map}, {transform_indices = #map}, {transform_indices = #map}]} {
    %scan3A = arith.constant 0 : i32
    %scan3A_0 = arith.constant 0 : i32
    %scan3A_1 = arith.constant 128 : i32
    %scan3A_2 = arith.addi %scan3A_0, %scan3A_1 : i32
    %scan3A_3 = arith.constant 1 : i32
    scf.for %scan3A_101 = %scan3A_0 to %scan3A_2 step %scan3A_3  : i32 {
      %broadcast_in_dim3A = arith.constant 0.000000e+00 : f32
      %broadcast_in_dim3A_102 = vector.broadcast %broadcast_in_dim3A : f32 to vector<16xf32>
      %swap3A = arith.index_cast %scan3A_101 : i32 to index
      %swap3A_103 = arith.constant 0 : index
      %swap3A_104 = tpu.vector_load %arg10[%swap3A, %swap3A_103] {strides = array<i32>} : memref<128x128xf32, #tpu.memory_space<vmem>>, vector<1x16xf32>,
      %swap3A_105 = vector.shape_cast %swap3A_104 : vector<1x16xf32> to vector<16xf32>
      %swap3A_106 = vector.shape_cast %broadcast_in_dim3A_102 : vector<16xf32> to vector<1x16xf32>
      tpu.vector_store %arg10[%swap3A, %swap3A_103], %swap3A_106 {strides = array<i32>} : memref<128x128xf32, #tpu.memory_space<vmem>>, vector<1x16xf32>,
      %broadcast_in_dim3A_107 = arith.constant 0.000000e+00 : f32
      %broadcast_in_dim3A_108 = vector.broadcast %broadcast_in_dim3A_107 : f32 to vector<16xf32>
      %swap3A_109 = arith.index_cast %scan3A_101 : i32 to index
      %swap3A_110 = arith.constant 16 : index
      %swap3A_111 = tpu.vector_load %arg10[%swap3A_109, %swap3A_110] {strides = array<i32>} : memref<128x128xf32, #tpu.memory_space<vmem>>, vector<1x16xf32>,
      %swap3A_112 = vector.shape_cast %swap3A_111 : vector<1x16xf32> to vector<16xf32>
      %swap3A_113 = vector.shape_cast %broadcast_in_dim3A_108 : vector<16xf32> to vector<1x16xf32>
      tpu.vector_store %arg10[%swap3A_109, %swap3A_110], %swap3A_113 {strides = array<i32>} : memref<128x128xf32, #tpu.memory_space<vmem>>, vector<1x16xf32>,
      %broadcast_in_dim3A_114 = arith.constant 0.000000e+00 : f32
      %broadcast_in_dim3A_115 = vector.broadcast %broadcast_in_dim3A_114 : f32 to vector<16xf32>
      %swap3A_116 = arith.index_cast %scan3A_101 : i32 to index
      %swap3A_117 = arith.constant 32 : index
      %swap3A_118 = tpu.vector_load %arg10[%swap3A_116, %swap3A_117] {strides = array<i32>} : memref<128x128xf32, #tpu.memory_space<vmem>>, vector<1x16xf32>,
      %swap3A_119 = vector.shape_cast %swap3A_118 : vector<1x16xf32> to vector<16xf32>
      %swap3A_120 = vector.shape_cast %broadcast_in_dim3A_115 : vector<16xf32> to vector<1x16xf32>
      tpu.vector_store %arg10[%swap3A_116, %swap3A_117], %swap3A_120 {strides = array<i32>} : memref<128x128xf32, #tpu.memory_space<vmem>>, vector<1x16xf32>,
      %broadcast_in_dim3A_121 = arith.constant 0.000000e+00 : f32
      %broadcast_in_dim3A_122 = vector.broadcast %broadcast_in_dim3A_121 : f32 to vector<16xf32>
      %swap3A_123 = arith.index_cast %scan3A_101 : i32 to index
      %swap3A_124 = arith.constant 48 : index
      %swap3A_125 = tpu.vector_load %arg10[%swap3A_123, %swap3A_124] {strides = array<i32>} : memref<128x128xf32, #tpu.memory_space<vmem>>, vector<1x16xf32>,
      %swap3A_126 = vector.shape_cast %swap3A_125 : vector<1x16xf32> to vector<16xf32>
      %swap3A_127 = vector.shape_cast %broadcast_in_dim3A_122 : vector<16xf32> to vector<1x16xf32>
      tpu.vector_store %arg10[%swap3A_123, %swap3A_124], %swap3A_127 {strides = array<i32>} : memref<128x128xf32, #tpu.memory_space<vmem>>, vector<1x16xf32>,
      %broadcast_in_dim3A_128 = arith.constant 0.000000e+00 : f32
      %broadcast_in_dim3A_129 = vector.broadcast %broadcast_in_dim3A_128 : f32 to vector<16xf32>
      %swap3A_130 = arith.index_cast %scan3A_101 : i32 to index
      %swap3A_131 = arith.constant 64 : index
      %swap3A_132 = tpu.vector_load %arg10[%swap3A_130, %swap3A_131] {strides = array<i32>} : memref<128x128xf32, #tpu.memory_space<vmem>>, vector<1x16xf32>,
      %swap3A_133 = vector.shape_cast %swap3A_132 : vector<1x16xf32> to vector<16xf32>
      %swap3A_134 = vector.shape_cast %broadcast_in_dim3A_129 : vector<16xf32> to vector<1x16xf32>
      tpu.vector_store %arg10[%swap3A_130, %swap3A_131], %swap3A_134 {strides = array<i32>} : memref<128x128xf32, #tpu.memory_space<vmem>>, vector<1x16xf32>,
      %broadcast_in_dim3A_135 = arith.constant 0.000000e+00 : f32
      %broadcast_in_dim3A_136 = vector.broadcast %broadcast_in_dim3A_135 : f32 to vector<16xf32>
      %swap3A_137 = arith.index_cast %scan3A_101 : i32 to index
      %swap3A_138 = arith.constant 80 : index
      %swap3A_139 = tpu.vector_load %arg10[%swap3A_137, %swap3A_138] {strides = array<i32>} : memref<128x128xf32, #tpu.memory_space<vmem>>, vector<1x16xf32>,
      %swap3A_140 = vector.shape_cast %swap3A_139 : vector<1x16xf32> to vector<16xf32>
      %swap3A_141 = vector.shape_cast %broadcast_in_dim3A_136 : vector<16xf32> to vector<1x16xf32>
      tpu.vector_store %arg10[%swap3A_137, %swap3A_138], %swap3A_141 {strides = array<i32>} : memref<128x128xf32, #tpu.memory_space<vmem>>, vector<1x16xf32>,
      %broadcast_in_dim3A_142 = arith.constant 0.000000e+00 : f32
      %broadcast_in_dim3A_143 = vector.broadcast %broadcast_in_dim3A_142 : f32 to vector<16xf32>
      %swap3A_144 = arith.index_cast %scan3A_101 : i32 to index
      %swap3A_145 = arith.constant 96 : index
      %swap3A_146 = tpu.vector_load %arg10[%swap3A_144, %swap3A_145] {strides = array<i32>} : memref<128x128xf32, #tpu.memory_space<vmem>>, vector<1x16xf32>,
      %swap3A_147 = vector.shape_cast %swap3A_146 : vector<1x16xf32> to vector<16xf32>
      %swap3A_148 = vector.shape_cast %broadcast_in_dim3A_143 : vector<16xf32> to vector<1x16xf32>
      tpu.vector_store %arg10[%swap3A_144, %swap3A_145], %swap3A_148 {strides = array<i32>} : memref<128x128xf32, #tpu.memory_space<vmem>>, vector<1x16xf32>,
      %broadcast_in_dim3A_149 = arith.constant 0.000000e+00 : f32
      %broadcast_in_dim3A_150 = vector.broadcast %broadcast_in_dim3A_149 : f32 to vector<16xf32>
      %swap3A_151 = arith.index_cast %scan3A_101 : i32 to index
      %swap3A_152 = arith.constant 112 : index
      %swap3A_153 = tpu.vector_load %arg10[%swap3A_151, %swap3A_152] {strides = array<i32>} : memref<128x128xf32, #tpu.memory_space<vmem>>, vector<1x16xf32>,
      %swap3A_154 = vector.shape_cast %swap3A_153 : vector<1x16xf32> to vector<16xf32>
      %swap3A_155 = vector.shape_cast %broadcast_in_dim3A_150 : vector<16xf32> to vector<1x16xf32>
      tpu.vector_store %arg10[%swap3A_151, %swap3A_152], %swap3A_155 {strides = array<i32>} : memref<128x128xf32, #tpu.memory_space<vmem>>, vector<1x16xf32>,
    }
    %scan3A_4 = arith.constant 128 : i32
    %mul3A = arith.constant 632 : i32
    %mul3A_5 = arith.muli %arg1, %mul3A : i32
    %add3A = arith.constant 0 : i32
    %add3A_6 = arith.addi %mul3A_5, %add3A : i32
    "tpu.region"() ({
      %run_scoped3A = tpu.sem_alloc : memref<!tpu.dma_semaphore, #tpu.memory_space<semaphore_mem>>
      %dma_start3A = arith.constant 0 : i32
      %dma_start3A_101 = arith.constant 0 : i32
      %dma_start3A_102 = tpu.memref_slice %arg10[%dma_start3A, %dma_start3A_101] : memref<128x128xf32, #tpu.memory_space<vmem>> -> memref<128x128xf32, #tpu.memory_space<vmem>>
      %dma_start3A_103 = arith.constant 0 : i32
      %dma_start3A_104 = tpu.memref_slice %arg12[%add3A_6, %dma_start3A_103] : memref<10112x128xf32, #tpu.memory_space<vmem_shared>> -> memref<128x128xf32, #tpu.memory_space<vmem_shared>>
      %dma_start3A_105 = arith.constant 0 : i32
      %dma_start3A_106 = tpu.memref_slice %arg12[%add3A_6, %dma_start3A_105] : memref<10112x128xf32, #tpu.memory_space<vmem_shared>> -> memref<128x128xf32, #tpu.memory_space<vmem_shared>>
      %dma_start3A_107 = arith.constant 0 : i32
      %dma_start3A_108 = arith.constant 0 : i32
      %dma_start3A_109 = tpu.memref_slice %arg10[%dma_start3A_107, %dma_start3A_108] : memref<128x128xf32, #tpu.memory_space<vmem>> -> memref<128x128xf32, #tpu.memory_space<vmem>>
      tpu.enqueue_dma source(%dma_start3A_109 : memref<128x128xf32, #tpu.memory_space<vmem>>) target(%dma_start3A_106 : memref<128x128xf32, #tpu.memory_space<vmem_shared>>) target_semaphore(%run_scoped3A : memref<!tpu.dma_semaphore, #tpu.memory_space<semaphore_mem>>)
      %dma_wait3A = arith.constant 0 : i32
      %dma_wait3A_110 = arith.constant 0 : i32
      %dma_wait3A_111 = tpu.memref_slice %arg10[%dma_wait3A, %dma_wait3A_110] : memref<128x128xf32, #tpu.memory_space<vmem>> -> memref<128x128xf32, #tpu.memory_space<vmem>>
      %dma_wait3A_112 = arith.constant 0 : i32
      %dma_wait3A_113 = tpu.memref_slice %arg12[%add3A_6, %dma_wait3A_112] : memref<10112x128xf32, #tpu.memory_space<vmem_shared>> -> memref<128x128xf32, #tpu.memory_space<vmem_shared>>
      %dma_wait3A_114 = arith.constant 0 : i32
      %dma_wait3A_115 = tpu.memref_slice %arg12[%add3A_6, %dma_wait3A_114] : memref<10112x128xf32, #tpu.memory_space<vmem_shared>> -> memref<128x128xf32, #tpu.memory_space<vmem_shared>>
      %dma_wait3A_116 = arith.constant 0 : i32
      %dma_wait3A_117 = arith.constant 0 : i32
      %dma_wait3A_118 = tpu.memref_slice %arg10[%dma_wait3A_116, %dma_wait3A_117] : memref<128x128xf32, #tpu.memory_space<vmem>> -> memref<128x128xf32, #tpu.memory_space<vmem>>
      tpu.wait_dma2 semaphore(%run_scoped3A : memref<!tpu.dma_semaphore, #tpu.memory_space<semaphore_mem>>) src(%dma_wait3A_118 : memref<128x128xf32, #tpu.memory_space<vmem>>) dst(%dma_wait3A_115 : memref<128x128xf32, #tpu.memory_space<vmem_shared>>)
      tpu.yield
    }) : () -> ()
    %mul3A_7 = arith.constant 632 : i32
    %mul3A_8 = arith.muli %arg1, %mul3A_7 : i32
    %add3A_9 = arith.constant 128 : i32
    %add3A_10 = arith.addi %mul3A_8, %add3A_9 : i32
    "tpu.region"() ({
      %run_scoped3A = tpu.sem_alloc : memref<!tpu.dma_semaphore, #tpu.memory_space<semaphore_mem>>
      %dma_start3A = arith.constant 0 : i32
      %dma_start3A_101 = arith.constant 0 : i32
      %dma_start3A_102 = tpu.memref_slice %arg10[%dma_start3A, %dma_start3A_101] : memref<128x128xf32, #tpu.memory_space<vmem>> -> memref<128x128xf32, #tpu.memory_space<vmem>>
      %dma_start3A_103 = arith.constant 0 : i32
      %dma_start3A_104 = tpu.memref_slice %arg12[%add3A_10, %dma_start3A_103] : memref<10112x128xf32, #tpu.memory_space<vmem_shared>> -> memref<128x128xf32, #tpu.memory_space<vmem_shared>>
      %dma_start3A_105 = arith.constant 0 : i32
      %dma_start3A_106 = tpu.memref_slice %arg12[%add3A_10, %dma_start3A_105] : memref<10112x128xf32, #tpu.memory_space<vmem_shared>> -> memref<128x128xf32, #tpu.memory_space<vmem_shared>>
      %dma_start3A_107 = arith.constant 0 : i32
      %dma_start3A_108 = arith.constant 0 : i32
      %dma_start3A_109 = tpu.memref_slice %arg10[%dma_start3A_107, %dma_start3A_108] : memref<128x128xf32, #tpu.memory_space<vmem>> -> memref<128x128xf32, #tpu.memory_space<vmem>>
      tpu.enqueue_dma source(%dma_start3A_109 : memref<128x128xf32, #tpu.memory_space<vmem>>) target(%dma_start3A_106 : memref<128x128xf32, #tpu.memory_space<vmem_shared>>) target_semaphore(%run_scoped3A : memref<!tpu.dma_semaphore, #tpu.memory_space<semaphore_mem>>)
      %dma_wait3A = arith.constant 0 : i32
      %dma_wait3A_110 = arith.constant 0 : i32
      %dma_wait3A_111 = tpu.memref_slice %arg10[%dma_wait3A, %dma_wait3A_110] : memref<128x128xf32, #tpu.memory_space<vmem>> -> memref<128x128xf32, #tpu.memory_space<vmem>>
      %dma_wait3A_112 = arith.constant 0 : i32
      %dma_wait3A_113 = tpu.memref_slice %arg12[%add3A_10, %dma_wait3A_112] : memref<10112x128xf32, #tpu.memory_space<vmem_shared>> -> memref<128x128xf32, #tpu.memory_space<vmem_shared>>
      %dma_wait3A_114 = arith.constant 0 : i32
      %dma_wait3A_115 = tpu.memref_slice %arg12[%add3A_10, %dma_wait3A_114] : memref<10112x128xf32, #tpu.memory_space<vmem_shared>> -> memref<128x128xf32, #tpu.memory_space<vmem_shared>>
      %dma_wait3A_116 = arith.constant 0 : i32
      %dma_wait3A_117 = arith.constant 0 : i32
      %dma_wait3A_118 = tpu.memref_slice %arg10[%dma_wait3A_116, %dma_wait3A_117] : memref<128x128xf32, #tpu.memory_space<vmem>> -> memref<128x128xf32, #tpu.memory_space<vmem>>
      tpu.wait_dma2 semaphore(%run_scoped3A : memref<!tpu.dma_semaphore, #tpu.memory_space<semaphore_mem>>) src(%dma_wait3A_118 : memref<128x128xf32, #tpu.memory_space<vmem>>) dst(%dma_wait3A_115 : memref<128x128xf32, #tpu.memory_space<vmem_shared>>)
      tpu.yield
    }) : () -> ()
    %mul3A_11 = arith.constant 632 : i32
    %mul3A_12 = arith.muli %arg1, %mul3A_11 : i32
    %add3A_13 = arith.constant 256 : i32
    %add3A_14 = arith.addi %mul3A_12, %add3A_13 : i32
    "tpu.region"() ({
      %run_scoped3A = tpu.sem_alloc : memref<!tpu.dma_semaphore, #tpu.memory_space<semaphore_mem>>
      %dma_start3A = arith.constant 0 : i32
      %dma_start3A_101 = arith.constant 0 : i32
      %dma_start3A_102 = tpu.memref_slice %arg10[%dma_start3A, %dma_start3A_101] : memref<128x128xf32, #tpu.memory_space<vmem>> -> memref<128x128xf32, #tpu.memory_space<vmem>>
      %dma_start3A_103 = arith.constant 0 : i32
      %dma_start3A_104 = tpu.memref_slice %arg12[%add3A_14, %dma_start3A_103] : memref<10112x128xf32, #tpu.memory_space<vmem_shared>> -> memref<128x128xf32, #tpu.memory_space<vmem_shared>>
      %dma_start3A_105 = arith.constant 0 : i32
      %dma_start3A_106 = tpu.memref_slice %arg12[%add3A_14, %dma_start3A_105] : memref<10112x128xf32, #tpu.memory_space<vmem_shared>> -> memref<128x128xf32, #tpu.memory_space<vmem_shared>>
      %dma_start3A_107 = arith.constant 0 : i32
      %dma_start3A_108 = arith.constant 0 : i32
      %dma_start3A_109 = tpu.memref_slice %arg10[%dma_start3A_107, %dma_start3A_108] : memref<128x128xf32, #tpu.memory_space<vmem>> -> memref<128x128xf32, #tpu.memory_space<vmem>>
      tpu.enqueue_dma source(%dma_start3A_109 : memref<128x128xf32, #tpu.memory_space<vmem>>) target(%dma_start3A_106 : memref<128x128xf32, #tpu.memory_space<vmem_shared>>) target_semaphore(%run_scoped3A : memref<!tpu.dma_semaphore, #tpu.memory_space<semaphore_mem>>)
      %dma_wait3A = arith.constant 0 : i32
      %dma_wait3A_110 = arith.constant 0 : i32
      %dma_wait3A_111 = tpu.memref_slice %arg10[%dma_wait3A, %dma_wait3A_110] : memref<128x128xf32, #tpu.memory_space<vmem>> -> memref<128x128xf32, #tpu.memory_space<vmem>>
      %dma_wait3A_112 = arith.constant 0 : i32
      %dma_wait3A_113 = tpu.memref_slice %arg12[%add3A_14, %dma_wait3A_112] : memref<10112x128xf32, #tpu.memory_space<vmem_shared>> -> memref<128x128xf32, #tpu.memory_space<vmem_shared>>
      %dma_wait3A_114 = arith.constant 0 : i32
      %dma_wait3A_115 = tpu.memref_slice %arg12[%add3A_14, %dma_wait3A_114] : memref<10112x128xf32, #tpu.memory_space<vmem_shared>> -> memref<128x128xf32, #tpu.memory_space<vmem_shared>>
      %dma_wait3A_116 = arith.constant 0 : i32
      %dma_wait3A_117 = arith.constant 0 : i32
      %dma_wait3A_118 = tpu.memref_slice %arg10[%dma_wait3A_116, %dma_wait3A_117] : memref<128x128xf32, #tpu.memory_space<vmem>> -> memref<128x128xf32, #tpu.memory_space<vmem>>
      tpu.wait_dma2 semaphore(%run_scoped3A : memref<!tpu.dma_semaphore, #tpu.memory_space<semaphore_mem>>) src(%dma_wait3A_118 : memref<128x128xf32, #tpu.memory_space<vmem>>) dst(%dma_wait3A_115 : memref<128x128xf32, #tpu.memory_space<vmem_shared>>)
      tpu.yield
    }) : () -> ()
    %mul3A_15 = arith.constant 632 : i32
    %mul3A_16 = arith.muli %arg1, %mul3A_15 : i32
    %add3A_17 = arith.constant 384 : i32
    %add3A_18 = arith.addi %mul3A_16, %add3A_17 : i32
    "tpu.region"() ({
      %run_scoped3A = tpu.sem_alloc : memref<!tpu.dma_semaphore, #tpu.memory_space<semaphore_mem>>
      %dma_start3A = arith.constant 0 : i32
      %dma_start3A_101 = arith.constant 0 : i32
      %dma_start3A_102 = tpu.memref_slice %arg10[%dma_start3A, %dma_start3A_101] : memref<128x128xf32, #tpu.memory_space<vmem>> -> memref<128x128xf32, #tpu.memory_space<vmem>>
      %dma_start3A_103 = arith.constant 0 : i32
      %dma_start3A_104 = tpu.memref_slice %arg12[%add3A_18, %dma_start3A_103] : memref<10112x128xf32, #tpu.memory_space<vmem_shared>> -> memref<128x128xf32, #tpu.memory_space<vmem_shared>>
      %dma_start3A_105 = arith.constant 0 : i32
      %dma_start3A_106 = tpu.memref_slice %arg12[%add3A_18, %dma_start3A_105] : memref<10112x128xf32, #tpu.memory_space<vmem_shared>> -> memref<128x128xf32, #tpu.memory_space<vmem_shared>>
      %dma_start3A_107 = arith.constant 0 : i32
      %dma_start3A_108 = arith.constant 0 : i32
      %dma_start3A_109 = tpu.memref_slice %arg10[%dma_start3A_107, %dma_start3A_108] : memref<128x128xf32, #tpu.memory_space<vmem>> -> memref<128x128xf32, #tpu.memory_space<vmem>>
      tpu.enqueue_dma source(%dma_start3A_109 : memref<128x128xf32, #tpu.memory_space<vmem>>) target(%dma_start3A_106 : memref<128x128xf32, #tpu.memory_space<vmem_shared>>) target_semaphore(%run_scoped3A : memref<!tpu.dma_semaphore, #tpu.memory_space<semaphore_mem>>)
      %dma_wait3A = arith.constant 0 : i32
      %dma_wait3A_110 = arith.constant 0 : i32
      %dma_wait3A_111 = tpu.memref_slice %arg10[%dma_wait3A, %dma_wait3A_110] : memref<128x128xf32, #tpu.memory_space<vmem>> -> memref<128x128xf32, #tpu.memory_space<vmem>>
      %dma_wait3A_112 = arith.constant 0 : i32
      %dma_wait3A_113 = tpu.memref_slice %arg12[%add3A_18, %dma_wait3A_112] : memref<10112x128xf32, #tpu.memory_space<vmem_shared>> -> memref<128x128xf32, #tpu.memory_space<vmem_shared>>
      %dma_wait3A_114 = arith.constant 0 : i32
      %dma_wait3A_115 = tpu.memref_slice %arg12[%add3A_18, %dma_wait3A_114] : memref<10112x128xf32, #tpu.memory_space<vmem_shared>> -> memref<128x128xf32, #tpu.memory_space<vmem_shared>>
      %dma_wait3A_116 = arith.constant 0 : i32
      %dma_wait3A_117 = arith.constant 0 : i32
      %dma_wait3A_118 = tpu.memref_slice %arg10[%dma_wait3A_116, %dma_wait3A_117] : memref<128x128xf32, #tpu.memory_space<vmem>> -> memref<128x128xf32, #tpu.memory_space<vmem>>
      tpu.wait_dma2 semaphore(%run_scoped3A : memref<!tpu.dma_semaphore, #tpu.memory_space<semaphore_mem>>) src(%dma_wait3A_118 : memref<128x128xf32, #tpu.memory_space<vmem>>) dst(%dma_wait3A_115 : memref<128x128xf32, #tpu.memory_space<vmem_shared>>)
      tpu.yield
    }) : () -> ()
    %mul3A_19 = arith.constant 632 : i32
    %mul3A_20 = arith.muli %arg1, %mul3A_19 : i32
    %add3A_21 = arith.constant 512 : i32
    %add3A_22 = arith.addi %mul3A_20, %add3A_21 : i32
    "tpu.region"() ({
      %run_scoped3A = tpu.sem_alloc : memref<!tpu.dma_semaphore, #tpu.memory_space<semaphore_mem>>
      %dma_start3A = arith.constant 0 : i32
      %dma_start3A_101 = arith.constant 0 : i32
      %dma_start3A_102 = tpu.memref_slice %arg10[%dma_start3A, %dma_start3A_101] : memref<128x128xf32, #tpu.memory_space<vmem>> -> memref<120x128xf32, #tpu.memory_space<vmem>>
      %dma_start3A_103 = arith.constant 0 : i32
      %dma_start3A_104 = tpu.memref_slice %arg12[%add3A_22, %dma_start3A_103] : memref<10112x128xf32, #tpu.memory_space<vmem_shared>> -> memref<120x128xf32, #tpu.memory_space<vmem_shared>>
      %dma_start3A_105 = arith.constant 0 : i32
      %dma_start3A_106 = tpu.memref_slice %arg12[%add3A_22, %dma_start3A_105] : memref<10112x128xf32, #tpu.memory_space<vmem_shared>> -> memref<120x128xf32, #tpu.memory_space<vmem_shared>>
      %dma_start3A_107 = arith.constant 0 : i32
      %dma_start3A_108 = arith.constant 0 : i32
      %dma_start3A_109 = tpu.memref_slice %arg10[%dma_start3A_107, %dma_start3A_108] : memref<128x128xf32, #tpu.memory_space<vmem>> -> memref<120x128xf32, #tpu.memory_space<vmem>>
      tpu.enqueue_dma source(%dma_start3A_109 : memref<120x128xf32, #tpu.memory_space<vmem>>) target(%dma_start3A_106 : memref<120x128xf32, #tpu.memory_space<vmem_shared>>) target_semaphore(%run_scoped3A : memref<!tpu.dma_semaphore, #tpu.memory_space<semaphore_mem>>)
      %dma_wait3A = arith.constant 0 : i32
      %dma_wait3A_110 = arith.constant 0 : i32
      %dma_wait3A_111 = tpu.memref_slice %arg10[%dma_wait3A, %dma_wait3A_110] : memref<128x128xf32, #tpu.memory_space<vmem>> -> memref<120x128xf32, #tpu.memory_space<vmem>>
      %dma_wait3A_112 = arith.constant 0 : i32
      %dma_wait3A_113 = tpu.memref_slice %arg12[%add3A_22, %dma_wait3A_112] : memref<10112x128xf32, #tpu.memory_space<vmem_shared>> -> memref<120x128xf32, #tpu.memory_space<vmem_shared>>
      %dma_wait3A_114 = arith.constant 0 : i32
      %dma_wait3A_115 = tpu.memref_slice %arg12[%add3A_22, %dma_wait3A_114] : memref<10112x128xf32, #tpu.memory_space<vmem_shared>> -> memref<120x128xf32, #tpu.memory_space<vmem_shared>>
      %dma_wait3A_116 = arith.constant 0 : i32
      %dma_wait3A_117 = arith.constant 0 : i32
      %dma_wait3A_118 = tpu.memref_slice %arg10[%dma_wait3A_116, %dma_wait3A_117] : memref<128x128xf32, #tpu.memory_space<vmem>> -> memref<120x128xf32, #tpu.memory_space<vmem>>
      tpu.wait_dma2 semaphore(%run_scoped3A : memref<!tpu.dma_semaphore, #tpu.memory_space<semaphore_mem>>) src(%dma_wait3A_118 : memref<120x128xf32, #tpu.memory_space<vmem>>) dst(%dma_wait3A_115 : memref<120x128xf32, #tpu.memory_space<vmem_shared>>)
      tpu.yield
    }) : () -> ()
    %barrier3A = arith.constant 0 : index
    tpu.barrier barrier_id(%barrier3A)
    %eq3A = arith.constant 0 : i32
    %eq3A_23 = arith.cmpi eq, %arg0, %eq3A : i32
    %convert_element_type3A = arith.extui %eq3A_23 : i1 to i32
    %cond3A = arith.constant 0 : i32
    %cond3A_24 = arith.cmpi ne, %convert_element_type3A, %cond3A : i32
    scf.if %cond3A_24 {
      %mul3A_101 = arith.constant 120 : i32
      %mul3A_102 = arith.muli %arg1, %mul3A_101 : i32
      "tpu.region"() ({
        %run_scoped3A = tpu.sem_alloc : memref<!tpu.dma_semaphore, #tpu.memory_space<semaphore_mem>>
        %dma_start3A = arith.constant 0 : i32
        %dma_start3A_109 = arith.constant 0 : i32
        %dma_start3A_110 = tpu.memref_slice %arg8[%dma_start3A, %dma_start3A_109] : memref<120x128xi32, #tpu.memory_space<vmem>> -> memref<120x128xi32, #tpu.memory_space<vmem>>
        %dma_start3A_111 = arith.constant 0 : i32
        %dma_start3A_112 = tpu.memref_slice %arg4[%mul3A_102, %dma_start3A_111] : memref<2560x128xi32, #tpu.memory_space<hbm>> -> memref<120x128xi32, #tpu.memory_space<hbm>>
        %dma_start3A_113 = arith.constant 0 : i32
        %dma_start3A_114 = arith.constant 0 : i32
        %dma_start3A_115 = tpu.memref_slice %arg8[%dma_start3A_113, %dma_start3A_114] : memref<120x128xi32, #tpu.memory_space<vmem>> -> memref<120x128xi32, #tpu.memory_space<vmem>>
        %dma_start3A_116 = arith.constant 0 : i32
        %dma_start3A_117 = tpu.memref_slice %arg4[%mul3A_102, %dma_start3A_116] : memref<2560x128xi32, #tpu.memory_space<hbm>> -> memref<120x128xi32, #tpu.memory_space<hbm>>
        tpu.enqueue_dma source(%dma_start3A_117 : memref<120x128xi32, #tpu.memory_space<hbm>>) target(%dma_start3A_115 : memref<120x128xi32, #tpu.memory_space<vmem>>) target_semaphore(%run_scoped3A : memref<!tpu.dma_semaphore, #tpu.memory_space<semaphore_mem>>)
        %dma_wait3A = arith.constant 0 : i32
        %dma_wait3A_118 = arith.constant 0 : i32
        %dma_wait3A_119 = tpu.memref_slice %arg8[%dma_wait3A, %dma_wait3A_118] : memref<120x128xi32, #tpu.memory_space<vmem>> -> memref<120x128xi32, #tpu.memory_space<vmem>>
        %dma_wait3A_120 = arith.constant 0 : i32
        %dma_wait3A_121 = tpu.memref_slice %arg4[%mul3A_102, %dma_wait3A_120] : memref<2560x128xi32, #tpu.memory_space<hbm>> -> memref<120x128xi32, #tpu.memory_space<hbm>>
        %dma_wait3A_122 = arith.constant 0 : i32
        %dma_wait3A_123 = arith.constant 0 : i32
        %dma_wait3A_124 = tpu.memref_slice %arg8[%dma_wait3A_122, %dma_wait3A_123] : memref<120x128xi32, #tpu.memory_space<vmem>> -> memref<120x128xi32, #tpu.memory_space<vmem>>
        %dma_wait3A_125 = arith.constant 0 : i32
        %dma_wait3A_126 = tpu.memref_slice %arg4[%mul3A_102, %dma_wait3A_125] : memref<2560x128xi32, #tpu.memory_space<hbm>> -> memref<120x128xi32, #tpu.memory_space<hbm>>
        tpu.wait_dma2 semaphore(%run_scoped3A : memref<!tpu.dma_semaphore, #tpu.memory_space<semaphore_mem>>) src(%dma_wait3A_126 : memref<120x128xi32, #tpu.memory_space<hbm>>) dst(%dma_wait3A_124 : memref<120x128xi32, #tpu.memory_space<vmem>>)
        tpu.yield
      }) : () -> ()
      %scan3A_103 = arith.constant 0 : i32
      %scan3A_104 = arith.constant 0 : i32
      %scan3A_105 = arith.constant 60 : i32
      %scan3A_106 = arith.addi %scan3A_104, %scan3A_105 : i32
      %scan3A_107 = arith.constant 1 : i32
      scf.for %scan3A_109 = %scan3A_104 to %scan3A_106 step %scan3A_107  : i32 {
        %mul3A_110 = arith.constant 2 : i32
        %mul3A_111 = arith.muli %mul3A_110, %scan3A_109 : i32
        %dma_start3A = arith.constant 0 : i32
        %dma_start3A_112 = tpu.memref_slice %arg8[%mul3A_111, %dma_start3A] : memref<120x128xi32, #tpu.memory_space<vmem>> -> memref<1x128xi32, #tpu.memory_space<vmem>>
        %dma_start3A_113 = tpu.memref_squeeze %dma_start3A_112 : memref<1x128xi32, #tpu.memory_space<vmem>> -> memref<128xi32, #tpu.memory_space<vmem>>
        %dma_start3A_114 = arith.constant 0 : i32
        %dma_start3A_115 = arith.constant 0 : i32
        %dma_start3A_116 = tpu.memref_slice %arg2[%dma_start3A_114, %dma_start3A_115] : memref<10000x128xf32, #tpu.memory_space<hbm>> -> memref<10000x128xf32, #tpu.memory_space<hbm>>
        tpu.enqueue_indirect_dma source(%dma_start3A_116 : memref<10000x128xf32, #tpu.memory_space<hbm>>) target(%arg10 : memref<128x128xf32, #tpu.memory_space<vmem>>) offsets(%dma_start3A_113 : memref<128xi32, #tpu.memory_space<vmem>>) semaphore(%arg13 : memref<!tpu.dma_semaphore, #tpu.memory_space<semaphore_mem>>)
        %add3A_117 = arith.constant 1 : i32
        %add3A_118 = arith.addi %mul3A_111, %add3A_117 : i32
        %dma_start3A_119 = arith.constant 0 : i32
        %dma_start3A_120 = tpu.memref_slice %arg8[%add3A_118, %dma_start3A_119] : memref<120x128xi32, #tpu.memory_space<vmem>> -> memref<1x128xi32, #tpu.memory_space<vmem>>
        %dma_start3A_121 = tpu.memref_squeeze %dma_start3A_120 : memref<1x128xi32, #tpu.memory_space<vmem>> -> memref<128xi32, #tpu.memory_space<vmem>>
        %dma_start3A_122 = arith.constant 0 : i32
        %dma_start3A_123 = arith.constant 0 : i32
        %dma_start3A_124 = tpu.memref_slice %arg2[%dma_start3A_122, %dma_start3A_123] : memref<10000x128xf32, #tpu.memory_space<hbm>> -> memref<10000x128xf32, #tpu.memory_space<hbm>>
        tpu.enqueue_indirect_dma source(%dma_start3A_124 : memref<10000x128xf32, #tpu.memory_space<hbm>>) target(%arg11 : memref<128x128xf32, #tpu.memory_space<vmem>>) offsets(%dma_start3A_121 : memref<128xi32, #tpu.memory_space<vmem>>) semaphore(%arg14 : memref<!tpu.dma_semaphore, #tpu.memory_space<semaphore_mem>>)
        %add3A_125 = arith.addi %mul3A_102, %mul3A_111 : i32
        "tpu.region"() ({
          %run_scoped3A_138 = tpu.sem_alloc : memref<!tpu.dma_semaphore, #tpu.memory_space<semaphore_mem>>
          %dma_start3A_139 = arith.constant 0 : i32
          %dma_start3A_140 = tpu.memref_slice %arg5[%add3A_125, %dma_start3A_139] : memref<2560x128xi32, #tpu.memory_space<hbm>> -> memref<2x128xi32, #tpu.memory_space<hbm>>
          %dma_start3A_141 = arith.constant 0 : i32
          %dma_start3A_142 = tpu.memref_slice %arg5[%add3A_125, %dma_start3A_141] : memref<2560x128xi32, #tpu.memory_space<hbm>> -> memref<2x128xi32, #tpu.memory_space<hbm>>
          tpu.enqueue_dma source(%dma_start3A_142 : memref<2x128xi32, #tpu.memory_space<hbm>>) target(%arg9 : memref<2x128xi32, #tpu.memory_space<vmem>>) target_semaphore(%run_scoped3A_138 : memref<!tpu.dma_semaphore, #tpu.memory_space<semaphore_mem>>)
          %dma_wait3A_143 = arith.constant 0 : i32
          %dma_wait3A_144 = tpu.memref_slice %arg5[%add3A_125, %dma_wait3A_143] : memref<2560x128xi32, #tpu.memory_space<hbm>> -> memref<2x128xi32, #tpu.memory_space<hbm>>
          %dma_wait3A_145 = arith.constant 0 : i32
          %dma_wait3A_146 = tpu.memref_slice %arg5[%add3A_125, %dma_wait3A_145] : memref<2560x128xi32, #tpu.memory_space<hbm>> -> memref<2x128xi32, #tpu.memory_space<hbm>>
          tpu.wait_dma2 semaphore(%run_scoped3A_138 : memref<!tpu.dma_semaphore, #tpu.memory_space<semaphore_mem>>) src(%dma_wait3A_146 : memref<2x128xi32, #tpu.memory_space<hbm>>) dst(%arg9 : memref<2x128xi32, #tpu.memory_space<vmem>>)
          tpu.yield
        }) : () -> ()
        %dma_wait3A = arith.constant 0 : i32
        %dma_wait3A_126 = tpu.memref_slice %arg8[%mul3A_111, %dma_wait3A] : memref<120x128xi32, #tpu.memory_space<vmem>> -> memref<1x128xi32, #tpu.memory_space<vmem>>
        %dma_wait3A_127 = tpu.memref_squeeze %dma_wait3A_126 : memref<1x128xi32, #tpu.memory_space<vmem>> -> memref<128xi32, #tpu.memory_space<vmem>>
        %dma_wait3A_128 = arith.constant 0 : i32
        %dma_wait3A_129 = arith.constant 0 : i32
        %dma_wait3A_130 = tpu.memref_slice %arg2[%dma_wait3A_128, %dma_wait3A_129] : memref<10000x128xf32, #tpu.memory_space<hbm>> -> memref<10000x128xf32, #tpu.memory_space<hbm>>
        tpu.wait_indirect_dma semaphore(%arg13 : memref<!tpu.dma_semaphore, #tpu.memory_space<semaphore_mem>>) src(%dma_wait3A_130 : memref<10000x128xf32, #tpu.memory_space<hbm>>) dst(%arg10 : memref<128x128xf32, #tpu.memory_space<vmem>>)
        %run_scoped3A = arith.constant 0 : i32
        "tpu.region"() ({
          %run_scoped3A_138 = tpu.sem_alloc : memref<!tpu.dma_semaphore, #tpu.memory_space<semaphore_mem>>
          %dma_start3A_139 = arith.constant 0 : i32
          %dma_start3A_140 = tpu.memref_slice %arg9[%run_scoped3A, %dma_start3A_139] : memref<2x128xi32, #tpu.memory_space<vmem>> -> memref<1x128xi32, #tpu.memory_space<vmem>>
          %dma_start3A_141 = tpu.memref_squeeze %dma_start3A_140 : memref<1x128xi32, #tpu.memory_space<vmem>> -> memref<128xi32, #tpu.memory_space<vmem>>
          %dma_start3A_142 = arith.constant 0 : i32
          %dma_start3A_143 = arith.constant 0 : i32
          %dma_start3A_144 = tpu.memref_slice %arg12[%dma_start3A_142, %dma_start3A_143] : memref<10112x128xf32, #tpu.memory_space<vmem_shared>> -> memref<10112x128xf32, #tpu.memory_space<vmem_shared>>
          tpu.enqueue_indirect_dma source(%arg10 : memref<128x128xf32, #tpu.memory_space<vmem>>) target(%dma_start3A_144 : memref<10112x128xf32, #tpu.memory_space<vmem_shared>>) offsets(%dma_start3A_141 : memref<128xi32, #tpu.memory_space<vmem>>) semaphore(%run_scoped3A_138 : memref<!tpu.dma_semaphore, #tpu.memory_space<semaphore_mem>>) {add = true}
          %dma_wait3A_145 = arith.constant 0 : i32
          %dma_wait3A_146 = tpu.memref_slice %arg9[%run_scoped3A, %dma_wait3A_145] : memref<2x128xi32, #tpu.memory_space<vmem>> -> memref<1x128xi32, #tpu.memory_space<vmem>>
          %dma_wait3A_147 = tpu.memref_squeeze %dma_wait3A_146 : memref<1x128xi32, #tpu.memory_space<vmem>> -> memref<128xi32, #tpu.memory_space<vmem>>
          %dma_wait3A_148 = arith.constant 0 : i32
          %dma_wait3A_149 = arith.constant 0 : i32
          %dma_wait3A_150 = tpu.memref_slice %arg12[%dma_wait3A_148, %dma_wait3A_149] : memref<10112x128xf32, #tpu.memory_space<vmem_shared>> -> memref<10112x128xf32, #tpu.memory_space<vmem_shared>>
          tpu.wait_indirect_dma semaphore(%run_scoped3A_138 : memref<!tpu.dma_semaphore, #tpu.memory_space<semaphore_mem>>) src(%arg10 : memref<128x128xf32, #tpu.memory_space<vmem>>) dst(%dma_wait3A_150 : memref<10112x128xf32, #tpu.memory_space<vmem_shared>>)
          tpu.yield
        }) : () -> ()
        %dma_wait3A_131 = arith.constant 0 : i32
        %dma_wait3A_132 = tpu.memref_slice %arg8[%add3A_118, %dma_wait3A_131] : memref<120x128xi32, #tpu.memory_space<vmem>> -> memref<1x128xi32, #tpu.memory_space<vmem>>
        %dma_wait3A_133 = tpu.memref_squeeze %dma_wait3A_132 : memref<1x128xi32, #tpu.memory_space<vmem>> -> memref<128xi32, #tpu.memory_space<vmem>>
        %dma_wait3A_134 = arith.constant 0 : i32
        %dma_wait3A_135 = arith.constant 0 : i32
        %dma_wait3A_136 = tpu.memref_slice %arg2[%dma_wait3A_134, %dma_wait3A_135] : memref<10000x128xf32, #tpu.memory_space<hbm>> -> memref<10000x128xf32, #tpu.memory_space<hbm>>
        tpu.wait_indirect_dma semaphore(%arg14 : memref<!tpu.dma_semaphore, #tpu.memory_space<semaphore_mem>>) src(%dma_wait3A_136 : memref<10000x128xf32, #tpu.memory_space<hbm>>) dst(%arg11 : memref<128x128xf32, #tpu.memory_space<vmem>>)
        %run_scoped3A_137 = arith.constant 1 : i32
        "tpu.region"() ({
          %run_scoped3A_138 = tpu.sem_alloc : memref<!tpu.dma_semaphore, #tpu.memory_space<semaphore_mem>>
          %dma_start3A_139 = arith.constant 0 : i32
          %dma_start3A_140 = tpu.memref_slice %arg9[%run_scoped3A_137, %dma_start3A_139] : memref<2x128xi32, #tpu.memory_space<vmem>> -> memref<1x128xi32, #tpu.memory_space<vmem>>
          %dma_start3A_141 = tpu.memref_squeeze %dma_start3A_140 : memref<1x128xi32, #tpu.memory_space<vmem>> -> memref<128xi32, #tpu.memory_space<vmem>>
          %dma_start3A_142 = arith.constant 0 : i32
          %dma_start3A_143 = arith.constant 0 : i32
          %dma_start3A_144 = tpu.memref_slice %arg12[%dma_start3A_142, %dma_start3A_143] : memref<10112x128xf32, #tpu.memory_space<vmem_shared>> -> memref<10112x128xf32, #tpu.memory_space<vmem_shared>>
          tpu.enqueue_indirect_dma source(%arg11 : memref<128x128xf32, #tpu.memory_space<vmem>>) target(%dma_start3A_144 : memref<10112x128xf32, #tpu.memory_space<vmem_shared>>) offsets(%dma_start3A_141 : memref<128xi32, #tpu.memory_space<vmem>>) semaphore(%run_scoped3A_138 : memref<!tpu.dma_semaphore, #tpu.memory_space<semaphore_mem>>) {add = true}
          %dma_wait3A_145 = arith.constant 0 : i32
          %dma_wait3A_146 = tpu.memref_slice %arg9[%run_scoped3A_137, %dma_wait3A_145] : memref<2x128xi32, #tpu.memory_space<vmem>> -> memref<1x128xi32, #tpu.memory_space<vmem>>
          %dma_wait3A_147 = tpu.memref_squeeze %dma_wait3A_146 : memref<1x128xi32, #tpu.memory_space<vmem>> -> memref<128xi32, #tpu.memory_space<vmem>>
          %dma_wait3A_148 = arith.constant 0 : i32
          %dma_wait3A_149 = arith.constant 0 : i32
          %dma_wait3A_150 = tpu.memref_slice %arg12[%dma_wait3A_148, %dma_wait3A_149] : memref<10112x128xf32, #tpu.memory_space<vmem_shared>> -> memref<10112x128xf32, #tpu.memory_space<vmem_shared>>
          tpu.wait_indirect_dma semaphore(%run_scoped3A_138 : memref<!tpu.dma_semaphore, #tpu.memory_space<semaphore_mem>>) src(%arg11 : memref<128x128xf32, #tpu.memory_space<vmem>>) dst(%dma_wait3A_150 : memref<10112x128xf32, #tpu.memory_space<vmem_shared>>)
          tpu.yield
        }) : () -> ()
      }
      %scan3A_108 = arith.constant 60 : i32
    } else {
    }
    %eq3A_25 = arith.constant 1 : i32
    %eq3A_26 = arith.cmpi eq, %arg0, %eq3A_25 : i32
    %convert_element_type3A_27 = arith.extui %eq3A_26 : i1 to i32
    %cond3A_28 = arith.constant 0 : i32
    %cond3A_29 = arith.cmpi ne, %convert_element_type3A_27, %cond3A_28 : i32
    scf.if %cond3A_29 {
      %mul3A_101 = arith.constant 40 : i32
      %mul3A_102 = arith.muli %arg1, %mul3A_101 : i32
      %add3A_103 = arith.constant 1920 : i32
      %add3A_104 = arith.addi %add3A_103, %mul3A_102 : i32
      "tpu.region"() ({
        %run_scoped3A = tpu.sem_alloc : memref<!tpu.dma_semaphore, #tpu.memory_space<semaphore_mem>>
        %dma_start3A = arith.constant 0 : i32
        %dma_start3A_111 = arith.constant 0 : i32
        %dma_start3A_112 = tpu.memref_slice %arg8[%dma_start3A, %dma_start3A_111] : memref<120x128xi32, #tpu.memory_space<vmem>> -> memref<40x128xi32, #tpu.memory_space<vmem>>
        %dma_start3A_113 = arith.constant 0 : i32
        %dma_start3A_114 = tpu.memref_slice %arg4[%add3A_104, %dma_start3A_113] : memref<2560x128xi32, #tpu.memory_space<hbm>> -> memref<40x128xi32, #tpu.memory_space<hbm>>
        %dma_start3A_115 = arith.constant 0 : i32
        %dma_start3A_116 = arith.constant 0 : i32
        %dma_start3A_117 = tpu.memref_slice %arg8[%dma_start3A_115, %dma_start3A_116] : memref<120x128xi32, #tpu.memory_space<vmem>> -> memref<40x128xi32, #tpu.memory_space<vmem>>
        %dma_start3A_118 = arith.constant 0 : i32
        %dma_start3A_119 = tpu.memref_slice %arg4[%add3A_104, %dma_start3A_118] : memref<2560x128xi32, #tpu.memory_space<hbm>> -> memref<40x128xi32, #tpu.memory_space<hbm>>
        tpu.enqueue_dma source(%dma_start3A_119 : memref<40x128xi32, #tpu.memory_space<hbm>>) target(%dma_start3A_117 : memref<40x128xi32, #tpu.memory_space<vmem>>) target_semaphore(%run_scoped3A : memref<!tpu.dma_semaphore, #tpu.memory_space<semaphore_mem>>)
        %dma_wait3A = arith.constant 0 : i32
        %dma_wait3A_120 = arith.constant 0 : i32
        %dma_wait3A_121 = tpu.memref_slice %arg8[%dma_wait3A, %dma_wait3A_120] : memref<120x128xi32, #tpu.memory_space<vmem>> -> memref<40x128xi32, #tpu.memory_space<vmem>>
        %dma_wait3A_122 = arith.constant 0 : i32
        %dma_wait3A_123 = tpu.memref_slice %arg4[%add3A_104, %dma_wait3A_122] : memref<2560x128xi32, #tpu.memory_space<hbm>> -> memref<40x128xi32, #tpu.memory_space<hbm>>
        %dma_wait3A_124 = arith.constant 0 : i32
        %dma_wait3A_125 = arith.constant 0 : i32
        %dma_wait3A_126 = tpu.memref_slice %arg8[%dma_wait3A_124, %dma_wait3A_125] : memref<120x128xi32, #tpu.memory_space<vmem>> -> memref<40x128xi32, #tpu.memory_space<vmem>>
        %dma_wait3A_127 = arith.constant 0 : i32
        %dma_wait3A_128 = tpu.memref_slice %arg4[%add3A_104, %dma_wait3A_127] : memref<2560x128xi32, #tpu.memory_space<hbm>> -> memref<40x128xi32, #tpu.memory_space<hbm>>
        tpu.wait_dma2 semaphore(%run_scoped3A : memref<!tpu.dma_semaphore, #tpu.memory_space<semaphore_mem>>) src(%dma_wait3A_128 : memref<40x128xi32, #tpu.memory_space<hbm>>) dst(%dma_wait3A_126 : memref<40x128xi32, #tpu.memory_space<vmem>>)
        tpu.yield
      }) : () -> ()
      %scan3A_105 = arith.constant 0 : i32
      %scan3A_106 = arith.constant 0 : i32
      %scan3A_107 = arith.constant 20 : i32
      %scan3A_108 = arith.addi %scan3A_106, %scan3A_107 : i32
      %scan3A_109 = arith.constant 1 : i32
      scf.for %scan3A_111 = %scan3A_106 to %scan3A_108 step %scan3A_109  : i32 {
        %mul3A_112 = arith.constant 2 : i32
        %mul3A_113 = arith.muli %mul3A_112, %scan3A_111 : i32
        %dma_start3A = arith.constant 0 : i32
        %dma_start3A_114 = tpu.memref_slice %arg8[%mul3A_113, %dma_start3A] : memref<120x128xi32, #tpu.memory_space<vmem>> -> memref<1x128xi32, #tpu.memory_space<vmem>>
        %dma_start3A_115 = tpu.memref_squeeze %dma_start3A_114 : memref<1x128xi32, #tpu.memory_space<vmem>> -> memref<128xi32, #tpu.memory_space<vmem>>
        %dma_start3A_116 = arith.constant 0 : i32
        %dma_start3A_117 = arith.constant 0 : i32
        %dma_start3A_118 = tpu.memref_slice %arg3[%dma_start3A_116, %dma_start3A_117] : memref<10000x128xf32, #tpu.memory_space<hbm>> -> memref<10000x128xf32, #tpu.memory_space<hbm>>
        tpu.enqueue_indirect_dma source(%dma_start3A_118 : memref<10000x128xf32, #tpu.memory_space<hbm>>) target(%arg10 : memref<128x128xf32, #tpu.memory_space<vmem>>) offsets(%dma_start3A_115 : memref<128xi32, #tpu.memory_space<vmem>>) semaphore(%arg13 : memref<!tpu.dma_semaphore, #tpu.memory_space<semaphore_mem>>)
        %add3A_119 = arith.constant 1 : i32
        %add3A_120 = arith.addi %mul3A_113, %add3A_119 : i32
        %dma_start3A_121 = arith.constant 0 : i32
        %dma_start3A_122 = tpu.memref_slice %arg8[%add3A_120, %dma_start3A_121] : memref<120x128xi32, #tpu.memory_space<vmem>> -> memref<1x128xi32, #tpu.memory_space<vmem>>
        %dma_start3A_123 = tpu.memref_squeeze %dma_start3A_122 : memref<1x128xi32, #tpu.memory_space<vmem>> -> memref<128xi32, #tpu.memory_space<vmem>>
        %dma_start3A_124 = arith.constant 0 : i32
        %dma_start3A_125 = arith.constant 0 : i32
        %dma_start3A_126 = tpu.memref_slice %arg3[%dma_start3A_124, %dma_start3A_125] : memref<10000x128xf32, #tpu.memory_space<hbm>> -> memref<10000x128xf32, #tpu.memory_space<hbm>>
        tpu.enqueue_indirect_dma source(%dma_start3A_126 : memref<10000x128xf32, #tpu.memory_space<hbm>>) target(%arg11 : memref<128x128xf32, #tpu.memory_space<vmem>>) offsets(%dma_start3A_123 : memref<128xi32, #tpu.memory_space<vmem>>) semaphore(%arg14 : memref<!tpu.dma_semaphore, #tpu.memory_space<semaphore_mem>>)
        %add3A_127 = arith.addi %add3A_104, %mul3A_113 : i32
        "tpu.region"() ({
          %run_scoped3A_140 = tpu.sem_alloc : memref<!tpu.dma_semaphore, #tpu.memory_space<semaphore_mem>>
          %dma_start3A_141 = arith.constant 0 : i32
          %dma_start3A_142 = tpu.memref_slice %arg5[%add3A_127, %dma_start3A_141] : memref<2560x128xi32, #tpu.memory_space<hbm>> -> memref<2x128xi32, #tpu.memory_space<hbm>>
          %dma_start3A_143 = arith.constant 0 : i32
          %dma_start3A_144 = tpu.memref_slice %arg5[%add3A_127, %dma_start3A_143] : memref<2560x128xi32, #tpu.memory_space<hbm>> -> memref<2x128xi32, #tpu.memory_space<hbm>>
          tpu.enqueue_dma source(%dma_start3A_144 : memref<2x128xi32, #tpu.memory_space<hbm>>) target(%arg9 : memref<2x128xi32, #tpu.memory_space<vmem>>) target_semaphore(%run_scoped3A_140 : memref<!tpu.dma_semaphore, #tpu.memory_space<semaphore_mem>>)
          %dma_wait3A_145 = arith.constant 0 : i32
          %dma_wait3A_146 = tpu.memref_slice %arg5[%add3A_127, %dma_wait3A_145] : memref<2560x128xi32, #tpu.memory_space<hbm>> -> memref<2x128xi32, #tpu.memory_space<hbm>>
          %dma_wait3A_147 = arith.constant 0 : i32
          %dma_wait3A_148 = tpu.memref_slice %arg5[%add3A_127, %dma_wait3A_147] : memref<2560x128xi32, #tpu.memory_space<hbm>> -> memref<2x128xi32, #tpu.memory_space<hbm>>
          tpu.wait_dma2 semaphore(%run_scoped3A_140 : memref<!tpu.dma_semaphore, #tpu.memory_space<semaphore_mem>>) src(%dma_wait3A_148 : memref<2x128xi32, #tpu.memory_space<hbm>>) dst(%arg9 : memref<2x128xi32, #tpu.memory_space<vmem>>)
          tpu.yield
        }) : () -> ()
        %dma_wait3A = arith.constant 0 : i32
        %dma_wait3A_128 = tpu.memref_slice %arg8[%mul3A_113, %dma_wait3A] : memref<120x128xi32, #tpu.memory_space<vmem>> -> memref<1x128xi32, #tpu.memory_space<vmem>>
        %dma_wait3A_129 = tpu.memref_squeeze %dma_wait3A_128 : memref<1x128xi32, #tpu.memory_space<vmem>> -> memref<128xi32, #tpu.memory_space<vmem>>
        %dma_wait3A_130 = arith.constant 0 : i32
        %dma_wait3A_131 = arith.constant 0 : i32
        %dma_wait3A_132 = tpu.memref_slice %arg3[%dma_wait3A_130, %dma_wait3A_131] : memref<10000x128xf32, #tpu.memory_space<hbm>> -> memref<10000x128xf32, #tpu.memory_space<hbm>>
        tpu.wait_indirect_dma semaphore(%arg13 : memref<!tpu.dma_semaphore, #tpu.memory_space<semaphore_mem>>) src(%dma_wait3A_132 : memref<10000x128xf32, #tpu.memory_space<hbm>>) dst(%arg10 : memref<128x128xf32, #tpu.memory_space<vmem>>)
        %run_scoped3A = arith.constant 0 : i32
        "tpu.region"() ({
          %run_scoped3A_140 = tpu.sem_alloc : memref<!tpu.dma_semaphore, #tpu.memory_space<semaphore_mem>>
          %dma_start3A_141 = arith.constant 0 : i32
          %dma_start3A_142 = tpu.memref_slice %arg9[%run_scoped3A, %dma_start3A_141] : memref<2x128xi32, #tpu.memory_space<vmem>> -> memref<1x128xi32, #tpu.memory_space<vmem>>
          %dma_start3A_143 = tpu.memref_squeeze %dma_start3A_142 : memref<1x128xi32, #tpu.memory_space<vmem>> -> memref<128xi32, #tpu.memory_space<vmem>>
          %dma_start3A_144 = arith.constant 0 : i32
          %dma_start3A_145 = arith.constant 0 : i32
          %dma_start3A_146 = tpu.memref_slice %arg12[%dma_start3A_144, %dma_start3A_145] : memref<10112x128xf32, #tpu.memory_space<vmem_shared>> -> memref<10112x128xf32, #tpu.memory_space<vmem_shared>>
          tpu.enqueue_indirect_dma source(%arg10 : memref<128x128xf32, #tpu.memory_space<vmem>>) target(%dma_start3A_146 : memref<10112x128xf32, #tpu.memory_space<vmem_shared>>) offsets(%dma_start3A_143 : memref<128xi32, #tpu.memory_space<vmem>>) semaphore(%run_scoped3A_140 : memref<!tpu.dma_semaphore, #tpu.memory_space<semaphore_mem>>) {add = true}
          %dma_wait3A_147 = arith.constant 0 : i32
          %dma_wait3A_148 = tpu.memref_slice %arg9[%run_scoped3A, %dma_wait3A_147] : memref<2x128xi32, #tpu.memory_space<vmem>> -> memref<1x128xi32, #tpu.memory_space<vmem>>
          %dma_wait3A_149 = tpu.memref_squeeze %dma_wait3A_148 : memref<1x128xi32, #tpu.memory_space<vmem>> -> memref<128xi32, #tpu.memory_space<vmem>>
          %dma_wait3A_150 = arith.constant 0 : i32
          %dma_wait3A_151 = arith.constant 0 : i32
          %dma_wait3A_152 = tpu.memref_slice %arg12[%dma_wait3A_150, %dma_wait3A_151] : memref<10112x128xf32, #tpu.memory_space<vmem_shared>> -> memref<10112x128xf32, #tpu.memory_space<vmem_shared>>
          tpu.wait_indirect_dma semaphore(%run_scoped3A_140 : memref<!tpu.dma_semaphore, #tpu.memory_space<semaphore_mem>>) src(%arg10 : memref<128x128xf32, #tpu.memory_space<vmem>>) dst(%dma_wait3A_152 : memref<10112x128xf32, #tpu.memory_space<vmem_shared>>)
          tpu.yield
        }) : () -> ()
        %dma_wait3A_133 = arith.constant 0 : i32
        %dma_wait3A_134 = tpu.memref_slice %arg8[%add3A_120, %dma_wait3A_133] : memref<120x128xi32, #tpu.memory_space<vmem>> -> memref<1x128xi32, #tpu.memory_space<vmem>>
        %dma_wait3A_135 = tpu.memref_squeeze %dma_wait3A_134 : memref<1x128xi32, #tpu.memory_space<vmem>> -> memref<128xi32, #tpu.memory_space<vmem>>
        %dma_wait3A_136 = arith.constant 0 : i32
        %dma_wait3A_137 = arith.constant 0 : i32
        %dma_wait3A_138 = tpu.memref_slice %arg3[%dma_wait3A_136, %dma_wait3A_137] : memref<10000x128xf32, #tpu.memory_space<hbm>> -> memref<10000x128xf32, #tpu.memory_space<hbm>>
        tpu.wait_indirect_dma semaphore(%arg14 : memref<!tpu.dma_semaphore, #tpu.memory_space<semaphore_mem>>) src(%dma_wait3A_138 : memref<10000x128xf32, #tpu.memory_space<hbm>>) dst(%arg11 : memref<128x128xf32, #tpu.memory_space<vmem>>)
        %run_scoped3A_139 = arith.constant 1 : i32
        "tpu.region"() ({
          %run_scoped3A_140 = tpu.sem_alloc : memref<!tpu.dma_semaphore, #tpu.memory_space<semaphore_mem>>
          %dma_start3A_141 = arith.constant 0 : i32
          %dma_start3A_142 = tpu.memref_slice %arg9[%run_scoped3A_139, %dma_start3A_141] : memref<2x128xi32, #tpu.memory_space<vmem>> -> memref<1x128xi32, #tpu.memory_space<vmem>>
          %dma_start3A_143 = tpu.memref_squeeze %dma_start3A_142 : memref<1x128xi32, #tpu.memory_space<vmem>> -> memref<128xi32, #tpu.memory_space<vmem>>
          %dma_start3A_144 = arith.constant 0 : i32
          %dma_start3A_145 = arith.constant 0 : i32
          %dma_start3A_146 = tpu.memref_slice %arg12[%dma_start3A_144, %dma_start3A_145] : memref<10112x128xf32, #tpu.memory_space<vmem_shared>> -> memref<10112x128xf32, #tpu.memory_space<vmem_shared>>
          tpu.enqueue_indirect_dma source(%arg11 : memref<128x128xf32, #tpu.memory_space<vmem>>) target(%dma_start3A_146 : memref<10112x128xf32, #tpu.memory_space<vmem_shared>>) offsets(%dma_start3A_143 : memref<128xi32, #tpu.memory_space<vmem>>) semaphore(%run_scoped3A_140 : memref<!tpu.dma_semaphore, #tpu.memory_space<semaphore_mem>>) {add = true}
          %dma_wait3A_147 = arith.constant 0 : i32
          %dma_wait3A_148 = tpu.memref_slice %arg9[%run_scoped3A_139, %dma_wait3A_147] : memref<2x128xi32, #tpu.memory_space<vmem>> -> memref<1x128xi32, #tpu.memory_space<vmem>>
          %dma_wait3A_149 = tpu.memref_squeeze %dma_wait3A_148 : memref<1x128xi32, #tpu.memory_space<vmem>> -> memref<128xi32, #tpu.memory_space<vmem>>
          %dma_wait3A_150 = arith.constant 0 : i32
          %dma_wait3A_151 = arith.constant 0 : i32
          %dma_wait3A_152 = tpu.memref_slice %arg12[%dma_wait3A_150, %dma_wait3A_151] : memref<10112x128xf32, #tpu.memory_space<vmem_shared>> -> memref<10112x128xf32, #tpu.memory_space<vmem_shared>>
          tpu.wait_indirect_dma semaphore(%run_scoped3A_140 : memref<!tpu.dma_semaphore, #tpu.memory_space<semaphore_mem>>) src(%arg11 : memref<128x128xf32, #tpu.memory_space<vmem>>) dst(%dma_wait3A_152 : memref<10112x128xf32, #tpu.memory_space<vmem_shared>>)
          tpu.yield
        }) : () -> ()
      }
      %scan3A_110 = arith.constant 20 : i32
    } else {
    }
    %barrier3A_30 = arith.constant 0 : index
    tpu.barrier barrier_id(%barrier3A_30)
    %mul3A_31 = arith.constant 632 : i32
    %mul3A_32 = arith.muli %arg1, %mul3A_31 : i32
    %add3A_33 = arith.constant 0 : i32
    %add3A_34 = arith.addi %mul3A_32, %add3A_33 : i32
    "tpu.region"() ({
      %run_scoped3A = tpu.sem_alloc : memref<!tpu.dma_semaphore, #tpu.memory_space<semaphore_mem>>
      %dma_start3A = arith.constant 0 : i32
      %dma_start3A_101 = arith.constant 0 : i32
      %dma_start3A_102 = tpu.memref_slice %arg10[%dma_start3A, %dma_start3A_101] : memref<128x128xf32, #tpu.memory_space<vmem>> -> memref<128x128xf32, #tpu.memory_space<vmem>>
      %dma_start3A_103 = arith.constant 0 : i32
      %dma_start3A_104 = tpu.memref_slice %arg12[%add3A_34, %dma_start3A_103] : memref<10112x128xf32, #tpu.memory_space<vmem_shared>> -> memref<128x128xf32, #tpu.memory_space<vmem_shared>>
      %dma_start3A_105 = arith.constant 0 : i32
      %dma_start3A_106 = arith.constant 0 : i32
      %dma_start3A_107 = tpu.memref_slice %arg10[%dma_start3A_105, %dma_start3A_106] : memref<128x128xf32, #tpu.memory_space<vmem>> -> memref<128x128xf32, #tpu.memory_space<vmem>>
      %dma_start3A_108 = arith.constant 0 : i32
      %dma_start3A_109 = tpu.memref_slice %arg12[%add3A_34, %dma_start3A_108] : memref<10112x128xf32, #tpu.memory_space<vmem_shared>> -> memref<128x128xf32, #tpu.memory_space<vmem_shared>>
      tpu.enqueue_dma source(%dma_start3A_109 : memref<128x128xf32, #tpu.memory_space<vmem_shared>>) target(%dma_start3A_107 : memref<128x128xf32, #tpu.memory_space<vmem>>) target_semaphore(%run_scoped3A : memref<!tpu.dma_semaphore, #tpu.memory_space<semaphore_mem>>)
      %dma_wait3A = arith.constant 0 : i32
      %dma_wait3A_110 = arith.constant 0 : i32
      %dma_wait3A_111 = tpu.memref_slice %arg10[%dma_wait3A, %dma_wait3A_110] : memref<128x128xf32, #tpu.memory_space<vmem>> -> memref<128x128xf32, #tpu.memory_space<vmem>>
      %dma_wait3A_112 = arith.constant 0 : i32
      %dma_wait3A_113 = tpu.memref_slice %arg12[%add3A_34, %dma_wait3A_112] : memref<10112x128xf32, #tpu.memory_space<vmem_shared>> -> memref<128x128xf32, #tpu.memory_space<vmem_shared>>
      %dma_wait3A_114 = arith.constant 0 : i32
      %dma_wait3A_115 = arith.constant 0 : i32
      %dma_wait3A_116 = tpu.memref_slice %arg10[%dma_wait3A_114, %dma_wait3A_115] : memref<128x128xf32, #tpu.memory_space<vmem>> -> memref<128x128xf32, #tpu.memory_space<vmem>>
      %dma_wait3A_117 = arith.constant 0 : i32
      %dma_wait3A_118 = tpu.memref_slice %arg12[%add3A_34, %dma_wait3A_117] : memref<10112x128xf32, #tpu.memory_space<vmem_shared>> -> memref<128x128xf32, #tpu.memory_space<vmem_shared>>
      tpu.wait_dma2 semaphore(%run_scoped3A : memref<!tpu.dma_semaphore, #tpu.memory_space<semaphore_mem>>) src(%dma_wait3A_118 : memref<128x128xf32, #tpu.memory_space<vmem_shared>>) dst(%dma_wait3A_116 : memref<128x128xf32, #tpu.memory_space<vmem>>)
      tpu.yield
    }) : () -> ()
    %eq3A_35 = arith.constant 0 : i32
    %eq3A_36 = arith.cmpi eq, %arg0, %eq3A_35 : i32
    %convert_element_type3A_37 = arith.extui %eq3A_36 : i1 to i32
    %cond3A_38 = arith.constant 0 : i32
    %cond3A_39 = arith.cmpi ne, %convert_element_type3A_37, %cond3A_38 : i32
    scf.if %cond3A_39 {
      %mul3A_101 = arith.constant 632 : i32
      %mul3A_102 = arith.muli %arg1, %mul3A_101 : i32
      %add3A_103 = arith.constant 0 : i32
      %add3A_104 = arith.addi %mul3A_102, %add3A_103 : i32
      "tpu.region"() ({
        %run_scoped3A = tpu.sem_alloc : memref<!tpu.dma_semaphore, #tpu.memory_space<semaphore_mem>>
        %dma_start3A = arith.constant 0 : i32
        %dma_start3A_105 = arith.constant 0 : i32
        %dma_start3A_106 = tpu.memref_slice %arg10[%dma_start3A, %dma_start3A_105] : memref<128x128xf32, #tpu.memory_space<vmem>> -> memref<128x128xf32, #tpu.memory_space<vmem>>
        %dma_start3A_107 = arith.constant 0 : i32
        %dma_start3A_108 = tpu.memref_slice %arg6[%add3A_104, %dma_start3A_107] : memref<10112x128xf32, #tpu.memory_space<hbm>> -> memref<128x128xf32, #tpu.memory_space<hbm>>
        %dma_start3A_109 = arith.constant 0 : i32
        %dma_start3A_110 = tpu.memref_slice %arg6[%add3A_104, %dma_start3A_109] : memref<10112x128xf32, #tpu.memory_space<hbm>> -> memref<128x128xf32, #tpu.memory_space<hbm>>
        %dma_start3A_111 = arith.constant 0 : i32
        %dma_start3A_112 = arith.constant 0 : i32
        %dma_start3A_113 = tpu.memref_slice %arg10[%dma_start3A_111, %dma_start3A_112] : memref<128x128xf32, #tpu.memory_space<vmem>> -> memref<128x128xf32, #tpu.memory_space<vmem>>
        tpu.enqueue_dma source(%dma_start3A_113 : memref<128x128xf32, #tpu.memory_space<vmem>>) target(%dma_start3A_110 : memref<128x128xf32, #tpu.memory_space<hbm>>) target_semaphore(%run_scoped3A : memref<!tpu.dma_semaphore, #tpu.memory_space<semaphore_mem>>)
        %dma_wait3A = arith.constant 0 : i32
        %dma_wait3A_114 = arith.constant 0 : i32
        %dma_wait3A_115 = tpu.memref_slice %arg10[%dma_wait3A, %dma_wait3A_114] : memref<128x128xf32, #tpu.memory_space<vmem>> -> memref<128x128xf32, #tpu.memory_space<vmem>>
        %dma_wait3A_116 = arith.constant 0 : i32
        %dma_wait3A_117 = tpu.memref_slice %arg6[%add3A_104, %dma_wait3A_116] : memref<10112x128xf32, #tpu.memory_space<hbm>> -> memref<128x128xf32, #tpu.memory_space<hbm>>
        %dma_wait3A_118 = arith.constant 0 : i32
        %dma_wait3A_119 = tpu.memref_slice %arg6[%add3A_104, %dma_wait3A_118] : memref<10112x128xf32, #tpu.memory_space<hbm>> -> memref<128x128xf32, #tpu.memory_space<hbm>>
        %dma_wait3A_120 = arith.constant 0 : i32
        %dma_wait3A_121 = arith.constant 0 : i32
        %dma_wait3A_122 = tpu.memref_slice %arg10[%dma_wait3A_120, %dma_wait3A_121] : memref<128x128xf32, #tpu.memory_space<vmem>> -> memref<128x128xf32, #tpu.memory_space<vmem>>
        tpu.wait_dma2 semaphore(%run_scoped3A : memref<!tpu.dma_semaphore, #tpu.memory_space<semaphore_mem>>) src(%dma_wait3A_122 : memref<128x128xf32, #tpu.memory_space<vmem>>) dst(%dma_wait3A_119 : memref<128x128xf32, #tpu.memory_space<hbm>>)
        tpu.yield
      }) : () -> ()
    } else {
    }
    %eq3A_40 = arith.constant 1 : i32
    %eq3A_41 = arith.cmpi eq, %arg0, %eq3A_40 : i32
    %convert_element_type3A_42 = arith.extui %eq3A_41 : i1 to i32
    %cond3A_43 = arith.constant 0 : i32
    %cond3A_44 = arith.cmpi ne, %convert_element_type3A_42, %cond3A_43 : i32
    scf.if %cond3A_44 {
      %mul3A_101 = arith.constant 632 : i32
      %mul3A_102 = arith.muli %arg1, %mul3A_101 : i32
      %add3A_103 = arith.constant 0 : i32
      %add3A_104 = arith.addi %mul3A_102, %add3A_103 : i32
      "tpu.region"() ({
        %run_scoped3A = tpu.sem_alloc : memref<!tpu.dma_semaphore, #tpu.memory_space<semaphore_mem>>
        %dma_start3A = arith.constant 0 : i32
        %dma_start3A_105 = arith.constant 0 : i32
        %dma_start3A_106 = tpu.memref_slice %arg10[%dma_start3A, %dma_start3A_105] : memref<128x128xf32, #tpu.memory_space<vmem>> -> memref<128x128xf32, #tpu.memory_space<vmem>>
        %dma_start3A_107 = arith.constant 0 : i32
        %dma_start3A_108 = tpu.memref_slice %arg7[%add3A_104, %dma_start3A_107] : memref<10112x128xf32, #tpu.memory_space<hbm>> -> memref<128x128xf32, #tpu.memory_space<hbm>>
        %dma_start3A_109 = arith.constant 0 : i32
        %dma_start3A_110 = tpu.memref_slice %arg7[%add3A_104, %dma_start3A_109] : memref<10112x128xf32, #tpu.memory_space<hbm>> -> memref<128x128xf32, #tpu.memory_space<hbm>>
        %dma_start3A_111 = arith.constant 0 : i32
        %dma_start3A_112 = arith.constant 0 : i32
        %dma_start3A_113 = tpu.memref_slice %arg10[%dma_start3A_111, %dma_start3A_112] : memref<128x128xf32, #tpu.memory_space<vmem>> -> memref<128x128xf32, #tpu.memory_space<vmem>>
        tpu.enqueue_dma source(%dma_start3A_113 : memref<128x128xf32, #tpu.memory_space<vmem>>) target(%dma_start3A_110 : memref<128x128xf32, #tpu.memory_space<hbm>>) target_semaphore(%run_scoped3A : memref<!tpu.dma_semaphore, #tpu.memory_space<semaphore_mem>>)
        %dma_wait3A = arith.constant 0 : i32
        %dma_wait3A_114 = arith.constant 0 : i32
        %dma_wait3A_115 = tpu.memref_slice %arg10[%dma_wait3A, %dma_wait3A_114] : memref<128x128xf32, #tpu.memory_space<vmem>> -> memref<128x128xf32, #tpu.memory_space<vmem>>
        %dma_wait3A_116 = arith.constant 0 : i32
        %dma_wait3A_117 = tpu.memref_slice %arg7[%add3A_104, %dma_wait3A_116] : memref<10112x128xf32, #tpu.memory_space<hbm>> -> memref<128x128xf32, #tpu.memory_space<hbm>>
        %dma_wait3A_118 = arith.constant 0 : i32
        %dma_wait3A_119 = tpu.memref_slice %arg7[%add3A_104, %dma_wait3A_118] : memref<10112x128xf32, #tpu.memory_space<hbm>> -> memref<128x128xf32, #tpu.memory_space<hbm>>
        %dma_wait3A_120 = arith.constant 0 : i32
        %dma_wait3A_121 = arith.constant 0 : i32
        %dma_wait3A_122 = tpu.memref_slice %arg10[%dma_wait3A_120, %dma_wait3A_121] : memref<128x128xf32, #tpu.memory_space<vmem>> -> memref<128x128xf32, #tpu.memory_space<vmem>>
        tpu.wait_dma2 semaphore(%run_scoped3A : memref<!tpu.dma_semaphore, #tpu.memory_space<semaphore_mem>>) src(%dma_wait3A_122 : memref<128x128xf32, #tpu.memory_space<vmem>>) dst(%dma_wait3A_119 : memref<128x128xf32, #tpu.memory_space<hbm>>)
        tpu.yield
      }) : () -> ()
    } else {
    }
    %mul3A_45 = arith.constant 632 : i32
    %mul3A_46 = arith.muli %arg1, %mul3A_45 : i32
    %add3A_47 = arith.constant 128 : i32
    %add3A_48 = arith.addi %mul3A_46, %add3A_47 : i32
    "tpu.region"() ({
      %run_scoped3A = tpu.sem_alloc : memref<!tpu.dma_semaphore, #tpu.memory_space<semaphore_mem>>
      %dma_start3A = arith.constant 0 : i32
      %dma_start3A_101 = arith.constant 0 : i32
      %dma_start3A_102 = tpu.memref_slice %arg10[%dma_start3A, %dma_start3A_101] : memref<128x128xf32, #tpu.memory_space<vmem>> -> memref<128x128xf32, #tpu.memory_space<vmem>>
      %dma_start3A_103 = arith.constant 0 : i32
      %dma_start3A_104 = tpu.memref_slice %arg12[%add3A_48, %dma_start3A_103] : memref<10112x128xf32, #tpu.memory_space<vmem_shared>> -> memref<128x128xf32, #tpu.memory_space<vmem_shared>>
      %dma_start3A_105 = arith.constant 0 : i32
      %dma_start3A_106 = arith.constant 0 : i32
      %dma_start3A_107 = tpu.memref_slice %arg10[%dma_start3A_105, %dma_start3A_106] : memref<128x128xf32, #tpu.memory_space<vmem>> -> memref<128x128xf32, #tpu.memory_space<vmem>>
      %dma_start3A_108 = arith.constant 0 : i32
      %dma_start3A_109 = tpu.memref_slice %arg12[%add3A_48, %dma_start3A_108] : memref<10112x128xf32, #tpu.memory_space<vmem_shared>> -> memref<128x128xf32, #tpu.memory_space<vmem_shared>>
      tpu.enqueue_dma source(%dma_start3A_109 : memref<128x128xf32, #tpu.memory_space<vmem_shared>>) target(%dma_start3A_107 : memref<128x128xf32, #tpu.memory_space<vmem>>) target_semaphore(%run_scoped3A : memref<!tpu.dma_semaphore, #tpu.memory_space<semaphore_mem>>)
      %dma_wait3A = arith.constant 0 : i32
      %dma_wait3A_110 = arith.constant 0 : i32
      %dma_wait3A_111 = tpu.memref_slice %arg10[%dma_wait3A, %dma_wait3A_110] : memref<128x128xf32, #tpu.memory_space<vmem>> -> memref<128x128xf32, #tpu.memory_space<vmem>>
      %dma_wait3A_112 = arith.constant 0 : i32
      %dma_wait3A_113 = tpu.memref_slice %arg12[%add3A_48, %dma_wait3A_112] : memref<10112x128xf32, #tpu.memory_space<vmem_shared>> -> memref<128x128xf32, #tpu.memory_space<vmem_shared>>
      %dma_wait3A_114 = arith.constant 0 : i32
      %dma_wait3A_115 = arith.constant 0 : i32
      %dma_wait3A_116 = tpu.memref_slice %arg10[%dma_wait3A_114, %dma_wait3A_115] : memref<128x128xf32, #tpu.memory_space<vmem>> -> memref<128x128xf32, #tpu.memory_space<vmem>>
      %dma_wait3A_117 = arith.constant 0 : i32
      %dma_wait3A_118 = tpu.memref_slice %arg12[%add3A_48, %dma_wait3A_117] : memref<10112x128xf32, #tpu.memory_space<vmem_shared>> -> memref<128x128xf32, #tpu.memory_space<vmem_shared>>
      tpu.wait_dma2 semaphore(%run_scoped3A : memref<!tpu.dma_semaphore, #tpu.memory_space<semaphore_mem>>) src(%dma_wait3A_118 : memref<128x128xf32, #tpu.memory_space<vmem_shared>>) dst(%dma_wait3A_116 : memref<128x128xf32, #tpu.memory_space<vmem>>)
      tpu.yield
    }) : () -> ()
    %eq3A_49 = arith.constant 0 : i32
    %eq3A_50 = arith.cmpi eq, %arg0, %eq3A_49 : i32
    %convert_element_type3A_51 = arith.extui %eq3A_50 : i1 to i32
    %cond3A_52 = arith.constant 0 : i32
    %cond3A_53 = arith.cmpi ne, %convert_element_type3A_51, %cond3A_52 : i32
    scf.if %cond3A_53 {
      %mul3A_101 = arith.constant 632 : i32
      %mul3A_102 = arith.muli %arg1, %mul3A_101 : i32
      %add3A_103 = arith.constant 128 : i32
      %add3A_104 = arith.addi %mul3A_102, %add3A_103 : i32
      "tpu.region"() ({
        %run_scoped3A = tpu.sem_alloc : memref<!tpu.dma_semaphore, #tpu.memory_space<semaphore_mem>>
        %dma_start3A = arith.constant 0 : i32
        %dma_start3A_105 = arith.constant 0 : i32
        %dma_start3A_106 = tpu.memref_slice %arg10[%dma_start3A, %dma_start3A_105] : memref<128x128xf32, #tpu.memory_space<vmem>> -> memref<128x128xf32, #tpu.memory_space<vmem>>
        %dma_start3A_107 = arith.constant 0 : i32
        %dma_start3A_108 = tpu.memref_slice %arg6[%add3A_104, %dma_start3A_107] : memref<10112x128xf32, #tpu.memory_space<hbm>> -> memref<128x128xf32, #tpu.memory_space<hbm>>
        %dma_start3A_109 = arith.constant 0 : i32
        %dma_start3A_110 = tpu.memref_slice %arg6[%add3A_104, %dma_start3A_109] : memref<10112x128xf32, #tpu.memory_space<hbm>> -> memref<128x128xf32, #tpu.memory_space<hbm>>
        %dma_start3A_111 = arith.constant 0 : i32
        %dma_start3A_112 = arith.constant 0 : i32
        %dma_start3A_113 = tpu.memref_slice %arg10[%dma_start3A_111, %dma_start3A_112] : memref<128x128xf32, #tpu.memory_space<vmem>> -> memref<128x128xf32, #tpu.memory_space<vmem>>
        tpu.enqueue_dma source(%dma_start3A_113 : memref<128x128xf32, #tpu.memory_space<vmem>>) target(%dma_start3A_110 : memref<128x128xf32, #tpu.memory_space<hbm>>) target_semaphore(%run_scoped3A : memref<!tpu.dma_semaphore, #tpu.memory_space<semaphore_mem>>)
        %dma_wait3A = arith.constant 0 : i32
        %dma_wait3A_114 = arith.constant 0 : i32
        %dma_wait3A_115 = tpu.memref_slice %arg10[%dma_wait3A, %dma_wait3A_114] : memref<128x128xf32, #tpu.memory_space<vmem>> -> memref<128x128xf32, #tpu.memory_space<vmem>>
        %dma_wait3A_116 = arith.constant 0 : i32
        %dma_wait3A_117 = tpu.memref_slice %arg6[%add3A_104, %dma_wait3A_116] : memref<10112x128xf32, #tpu.memory_space<hbm>> -> memref<128x128xf32, #tpu.memory_space<hbm>>
        %dma_wait3A_118 = arith.constant 0 : i32
        %dma_wait3A_119 = tpu.memref_slice %arg6[%add3A_104, %dma_wait3A_118] : memref<10112x128xf32, #tpu.memory_space<hbm>> -> memref<128x128xf32, #tpu.memory_space<hbm>>
        %dma_wait3A_120 = arith.constant 0 : i32
        %dma_wait3A_121 = arith.constant 0 : i32
        %dma_wait3A_122 = tpu.memref_slice %arg10[%dma_wait3A_120, %dma_wait3A_121] : memref<128x128xf32, #tpu.memory_space<vmem>> -> memref<128x128xf32, #tpu.memory_space<vmem>>
        tpu.wait_dma2 semaphore(%run_scoped3A : memref<!tpu.dma_semaphore, #tpu.memory_space<semaphore_mem>>) src(%dma_wait3A_122 : memref<128x128xf32, #tpu.memory_space<vmem>>) dst(%dma_wait3A_119 : memref<128x128xf32, #tpu.memory_space<hbm>>)
        tpu.yield
      }) : () -> ()
    } else {
    }
    %eq3A_54 = arith.constant 1 : i32
    %eq3A_55 = arith.cmpi eq, %arg0, %eq3A_54 : i32
    %convert_element_type3A_56 = arith.extui %eq3A_55 : i1 to i32
    %cond3A_57 = arith.constant 0 : i32
    %cond3A_58 = arith.cmpi ne, %convert_element_type3A_56, %cond3A_57 : i32
    scf.if %cond3A_58 {
      %mul3A_101 = arith.constant 632 : i32
      %mul3A_102 = arith.muli %arg1, %mul3A_101 : i32
      %add3A_103 = arith.constant 128 : i32
      %add3A_104 = arith.addi %mul3A_102, %add3A_103 : i32
      "tpu.region"() ({
        %run_scoped3A = tpu.sem_alloc : memref<!tpu.dma_semaphore, #tpu.memory_space<semaphore_mem>>
        %dma_start3A = arith.constant 0 : i32
        %dma_start3A_105 = arith.constant 0 : i32
        %dma_start3A_106 = tpu.memref_slice %arg10[%dma_start3A, %dma_start3A_105] : memref<128x128xf32, #tpu.memory_space<vmem>> -> memref<128x128xf32, #tpu.memory_space<vmem>>
        %dma_start3A_107 = arith.constant 0 : i32
        %dma_start3A_108 = tpu.memref_slice %arg7[%add3A_104, %dma_start3A_107] : memref<10112x128xf32, #tpu.memory_space<hbm>> -> memref<128x128xf32, #tpu.memory_space<hbm>>
        %dma_start3A_109 = arith.constant 0 : i32
        %dma_start3A_110 = tpu.memref_slice %arg7[%add3A_104, %dma_start3A_109] : memref<10112x128xf32, #tpu.memory_space<hbm>> -> memref<128x128xf32, #tpu.memory_space<hbm>>
        %dma_start3A_111 = arith.constant 0 : i32
        %dma_start3A_112 = arith.constant 0 : i32
        %dma_start3A_113 = tpu.memref_slice %arg10[%dma_start3A_111, %dma_start3A_112] : memref<128x128xf32, #tpu.memory_space<vmem>> -> memref<128x128xf32, #tpu.memory_space<vmem>>
        tpu.enqueue_dma source(%dma_start3A_113 : memref<128x128xf32, #tpu.memory_space<vmem>>) target(%dma_start3A_110 : memref<128x128xf32, #tpu.memory_space<hbm>>) target_semaphore(%run_scoped3A : memref<!tpu.dma_semaphore, #tpu.memory_space<semaphore_mem>>)
        %dma_wait3A = arith.constant 0 : i32
        %dma_wait3A_114 = arith.constant 0 : i32
        %dma_wait3A_115 = tpu.memref_slice %arg10[%dma_wait3A, %dma_wait3A_114] : memref<128x128xf32, #tpu.memory_space<vmem>> -> memref<128x128xf32, #tpu.memory_space<vmem>>
        %dma_wait3A_116 = arith.constant 0 : i32
        %dma_wait3A_117 = tpu.memref_slice %arg7[%add3A_104, %dma_wait3A_116] : memref<10112x128xf32, #tpu.memory_space<hbm>> -> memref<128x128xf32, #tpu.memory_space<hbm>>
        %dma_wait3A_118 = arith.constant 0 : i32
        %dma_wait3A_119 = tpu.memref_slice %arg7[%add3A_104, %dma_wait3A_118] : memref<10112x128xf32, #tpu.memory_space<hbm>> -> memref<128x128xf32, #tpu.memory_space<hbm>>
        %dma_wait3A_120 = arith.constant 0 : i32
        %dma_wait3A_121 = arith.constant 0 : i32
        %dma_wait3A_122 = tpu.memref_slice %arg10[%dma_wait3A_120, %dma_wait3A_121] : memref<128x128xf32, #tpu.memory_space<vmem>> -> memref<128x128xf32, #tpu.memory_space<vmem>>
        tpu.wait_dma2 semaphore(%run_scoped3A : memref<!tpu.dma_semaphore, #tpu.memory_space<semaphore_mem>>) src(%dma_wait3A_122 : memref<128x128xf32, #tpu.memory_space<vmem>>) dst(%dma_wait3A_119 : memref<128x128xf32, #tpu.memory_space<hbm>>)
        tpu.yield
      }) : () -> ()
    } else {
    }
    %mul3A_59 = arith.constant 632 : i32
    %mul3A_60 = arith.muli %arg1, %mul3A_59 : i32
    %add3A_61 = arith.constant 256 : i32
    %add3A_62 = arith.addi %mul3A_60, %add3A_61 : i32
    "tpu.region"() ({
      %run_scoped3A = tpu.sem_alloc : memref<!tpu.dma_semaphore, #tpu.memory_space<semaphore_mem>>
      %dma_start3A = arith.constant 0 : i32
      %dma_start3A_101 = arith.constant 0 : i32
      %dma_start3A_102 = tpu.memref_slice %arg10[%dma_start3A, %dma_start3A_101] : memref<128x128xf32, #tpu.memory_space<vmem>> -> memref<128x128xf32, #tpu.memory_space<vmem>>
      %dma_start3A_103 = arith.constant 0 : i32
      %dma_start3A_104 = tpu.memref_slice %arg12[%add3A_62, %dma_start3A_103] : memref<10112x128xf32, #tpu.memory_space<vmem_shared>> -> memref<128x128xf32, #tpu.memory_space<vmem_shared>>
      %dma_start3A_105 = arith.constant 0 : i32
      %dma_start3A_106 = arith.constant 0 : i32
      %dma_start3A_107 = tpu.memref_slice %arg10[%dma_start3A_105, %dma_start3A_106] : memref<128x128xf32, #tpu.memory_space<vmem>> -> memref<128x128xf32, #tpu.memory_space<vmem>>
      %dma_start3A_108 = arith.constant 0 : i32
      %dma_start3A_109 = tpu.memref_slice %arg12[%add3A_62, %dma_start3A_108] : memref<10112x128xf32, #tpu.memory_space<vmem_shared>> -> memref<128x128xf32, #tpu.memory_space<vmem_shared>>
      tpu.enqueue_dma source(%dma_start3A_109 : memref<128x128xf32, #tpu.memory_space<vmem_shared>>) target(%dma_start3A_107 : memref<128x128xf32, #tpu.memory_space<vmem>>) target_semaphore(%run_scoped3A : memref<!tpu.dma_semaphore, #tpu.memory_space<semaphore_mem>>)
      %dma_wait3A = arith.constant 0 : i32
      %dma_wait3A_110 = arith.constant 0 : i32
      %dma_wait3A_111 = tpu.memref_slice %arg10[%dma_wait3A, %dma_wait3A_110] : memref<128x128xf32, #tpu.memory_space<vmem>> -> memref<128x128xf32, #tpu.memory_space<vmem>>
      %dma_wait3A_112 = arith.constant 0 : i32
      %dma_wait3A_113 = tpu.memref_slice %arg12[%add3A_62, %dma_wait3A_112] : memref<10112x128xf32, #tpu.memory_space<vmem_shared>> -> memref<128x128xf32, #tpu.memory_space<vmem_shared>>
      %dma_wait3A_114 = arith.constant 0 : i32
      %dma_wait3A_115 = arith.constant 0 : i32
      %dma_wait3A_116 = tpu.memref_slice %arg10[%dma_wait3A_114, %dma_wait3A_115] : memref<128x128xf32, #tpu.memory_space<vmem>> -> memref<128x128xf32, #tpu.memory_space<vmem>>
      %dma_wait3A_117 = arith.constant 0 : i32
      %dma_wait3A_118 = tpu.memref_slice %arg12[%add3A_62, %dma_wait3A_117] : memref<10112x128xf32, #tpu.memory_space<vmem_shared>> -> memref<128x128xf32, #tpu.memory_space<vmem_shared>>
      tpu.wait_dma2 semaphore(%run_scoped3A : memref<!tpu.dma_semaphore, #tpu.memory_space<semaphore_mem>>) src(%dma_wait3A_118 : memref<128x128xf32, #tpu.memory_space<vmem_shared>>) dst(%dma_wait3A_116 : memref<128x128xf32, #tpu.memory_space<vmem>>)
      tpu.yield
    }) : () -> ()
    %eq3A_63 = arith.constant 0 : i32
    %eq3A_64 = arith.cmpi eq, %arg0, %eq3A_63 : i32
    %convert_element_type3A_65 = arith.extui %eq3A_64 : i1 to i32
    %cond3A_66 = arith.constant 0 : i32
    %cond3A_67 = arith.cmpi ne, %convert_element_type3A_65, %cond3A_66 : i32
    scf.if %cond3A_67 {
      %mul3A_101 = arith.constant 632 : i32
      %mul3A_102 = arith.muli %arg1, %mul3A_101 : i32
      %add3A_103 = arith.constant 256 : i32
      %add3A_104 = arith.addi %mul3A_102, %add3A_103 : i32
      "tpu.region"() ({
        %run_scoped3A = tpu.sem_alloc : memref<!tpu.dma_semaphore, #tpu.memory_space<semaphore_mem>>
        %dma_start3A = arith.constant 0 : i32
        %dma_start3A_105 = arith.constant 0 : i32
        %dma_start3A_106 = tpu.memref_slice %arg10[%dma_start3A, %dma_start3A_105] : memref<128x128xf32, #tpu.memory_space<vmem>> -> memref<128x128xf32, #tpu.memory_space<vmem>>
        %dma_start3A_107 = arith.constant 0 : i32
        %dma_start3A_108 = tpu.memref_slice %arg6[%add3A_104, %dma_start3A_107] : memref<10112x128xf32, #tpu.memory_space<hbm>> -> memref<128x128xf32, #tpu.memory_space<hbm>>
        %dma_start3A_109 = arith.constant 0 : i32
        %dma_start3A_110 = tpu.memref_slice %arg6[%add3A_104, %dma_start3A_109] : memref<10112x128xf32, #tpu.memory_space<hbm>> -> memref<128x128xf32, #tpu.memory_space<hbm>>
        %dma_start3A_111 = arith.constant 0 : i32
        %dma_start3A_112 = arith.constant 0 : i32
        %dma_start3A_113 = tpu.memref_slice %arg10[%dma_start3A_111, %dma_start3A_112] : memref<128x128xf32, #tpu.memory_space<vmem>> -> memref<128x128xf32, #tpu.memory_space<vmem>>
        tpu.enqueue_dma source(%dma_start3A_113 : memref<128x128xf32, #tpu.memory_space<vmem>>) target(%dma_start3A_110 : memref<128x128xf32, #tpu.memory_space<hbm>>) target_semaphore(%run_scoped3A : memref<!tpu.dma_semaphore, #tpu.memory_space<semaphore_mem>>)
        %dma_wait3A = arith.constant 0 : i32
        %dma_wait3A_114 = arith.constant 0 : i32
        %dma_wait3A_115 = tpu.memref_slice %arg10[%dma_wait3A, %dma_wait3A_114] : memref<128x128xf32, #tpu.memory_space<vmem>> -> memref<128x128xf32, #tpu.memory_space<vmem>>
        %dma_wait3A_116 = arith.constant 0 : i32
        %dma_wait3A_117 = tpu.memref_slice %arg6[%add3A_104, %dma_wait3A_116] : memref<10112x128xf32, #tpu.memory_space<hbm>> -> memref<128x128xf32, #tpu.memory_space<hbm>>
        %dma_wait3A_118 = arith.constant 0 : i32
        %dma_wait3A_119 = tpu.memref_slice %arg6[%add3A_104, %dma_wait3A_118] : memref<10112x128xf32, #tpu.memory_space<hbm>> -> memref<128x128xf32, #tpu.memory_space<hbm>>
        %dma_wait3A_120 = arith.constant 0 : i32
        %dma_wait3A_121 = arith.constant 0 : i32
        %dma_wait3A_122 = tpu.memref_slice %arg10[%dma_wait3A_120, %dma_wait3A_121] : memref<128x128xf32, #tpu.memory_space<vmem>> -> memref<128x128xf32, #tpu.memory_space<vmem>>
        tpu.wait_dma2 semaphore(%run_scoped3A : memref<!tpu.dma_semaphore, #tpu.memory_space<semaphore_mem>>) src(%dma_wait3A_122 : memref<128x128xf32, #tpu.memory_space<vmem>>) dst(%dma_wait3A_119 : memref<128x128xf32, #tpu.memory_space<hbm>>)
        tpu.yield
      }) : () -> ()
    } else {
    }
    %eq3A_68 = arith.constant 1 : i32
    %eq3A_69 = arith.cmpi eq, %arg0, %eq3A_68 : i32
    %convert_element_type3A_70 = arith.extui %eq3A_69 : i1 to i32
    %cond3A_71 = arith.constant 0 : i32
    %cond3A_72 = arith.cmpi ne, %convert_element_type3A_70, %cond3A_71 : i32
    scf.if %cond3A_72 {
      %mul3A_101 = arith.constant 632 : i32
      %mul3A_102 = arith.muli %arg1, %mul3A_101 : i32
      %add3A_103 = arith.constant 256 : i32
      %add3A_104 = arith.addi %mul3A_102, %add3A_103 : i32
      "tpu.region"() ({
        %run_scoped3A = tpu.sem_alloc : memref<!tpu.dma_semaphore, #tpu.memory_space<semaphore_mem>>
        %dma_start3A = arith.constant 0 : i32
        %dma_start3A_105 = arith.constant 0 : i32
        %dma_start3A_106 = tpu.memref_slice %arg10[%dma_start3A, %dma_start3A_105] : memref<128x128xf32, #tpu.memory_space<vmem>> -> memref<128x128xf32, #tpu.memory_space<vmem>>
        %dma_start3A_107 = arith.constant 0 : i32
        %dma_start3A_108 = tpu.memref_slice %arg7[%add3A_104, %dma_start3A_107] : memref<10112x128xf32, #tpu.memory_space<hbm>> -> memref<128x128xf32, #tpu.memory_space<hbm>>
        %dma_start3A_109 = arith.constant 0 : i32
        %dma_start3A_110 = tpu.memref_slice %arg7[%add3A_104, %dma_start3A_109] : memref<10112x128xf32, #tpu.memory_space<hbm>> -> memref<128x128xf32, #tpu.memory_space<hbm>>
        %dma_start3A_111 = arith.constant 0 : i32
        %dma_start3A_112 = arith.constant 0 : i32
        %dma_start3A_113 = tpu.memref_slice %arg10[%dma_start3A_111, %dma_start3A_112] : memref<128x128xf32, #tpu.memory_space<vmem>> -> memref<128x128xf32, #tpu.memory_space<vmem>>
        tpu.enqueue_dma source(%dma_start3A_113 : memref<128x128xf32, #tpu.memory_space<vmem>>) target(%dma_start3A_110 : memref<128x128xf32, #tpu.memory_space<hbm>>) target_semaphore(%run_scoped3A : memref<!tpu.dma_semaphore, #tpu.memory_space<semaphore_mem>>)
        %dma_wait3A = arith.constant 0 : i32
        %dma_wait3A_114 = arith.constant 0 : i32
        %dma_wait3A_115 = tpu.memref_slice %arg10[%dma_wait3A, %dma_wait3A_114] : memref<128x128xf32, #tpu.memory_space<vmem>> -> memref<128x128xf32, #tpu.memory_space<vmem>>
        %dma_wait3A_116 = arith.constant 0 : i32
        %dma_wait3A_117 = tpu.memref_slice %arg7[%add3A_104, %dma_wait3A_116] : memref<10112x128xf32, #tpu.memory_space<hbm>> -> memref<128x128xf32, #tpu.memory_space<hbm>>
        %dma_wait3A_118 = arith.constant 0 : i32
        %dma_wait3A_119 = tpu.memref_slice %arg7[%add3A_104, %dma_wait3A_118] : memref<10112x128xf32, #tpu.memory_space<hbm>> -> memref<128x128xf32, #tpu.memory_space<hbm>>
        %dma_wait3A_120 = arith.constant 0 : i32
        %dma_wait3A_121 = arith.constant 0 : i32
        %dma_wait3A_122 = tpu.memref_slice %arg10[%dma_wait3A_120, %dma_wait3A_121] : memref<128x128xf32, #tpu.memory_space<vmem>> -> memref<128x128xf32, #tpu.memory_space<vmem>>
        tpu.wait_dma2 semaphore(%run_scoped3A : memref<!tpu.dma_semaphore, #tpu.memory_space<semaphore_mem>>) src(%dma_wait3A_122 : memref<128x128xf32, #tpu.memory_space<vmem>>) dst(%dma_wait3A_119 : memref<128x128xf32, #tpu.memory_space<hbm>>)
        tpu.yield
      }) : () -> ()
    } else {
    }
    %mul3A_73 = arith.constant 632 : i32
    %mul3A_74 = arith.muli %arg1, %mul3A_73 : i32
    %add3A_75 = arith.constant 384 : i32
    %add3A_76 = arith.addi %mul3A_74, %add3A_75 : i32
    "tpu.region"() ({
      %run_scoped3A = tpu.sem_alloc : memref<!tpu.dma_semaphore, #tpu.memory_space<semaphore_mem>>
      %dma_start3A = arith.constant 0 : i32
      %dma_start3A_101 = arith.constant 0 : i32
      %dma_start3A_102 = tpu.memref_slice %arg10[%dma_start3A, %dma_start3A_101] : memref<128x128xf32, #tpu.memory_space<vmem>> -> memref<128x128xf32, #tpu.memory_space<vmem>>
      %dma_start3A_103 = arith.constant 0 : i32
      %dma_start3A_104 = tpu.memref_slice %arg12[%add3A_76, %dma_start3A_103] : memref<10112x128xf32, #tpu.memory_space<vmem_shared>> -> memref<128x128xf32, #tpu.memory_space<vmem_shared>>
      %dma_start3A_105 = arith.constant 0 : i32
      %dma_start3A_106 = arith.constant 0 : i32
      %dma_start3A_107 = tpu.memref_slice %arg10[%dma_start3A_105, %dma_start3A_106] : memref<128x128xf32, #tpu.memory_space<vmem>> -> memref<128x128xf32, #tpu.memory_space<vmem>>
      %dma_start3A_108 = arith.constant 0 : i32
      %dma_start3A_109 = tpu.memref_slice %arg12[%add3A_76, %dma_start3A_108] : memref<10112x128xf32, #tpu.memory_space<vmem_shared>> -> memref<128x128xf32, #tpu.memory_space<vmem_shared>>
      tpu.enqueue_dma source(%dma_start3A_109 : memref<128x128xf32, #tpu.memory_space<vmem_shared>>) target(%dma_start3A_107 : memref<128x128xf32, #tpu.memory_space<vmem>>) target_semaphore(%run_scoped3A : memref<!tpu.dma_semaphore, #tpu.memory_space<semaphore_mem>>)
      %dma_wait3A = arith.constant 0 : i32
      %dma_wait3A_110 = arith.constant 0 : i32
      %dma_wait3A_111 = tpu.memref_slice %arg10[%dma_wait3A, %dma_wait3A_110] : memref<128x128xf32, #tpu.memory_space<vmem>> -> memref<128x128xf32, #tpu.memory_space<vmem>>
      %dma_wait3A_112 = arith.constant 0 : i32
      %dma_wait3A_113 = tpu.memref_slice %arg12[%add3A_76, %dma_wait3A_112] : memref<10112x128xf32, #tpu.memory_space<vmem_shared>> -> memref<128x128xf32, #tpu.memory_space<vmem_shared>>
      %dma_wait3A_114 = arith.constant 0 : i32
      %dma_wait3A_115 = arith.constant 0 : i32
      %dma_wait3A_116 = tpu.memref_slice %arg10[%dma_wait3A_114, %dma_wait3A_115] : memref<128x128xf32, #tpu.memory_space<vmem>> -> memref<128x128xf32, #tpu.memory_space<vmem>>
      %dma_wait3A_117 = arith.constant 0 : i32
      %dma_wait3A_118 = tpu.memref_slice %arg12[%add3A_76, %dma_wait3A_117] : memref<10112x128xf32, #tpu.memory_space<vmem_shared>> -> memref<128x128xf32, #tpu.memory_space<vmem_shared>>
      tpu.wait_dma2 semaphore(%run_scoped3A : memref<!tpu.dma_semaphore, #tpu.memory_space<semaphore_mem>>) src(%dma_wait3A_118 : memref<128x128xf32, #tpu.memory_space<vmem_shared>>) dst(%dma_wait3A_116 : memref<128x128xf32, #tpu.memory_space<vmem>>)
      tpu.yield
    }) : () -> ()
    %eq3A_77 = arith.constant 0 : i32
    %eq3A_78 = arith.cmpi eq, %arg0, %eq3A_77 : i32
    %convert_element_type3A_79 = arith.extui %eq3A_78 : i1 to i32
    %cond3A_80 = arith.constant 0 : i32
    %cond3A_81 = arith.cmpi ne, %convert_element_type3A_79, %cond3A_80 : i32
    scf.if %cond3A_81 {
      %mul3A_101 = arith.constant 632 : i32
      %mul3A_102 = arith.muli %arg1, %mul3A_101 : i32
      %add3A_103 = arith.constant 384 : i32
      %add3A_104 = arith.addi %mul3A_102, %add3A_103 : i32
      "tpu.region"() ({
        %run_scoped3A = tpu.sem_alloc : memref<!tpu.dma_semaphore, #tpu.memory_space<semaphore_mem>>
        %dma_start3A = arith.constant 0 : i32
        %dma_start3A_105 = arith.constant 0 : i32
        %dma_start3A_106 = tpu.memref_slice %arg10[%dma_start3A, %dma_start3A_105] : memref<128x128xf32, #tpu.memory_space<vmem>> -> memref<128x128xf32, #tpu.memory_space<vmem>>
        %dma_start3A_107 = arith.constant 0 : i32
        %dma_start3A_108 = tpu.memref_slice %arg6[%add3A_104, %dma_start3A_107] : memref<10112x128xf32, #tpu.memory_space<hbm>> -> memref<128x128xf32, #tpu.memory_space<hbm>>
        %dma_start3A_109 = arith.constant 0 : i32
        %dma_start3A_110 = tpu.memref_slice %arg6[%add3A_104, %dma_start3A_109] : memref<10112x128xf32, #tpu.memory_space<hbm>> -> memref<128x128xf32, #tpu.memory_space<hbm>>
        %dma_start3A_111 = arith.constant 0 : i32
        %dma_start3A_112 = arith.constant 0 : i32
        %dma_start3A_113 = tpu.memref_slice %arg10[%dma_start3A_111, %dma_start3A_112] : memref<128x128xf32, #tpu.memory_space<vmem>> -> memref<128x128xf32, #tpu.memory_space<vmem>>
        tpu.enqueue_dma source(%dma_start3A_113 : memref<128x128xf32, #tpu.memory_space<vmem>>) target(%dma_start3A_110 : memref<128x128xf32, #tpu.memory_space<hbm>>) target_semaphore(%run_scoped3A : memref<!tpu.dma_semaphore, #tpu.memory_space<semaphore_mem>>)
        %dma_wait3A = arith.constant 0 : i32
        %dma_wait3A_114 = arith.constant 0 : i32
        %dma_wait3A_115 = tpu.memref_slice %arg10[%dma_wait3A, %dma_wait3A_114] : memref<128x128xf32, #tpu.memory_space<vmem>> -> memref<128x128xf32, #tpu.memory_space<vmem>>
        %dma_wait3A_116 = arith.constant 0 : i32
        %dma_wait3A_117 = tpu.memref_slice %arg6[%add3A_104, %dma_wait3A_116] : memref<10112x128xf32, #tpu.memory_space<hbm>> -> memref<128x128xf32, #tpu.memory_space<hbm>>
        %dma_wait3A_118 = arith.constant 0 : i32
        %dma_wait3A_119 = tpu.memref_slice %arg6[%add3A_104, %dma_wait3A_118] : memref<10112x128xf32, #tpu.memory_space<hbm>> -> memref<128x128xf32, #tpu.memory_space<hbm>>
        %dma_wait3A_120 = arith.constant 0 : i32
        %dma_wait3A_121 = arith.constant 0 : i32
        %dma_wait3A_122 = tpu.memref_slice %arg10[%dma_wait3A_120, %dma_wait3A_121] : memref<128x128xf32, #tpu.memory_space<vmem>> -> memref<128x128xf32, #tpu.memory_space<vmem>>
        tpu.wait_dma2 semaphore(%run_scoped3A : memref<!tpu.dma_semaphore, #tpu.memory_space<semaphore_mem>>) src(%dma_wait3A_122 : memref<128x128xf32, #tpu.memory_space<vmem>>) dst(%dma_wait3A_119 : memref<128x128xf32, #tpu.memory_space<hbm>>)
        tpu.yield
      }) : () -> ()
    } else {
    }
    %eq3A_82 = arith.constant 1 : i32
    %eq3A_83 = arith.cmpi eq, %arg0, %eq3A_82 : i32
    %convert_element_type3A_84 = arith.extui %eq3A_83 : i1 to i32
    %cond3A_85 = arith.constant 0 : i32
    %cond3A_86 = arith.cmpi ne, %convert_element_type3A_84, %cond3A_85 : i32
    scf.if %cond3A_86 {
      %mul3A_101 = arith.constant 632 : i32
      %mul3A_102 = arith.muli %arg1, %mul3A_101 : i32
      %add3A_103 = arith.constant 384 : i32
      %add3A_104 = arith.addi %mul3A_102, %add3A_103 : i32
      "tpu.region"() ({
        %run_scoped3A = tpu.sem_alloc : memref<!tpu.dma_semaphore, #tpu.memory_space<semaphore_mem>>
        %dma_start3A = arith.constant 0 : i32
        %dma_start3A_105 = arith.constant 0 : i32
        %dma_start3A_106 = tpu.memref_slice %arg10[%dma_start3A, %dma_start3A_105] : memref<128x128xf32, #tpu.memory_space<vmem>> -> memref<128x128xf32, #tpu.memory_space<vmem>>
        %dma_start3A_107 = arith.constant 0 : i32
        %dma_start3A_108 = tpu.memref_slice %arg7[%add3A_104, %dma_start3A_107] : memref<10112x128xf32, #tpu.memory_space<hbm>> -> memref<128x128xf32, #tpu.memory_space<hbm>>
        %dma_start3A_109 = arith.constant 0 : i32
        %dma_start3A_110 = tpu.memref_slice %arg7[%add3A_104, %dma_start3A_109] : memref<10112x128xf32, #tpu.memory_space<hbm>> -> memref<128x128xf32, #tpu.memory_space<hbm>>
        %dma_start3A_111 = arith.constant 0 : i32
        %dma_start3A_112 = arith.constant 0 : i32
        %dma_start3A_113 = tpu.memref_slice %arg10[%dma_start3A_111, %dma_start3A_112] : memref<128x128xf32, #tpu.memory_space<vmem>> -> memref<128x128xf32, #tpu.memory_space<vmem>>
        tpu.enqueue_dma source(%dma_start3A_113 : memref<128x128xf32, #tpu.memory_space<vmem>>) target(%dma_start3A_110 : memref<128x128xf32, #tpu.memory_space<hbm>>) target_semaphore(%run_scoped3A : memref<!tpu.dma_semaphore, #tpu.memory_space<semaphore_mem>>)
        %dma_wait3A = arith.constant 0 : i32
        %dma_wait3A_114 = arith.constant 0 : i32
        %dma_wait3A_115 = tpu.memref_slice %arg10[%dma_wait3A, %dma_wait3A_114] : memref<128x128xf32, #tpu.memory_space<vmem>> -> memref<128x128xf32, #tpu.memory_space<vmem>>
        %dma_wait3A_116 = arith.constant 0 : i32
        %dma_wait3A_117 = tpu.memref_slice %arg7[%add3A_104, %dma_wait3A_116] : memref<10112x128xf32, #tpu.memory_space<hbm>> -> memref<128x128xf32, #tpu.memory_space<hbm>>
        %dma_wait3A_118 = arith.constant 0 : i32
        %dma_wait3A_119 = tpu.memref_slice %arg7[%add3A_104, %dma_wait3A_118] : memref<10112x128xf32, #tpu.memory_space<hbm>> -> memref<128x128xf32, #tpu.memory_space<hbm>>
        %dma_wait3A_120 = arith.constant 0 : i32
        %dma_wait3A_121 = arith.constant 0 : i32
        %dma_wait3A_122 = tpu.memref_slice %arg10[%dma_wait3A_120, %dma_wait3A_121] : memref<128x128xf32, #tpu.memory_space<vmem>> -> memref<128x128xf32, #tpu.memory_space<vmem>>
        tpu.wait_dma2 semaphore(%run_scoped3A : memref<!tpu.dma_semaphore, #tpu.memory_space<semaphore_mem>>) src(%dma_wait3A_122 : memref<128x128xf32, #tpu.memory_space<vmem>>) dst(%dma_wait3A_119 : memref<128x128xf32, #tpu.memory_space<hbm>>)
        tpu.yield
      }) : () -> ()
    } else {
    }
    %mul3A_87 = arith.constant 632 : i32
    %mul3A_88 = arith.muli %arg1, %mul3A_87 : i32
    %add3A_89 = arith.constant 512 : i32
    %add3A_90 = arith.addi %mul3A_88, %add3A_89 : i32
    "tpu.region"() ({
      %run_scoped3A = tpu.sem_alloc : memref<!tpu.dma_semaphore, #tpu.memory_space<semaphore_mem>>
      %dma_start3A = arith.constant 0 : i32
      %dma_start3A_101 = arith.constant 0 : i32
      %dma_start3A_102 = tpu.memref_slice %arg10[%dma_start3A, %dma_start3A_101] : memref<128x128xf32, #tpu.memory_space<vmem>> -> memref<120x128xf32, #tpu.memory_space<vmem>>
      %dma_start3A_103 = arith.constant 0 : i32
      %dma_start3A_104 = tpu.memref_slice %arg12[%add3A_90, %dma_start3A_103] : memref<10112x128xf32, #tpu.memory_space<vmem_shared>> -> memref<120x128xf32, #tpu.memory_space<vmem_shared>>
      %dma_start3A_105 = arith.constant 0 : i32
      %dma_start3A_106 = arith.constant 0 : i32
      %dma_start3A_107 = tpu.memref_slice %arg10[%dma_start3A_105, %dma_start3A_106] : memref<128x128xf32, #tpu.memory_space<vmem>> -> memref<120x128xf32, #tpu.memory_space<vmem>>
      %dma_start3A_108 = arith.constant 0 : i32
      %dma_start3A_109 = tpu.memref_slice %arg12[%add3A_90, %dma_start3A_108] : memref<10112x128xf32, #tpu.memory_space<vmem_shared>> -> memref<120x128xf32, #tpu.memory_space<vmem_shared>>
      tpu.enqueue_dma source(%dma_start3A_109 : memref<120x128xf32, #tpu.memory_space<vmem_shared>>) target(%dma_start3A_107 : memref<120x128xf32, #tpu.memory_space<vmem>>) target_semaphore(%run_scoped3A : memref<!tpu.dma_semaphore, #tpu.memory_space<semaphore_mem>>)
      %dma_wait3A = arith.constant 0 : i32
      %dma_wait3A_110 = arith.constant 0 : i32
      %dma_wait3A_111 = tpu.memref_slice %arg10[%dma_wait3A, %dma_wait3A_110] : memref<128x128xf32, #tpu.memory_space<vmem>> -> memref<120x128xf32, #tpu.memory_space<vmem>>
      %dma_wait3A_112 = arith.constant 0 : i32
      %dma_wait3A_113 = tpu.memref_slice %arg12[%add3A_90, %dma_wait3A_112] : memref<10112x128xf32, #tpu.memory_space<vmem_shared>> -> memref<120x128xf32, #tpu.memory_space<vmem_shared>>
      %dma_wait3A_114 = arith.constant 0 : i32
      %dma_wait3A_115 = arith.constant 0 : i32
      %dma_wait3A_116 = tpu.memref_slice %arg10[%dma_wait3A_114, %dma_wait3A_115] : memref<128x128xf32, #tpu.memory_space<vmem>> -> memref<120x128xf32, #tpu.memory_space<vmem>>
      %dma_wait3A_117 = arith.constant 0 : i32
      %dma_wait3A_118 = tpu.memref_slice %arg12[%add3A_90, %dma_wait3A_117] : memref<10112x128xf32, #tpu.memory_space<vmem_shared>> -> memref<120x128xf32, #tpu.memory_space<vmem_shared>>
      tpu.wait_dma2 semaphore(%run_scoped3A : memref<!tpu.dma_semaphore, #tpu.memory_space<semaphore_mem>>) src(%dma_wait3A_118 : memref<120x128xf32, #tpu.memory_space<vmem_shared>>) dst(%dma_wait3A_116 : memref<120x128xf32, #tpu.memory_space<vmem>>)
      tpu.yield
    }) : () -> ()
    %eq3A_91 = arith.constant 0 : i32
    %eq3A_92 = arith.cmpi eq, %arg0, %eq3A_91 : i32
    %convert_element_type3A_93 = arith.extui %eq3A_92 : i1 to i32
    %cond3A_94 = arith.constant 0 : i32
    %cond3A_95 = arith.cmpi ne, %convert_element_type3A_93, %cond3A_94 : i32
    scf.if %cond3A_95 {
      %mul3A_101 = arith.constant 632 : i32
      %mul3A_102 = arith.muli %arg1, %mul3A_101 : i32
      %add3A_103 = arith.constant 512 : i32
      %add3A_104 = arith.addi %mul3A_102, %add3A_103 : i32
      "tpu.region"() ({
        %run_scoped3A = tpu.sem_alloc : memref<!tpu.dma_semaphore, #tpu.memory_space<semaphore_mem>>
        %dma_start3A = arith.constant 0 : i32
        %dma_start3A_105 = arith.constant 0 : i32
        %dma_start3A_106 = tpu.memref_slice %arg10[%dma_start3A, %dma_start3A_105] : memref<128x128xf32, #tpu.memory_space<vmem>> -> memref<120x128xf32, #tpu.memory_space<vmem>>
        %dma_start3A_107 = arith.constant 0 : i32
        %dma_start3A_108 = tpu.memref_slice %arg6[%add3A_104, %dma_start3A_107] : memref<10112x128xf32, #tpu.memory_space<hbm>> -> memref<120x128xf32, #tpu.memory_space<hbm>>
        %dma_start3A_109 = arith.constant 0 : i32
        %dma_start3A_110 = tpu.memref_slice %arg6[%add3A_104, %dma_start3A_109] : memref<10112x128xf32, #tpu.memory_space<hbm>> -> memref<120x128xf32, #tpu.memory_space<hbm>>
        %dma_start3A_111 = arith.constant 0 : i32
        %dma_start3A_112 = arith.constant 0 : i32
        %dma_start3A_113 = tpu.memref_slice %arg10[%dma_start3A_111, %dma_start3A_112] : memref<128x128xf32, #tpu.memory_space<vmem>> -> memref<120x128xf32, #tpu.memory_space<vmem>>
        tpu.enqueue_dma source(%dma_start3A_113 : memref<120x128xf32, #tpu.memory_space<vmem>>) target(%dma_start3A_110 : memref<120x128xf32, #tpu.memory_space<hbm>>) target_semaphore(%run_scoped3A : memref<!tpu.dma_semaphore, #tpu.memory_space<semaphore_mem>>)
        %dma_wait3A = arith.constant 0 : i32
        %dma_wait3A_114 = arith.constant 0 : i32
        %dma_wait3A_115 = tpu.memref_slice %arg10[%dma_wait3A, %dma_wait3A_114] : memref<128x128xf32, #tpu.memory_space<vmem>> -> memref<120x128xf32, #tpu.memory_space<vmem>>
        %dma_wait3A_116 = arith.constant 0 : i32
        %dma_wait3A_117 = tpu.memref_slice %arg6[%add3A_104, %dma_wait3A_116] : memref<10112x128xf32, #tpu.memory_space<hbm>> -> memref<120x128xf32, #tpu.memory_space<hbm>>
        %dma_wait3A_118 = arith.constant 0 : i32
        %dma_wait3A_119 = tpu.memref_slice %arg6[%add3A_104, %dma_wait3A_118] : memref<10112x128xf32, #tpu.memory_space<hbm>> -> memref<120x128xf32, #tpu.memory_space<hbm>>
        %dma_wait3A_120 = arith.constant 0 : i32
        %dma_wait3A_121 = arith.constant 0 : i32
        %dma_wait3A_122 = tpu.memref_slice %arg10[%dma_wait3A_120, %dma_wait3A_121] : memref<128x128xf32, #tpu.memory_space<vmem>> -> memref<120x128xf32, #tpu.memory_space<vmem>>
        tpu.wait_dma2 semaphore(%run_scoped3A : memref<!tpu.dma_semaphore, #tpu.memory_space<semaphore_mem>>) src(%dma_wait3A_122 : memref<120x128xf32, #tpu.memory_space<vmem>>) dst(%dma_wait3A_119 : memref<120x128xf32, #tpu.memory_space<hbm>>)
        tpu.yield
      }) : () -> ()
    } else {
    }
    %eq3A_96 = arith.constant 1 : i32
    %eq3A_97 = arith.cmpi eq, %arg0, %eq3A_96 : i32
    %convert_element_type3A_98 = arith.extui %eq3A_97 : i1 to i32
    %cond3A_99 = arith.constant 0 : i32
    %cond3A_100 = arith.cmpi ne, %convert_element_type3A_98, %cond3A_99 : i32
    scf.if %cond3A_100 {
      %mul3A_101 = arith.constant 632 : i32
      %mul3A_102 = arith.muli %arg1, %mul3A_101 : i32
      %add3A_103 = arith.constant 512 : i32
      %add3A_104 = arith.addi %mul3A_102, %add3A_103 : i32
      "tpu.region"() ({
        %run_scoped3A = tpu.sem_alloc : memref<!tpu.dma_semaphore, #tpu.memory_space<semaphore_mem>>
        %dma_start3A = arith.constant 0 : i32
        %dma_start3A_105 = arith.constant 0 : i32
        %dma_start3A_106 = tpu.memref_slice %arg10[%dma_start3A, %dma_start3A_105] : memref<128x128xf32, #tpu.memory_space<vmem>> -> memref<120x128xf32, #tpu.memory_space<vmem>>
        %dma_start3A_107 = arith.constant 0 : i32
        %dma_start3A_108 = tpu.memref_slice %arg7[%add3A_104, %dma_start3A_107] : memref<10112x128xf32, #tpu.memory_space<hbm>> -> memref<120x128xf32, #tpu.memory_space<hbm>>
        %dma_start3A_109 = arith.constant 0 : i32
        %dma_start3A_110 = tpu.memref_slice %arg7[%add3A_104, %dma_start3A_109] : memref<10112x128xf32, #tpu.memory_space<hbm>> -> memref<120x128xf32, #tpu.memory_space<hbm>>
        %dma_start3A_111 = arith.constant 0 : i32
        %dma_start3A_112 = arith.constant 0 : i32
        %dma_start3A_113 = tpu.memref_slice %arg10[%dma_start3A_111, %dma_start3A_112] : memref<128x128xf32, #tpu.memory_space<vmem>> -> memref<120x128xf32, #tpu.memory_space<vmem>>
        tpu.enqueue_dma source(%dma_start3A_113 : memref<120x128xf32, #tpu.memory_space<vmem>>) target(%dma_start3A_110 : memref<120x128xf32, #tpu.memory_space<hbm>>) target_semaphore(%run_scoped3A : memref<!tpu.dma_semaphore, #tpu.memory_space<semaphore_mem>>)
        %dma_wait3A = arith.constant 0 : i32
        %dma_wait3A_114 = arith.constant 0 : i32
        %dma_wait3A_115 = tpu.memref_slice %arg10[%dma_wait3A, %dma_wait3A_114] : memref<128x128xf32, #tpu.memory_space<vmem>> -> memref<120x128xf32, #tpu.memory_space<vmem>>
        %dma_wait3A_116 = arith.constant 0 : i32
        %dma_wait3A_117 = tpu.memref_slice %arg7[%add3A_104, %dma_wait3A_116] : memref<10112x128xf32, #tpu.memory_space<hbm>> -> memref<120x128xf32, #tpu.memory_space<hbm>>
        %dma_wait3A_118 = arith.constant 0 : i32
        %dma_wait3A_119 = tpu.memref_slice %arg7[%add3A_104, %dma_wait3A_118] : memref<10112x128xf32, #tpu.memory_space<hbm>> -> memref<120x128xf32, #tpu.memory_space<hbm>>
        %dma_wait3A_120 = arith.constant 0 : i32
        %dma_wait3A_121 = arith.constant 0 : i32
        %dma_wait3A_122 = tpu.memref_slice %arg10[%dma_wait3A_120, %dma_wait3A_121] : memref<128x128xf32, #tpu.memory_space<vmem>> -> memref<120x128xf32, #tpu.memory_space<vmem>>
        tpu.wait_dma2 semaphore(%run_scoped3A : memref<!tpu.dma_semaphore, #tpu.memory_space<semaphore_mem>>) src(%dma_wait3A_122 : memref<120x128xf32, #tpu.memory_space<vmem>>) dst(%dma_wait3A_119 : memref<120x128xf32, #tpu.memory_space<hbm>>)
        tpu.yield
      }) : () -> ()
    } else {
    }
    return
  }
}

#map = affine_map<(d0, d1) -> (0, 0)>
module attributes {stable_mosaic.version = 14 : i64} {
  func.func @body(%arg0: i32, %arg1: i32, %arg2: memref<10000x128xf32, #tpu.memory_space<hbm>>, %arg3: memref<10000x128xf32, #tpu.memory_space<hbm>>, %arg4: memref<2560x128xi32, #tpu.memory_space<hbm>>, %arg5: memref<2560x128xi32, #tpu.memory_space<hbm>>, %arg6: memref<10112x128xf32, #tpu.memory_space<hbm>>, %arg7: memref<10112x128xf32, #tpu.memory_space<hbm>>, %arg8: memref<120x128xi32, #tpu.memory_space<vmem>>, %arg9: memref<2x128xi32, #tpu.memory_space<vmem>>, %arg10: memref<128x128xf32, #tpu.memory_space<vmem>>, %arg11: memref<128x128xf32, #tpu.memory_space<vmem>>, %arg12: memref<10112x128xf32, #tpu.memory_space<vmem_shared>>, %arg13: memref<!tpu.dma_semaphore, #tpu.memory_space<semaphore_mem>>, %arg14: memref<!tpu.dma_semaphore, #tpu.memory_space<semaphore_mem>>) attributes {dimension_semantics = [#tpu.dimension_semantics<core_parallel>, #tpu.dimension_semantics<subcore_parallel>], iteration_bounds = array<i64: 2, 16>, scalar_prefetch = 0 : i64, scratch_operands = 7 : i64, tpu.core_type = #tpu.core_type<sc_vector_subcore>, window_params = [{transform_indices = #map}, {transform_indices = #map}, {transform_indices = #map}, {transform_indices = #map}, {transform_indices = #map}, {transform_indices = #map}]} {
    %scan3A = arith.constant 0 : i32
    %scan3A_0 = arith.constant 0 : i32
    %scan3A_1 = arith.constant 128 : i32
    %scan3A_2 = arith.addi %scan3A_0, %scan3A_1 : i32
    %scan3A_3 = arith.constant 1 : i32
    scf.for %scan3A_101 = %scan3A_0 to %scan3A_2 step %scan3A_3  : i32 {
      %broadcast_in_dim3A = arith.constant 0.000000e+00 : f32
      %broadcast_in_dim3A_102 = vector.broadcast %broadcast_in_dim3A : f32 to vector<16xf32>
      %swap3A = arith.index_cast %scan3A_101 : i32 to index
      %swap3A_103 = arith.constant 0 : index
      %swap3A_104 = tpu.vector_load %arg10[%swap3A, %swap3A_103] {strides = array<i32>} : memref<128x128xf32, #tpu.memory_space<vmem>>, vector<1x16xf32>,
      %swap3A_105 = vector.shape_cast %swap3A_104 : vector<1x16xf32> to vector<16xf32>
      %swap3A_106 = vector.shape_cast %broadcast_in_dim3A_102 : vector<16xf32> to vector<1x16xf32>
      tpu.vector_store %arg10[%swap3A, %swap3A_103], %swap3A_106 {strides = array<i32>} : memref<128x128xf32, #tpu.memory_space<vmem>>, vector<1x16xf32>,
      %broadcast_in_dim3A_107 = arith.constant 0.000000e+00 : f32
      %broadcast_in_dim3A_108 = vector.broadcast %broadcast_in_dim3A_107 : f32 to vector<16xf32>
      %swap3A_109 = arith.index_cast %scan3A_101 : i32 to index
      %swap3A_110 = arith.constant 16 : index
      %swap3A_111 = tpu.vector_load %arg10[%swap3A_109, %swap3A_110] {strides = array<i32>} : memref<128x128xf32, #tpu.memory_space<vmem>>, vector<1x16xf32>,
      %swap3A_112 = vector.shape_cast %swap3A_111 : vector<1x16xf32> to vector<16xf32>
      %swap3A_113 = vector.shape_cast %broadcast_in_dim3A_108 : vector<16xf32> to vector<1x16xf32>
      tpu.vector_store %arg10[%swap3A_109, %swap3A_110], %swap3A_113 {strides = array<i32>} : memref<128x128xf32, #tpu.memory_space<vmem>>, vector<1x16xf32>,
      %broadcast_in_dim3A_114 = arith.constant 0.000000e+00 : f32
      %broadcast_in_dim3A_115 = vector.broadcast %broadcast_in_dim3A_114 : f32 to vector<16xf32>
      %swap3A_116 = arith.index_cast %scan3A_101 : i32 to index
      %swap3A_117 = arith.constant 32 : index
      %swap3A_118 = tpu.vector_load %arg10[%swap3A_116, %swap3A_117] {strides = array<i32>} : memref<128x128xf32, #tpu.memory_space<vmem>>, vector<1x16xf32>,
      %swap3A_119 = vector.shape_cast %swap3A_118 : vector<1x16xf32> to vector<16xf32>
      %swap3A_120 = vector.shape_cast %broadcast_in_dim3A_115 : vector<16xf32> to vector<1x16xf32>
      tpu.vector_store %arg10[%swap3A_116, %swap3A_117], %swap3A_120 {strides = array<i32>} : memref<128x128xf32, #tpu.memory_space<vmem>>, vector<1x16xf32>,
      %broadcast_in_dim3A_121 = arith.constant 0.000000e+00 : f32
      %broadcast_in_dim3A_122 = vector.broadcast %broadcast_in_dim3A_121 : f32 to vector<16xf32>
      %swap3A_123 = arith.index_cast %scan3A_101 : i32 to index
      %swap3A_124 = arith.constant 48 : index
      %swap3A_125 = tpu.vector_load %arg10[%swap3A_123, %swap3A_124] {strides = array<i32>} : memref<128x128xf32, #tpu.memory_space<vmem>>, vector<1x16xf32>,
      %swap3A_126 = vector.shape_cast %swap3A_125 : vector<1x16xf32> to vector<16xf32>
      %swap3A_127 = vector.shape_cast %broadcast_in_dim3A_122 : vector<16xf32> to vector<1x16xf32>
      tpu.vector_store %arg10[%swap3A_123, %swap3A_124], %swap3A_127 {strides = array<i32>} : memref<128x128xf32, #tpu.memory_space<vmem>>, vector<1x16xf32>,
      %broadcast_in_dim3A_128 = arith.constant 0.000000e+00 : f32
      %broadcast_in_dim3A_129 = vector.broadcast %broadcast_in_dim3A_128 : f32 to vector<16xf32>
      %swap3A_130 = arith.index_cast %scan3A_101 : i32 to index
      %swap3A_131 = arith.constant 64 : index
      %swap3A_132 = tpu.vector_load %arg10[%swap3A_130, %swap3A_131] {strides = array<i32>} : memref<128x128xf32, #tpu.memory_space<vmem>>, vector<1x16xf32>,
      %swap3A_133 = vector.shape_cast %swap3A_132 : vector<1x16xf32> to vector<16xf32>
      %swap3A_134 = vector.shape_cast %broadcast_in_dim3A_129 : vector<16xf32> to vector<1x16xf32>
      tpu.vector_store %arg10[%swap3A_130, %swap3A_131], %swap3A_134 {strides = array<i32>} : memref<128x128xf32, #tpu.memory_space<vmem>>, vector<1x16xf32>,
      %broadcast_in_dim3A_135 = arith.constant 0.000000e+00 : f32
      %broadcast_in_dim3A_136 = vector.broadcast %broadcast_in_dim3A_135 : f32 to vector<16xf32>
      %swap3A_137 = arith.index_cast %scan3A_101 : i32 to index
      %swap3A_138 = arith.constant 80 : index
      %swap3A_139 = tpu.vector_load %arg10[%swap3A_137, %swap3A_138] {strides = array<i32>} : memref<128x128xf32, #tpu.memory_space<vmem>>, vector<1x16xf32>,
      %swap3A_140 = vector.shape_cast %swap3A_139 : vector<1x16xf32> to vector<16xf32>
      %swap3A_141 = vector.shape_cast %broadcast_in_dim3A_136 : vector<16xf32> to vector<1x16xf32>
      tpu.vector_store %arg10[%swap3A_137, %swap3A_138], %swap3A_141 {strides = array<i32>} : memref<128x128xf32, #tpu.memory_space<vmem>>, vector<1x16xf32>,
      %broadcast_in_dim3A_142 = arith.constant 0.000000e+00 : f32
      %broadcast_in_dim3A_143 = vector.broadcast %broadcast_in_dim3A_142 : f32 to vector<16xf32>
      %swap3A_144 = arith.index_cast %scan3A_101 : i32 to index
      %swap3A_145 = arith.constant 96 : index
      %swap3A_146 = tpu.vector_load %arg10[%swap3A_144, %swap3A_145] {strides = array<i32>} : memref<128x128xf32, #tpu.memory_space<vmem>>, vector<1x16xf32>,
      %swap3A_147 = vector.shape_cast %swap3A_146 : vector<1x16xf32> to vector<16xf32>
      %swap3A_148 = vector.shape_cast %broadcast_in_dim3A_143 : vector<16xf32> to vector<1x16xf32>
      tpu.vector_store %arg10[%swap3A_144, %swap3A_145], %swap3A_148 {strides = array<i32>} : memref<128x128xf32, #tpu.memory_space<vmem>>, vector<1x16xf32>,
      %broadcast_in_dim3A_149 = arith.constant 0.000000e+00 : f32
      %broadcast_in_dim3A_150 = vector.broadcast %broadcast_in_dim3A_149 : f32 to vector<16xf32>
      %swap3A_151 = arith.index_cast %scan3A_101 : i32 to index
      %swap3A_152 = arith.constant 112 : index
      %swap3A_153 = tpu.vector_load %arg10[%swap3A_151, %swap3A_152] {strides = array<i32>} : memref<128x128xf32, #tpu.memory_space<vmem>>, vector<1x16xf32>,
      %swap3A_154 = vector.shape_cast %swap3A_153 : vector<1x16xf32> to vector<16xf32>
      %swap3A_155 = vector.shape_cast %broadcast_in_dim3A_150 : vector<16xf32> to vector<1x16xf32>
      tpu.vector_store %arg10[%swap3A_151, %swap3A_152], %swap3A_155 {strides = array<i32>} : memref<128x128xf32, #tpu.memory_space<vmem>>, vector<1x16xf32>,
    }
    %scan3A_4 = arith.constant 128 : i32
    %mul3A = arith.constant 632 : i32
    %mul3A_5 = arith.muli %arg1, %mul3A : i32
    %add3A = arith.constant 0 : i32
    %add3A_6 = arith.addi %mul3A_5, %add3A : i32
    "tpu.region"() ({
      %run_scoped3A = tpu.sem_alloc : memref<!tpu.dma_semaphore, #tpu.memory_space<semaphore_mem>>
      %dma_start3A = arith.constant 0 : i32
      %dma_start3A_101 = arith.constant 0 : i32
      %dma_start3A_102 = tpu.memref_slice %arg10[%dma_start3A, %dma_start3A_101] : memref<128x128xf32, #tpu.memory_space<vmem>> -> memref<128x128xf32, #tpu.memory_space<vmem>>
      %dma_start3A_103 = arith.constant 0 : i32
      %dma_start3A_104 = tpu.memref_slice %arg12[%add3A_6, %dma_start3A_103] : memref<10112x128xf32, #tpu.memory_space<vmem_shared>> -> memref<128x128xf32, #tpu.memory_space<vmem_shared>>
      %dma_start3A_105 = arith.constant 0 : i32
      %dma_start3A_106 = tpu.memref_slice %arg12[%add3A_6, %dma_start3A_105] : memref<10112x128xf32, #tpu.memory_space<vmem_shared>> -> memref<128x128xf32, #tpu.memory_space<vmem_shared>>
      %dma_start3A_107 = arith.constant 0 : i32
      %dma_start3A_108 = arith.constant 0 : i32
      %dma_start3A_109 = tpu.memref_slice %arg10[%dma_start3A_107, %dma_start3A_108] : memref<128x128xf32, #tpu.memory_space<vmem>> -> memref<128x128xf32, #tpu.memory_space<vmem>>
      tpu.enqueue_dma source(%dma_start3A_109 : memref<128x128xf32, #tpu.memory_space<vmem>>) target(%dma_start3A_106 : memref<128x128xf32, #tpu.memory_space<vmem_shared>>) target_semaphore(%run_scoped3A : memref<!tpu.dma_semaphore, #tpu.memory_space<semaphore_mem>>)
      %dma_wait3A = arith.constant 0 : i32
      %dma_wait3A_110 = arith.constant 0 : i32
      %dma_wait3A_111 = tpu.memref_slice %arg10[%dma_wait3A, %dma_wait3A_110] : memref<128x128xf32, #tpu.memory_space<vmem>> -> memref<128x128xf32, #tpu.memory_space<vmem>>
      %dma_wait3A_112 = arith.constant 0 : i32
      %dma_wait3A_113 = tpu.memref_slice %arg12[%add3A_6, %dma_wait3A_112] : memref<10112x128xf32, #tpu.memory_space<vmem_shared>> -> memref<128x128xf32, #tpu.memory_space<vmem_shared>>
      %dma_wait3A_114 = arith.constant 0 : i32
      %dma_wait3A_115 = tpu.memref_slice %arg12[%add3A_6, %dma_wait3A_114] : memref<10112x128xf32, #tpu.memory_space<vmem_shared>> -> memref<128x128xf32, #tpu.memory_space<vmem_shared>>
      %dma_wait3A_116 = arith.constant 0 : i32
      %dma_wait3A_117 = arith.constant 0 : i32
      %dma_wait3A_118 = tpu.memref_slice %arg10[%dma_wait3A_116, %dma_wait3A_117] : memref<128x128xf32, #tpu.memory_space<vmem>> -> memref<128x128xf32, #tpu.memory_space<vmem>>
      tpu.wait_dma2 semaphore(%run_scoped3A : memref<!tpu.dma_semaphore, #tpu.memory_space<semaphore_mem>>) src(%dma_wait3A_118 : memref<128x128xf32, #tpu.memory_space<vmem>>) dst(%dma_wait3A_115 : memref<128x128xf32, #tpu.memory_space<vmem_shared>>)
      tpu.yield
    }) : () -> ()
    %mul3A_7 = arith.constant 632 : i32
    %mul3A_8 = arith.muli %arg1, %mul3A_7 : i32
    %add3A_9 = arith.constant 128 : i32
    %add3A_10 = arith.addi %mul3A_8, %add3A_9 : i32
    "tpu.region"() ({
      %run_scoped3A = tpu.sem_alloc : memref<!tpu.dma_semaphore, #tpu.memory_space<semaphore_mem>>
      %dma_start3A = arith.constant 0 : i32
      %dma_start3A_101 = arith.constant 0 : i32
      %dma_start3A_102 = tpu.memref_slice %arg10[%dma_start3A, %dma_start3A_101] : memref<128x128xf32, #tpu.memory_space<vmem>> -> memref<128x128xf32, #tpu.memory_space<vmem>>
      %dma_start3A_103 = arith.constant 0 : i32
      %dma_start3A_104 = tpu.memref_slice %arg12[%add3A_10, %dma_start3A_103] : memref<10112x128xf32, #tpu.memory_space<vmem_shared>> -> memref<128x128xf32, #tpu.memory_space<vmem_shared>>
      %dma_start3A_105 = arith.constant 0 : i32
      %dma_start3A_106 = tpu.memref_slice %arg12[%add3A_10, %dma_start3A_105] : memref<10112x128xf32, #tpu.memory_space<vmem_shared>> -> memref<128x128xf32, #tpu.memory_space<vmem_shared>>
      %dma_start3A_107 = arith.constant 0 : i32
      %dma_start3A_108 = arith.constant 0 : i32
      %dma_start3A_109 = tpu.memref_slice %arg10[%dma_start3A_107, %dma_start3A_108] : memref<128x128xf32, #tpu.memory_space<vmem>> -> memref<128x128xf32, #tpu.memory_space<vmem>>
      tpu.enqueue_dma source(%dma_start3A_109 : memref<128x128xf32, #tpu.memory_space<vmem>>) target(%dma_start3A_106 : memref<128x128xf32, #tpu.memory_space<vmem_shared>>) target_semaphore(%run_scoped3A : memref<!tpu.dma_semaphore, #tpu.memory_space<semaphore_mem>>)
      %dma_wait3A = arith.constant 0 : i32
      %dma_wait3A_110 = arith.constant 0 : i32
      %dma_wait3A_111 = tpu.memref_slice %arg10[%dma_wait3A, %dma_wait3A_110] : memref<128x128xf32, #tpu.memory_space<vmem>> -> memref<128x128xf32, #tpu.memory_space<vmem>>
      %dma_wait3A_112 = arith.constant 0 : i32
      %dma_wait3A_113 = tpu.memref_slice %arg12[%add3A_10, %dma_wait3A_112] : memref<10112x128xf32, #tpu.memory_space<vmem_shared>> -> memref<128x128xf32, #tpu.memory_space<vmem_shared>>
      %dma_wait3A_114 = arith.constant 0 : i32
      %dma_wait3A_115 = tpu.memref_slice %arg12[%add3A_10, %dma_wait3A_114] : memref<10112x128xf32, #tpu.memory_space<vmem_shared>> -> memref<128x128xf32, #tpu.memory_space<vmem_shared>>
      %dma_wait3A_116 = arith.constant 0 : i32
      %dma_wait3A_117 = arith.constant 0 : i32
      %dma_wait3A_118 = tpu.memref_slice %arg10[%dma_wait3A_116, %dma_wait3A_117] : memref<128x128xf32, #tpu.memory_space<vmem>> -> memref<128x128xf32, #tpu.memory_space<vmem>>
      tpu.wait_dma2 semaphore(%run_scoped3A : memref<!tpu.dma_semaphore, #tpu.memory_space<semaphore_mem>>) src(%dma_wait3A_118 : memref<128x128xf32, #tpu.memory_space<vmem>>) dst(%dma_wait3A_115 : memref<128x128xf32, #tpu.memory_space<vmem_shared>>)
      tpu.yield
    }) : () -> ()
    %mul3A_11 = arith.constant 632 : i32
    %mul3A_12 = arith.muli %arg1, %mul3A_11 : i32
    %add3A_13 = arith.constant 256 : i32
    %add3A_14 = arith.addi %mul3A_12, %add3A_13 : i32
    "tpu.region"() ({
      %run_scoped3A = tpu.sem_alloc : memref<!tpu.dma_semaphore, #tpu.memory_space<semaphore_mem>>
      %dma_start3A = arith.constant 0 : i32
      %dma_start3A_101 = arith.constant 0 : i32
      %dma_start3A_102 = tpu.memref_slice %arg10[%dma_start3A, %dma_start3A_101] : memref<128x128xf32, #tpu.memory_space<vmem>> -> memref<128x128xf32, #tpu.memory_space<vmem>>
      %dma_start3A_103 = arith.constant 0 : i32
      %dma_start3A_104 = tpu.memref_slice %arg12[%add3A_14, %dma_start3A_103] : memref<10112x128xf32, #tpu.memory_space<vmem_shared>> -> memref<128x128xf32, #tpu.memory_space<vmem_shared>>
      %dma_start3A_105 = arith.constant 0 : i32
      %dma_start3A_106 = tpu.memref_slice %arg12[%add3A_14, %dma_start3A_105] : memref<10112x128xf32, #tpu.memory_space<vmem_shared>> -> memref<128x128xf32, #tpu.memory_space<vmem_shared>>
      %dma_start3A_107 = arith.constant 0 : i32
      %dma_start3A_108 = arith.constant 0 : i32
      %dma_start3A_109 = tpu.memref_slice %arg10[%dma_start3A_107, %dma_start3A_108] : memref<128x128xf32, #tpu.memory_space<vmem>> -> memref<128x128xf32, #tpu.memory_space<vmem>>
      tpu.enqueue_dma source(%dma_start3A_109 : memref<128x128xf32, #tpu.memory_space<vmem>>) target(%dma_start3A_106 : memref<128x128xf32, #tpu.memory_space<vmem_shared>>) target_semaphore(%run_scoped3A : memref<!tpu.dma_semaphore, #tpu.memory_space<semaphore_mem>>)
      %dma_wait3A = arith.constant 0 : i32
      %dma_wait3A_110 = arith.constant 0 : i32
      %dma_wait3A_111 = tpu.memref_slice %arg10[%dma_wait3A, %dma_wait3A_110] : memref<128x128xf32, #tpu.memory_space<vmem>> -> memref<128x128xf32, #tpu.memory_space<vmem>>
      %dma_wait3A_112 = arith.constant 0 : i32
      %dma_wait3A_113 = tpu.memref_slice %arg12[%add3A_14, %dma_wait3A_112] : memref<10112x128xf32, #tpu.memory_space<vmem_shared>> -> memref<128x128xf32, #tpu.memory_space<vmem_shared>>
      %dma_wait3A_114 = arith.constant 0 : i32
      %dma_wait3A_115 = tpu.memref_slice %arg12[%add3A_14, %dma_wait3A_114] : memref<10112x128xf32, #tpu.memory_space<vmem_shared>> -> memref<128x128xf32, #tpu.memory_space<vmem_shared>>
      %dma_wait3A_116 = arith.constant 0 : i32
      %dma_wait3A_117 = arith.constant 0 : i32
      %dma_wait3A_118 = tpu.memref_slice %arg10[%dma_wait3A_116, %dma_wait3A_117] : memref<128x128xf32, #tpu.memory_space<vmem>> -> memref<128x128xf32, #tpu.memory_space<vmem>>
      tpu.wait_dma2 semaphore(%run_scoped3A : memref<!tpu.dma_semaphore, #tpu.memory_space<semaphore_mem>>) src(%dma_wait3A_118 : memref<128x128xf32, #tpu.memory_space<vmem>>) dst(%dma_wait3A_115 : memref<128x128xf32, #tpu.memory_space<vmem_shared>>)
      tpu.yield
    }) : () -> ()
    %mul3A_15 = arith.constant 632 : i32
    %mul3A_16 = arith.muli %arg1, %mul3A_15 : i32
    %add3A_17 = arith.constant 384 : i32
    %add3A_18 = arith.addi %mul3A_16, %add3A_17 : i32
    "tpu.region"() ({
      %run_scoped3A = tpu.sem_alloc : memref<!tpu.dma_semaphore, #tpu.memory_space<semaphore_mem>>
      %dma_start3A = arith.constant 0 : i32
      %dma_start3A_101 = arith.constant 0 : i32
      %dma_start3A_102 = tpu.memref_slice %arg10[%dma_start3A, %dma_start3A_101] : memref<128x128xf32, #tpu.memory_space<vmem>> -> memref<128x128xf32, #tpu.memory_space<vmem>>
      %dma_start3A_103 = arith.constant 0 : i32
      %dma_start3A_104 = tpu.memref_slice %arg12[%add3A_18, %dma_start3A_103] : memref<10112x128xf32, #tpu.memory_space<vmem_shared>> -> memref<128x128xf32, #tpu.memory_space<vmem_shared>>
      %dma_start3A_105 = arith.constant 0 : i32
      %dma_start3A_106 = tpu.memref_slice %arg12[%add3A_18, %dma_start3A_105] : memref<10112x128xf32, #tpu.memory_space<vmem_shared>> -> memref<128x128xf32, #tpu.memory_space<vmem_shared>>
      %dma_start3A_107 = arith.constant 0 : i32
      %dma_start3A_108 = arith.constant 0 : i32
      %dma_start3A_109 = tpu.memref_slice %arg10[%dma_start3A_107, %dma_start3A_108] : memref<128x128xf32, #tpu.memory_space<vmem>> -> memref<128x128xf32, #tpu.memory_space<vmem>>
      tpu.enqueue_dma source(%dma_start3A_109 : memref<128x128xf32, #tpu.memory_space<vmem>>) target(%dma_start3A_106 : memref<128x128xf32, #tpu.memory_space<vmem_shared>>) target_semaphore(%run_scoped3A : memref<!tpu.dma_semaphore, #tpu.memory_space<semaphore_mem>>)
      %dma_wait3A = arith.constant 0 : i32
      %dma_wait3A_110 = arith.constant 0 : i32
      %dma_wait3A_111 = tpu.memref_slice %arg10[%dma_wait3A, %dma_wait3A_110] : memref<128x128xf32, #tpu.memory_space<vmem>> -> memref<128x128xf32, #tpu.memory_space<vmem>>
      %dma_wait3A_112 = arith.constant 0 : i32
      %dma_wait3A_113 = tpu.memref_slice %arg12[%add3A_18, %dma_wait3A_112] : memref<10112x128xf32, #tpu.memory_space<vmem_shared>> -> memref<128x128xf32, #tpu.memory_space<vmem_shared>>
      %dma_wait3A_114 = arith.constant 0 : i32
      %dma_wait3A_115 = tpu.memref_slice %arg12[%add3A_18, %dma_wait3A_114] : memref<10112x128xf32, #tpu.memory_space<vmem_shared>> -> memref<128x128xf32, #tpu.memory_space<vmem_shared>>
      %dma_wait3A_116 = arith.constant 0 : i32
      %dma_wait3A_117 = arith.constant 0 : i32
      %dma_wait3A_118 = tpu.memref_slice %arg10[%dma_wait3A_116, %dma_wait3A_117] : memref<128x128xf32, #tpu.memory_space<vmem>> -> memref<128x128xf32, #tpu.memory_space<vmem>>
      tpu.wait_dma2 semaphore(%run_scoped3A : memref<!tpu.dma_semaphore, #tpu.memory_space<semaphore_mem>>) src(%dma_wait3A_118 : memref<128x128xf32, #tpu.memory_space<vmem>>) dst(%dma_wait3A_115 : memref<128x128xf32, #tpu.memory_space<vmem_shared>>)
      tpu.yield
    }) : () -> ()
    %mul3A_19 = arith.constant 632 : i32
    %mul3A_20 = arith.muli %arg1, %mul3A_19 : i32
    %add3A_21 = arith.constant 512 : i32
    %add3A_22 = arith.addi %mul3A_20, %add3A_21 : i32
    "tpu.region"() ({
      %run_scoped3A = tpu.sem_alloc : memref<!tpu.dma_semaphore, #tpu.memory_space<semaphore_mem>>
      %dma_start3A = arith.constant 0 : i32
      %dma_start3A_101 = arith.constant 0 : i32
      %dma_start3A_102 = tpu.memref_slice %arg10[%dma_start3A, %dma_start3A_101] : memref<128x128xf32, #tpu.memory_space<vmem>> -> memref<120x128xf32, #tpu.memory_space<vmem>>
      %dma_start3A_103 = arith.constant 0 : i32
      %dma_start3A_104 = tpu.memref_slice %arg12[%add3A_22, %dma_start3A_103] : memref<10112x128xf32, #tpu.memory_space<vmem_shared>> -> memref<120x128xf32, #tpu.memory_space<vmem_shared>>
      %dma_start3A_105 = arith.constant 0 : i32
      %dma_start3A_106 = tpu.memref_slice %arg12[%add3A_22, %dma_start3A_105] : memref<10112x128xf32, #tpu.memory_space<vmem_shared>> -> memref<120x128xf32, #tpu.memory_space<vmem_shared>>
      %dma_start3A_107 = arith.constant 0 : i32
      %dma_start3A_108 = arith.constant 0 : i32
      %dma_start3A_109 = tpu.memref_slice %arg10[%dma_start3A_107, %dma_start3A_108] : memref<128x128xf32, #tpu.memory_space<vmem>> -> memref<120x128xf32, #tpu.memory_space<vmem>>
      tpu.enqueue_dma source(%dma_start3A_109 : memref<120x128xf32, #tpu.memory_space<vmem>>) target(%dma_start3A_106 : memref<120x128xf32, #tpu.memory_space<vmem_shared>>) target_semaphore(%run_scoped3A : memref<!tpu.dma_semaphore, #tpu.memory_space<semaphore_mem>>)
      %dma_wait3A = arith.constant 0 : i32
      %dma_wait3A_110 = arith.constant 0 : i32
      %dma_wait3A_111 = tpu.memref_slice %arg10[%dma_wait3A, %dma_wait3A_110] : memref<128x128xf32, #tpu.memory_space<vmem>> -> memref<120x128xf32, #tpu.memory_space<vmem>>
      %dma_wait3A_112 = arith.constant 0 : i32
      %dma_wait3A_113 = tpu.memref_slice %arg12[%add3A_22, %dma_wait3A_112] : memref<10112x128xf32, #tpu.memory_space<vmem_shared>> -> memref<120x128xf32, #tpu.memory_space<vmem_shared>>
      %dma_wait3A_114 = arith.constant 0 : i32
      %dma_wait3A_115 = tpu.memref_slice %arg12[%add3A_22, %dma_wait3A_114] : memref<10112x128xf32, #tpu.memory_space<vmem_shared>> -> memref<120x128xf32, #tpu.memory_space<vmem_shared>>
      %dma_wait3A_116 = arith.constant 0 : i32
      %dma_wait3A_117 = arith.constant 0 : i32
      %dma_wait3A_118 = tpu.memref_slice %arg10[%dma_wait3A_116, %dma_wait3A_117] : memref<128x128xf32, #tpu.memory_space<vmem>> -> memref<120x128xf32, #tpu.memory_space<vmem>>
      tpu.wait_dma2 semaphore(%run_scoped3A : memref<!tpu.dma_semaphore, #tpu.memory_space<semaphore_mem>>) src(%dma_wait3A_118 : memref<120x128xf32, #tpu.memory_space<vmem>>) dst(%dma_wait3A_115 : memref<120x128xf32, #tpu.memory_space<vmem_shared>>)
      tpu.yield
    }) : () -> ()
    %barrier3A = arith.constant 0 : index
    tpu.barrier barrier_id(%barrier3A)
    %eq3A = arith.constant 0 : i32
    %eq3A_23 = arith.cmpi eq, %arg0, %eq3A : i32
    %convert_element_type3A = arith.extui %eq3A_23 : i1 to i32
    %cond3A = arith.constant 0 : i32
    %cond3A_24 = arith.cmpi ne, %convert_element_type3A, %cond3A : i32
    scf.if %cond3A_24 {
      %mul3A_101 = arith.constant 120 : i32
      %mul3A_102 = arith.muli %arg1, %mul3A_101 : i32
      "tpu.region"() ({
        %run_scoped3A = tpu.sem_alloc : memref<!tpu.dma_semaphore, #tpu.memory_space<semaphore_mem>>
        %dma_start3A = arith.constant 0 : i32
        %dma_start3A_109 = arith.constant 0 : i32
        %dma_start3A_110 = tpu.memref_slice %arg8[%dma_start3A, %dma_start3A_109] : memref<120x128xi32, #tpu.memory_space<vmem>> -> memref<120x128xi32, #tpu.memory_space<vmem>>
        %dma_start3A_111 = arith.constant 0 : i32
        %dma_start3A_112 = tpu.memref_slice %arg4[%mul3A_102, %dma_start3A_111] : memref<2560x128xi32, #tpu.memory_space<hbm>> -> memref<120x128xi32, #tpu.memory_space<hbm>>
        %dma_start3A_113 = arith.constant 0 : i32
        %dma_start3A_114 = arith.constant 0 : i32
        %dma_start3A_115 = tpu.memref_slice %arg8[%dma_start3A_113, %dma_start3A_114] : memref<120x128xi32, #tpu.memory_space<vmem>> -> memref<120x128xi32, #tpu.memory_space<vmem>>
        %dma_start3A_116 = arith.constant 0 : i32
        %dma_start3A_117 = tpu.memref_slice %arg4[%mul3A_102, %dma_start3A_116] : memref<2560x128xi32, #tpu.memory_space<hbm>> -> memref<120x128xi32, #tpu.memory_space<hbm>>
        tpu.enqueue_dma source(%dma_start3A_117 : memref<120x128xi32, #tpu.memory_space<hbm>>) target(%dma_start3A_115 : memref<120x128xi32, #tpu.memory_space<vmem>>) target_semaphore(%run_scoped3A : memref<!tpu.dma_semaphore, #tpu.memory_space<semaphore_mem>>)
        %dma_wait3A = arith.constant 0 : i32
        %dma_wait3A_118 = arith.constant 0 : i32
        %dma_wait3A_119 = tpu.memref_slice %arg8[%dma_wait3A, %dma_wait3A_118] : memref<120x128xi32, #tpu.memory_space<vmem>> -> memref<120x128xi32, #tpu.memory_space<vmem>>
        %dma_wait3A_120 = arith.constant 0 : i32
        %dma_wait3A_121 = tpu.memref_slice %arg4[%mul3A_102, %dma_wait3A_120] : memref<2560x128xi32, #tpu.memory_space<hbm>> -> memref<120x128xi32, #tpu.memory_space<hbm>>
        %dma_wait3A_122 = arith.constant 0 : i32
        %dma_wait3A_123 = arith.constant 0 : i32
        %dma_wait3A_124 = tpu.memref_slice %arg8[%dma_wait3A_122, %dma_wait3A_123] : memref<120x128xi32, #tpu.memory_space<vmem>> -> memref<120x128xi32, #tpu.memory_space<vmem>>
        %dma_wait3A_125 = arith.constant 0 : i32
        %dma_wait3A_126 = tpu.memref_slice %arg4[%mul3A_102, %dma_wait3A_125] : memref<2560x128xi32, #tpu.memory_space<hbm>> -> memref<120x128xi32, #tpu.memory_space<hbm>>
        tpu.wait_dma2 semaphore(%run_scoped3A : memref<!tpu.dma_semaphore, #tpu.memory_space<semaphore_mem>>) src(%dma_wait3A_126 : memref<120x128xi32, #tpu.memory_space<hbm>>) dst(%dma_wait3A_124 : memref<120x128xi32, #tpu.memory_space<vmem>>)
        tpu.yield
      }) : () -> ()
      %scan3A_103 = arith.constant 0 : i32
      %scan3A_104 = arith.constant 0 : i32
      %scan3A_105 = arith.constant 60 : i32
      %scan3A_106 = arith.addi %scan3A_104, %scan3A_105 : i32
      %scan3A_107 = arith.constant 1 : i32
      scf.for %scan3A_109 = %scan3A_104 to %scan3A_106 step %scan3A_107  : i32 {
        %mul3A_110 = arith.constant 2 : i32
        %mul3A_111 = arith.muli %mul3A_110, %scan3A_109 : i32
        %dma_start3A = arith.constant 0 : i32
        %dma_start3A_112 = tpu.memref_slice %arg8[%mul3A_111, %dma_start3A] : memref<120x128xi32, #tpu.memory_space<vmem>> -> memref<1x128xi32, #tpu.memory_space<vmem>>
        %dma_start3A_113 = tpu.memref_squeeze %dma_start3A_112 : memref<1x128xi32, #tpu.memory_space<vmem>> -> memref<128xi32, #tpu.memory_space<vmem>>
        %dma_start3A_114 = arith.constant 0 : i32
        %dma_start3A_115 = arith.constant 0 : i32
        %dma_start3A_116 = tpu.memref_slice %arg2[%dma_start3A_114, %dma_start3A_115] : memref<10000x128xf32, #tpu.memory_space<hbm>> -> memref<10000x128xf32, #tpu.memory_space<hbm>>
        tpu.enqueue_indirect_dma source(%dma_start3A_116 : memref<10000x128xf32, #tpu.memory_space<hbm>>) target(%arg10 : memref<128x128xf32, #tpu.memory_space<vmem>>) offsets(%dma_start3A_113 : memref<128xi32, #tpu.memory_space<vmem>>) semaphore(%arg13 : memref<!tpu.dma_semaphore, #tpu.memory_space<semaphore_mem>>)
        %add3A_117 = arith.constant 1 : i32
        %add3A_118 = arith.addi %mul3A_111, %add3A_117 : i32
        %dma_start3A_119 = arith.constant 0 : i32
        %dma_start3A_120 = tpu.memref_slice %arg8[%add3A_118, %dma_start3A_119] : memref<120x128xi32, #tpu.memory_space<vmem>> -> memref<1x128xi32, #tpu.memory_space<vmem>>
        %dma_start3A_121 = tpu.memref_squeeze %dma_start3A_120 : memref<1x128xi32, #tpu.memory_space<vmem>> -> memref<128xi32, #tpu.memory_space<vmem>>
        %dma_start3A_122 = arith.constant 0 : i32
        %dma_start3A_123 = arith.constant 0 : i32
        %dma_start3A_124 = tpu.memref_slice %arg2[%dma_start3A_122, %dma_start3A_123] : memref<10000x128xf32, #tpu.memory_space<hbm>> -> memref<10000x128xf32, #tpu.memory_space<hbm>>
        tpu.enqueue_indirect_dma source(%dma_start3A_124 : memref<10000x128xf32, #tpu.memory_space<hbm>>) target(%arg11 : memref<128x128xf32, #tpu.memory_space<vmem>>) offsets(%dma_start3A_121 : memref<128xi32, #tpu.memory_space<vmem>>) semaphore(%arg14 : memref<!tpu.dma_semaphore, #tpu.memory_space<semaphore_mem>>)
        %add3A_125 = arith.addi %mul3A_102, %mul3A_111 : i32
        "tpu.region"() ({
          %run_scoped3A_138 = tpu.sem_alloc : memref<!tpu.dma_semaphore, #tpu.memory_space<semaphore_mem>>
          %dma_start3A_139 = arith.constant 0 : i32
          %dma_start3A_140 = tpu.memref_slice %arg5[%add3A_125, %dma_start3A_139] : memref<2560x128xi32, #tpu.memory_space<hbm>> -> memref<2x128xi32, #tpu.memory_space<hbm>>
          %dma_start3A_141 = arith.constant 0 : i32
          %dma_start3A_142 = tpu.memref_slice %arg5[%add3A_125, %dma_start3A_141] : memref<2560x128xi32, #tpu.memory_space<hbm>> -> memref<2x128xi32, #tpu.memory_space<hbm>>
          tpu.enqueue_dma source(%dma_start3A_142 : memref<2x128xi32, #tpu.memory_space<hbm>>) target(%arg9 : memref<2x128xi32, #tpu.memory_space<vmem>>) target_semaphore(%run_scoped3A_138 : memref<!tpu.dma_semaphore, #tpu.memory_space<semaphore_mem>>)
          %dma_wait3A_143 = arith.constant 0 : i32
          %dma_wait3A_144 = tpu.memref_slice %arg5[%add3A_125, %dma_wait3A_143] : memref<2560x128xi32, #tpu.memory_space<hbm>> -> memref<2x128xi32, #tpu.memory_space<hbm>>
          %dma_wait3A_145 = arith.constant 0 : i32
          %dma_wait3A_146 = tpu.memref_slice %arg5[%add3A_125, %dma_wait3A_145] : memref<2560x128xi32, #tpu.memory_space<hbm>> -> memref<2x128xi32, #tpu.memory_space<hbm>>
          tpu.wait_dma2 semaphore(%run_scoped3A_138 : memref<!tpu.dma_semaphore, #tpu.memory_space<semaphore_mem>>) src(%dma_wait3A_146 : memref<2x128xi32, #tpu.memory_space<hbm>>) dst(%arg9 : memref<2x128xi32, #tpu.memory_space<vmem>>)
          tpu.yield
        }) : () -> ()
        %dma_wait3A = arith.constant 0 : i32
        %dma_wait3A_126 = tpu.memref_slice %arg8[%mul3A_111, %dma_wait3A] : memref<120x128xi32, #tpu.memory_space<vmem>> -> memref<1x128xi32, #tpu.memory_space<vmem>>
        %dma_wait3A_127 = tpu.memref_squeeze %dma_wait3A_126 : memref<1x128xi32, #tpu.memory_space<vmem>> -> memref<128xi32, #tpu.memory_space<vmem>>
        %dma_wait3A_128 = arith.constant 0 : i32
        %dma_wait3A_129 = arith.constant 0 : i32
        %dma_wait3A_130 = tpu.memref_slice %arg2[%dma_wait3A_128, %dma_wait3A_129] : memref<10000x128xf32, #tpu.memory_space<hbm>> -> memref<10000x128xf32, #tpu.memory_space<hbm>>
        tpu.wait_indirect_dma semaphore(%arg13 : memref<!tpu.dma_semaphore, #tpu.memory_space<semaphore_mem>>) src(%dma_wait3A_130 : memref<10000x128xf32, #tpu.memory_space<hbm>>) dst(%arg10 : memref<128x128xf32, #tpu.memory_space<vmem>>)
        %run_scoped3A = arith.constant 0 : i32
        "tpu.region"() ({
          %run_scoped3A_138 = tpu.sem_alloc : memref<!tpu.dma_semaphore, #tpu.memory_space<semaphore_mem>>
          %dma_start3A_139 = arith.constant 0 : i32
          %dma_start3A_140 = tpu.memref_slice %arg9[%run_scoped3A, %dma_start3A_139] : memref<2x128xi32, #tpu.memory_space<vmem>> -> memref<1x128xi32, #tpu.memory_space<vmem>>
          %dma_start3A_141 = tpu.memref_squeeze %dma_start3A_140 : memref<1x128xi32, #tpu.memory_space<vmem>> -> memref<128xi32, #tpu.memory_space<vmem>>
          %dma_start3A_142 = arith.constant 0 : i32
          %dma_start3A_143 = arith.constant 0 : i32
          %dma_start3A_144 = tpu.memref_slice %arg12[%dma_start3A_142, %dma_start3A_143] : memref<10112x128xf32, #tpu.memory_space<vmem_shared>> -> memref<10112x128xf32, #tpu.memory_space<vmem_shared>>
          tpu.enqueue_indirect_dma source(%arg10 : memref<128x128xf32, #tpu.memory_space<vmem>>) target(%dma_start3A_144 : memref<10112x128xf32, #tpu.memory_space<vmem_shared>>) offsets(%dma_start3A_141 : memref<128xi32, #tpu.memory_space<vmem>>) semaphore(%run_scoped3A_138 : memref<!tpu.dma_semaphore, #tpu.memory_space<semaphore_mem>>) {add = true}
          %dma_wait3A_145 = arith.constant 0 : i32
          %dma_wait3A_146 = tpu.memref_slice %arg9[%run_scoped3A, %dma_wait3A_145] : memref<2x128xi32, #tpu.memory_space<vmem>> -> memref<1x128xi32, #tpu.memory_space<vmem>>
          %dma_wait3A_147 = tpu.memref_squeeze %dma_wait3A_146 : memref<1x128xi32, #tpu.memory_space<vmem>> -> memref<128xi32, #tpu.memory_space<vmem>>
          %dma_wait3A_148 = arith.constant 0 : i32
          %dma_wait3A_149 = arith.constant 0 : i32
          %dma_wait3A_150 = tpu.memref_slice %arg12[%dma_wait3A_148, %dma_wait3A_149] : memref<10112x128xf32, #tpu.memory_space<vmem_shared>> -> memref<10112x128xf32, #tpu.memory_space<vmem_shared>>
          tpu.wait_indirect_dma semaphore(%run_scoped3A_138 : memref<!tpu.dma_semaphore, #tpu.memory_space<semaphore_mem>>) src(%arg10 : memref<128x128xf32, #tpu.memory_space<vmem>>) dst(%dma_wait3A_150 : memref<10112x128xf32, #tpu.memory_space<vmem_shared>>)
          tpu.yield
        }) : () -> ()
        %dma_wait3A_131 = arith.constant 0 : i32
        %dma_wait3A_132 = tpu.memref_slice %arg8[%add3A_118, %dma_wait3A_131] : memref<120x128xi32, #tpu.memory_space<vmem>> -> memref<1x128xi32, #tpu.memory_space<vmem>>
        %dma_wait3A_133 = tpu.memref_squeeze %dma_wait3A_132 : memref<1x128xi32, #tpu.memory_space<vmem>> -> memref<128xi32, #tpu.memory_space<vmem>>
        %dma_wait3A_134 = arith.constant 0 : i32
        %dma_wait3A_135 = arith.constant 0 : i32
        %dma_wait3A_136 = tpu.memref_slice %arg2[%dma_wait3A_134, %dma_wait3A_135] : memref<10000x128xf32, #tpu.memory_space<hbm>> -> memref<10000x128xf32, #tpu.memory_space<hbm>>
        tpu.wait_indirect_dma semaphore(%arg14 : memref<!tpu.dma_semaphore, #tpu.memory_space<semaphore_mem>>) src(%dma_wait3A_136 : memref<10000x128xf32, #tpu.memory_space<hbm>>) dst(%arg11 : memref<128x128xf32, #tpu.memory_space<vmem>>)
        %run_scoped3A_137 = arith.constant 1 : i32
        "tpu.region"() ({
          %run_scoped3A_138 = tpu.sem_alloc : memref<!tpu.dma_semaphore, #tpu.memory_space<semaphore_mem>>
          %dma_start3A_139 = arith.constant 0 : i32
          %dma_start3A_140 = tpu.memref_slice %arg9[%run_scoped3A_137, %dma_start3A_139] : memref<2x128xi32, #tpu.memory_space<vmem>> -> memref<1x128xi32, #tpu.memory_space<vmem>>
          %dma_start3A_141 = tpu.memref_squeeze %dma_start3A_140 : memref<1x128xi32, #tpu.memory_space<vmem>> -> memref<128xi32, #tpu.memory_space<vmem>>
          %dma_start3A_142 = arith.constant 0 : i32
          %dma_start3A_143 = arith.constant 0 : i32
          %dma_start3A_144 = tpu.memref_slice %arg12[%dma_start3A_142, %dma_start3A_143] : memref<10112x128xf32, #tpu.memory_space<vmem_shared>> -> memref<10112x128xf32, #tpu.memory_space<vmem_shared>>
          tpu.enqueue_indirect_dma source(%arg11 : memref<128x128xf32, #tpu.memory_space<vmem>>) target(%dma_start3A_144 : memref<10112x128xf32, #tpu.memory_space<vmem_shared>>) offsets(%dma_start3A_141 : memref<128xi32, #tpu.memory_space<vmem>>) semaphore(%run_scoped3A_138 : memref<!tpu.dma_semaphore, #tpu.memory_space<semaphore_mem>>) {add = true}
          %dma_wait3A_145 = arith.constant 0 : i32
          %dma_wait3A_146 = tpu.memref_slice %arg9[%run_scoped3A_137, %dma_wait3A_145] : memref<2x128xi32, #tpu.memory_space<vmem>> -> memref<1x128xi32, #tpu.memory_space<vmem>>
          %dma_wait3A_147 = tpu.memref_squeeze %dma_wait3A_146 : memref<1x128xi32, #tpu.memory_space<vmem>> -> memref<128xi32, #tpu.memory_space<vmem>>
          %dma_wait3A_148 = arith.constant 0 : i32
          %dma_wait3A_149 = arith.constant 0 : i32
          %dma_wait3A_150 = tpu.memref_slice %arg12[%dma_wait3A_148, %dma_wait3A_149] : memref<10112x128xf32, #tpu.memory_space<vmem_shared>> -> memref<10112x128xf32, #tpu.memory_space<vmem_shared>>
          tpu.wait_indirect_dma semaphore(%run_scoped3A_138 : memref<!tpu.dma_semaphore, #tpu.memory_space<semaphore_mem>>) src(%arg11 : memref<128x128xf32, #tpu.memory_space<vmem>>) dst(%dma_wait3A_150 : memref<10112x128xf32, #tpu.memory_space<vmem_shared>>)
          tpu.yield
        }) : () -> ()
      }
      %scan3A_108 = arith.constant 60 : i32
    } else {
    }
    %eq3A_25 = arith.constant 1 : i32
    %eq3A_26 = arith.cmpi eq, %arg0, %eq3A_25 : i32
    %convert_element_type3A_27 = arith.extui %eq3A_26 : i1 to i32
    %cond3A_28 = arith.constant 0 : i32
    %cond3A_29 = arith.cmpi ne, %convert_element_type3A_27, %cond3A_28 : i32
    scf.if %cond3A_29 {
      %mul3A_101 = arith.constant 40 : i32
      %mul3A_102 = arith.muli %arg1, %mul3A_101 : i32
      %add3A_103 = arith.constant 1920 : i32
      %add3A_104 = arith.addi %add3A_103, %mul3A_102 : i32
      "tpu.region"() ({
        %run_scoped3A = tpu.sem_alloc : memref<!tpu.dma_semaphore, #tpu.memory_space<semaphore_mem>>
        %dma_start3A = arith.constant 0 : i32
        %dma_start3A_111 = arith.constant 0 : i32
        %dma_start3A_112 = tpu.memref_slice %arg8[%dma_start3A, %dma_start3A_111] : memref<120x128xi32, #tpu.memory_space<vmem>> -> memref<40x128xi32, #tpu.memory_space<vmem>>
        %dma_start3A_113 = arith.constant 0 : i32
        %dma_start3A_114 = tpu.memref_slice %arg4[%add3A_104, %dma_start3A_113] : memref<2560x128xi32, #tpu.memory_space<hbm>> -> memref<40x128xi32, #tpu.memory_space<hbm>>
        %dma_start3A_115 = arith.constant 0 : i32
        %dma_start3A_116 = arith.constant 0 : i32
        %dma_start3A_117 = tpu.memref_slice %arg8[%dma_start3A_115, %dma_start3A_116] : memref<120x128xi32, #tpu.memory_space<vmem>> -> memref<40x128xi32, #tpu.memory_space<vmem>>
        %dma_start3A_118 = arith.constant 0 : i32
        %dma_start3A_119 = tpu.memref_slice %arg4[%add3A_104, %dma_start3A_118] : memref<2560x128xi32, #tpu.memory_space<hbm>> -> memref<40x128xi32, #tpu.memory_space<hbm>>
        tpu.enqueue_dma source(%dma_start3A_119 : memref<40x128xi32, #tpu.memory_space<hbm>>) target(%dma_start3A_117 : memref<40x128xi32, #tpu.memory_space<vmem>>) target_semaphore(%run_scoped3A : memref<!tpu.dma_semaphore, #tpu.memory_space<semaphore_mem>>)
        %dma_wait3A = arith.constant 0 : i32
        %dma_wait3A_120 = arith.constant 0 : i32
        %dma_wait3A_121 = tpu.memref_slice %arg8[%dma_wait3A, %dma_wait3A_120] : memref<120x128xi32, #tpu.memory_space<vmem>> -> memref<40x128xi32, #tpu.memory_space<vmem>>
        %dma_wait3A_122 = arith.constant 0 : i32
        %dma_wait3A_123 = tpu.memref_slice %arg4[%add3A_104, %dma_wait3A_122] : memref<2560x128xi32, #tpu.memory_space<hbm>> -> memref<40x128xi32, #tpu.memory_space<hbm>>
        %dma_wait3A_124 = arith.constant 0 : i32
        %dma_wait3A_125 = arith.constant 0 : i32
        %dma_wait3A_126 = tpu.memref_slice %arg8[%dma_wait3A_124, %dma_wait3A_125] : memref<120x128xi32, #tpu.memory_space<vmem>> -> memref<40x128xi32, #tpu.memory_space<vmem>>
        %dma_wait3A_127 = arith.constant 0 : i32
        %dma_wait3A_128 = tpu.memref_slice %arg4[%add3A_104, %dma_wait3A_127] : memref<2560x128xi32, #tpu.memory_space<hbm>> -> memref<40x128xi32, #tpu.memory_space<hbm>>
        tpu.wait_dma2 semaphore(%run_scoped3A : memref<!tpu.dma_semaphore, #tpu.memory_space<semaphore_mem>>) src(%dma_wait3A_128 : memref<40x128xi32, #tpu.memory_space<hbm>>) dst(%dma_wait3A_126 : memref<40x128xi32, #tpu.memory_space<vmem>>)
        tpu.yield
      }) : () -> ()
      %scan3A_105 = arith.constant 0 : i32
      %scan3A_106 = arith.constant 0 : i32
      %scan3A_107 = arith.constant 20 : i32
      %scan3A_108 = arith.addi %scan3A_106, %scan3A_107 : i32
      %scan3A_109 = arith.constant 1 : i32
      scf.for %scan3A_111 = %scan3A_106 to %scan3A_108 step %scan3A_109  : i32 {
        %mul3A_112 = arith.constant 2 : i32
        %mul3A_113 = arith.muli %mul3A_112, %scan3A_111 : i32
        %dma_start3A = arith.constant 0 : i32
        %dma_start3A_114 = tpu.memref_slice %arg8[%mul3A_113, %dma_start3A] : memref<120x128xi32, #tpu.memory_space<vmem>> -> memref<1x128xi32, #tpu.memory_space<vmem>>
        %dma_start3A_115 = tpu.memref_squeeze %dma_start3A_114 : memref<1x128xi32, #tpu.memory_space<vmem>> -> memref<128xi32, #tpu.memory_space<vmem>>
        %dma_start3A_116 = arith.constant 0 : i32
        %dma_start3A_117 = arith.constant 0 : i32
        %dma_start3A_118 = tpu.memref_slice %arg3[%dma_start3A_116, %dma_start3A_117] : memref<10000x128xf32, #tpu.memory_space<hbm>> -> memref<10000x128xf32, #tpu.memory_space<hbm>>
        tpu.enqueue_indirect_dma source(%dma_start3A_118 : memref<10000x128xf32, #tpu.memory_space<hbm>>) target(%arg10 : memref<128x128xf32, #tpu.memory_space<vmem>>) offsets(%dma_start3A_115 : memref<128xi32, #tpu.memory_space<vmem>>) semaphore(%arg13 : memref<!tpu.dma_semaphore, #tpu.memory_space<semaphore_mem>>)
        %add3A_119 = arith.constant 1 : i32
        %add3A_120 = arith.addi %mul3A_113, %add3A_119 : i32
        %dma_start3A_121 = arith.constant 0 : i32
        %dma_start3A_122 = tpu.memref_slice %arg8[%add3A_120, %dma_start3A_121] : memref<120x128xi32, #tpu.memory_space<vmem>> -> memref<1x128xi32, #tpu.memory_space<vmem>>
        %dma_start3A_123 = tpu.memref_squeeze %dma_start3A_122 : memref<1x128xi32, #tpu.memory_space<vmem>> -> memref<128xi32, #tpu.memory_space<vmem>>
        %dma_start3A_124 = arith.constant 0 : i32
        %dma_start3A_125 = arith.constant 0 : i32
        %dma_start3A_126 = tpu.memref_slice %arg3[%dma_start3A_124, %dma_start3A_125] : memref<10000x128xf32, #tpu.memory_space<hbm>> -> memref<10000x128xf32, #tpu.memory_space<hbm>>
        tpu.enqueue_indirect_dma source(%dma_start3A_126 : memref<10000x128xf32, #tpu.memory_space<hbm>>) target(%arg11 : memref<128x128xf32, #tpu.memory_space<vmem>>) offsets(%dma_start3A_123 : memref<128xi32, #tpu.memory_space<vmem>>) semaphore(%arg14 : memref<!tpu.dma_semaphore, #tpu.memory_space<semaphore_mem>>)
        %add3A_127 = arith.addi %add3A_104, %mul3A_113 : i32
        "tpu.region"() ({
          %run_scoped3A_140 = tpu.sem_alloc : memref<!tpu.dma_semaphore, #tpu.memory_space<semaphore_mem>>
          %dma_start3A_141 = arith.constant 0 : i32
          %dma_start3A_142 = tpu.memref_slice %arg5[%add3A_127, %dma_start3A_141] : memref<2560x128xi32, #tpu.memory_space<hbm>> -> memref<2x128xi32, #tpu.memory_space<hbm>>
          %dma_start3A_143 = arith.constant 0 : i32
          %dma_start3A_144 = tpu.memref_slice %arg5[%add3A_127, %dma_start3A_143] : memref<2560x128xi32, #tpu.memory_space<hbm>> -> memref<2x128xi32, #tpu.memory_space<hbm>>
          tpu.enqueue_dma source(%dma_start3A_144 : memref<2x128xi32, #tpu.memory_space<hbm>>) target(%arg9 : memref<2x128xi32, #tpu.memory_space<vmem>>) target_semaphore(%run_scoped3A_140 : memref<!tpu.dma_semaphore, #tpu.memory_space<semaphore_mem>>)
          %dma_wait3A_145 = arith.constant 0 : i32
          %dma_wait3A_146 = tpu.memref_slice %arg5[%add3A_127, %dma_wait3A_145] : memref<2560x128xi32, #tpu.memory_space<hbm>> -> memref<2x128xi32, #tpu.memory_space<hbm>>
          %dma_wait3A_147 = arith.constant 0 : i32
          %dma_wait3A_148 = tpu.memref_slice %arg5[%add3A_127, %dma_wait3A_147] : memref<2560x128xi32, #tpu.memory_space<hbm>> -> memref<2x128xi32, #tpu.memory_space<hbm>>
          tpu.wait_dma2 semaphore(%run_scoped3A_140 : memref<!tpu.dma_semaphore, #tpu.memory_space<semaphore_mem>>) src(%dma_wait3A_148 : memref<2x128xi32, #tpu.memory_space<hbm>>) dst(%arg9 : memref<2x128xi32, #tpu.memory_space<vmem>>)
          tpu.yield
        }) : () -> ()
        %dma_wait3A = arith.constant 0 : i32
        %dma_wait3A_128 = tpu.memref_slice %arg8[%mul3A_113, %dma_wait3A] : memref<120x128xi32, #tpu.memory_space<vmem>> -> memref<1x128xi32, #tpu.memory_space<vmem>>
        %dma_wait3A_129 = tpu.memref_squeeze %dma_wait3A_128 : memref<1x128xi32, #tpu.memory_space<vmem>> -> memref<128xi32, #tpu.memory_space<vmem>>
        %dma_wait3A_130 = arith.constant 0 : i32
        %dma_wait3A_131 = arith.constant 0 : i32
        %dma_wait3A_132 = tpu.memref_slice %arg3[%dma_wait3A_130, %dma_wait3A_131] : memref<10000x128xf32, #tpu.memory_space<hbm>> -> memref<10000x128xf32, #tpu.memory_space<hbm>>
        tpu.wait_indirect_dma semaphore(%arg13 : memref<!tpu.dma_semaphore, #tpu.memory_space<semaphore_mem>>) src(%dma_wait3A_132 : memref<10000x128xf32, #tpu.memory_space<hbm>>) dst(%arg10 : memref<128x128xf32, #tpu.memory_space<vmem>>)
        %run_scoped3A = arith.constant 0 : i32
        "tpu.region"() ({
          %run_scoped3A_140 = tpu.sem_alloc : memref<!tpu.dma_semaphore, #tpu.memory_space<semaphore_mem>>
          %dma_start3A_141 = arith.constant 0 : i32
          %dma_start3A_142 = tpu.memref_slice %arg9[%run_scoped3A, %dma_start3A_141] : memref<2x128xi32, #tpu.memory_space<vmem>> -> memref<1x128xi32, #tpu.memory_space<vmem>>
          %dma_start3A_143 = tpu.memref_squeeze %dma_start3A_142 : memref<1x128xi32, #tpu.memory_space<vmem>> -> memref<128xi32, #tpu.memory_space<vmem>>
          %dma_start3A_144 = arith.constant 0 : i32
          %dma_start3A_145 = arith.constant 0 : i32
          %dma_start3A_146 = tpu.memref_slice %arg12[%dma_start3A_144, %dma_start3A_145] : memref<10112x128xf32, #tpu.memory_space<vmem_shared>> -> memref<10112x128xf32, #tpu.memory_space<vmem_shared>>
          tpu.enqueue_indirect_dma source(%arg10 : memref<128x128xf32, #tpu.memory_space<vmem>>) target(%dma_start3A_146 : memref<10112x128xf32, #tpu.memory_space<vmem_shared>>) offsets(%dma_start3A_143 : memref<128xi32, #tpu.memory_space<vmem>>) semaphore(%run_scoped3A_140 : memref<!tpu.dma_semaphore, #tpu.memory_space<semaphore_mem>>) {add = true}
          %dma_wait3A_147 = arith.constant 0 : i32
          %dma_wait3A_148 = tpu.memref_slice %arg9[%run_scoped3A, %dma_wait3A_147] : memref<2x128xi32, #tpu.memory_space<vmem>> -> memref<1x128xi32, #tpu.memory_space<vmem>>
          %dma_wait3A_149 = tpu.memref_squeeze %dma_wait3A_148 : memref<1x128xi32, #tpu.memory_space<vmem>> -> memref<128xi32, #tpu.memory_space<vmem>>
          %dma_wait3A_150 = arith.constant 0 : i32
          %dma_wait3A_151 = arith.constant 0 : i32
          %dma_wait3A_152 = tpu.memref_slice %arg12[%dma_wait3A_150, %dma_wait3A_151] : memref<10112x128xf32, #tpu.memory_space<vmem_shared>> -> memref<10112x128xf32, #tpu.memory_space<vmem_shared>>
          tpu.wait_indirect_dma semaphore(%run_scoped3A_140 : memref<!tpu.dma_semaphore, #tpu.memory_space<semaphore_mem>>) src(%arg10 : memref<128x128xf32, #tpu.memory_space<vmem>>) dst(%dma_wait3A_152 : memref<10112x128xf32, #tpu.memory_space<vmem_shared>>)
          tpu.yield
        }) : () -> ()
        %dma_wait3A_133 = arith.constant 0 : i32
        %dma_wait3A_134 = tpu.memref_slice %arg8[%add3A_120, %dma_wait3A_133] : memref<120x128xi32, #tpu.memory_space<vmem>> -> memref<1x128xi32, #tpu.memory_space<vmem>>
        %dma_wait3A_135 = tpu.memref_squeeze %dma_wait3A_134 : memref<1x128xi32, #tpu.memory_space<vmem>> -> memref<128xi32, #tpu.memory_space<vmem>>
        %dma_wait3A_136 = arith.constant 0 : i32
        %dma_wait3A_137 = arith.constant 0 : i32
        %dma_wait3A_138 = tpu.memref_slice %arg3[%dma_wait3A_136, %dma_wait3A_137] : memref<10000x128xf32, #tpu.memory_space<hbm>> -> memref<10000x128xf32, #tpu.memory_space<hbm>>
        tpu.wait_indirect_dma semaphore(%arg14 : memref<!tpu.dma_semaphore, #tpu.memory_space<semaphore_mem>>) src(%dma_wait3A_138 : memref<10000x128xf32, #tpu.memory_space<hbm>>) dst(%arg11 : memref<128x128xf32, #tpu.memory_space<vmem>>)
        %run_scoped3A_139 = arith.constant 1 : i32
        "tpu.region"() ({
          %run_scoped3A_140 = tpu.sem_alloc : memref<!tpu.dma_semaphore, #tpu.memory_space<semaphore_mem>>
          %dma_start3A_141 = arith.constant 0 : i32
          %dma_start3A_142 = tpu.memref_slice %arg9[%run_scoped3A_139, %dma_start3A_141] : memref<2x128xi32, #tpu.memory_space<vmem>> -> memref<1x128xi32, #tpu.memory_space<vmem>>
          %dma_start3A_143 = tpu.memref_squeeze %dma_start3A_142 : memref<1x128xi32, #tpu.memory_space<vmem>> -> memref<128xi32, #tpu.memory_space<vmem>>
          %dma_start3A_144 = arith.constant 0 : i32
          %dma_start3A_145 = arith.constant 0 : i32
          %dma_start3A_146 = tpu.memref_slice %arg12[%dma_start3A_144, %dma_start3A_145] : memref<10112x128xf32, #tpu.memory_space<vmem_shared>> -> memref<10112x128xf32, #tpu.memory_space<vmem_shared>>
          tpu.enqueue_indirect_dma source(%arg11 : memref<128x128xf32, #tpu.memory_space<vmem>>) target(%dma_start3A_146 : memref<10112x128xf32, #tpu.memory_space<vmem_shared>>) offsets(%dma_start3A_143 : memref<128xi32, #tpu.memory_space<vmem>>) semaphore(%run_scoped3A_140 : memref<!tpu.dma_semaphore, #tpu.memory_space<semaphore_mem>>) {add = true}
          %dma_wait3A_147 = arith.constant 0 : i32
          %dma_wait3A_148 = tpu.memref_slice %arg9[%run_scoped3A_139, %dma_wait3A_147] : memref<2x128xi32, #tpu.memory_space<vmem>> -> memref<1x128xi32, #tpu.memory_space<vmem>>
          %dma_wait3A_149 = tpu.memref_squeeze %dma_wait3A_148 : memref<1x128xi32, #tpu.memory_space<vmem>> -> memref<128xi32, #tpu.memory_space<vmem>>
          %dma_wait3A_150 = arith.constant 0 : i32
          %dma_wait3A_151 = arith.constant 0 : i32
          %dma_wait3A_152 = tpu.memref_slice %arg12[%dma_wait3A_150, %dma_wait3A_151] : memref<10112x128xf32, #tpu.memory_space<vmem_shared>> -> memref<10112x128xf32, #tpu.memory_space<vmem_shared>>
          tpu.wait_indirect_dma semaphore(%run_scoped3A_140 : memref<!tpu.dma_semaphore, #tpu.memory_space<semaphore_mem>>) src(%arg11 : memref<128x128xf32, #tpu.memory_space<vmem>>) dst(%dma_wait3A_152 : memref<10112x128xf32, #tpu.memory_space<vmem_shared>>)
          tpu.yield
        }) : () -> ()
      }
      %scan3A_110 = arith.constant 20 : i32
    } else {
    }
    %barrier3A_30 = arith.constant 0 : index
    tpu.barrier barrier_id(%barrier3A_30)
    %mul3A_31 = arith.constant 632 : i32
    %mul3A_32 = arith.muli %arg1, %mul3A_31 : i32
    %add3A_33 = arith.constant 0 : i32
    %add3A_34 = arith.addi %mul3A_32, %add3A_33 : i32
    "tpu.region"() ({
      %run_scoped3A = tpu.sem_alloc : memref<!tpu.dma_semaphore, #tpu.memory_space<semaphore_mem>>
      %dma_start3A = arith.constant 0 : i32
      %dma_start3A_101 = arith.constant 0 : i32
      %dma_start3A_102 = tpu.memref_slice %arg10[%dma_start3A, %dma_start3A_101] : memref<128x128xf32, #tpu.memory_space<vmem>> -> memref<128x128xf32, #tpu.memory_space<vmem>>
      %dma_start3A_103 = arith.constant 0 : i32
      %dma_start3A_104 = tpu.memref_slice %arg12[%add3A_34, %dma_start3A_103] : memref<10112x128xf32, #tpu.memory_space<vmem_shared>> -> memref<128x128xf32, #tpu.memory_space<vmem_shared>>
      %dma_start3A_105 = arith.constant 0 : i32
      %dma_start3A_106 = arith.constant 0 : i32
      %dma_start3A_107 = tpu.memref_slice %arg10[%dma_start3A_105, %dma_start3A_106] : memref<128x128xf32, #tpu.memory_space<vmem>> -> memref<128x128xf32, #tpu.memory_space<vmem>>
      %dma_start3A_108 = arith.constant 0 : i32
      %dma_start3A_109 = tpu.memref_slice %arg12[%add3A_34, %dma_start3A_108] : memref<10112x128xf32, #tpu.memory_space<vmem_shared>> -> memref<128x128xf32, #tpu.memory_space<vmem_shared>>
      tpu.enqueue_dma source(%dma_start3A_109 : memref<128x128xf32, #tpu.memory_space<vmem_shared>>) target(%dma_start3A_107 : memref<128x128xf32, #tpu.memory_space<vmem>>) target_semaphore(%run_scoped3A : memref<!tpu.dma_semaphore, #tpu.memory_space<semaphore_mem>>)
      %dma_wait3A = arith.constant 0 : i32
      %dma_wait3A_110 = arith.constant 0 : i32
      %dma_wait3A_111 = tpu.memref_slice %arg10[%dma_wait3A, %dma_wait3A_110] : memref<128x128xf32, #tpu.memory_space<vmem>> -> memref<128x128xf32, #tpu.memory_space<vmem>>
      %dma_wait3A_112 = arith.constant 0 : i32
      %dma_wait3A_113 = tpu.memref_slice %arg12[%add3A_34, %dma_wait3A_112] : memref<10112x128xf32, #tpu.memory_space<vmem_shared>> -> memref<128x128xf32, #tpu.memory_space<vmem_shared>>
      %dma_wait3A_114 = arith.constant 0 : i32
      %dma_wait3A_115 = arith.constant 0 : i32
      %dma_wait3A_116 = tpu.memref_slice %arg10[%dma_wait3A_114, %dma_wait3A_115] : memref<128x128xf32, #tpu.memory_space<vmem>> -> memref<128x128xf32, #tpu.memory_space<vmem>>
      %dma_wait3A_117 = arith.constant 0 : i32
      %dma_wait3A_118 = tpu.memref_slice %arg12[%add3A_34, %dma_wait3A_117] : memref<10112x128xf32, #tpu.memory_space<vmem_shared>> -> memref<128x128xf32, #tpu.memory_space<vmem_shared>>
      tpu.wait_dma2 semaphore(%run_scoped3A : memref<!tpu.dma_semaphore, #tpu.memory_space<semaphore_mem>>) src(%dma_wait3A_118 : memref<128x128xf32, #tpu.memory_space<vmem_shared>>) dst(%dma_wait3A_116 : memref<128x128xf32, #tpu.memory_space<vmem>>)
      tpu.yield
    }) : () -> ()
    %eq3A_35 = arith.constant 0 : i32
    %eq3A_36 = arith.cmpi eq, %arg0, %eq3A_35 : i32
    %convert_element_type3A_37 = arith.extui %eq3A_36 : i1 to i32
    %cond3A_38 = arith.constant 0 : i32
    %cond3A_39 = arith.cmpi ne, %convert_element_type3A_37, %cond3A_38 : i32
    scf.if %cond3A_39 {
      %mul3A_101 = arith.constant 632 : i32
      %mul3A_102 = arith.muli %arg1, %mul3A_101 : i32
      %add3A_103 = arith.constant 0 : i32
      %add3A_104 = arith.addi %mul3A_102, %add3A_103 : i32
      "tpu.region"() ({
        %run_scoped3A = tpu.sem_alloc : memref<!tpu.dma_semaphore, #tpu.memory_space<semaphore_mem>>
        %dma_start3A = arith.constant 0 : i32
        %dma_start3A_105 = arith.constant 0 : i32
        %dma_start3A_106 = tpu.memref_slice %arg10[%dma_start3A, %dma_start3A_105] : memref<128x128xf32, #tpu.memory_space<vmem>> -> memref<128x128xf32, #tpu.memory_space<vmem>>
        %dma_start3A_107 = arith.constant 0 : i32
        %dma_start3A_108 = tpu.memref_slice %arg6[%add3A_104, %dma_start3A_107] : memref<10112x128xf32, #tpu.memory_space<hbm>> -> memref<128x128xf32, #tpu.memory_space<hbm>>
        %dma_start3A_109 = arith.constant 0 : i32
        %dma_start3A_110 = tpu.memref_slice %arg6[%add3A_104, %dma_start3A_109] : memref<10112x128xf32, #tpu.memory_space<hbm>> -> memref<128x128xf32, #tpu.memory_space<hbm>>
        %dma_start3A_111 = arith.constant 0 : i32
        %dma_start3A_112 = arith.constant 0 : i32
        %dma_start3A_113 = tpu.memref_slice %arg10[%dma_start3A_111, %dma_start3A_112] : memref<128x128xf32, #tpu.memory_space<vmem>> -> memref<128x128xf32, #tpu.memory_space<vmem>>
        tpu.enqueue_dma source(%dma_start3A_113 : memref<128x128xf32, #tpu.memory_space<vmem>>) target(%dma_start3A_110 : memref<128x128xf32, #tpu.memory_space<hbm>>) target_semaphore(%run_scoped3A : memref<!tpu.dma_semaphore, #tpu.memory_space<semaphore_mem>>)
        %dma_wait3A = arith.constant 0 : i32
        %dma_wait3A_114 = arith.constant 0 : i32
        %dma_wait3A_115 = tpu.memref_slice %arg10[%dma_wait3A, %dma_wait3A_114] : memref<128x128xf32, #tpu.memory_space<vmem>> -> memref<128x128xf32, #tpu.memory_space<vmem>>
        %dma_wait3A_116 = arith.constant 0 : i32
        %dma_wait3A_117 = tpu.memref_slice %arg6[%add3A_104, %dma_wait3A_116] : memref<10112x128xf32, #tpu.memory_space<hbm>> -> memref<128x128xf32, #tpu.memory_space<hbm>>
        %dma_wait3A_118 = arith.constant 0 : i32
        %dma_wait3A_119 = tpu.memref_slice %arg6[%add3A_104, %dma_wait3A_118] : memref<10112x128xf32, #tpu.memory_space<hbm>> -> memref<128x128xf32, #tpu.memory_space<hbm>>
        %dma_wait3A_120 = arith.constant 0 : i32
        %dma_wait3A_121 = arith.constant 0 : i32
        %dma_wait3A_122 = tpu.memref_slice %arg10[%dma_wait3A_120, %dma_wait3A_121] : memref<128x128xf32, #tpu.memory_space<vmem>> -> memref<128x128xf32, #tpu.memory_space<vmem>>
        tpu.wait_dma2 semaphore(%run_scoped3A : memref<!tpu.dma_semaphore, #tpu.memory_space<semaphore_mem>>) src(%dma_wait3A_122 : memref<128x128xf32, #tpu.memory_space<vmem>>) dst(%dma_wait3A_119 : memref<128x128xf32, #tpu.memory_space<hbm>>)
        tpu.yield
      }) : () -> ()
    } else {
    }
    %eq3A_40 = arith.constant 1 : i32
    %eq3A_41 = arith.cmpi eq, %arg0, %eq3A_40 : i32
    %convert_element_type3A_42 = arith.extui %eq3A_41 : i1 to i32
    %cond3A_43 = arith.constant 0 : i32
    %cond3A_44 = arith.cmpi ne, %convert_element_type3A_42, %cond3A_43 : i32
    scf.if %cond3A_44 {
      %mul3A_101 = arith.constant 632 : i32
      %mul3A_102 = arith.muli %arg1, %mul3A_101 : i32
      %add3A_103 = arith.constant 0 : i32
      %add3A_104 = arith.addi %mul3A_102, %add3A_103 : i32
      "tpu.region"() ({
        %run_scoped3A = tpu.sem_alloc : memref<!tpu.dma_semaphore, #tpu.memory_space<semaphore_mem>>
        %dma_start3A = arith.constant 0 : i32
        %dma_start3A_105 = arith.constant 0 : i32
        %dma_start3A_106 = tpu.memref_slice %arg10[%dma_start3A, %dma_start3A_105] : memref<128x128xf32, #tpu.memory_space<vmem>> -> memref<128x128xf32, #tpu.memory_space<vmem>>
        %dma_start3A_107 = arith.constant 0 : i32
        %dma_start3A_108 = tpu.memref_slice %arg7[%add3A_104, %dma_start3A_107] : memref<10112x128xf32, #tpu.memory_space<hbm>> -> memref<128x128xf32, #tpu.memory_space<hbm>>
        %dma_start3A_109 = arith.constant 0 : i32
        %dma_start3A_110 = tpu.memref_slice %arg7[%add3A_104, %dma_start3A_109] : memref<10112x128xf32, #tpu.memory_space<hbm>> -> memref<128x128xf32, #tpu.memory_space<hbm>>
        %dma_start3A_111 = arith.constant 0 : i32
        %dma_start3A_112 = arith.constant 0 : i32
        %dma_start3A_113 = tpu.memref_slice %arg10[%dma_start3A_111, %dma_start3A_112] : memref<128x128xf32, #tpu.memory_space<vmem>> -> memref<128x128xf32, #tpu.memory_space<vmem>>
        tpu.enqueue_dma source(%dma_start3A_113 : memref<128x128xf32, #tpu.memory_space<vmem>>) target(%dma_start3A_110 : memref<128x128xf32, #tpu.memory_space<hbm>>) target_semaphore(%run_scoped3A : memref<!tpu.dma_semaphore, #tpu.memory_space<semaphore_mem>>)
        %dma_wait3A = arith.constant 0 : i32
        %dma_wait3A_114 = arith.constant 0 : i32
        %dma_wait3A_115 = tpu.memref_slice %arg10[%dma_wait3A, %dma_wait3A_114] : memref<128x128xf32, #tpu.memory_space<vmem>> -> memref<128x128xf32, #tpu.memory_space<vmem>>
        %dma_wait3A_116 = arith.constant 0 : i32
        %dma_wait3A_117 = tpu.memref_slice %arg7[%add3A_104, %dma_wait3A_116] : memref<10112x128xf32, #tpu.memory_space<hbm>> -> memref<128x128xf32, #tpu.memory_space<hbm>>
        %dma_wait3A_118 = arith.constant 0 : i32
        %dma_wait3A_119 = tpu.memref_slice %arg7[%add3A_104, %dma_wait3A_118] : memref<10112x128xf32, #tpu.memory_space<hbm>> -> memref<128x128xf32, #tpu.memory_space<hbm>>
        %dma_wait3A_120 = arith.constant 0 : i32
        %dma_wait3A_121 = arith.constant 0 : i32
        %dma_wait3A_122 = tpu.memref_slice %arg10[%dma_wait3A_120, %dma_wait3A_121] : memref<128x128xf32, #tpu.memory_space<vmem>> -> memref<128x128xf32, #tpu.memory_space<vmem>>
        tpu.wait_dma2 semaphore(%run_scoped3A : memref<!tpu.dma_semaphore, #tpu.memory_space<semaphore_mem>>) src(%dma_wait3A_122 : memref<128x128xf32, #tpu.memory_space<vmem>>) dst(%dma_wait3A_119 : memref<128x128xf32, #tpu.memory_space<hbm>>)
        tpu.yield
      }) : () -> ()
    } else {
    }
    %mul3A_45 = arith.constant 632 : i32
    %mul3A_46 = arith.muli %arg1, %mul3A_45 : i32
    %add3A_47 = arith.constant 128 : i32
    %add3A_48 = arith.addi %mul3A_46, %add3A_47 : i32
    "tpu.region"() ({
      %run_scoped3A = tpu.sem_alloc : memref<!tpu.dma_semaphore, #tpu.memory_space<semaphore_mem>>
      %dma_start3A = arith.constant 0 : i32
      %dma_start3A_101 = arith.constant 0 : i32
      %dma_start3A_102 = tpu.memref_slice %arg10[%dma_start3A, %dma_start3A_101] : memref<128x128xf32, #tpu.memory_space<vmem>> -> memref<128x128xf32, #tpu.memory_space<vmem>>
      %dma_start3A_103 = arith.constant 0 : i32
      %dma_start3A_104 = tpu.memref_slice %arg12[%add3A_48, %dma_start3A_103] : memref<10112x128xf32, #tpu.memory_space<vmem_shared>> -> memref<128x128xf32, #tpu.memory_space<vmem_shared>>
      %dma_start3A_105 = arith.constant 0 : i32
      %dma_start3A_106 = arith.constant 0 : i32
      %dma_start3A_107 = tpu.memref_slice %arg10[%dma_start3A_105, %dma_start3A_106] : memref<128x128xf32, #tpu.memory_space<vmem>> -> memref<128x128xf32, #tpu.memory_space<vmem>>
      %dma_start3A_108 = arith.constant 0 : i32
      %dma_start3A_109 = tpu.memref_slice %arg12[%add3A_48, %dma_start3A_108] : memref<10112x128xf32, #tpu.memory_space<vmem_shared>> -> memref<128x128xf32, #tpu.memory_space<vmem_shared>>
      tpu.enqueue_dma source(%dma_start3A_109 : memref<128x128xf32, #tpu.memory_space<vmem_shared>>) target(%dma_start3A_107 : memref<128x128xf32, #tpu.memory_space<vmem>>) target_semaphore(%run_scoped3A : memref<!tpu.dma_semaphore, #tpu.memory_space<semaphore_mem>>)
      %dma_wait3A = arith.constant 0 : i32
      %dma_wait3A_110 = arith.constant 0 : i32
      %dma_wait3A_111 = tpu.memref_slice %arg10[%dma_wait3A, %dma_wait3A_110] : memref<128x128xf32, #tpu.memory_space<vmem>> -> memref<128x128xf32, #tpu.memory_space<vmem>>
      %dma_wait3A_112 = arith.constant 0 : i32
      %dma_wait3A_113 = tpu.memref_slice %arg12[%add3A_48, %dma_wait3A_112] : memref<10112x128xf32, #tpu.memory_space<vmem_shared>> -> memref<128x128xf32, #tpu.memory_space<vmem_shared>>
      %dma_wait3A_114 = arith.constant 0 : i32
      %dma_wait3A_115 = arith.constant 0 : i32
      %dma_wait3A_116 = tpu.memref_slice %arg10[%dma_wait3A_114, %dma_wait3A_115] : memref<128x128xf32, #tpu.memory_space<vmem>> -> memref<128x128xf32, #tpu.memory_space<vmem>>
      %dma_wait3A_117 = arith.constant 0 : i32
      %dma_wait3A_118 = tpu.memref_slice %arg12[%add3A_48, %dma_wait3A_117] : memref<10112x128xf32, #tpu.memory_space<vmem_shared>> -> memref<128x128xf32, #tpu.memory_space<vmem_shared>>
      tpu.wait_dma2 semaphore(%run_scoped3A : memref<!tpu.dma_semaphore, #tpu.memory_space<semaphore_mem>>) src(%dma_wait3A_118 : memref<128x128xf32, #tpu.memory_space<vmem_shared>>) dst(%dma_wait3A_116 : memref<128x128xf32, #tpu.memory_space<vmem>>)
      tpu.yield
    }) : () -> ()
    %eq3A_49 = arith.constant 0 : i32
    %eq3A_50 = arith.cmpi eq, %arg0, %eq3A_49 : i32
    %convert_element_type3A_51 = arith.extui %eq3A_50 : i1 to i32
    %cond3A_52 = arith.constant 0 : i32
    %cond3A_53 = arith.cmpi ne, %convert_element_type3A_51, %cond3A_52 : i32
    scf.if %cond3A_53 {
      %mul3A_101 = arith.constant 632 : i32
      %mul3A_102 = arith.muli %arg1, %mul3A_101 : i32
      %add3A_103 = arith.constant 128 : i32
      %add3A_104 = arith.addi %mul3A_102, %add3A_103 : i32
      "tpu.region"() ({
        %run_scoped3A = tpu.sem_alloc : memref<!tpu.dma_semaphore, #tpu.memory_space<semaphore_mem>>
        %dma_start3A = arith.constant 0 : i32
        %dma_start3A_105 = arith.constant 0 : i32
        %dma_start3A_106 = tpu.memref_slice %arg10[%dma_start3A, %dma_start3A_105] : memref<128x128xf32, #tpu.memory_space<vmem>> -> memref<128x128xf32, #tpu.memory_space<vmem>>
        %dma_start3A_107 = arith.constant 0 : i32
        %dma_start3A_108 = tpu.memref_slice %arg6[%add3A_104, %dma_start3A_107] : memref<10112x128xf32, #tpu.memory_space<hbm>> -> memref<128x128xf32, #tpu.memory_space<hbm>>
        %dma_start3A_109 = arith.constant 0 : i32
        %dma_start3A_110 = tpu.memref_slice %arg6[%add3A_104, %dma_start3A_109] : memref<10112x128xf32, #tpu.memory_space<hbm>> -> memref<128x128xf32, #tpu.memory_space<hbm>>
        %dma_start3A_111 = arith.constant 0 : i32
        %dma_start3A_112 = arith.constant 0 : i32
        %dma_start3A_113 = tpu.memref_slice %arg10[%dma_start3A_111, %dma_start3A_112] : memref<128x128xf32, #tpu.memory_space<vmem>> -> memref<128x128xf32, #tpu.memory_space<vmem>>
        tpu.enqueue_dma source(%dma_start3A_113 : memref<128x128xf32, #tpu.memory_space<vmem>>) target(%dma_start3A_110 : memref<128x128xf32, #tpu.memory_space<hbm>>) target_semaphore(%run_scoped3A : memref<!tpu.dma_semaphore, #tpu.memory_space<semaphore_mem>>)
        %dma_wait3A = arith.constant 0 : i32
        %dma_wait3A_114 = arith.constant 0 : i32
        %dma_wait3A_115 = tpu.memref_slice %arg10[%dma_wait3A, %dma_wait3A_114] : memref<128x128xf32, #tpu.memory_space<vmem>> -> memref<128x128xf32, #tpu.memory_space<vmem>>
        %dma_wait3A_116 = arith.constant 0 : i32
        %dma_wait3A_117 = tpu.memref_slice %arg6[%add3A_104, %dma_wait3A_116] : memref<10112x128xf32, #tpu.memory_space<hbm>> -> memref<128x128xf32, #tpu.memory_space<hbm>>
        %dma_wait3A_118 = arith.constant 0 : i32
        %dma_wait3A_119 = tpu.memref_slice %arg6[%add3A_104, %dma_wait3A_118] : memref<10112x128xf32, #tpu.memory_space<hbm>> -> memref<128x128xf32, #tpu.memory_space<hbm>>
        %dma_wait3A_120 = arith.constant 0 : i32
        %dma_wait3A_121 = arith.constant 0 : i32
        %dma_wait3A_122 = tpu.memref_slice %arg10[%dma_wait3A_120, %dma_wait3A_121] : memref<128x128xf32, #tpu.memory_space<vmem>> -> memref<128x128xf32, #tpu.memory_space<vmem>>
        tpu.wait_dma2 semaphore(%run_scoped3A : memref<!tpu.dma_semaphore, #tpu.memory_space<semaphore_mem>>) src(%dma_wait3A_122 : memref<128x128xf32, #tpu.memory_space<vmem>>) dst(%dma_wait3A_119 : memref<128x128xf32, #tpu.memory_space<hbm>>)
        tpu.yield
      }) : () -> ()
    } else {
    }
    %eq3A_54 = arith.constant 1 : i32
    %eq3A_55 = arith.cmpi eq, %arg0, %eq3A_54 : i32
    %convert_element_type3A_56 = arith.extui %eq3A_55 : i1 to i32
    %cond3A_57 = arith.constant 0 : i32
    %cond3A_58 = arith.cmpi ne, %convert_element_type3A_56, %cond3A_57 : i32
    scf.if %cond3A_58 {
      %mul3A_101 = arith.constant 632 : i32
      %mul3A_102 = arith.muli %arg1, %mul3A_101 : i32
      %add3A_103 = arith.constant 128 : i32
      %add3A_104 = arith.addi %mul3A_102, %add3A_103 : i32
      "tpu.region"() ({
        %run_scoped3A = tpu.sem_alloc : memref<!tpu.dma_semaphore, #tpu.memory_space<semaphore_mem>>
        %dma_start3A = arith.constant 0 : i32
        %dma_start3A_105 = arith.constant 0 : i32
        %dma_start3A_106 = tpu.memref_slice %arg10[%dma_start3A, %dma_start3A_105] : memref<128x128xf32, #tpu.memory_space<vmem>> -> memref<128x128xf32, #tpu.memory_space<vmem>>
        %dma_start3A_107 = arith.constant 0 : i32
        %dma_start3A_108 = tpu.memref_slice %arg7[%add3A_104, %dma_start3A_107] : memref<10112x128xf32, #tpu.memory_space<hbm>> -> memref<128x128xf32, #tpu.memory_space<hbm>>
        %dma_start3A_109 = arith.constant 0 : i32
        %dma_start3A_110 = tpu.memref_slice %arg7[%add3A_104, %dma_start3A_109] : memref<10112x128xf32, #tpu.memory_space<hbm>> -> memref<128x128xf32, #tpu.memory_space<hbm>>
        %dma_start3A_111 = arith.constant 0 : i32
        %dma_start3A_112 = arith.constant 0 : i32
        %dma_start3A_113 = tpu.memref_slice %arg10[%dma_start3A_111, %dma_start3A_112] : memref<128x128xf32, #tpu.memory_space<vmem>> -> memref<128x128xf32, #tpu.memory_space<vmem>>
        tpu.enqueue_dma source(%dma_start3A_113 : memref<128x128xf32, #tpu.memory_space<vmem>>) target(%dma_start3A_110 : memref<128x128xf32, #tpu.memory_space<hbm>>) target_semaphore(%run_scoped3A : memref<!tpu.dma_semaphore, #tpu.memory_space<semaphore_mem>>)
        %dma_wait3A = arith.constant 0 : i32
        %dma_wait3A_114 = arith.constant 0 : i32
        %dma_wait3A_115 = tpu.memref_slice %arg10[%dma_wait3A, %dma_wait3A_114] : memref<128x128xf32, #tpu.memory_space<vmem>> -> memref<128x128xf32, #tpu.memory_space<vmem>>
        %dma_wait3A_116 = arith.constant 0 : i32
        %dma_wait3A_117 = tpu.memref_slice %arg7[%add3A_104, %dma_wait3A_116] : memref<10112x128xf32, #tpu.memory_space<hbm>> -> memref<128x128xf32, #tpu.memory_space<hbm>>
        %dma_wait3A_118 = arith.constant 0 : i32
        %dma_wait3A_119 = tpu.memref_slice %arg7[%add3A_104, %dma_wait3A_118] : memref<10112x128xf32, #tpu.memory_space<hbm>> -> memref<128x128xf32, #tpu.memory_space<hbm>>
        %dma_wait3A_120 = arith.constant 0 : i32
        %dma_wait3A_121 = arith.constant 0 : i32
        %dma_wait3A_122 = tpu.memref_slice %arg10[%dma_wait3A_120, %dma_wait3A_121] : memref<128x128xf32, #tpu.memory_space<vmem>> -> memref<128x128xf32, #tpu.memory_space<vmem>>
        tpu.wait_dma2 semaphore(%run_scoped3A : memref<!tpu.dma_semaphore, #tpu.memory_space<semaphore_mem>>) src(%dma_wait3A_122 : memref<128x128xf32, #tpu.memory_space<vmem>>) dst(%dma_wait3A_119 : memref<128x128xf32, #tpu.memory_space<hbm>>)
        tpu.yield
      }) : () -> ()
    } else {
    }
    %mul3A_59 = arith.constant 632 : i32
    %mul3A_60 = arith.muli %arg1, %mul3A_59 : i32
    %add3A_61 = arith.constant 256 : i32
    %add3A_62 = arith.addi %mul3A_60, %add3A_61 : i32
    "tpu.region"() ({
      %run_scoped3A = tpu.sem_alloc : memref<!tpu.dma_semaphore, #tpu.memory_space<semaphore_mem>>
      %dma_start3A = arith.constant 0 : i32
      %dma_start3A_101 = arith.constant 0 : i32
      %dma_start3A_102 = tpu.memref_slice %arg10[%dma_start3A, %dma_start3A_101] : memref<128x128xf32, #tpu.memory_space<vmem>> -> memref<128x128xf32, #tpu.memory_space<vmem>>
      %dma_start3A_103 = arith.constant 0 : i32
      %dma_start3A_104 = tpu.memref_slice %arg12[%add3A_62, %dma_start3A_103] : memref<10112x128xf32, #tpu.memory_space<vmem_shared>> -> memref<128x128xf32, #tpu.memory_space<vmem_shared>>
      %dma_start3A_105 = arith.constant 0 : i32
      %dma_start3A_106 = arith.constant 0 : i32
      %dma_start3A_107 = tpu.memref_slice %arg10[%dma_start3A_105, %dma_start3A_106] : memref<128x128xf32, #tpu.memory_space<vmem>> -> memref<128x128xf32, #tpu.memory_space<vmem>>
      %dma_start3A_108 = arith.constant 0 : i32
      %dma_start3A_109 = tpu.memref_slice %arg12[%add3A_62, %dma_start3A_108] : memref<10112x128xf32, #tpu.memory_space<vmem_shared>> -> memref<128x128xf32, #tpu.memory_space<vmem_shared>>
      tpu.enqueue_dma source(%dma_start3A_109 : memref<128x128xf32, #tpu.memory_space<vmem_shared>>) target(%dma_start3A_107 : memref<128x128xf32, #tpu.memory_space<vmem>>) target_semaphore(%run_scoped3A : memref<!tpu.dma_semaphore, #tpu.memory_space<semaphore_mem>>)
      %dma_wait3A = arith.constant 0 : i32
      %dma_wait3A_110 = arith.constant 0 : i32
      %dma_wait3A_111 = tpu.memref_slice %arg10[%dma_wait3A, %dma_wait3A_110] : memref<128x128xf32, #tpu.memory_space<vmem>> -> memref<128x128xf32, #tpu.memory_space<vmem>>
      %dma_wait3A_112 = arith.constant 0 : i32
      %dma_wait3A_113 = tpu.memref_slice %arg12[%add3A_62, %dma_wait3A_112] : memref<10112x128xf32, #tpu.memory_space<vmem_shared>> -> memref<128x128xf32, #tpu.memory_space<vmem_shared>>
      %dma_wait3A_114 = arith.constant 0 : i32
      %dma_wait3A_115 = arith.constant 0 : i32
      %dma_wait3A_116 = tpu.memref_slice %arg10[%dma_wait3A_114, %dma_wait3A_115] : memref<128x128xf32, #tpu.memory_space<vmem>> -> memref<128x128xf32, #tpu.memory_space<vmem>>
      %dma_wait3A_117 = arith.constant 0 : i32
      %dma_wait3A_118 = tpu.memref_slice %arg12[%add3A_62, %dma_wait3A_117] : memref<10112x128xf32, #tpu.memory_space<vmem_shared>> -> memref<128x128xf32, #tpu.memory_space<vmem_shared>>
      tpu.wait_dma2 semaphore(%run_scoped3A : memref<!tpu.dma_semaphore, #tpu.memory_space<semaphore_mem>>) src(%dma_wait3A_118 : memref<128x128xf32, #tpu.memory_space<vmem_shared>>) dst(%dma_wait3A_116 : memref<128x128xf32, #tpu.memory_space<vmem>>)
      tpu.yield
    }) : () -> ()
    %eq3A_63 = arith.constant 0 : i32
    %eq3A_64 = arith.cmpi eq, %arg0, %eq3A_63 : i32
    %convert_element_type3A_65 = arith.extui %eq3A_64 : i1 to i32
    %cond3A_66 = arith.constant 0 : i32
    %cond3A_67 = arith.cmpi ne, %convert_element_type3A_65, %cond3A_66 : i32
    scf.if %cond3A_67 {
      %mul3A_101 = arith.constant 632 : i32
      %mul3A_102 = arith.muli %arg1, %mul3A_101 : i32
      %add3A_103 = arith.constant 256 : i32
      %add3A_104 = arith.addi %mul3A_102, %add3A_103 : i32
      "tpu.region"() ({
        %run_scoped3A = tpu.sem_alloc : memref<!tpu.dma_semaphore, #tpu.memory_space<semaphore_mem>>
        %dma_start3A = arith.constant 0 : i32
        %dma_start3A_105 = arith.constant 0 : i32
        %dma_start3A_106 = tpu.memref_slice %arg10[%dma_start3A, %dma_start3A_105] : memref<128x128xf32, #tpu.memory_space<vmem>> -> memref<128x128xf32, #tpu.memory_space<vmem>>
        %dma_start3A_107 = arith.constant 0 : i32
        %dma_start3A_108 = tpu.memref_slice %arg6[%add3A_104, %dma_start3A_107] : memref<10112x128xf32, #tpu.memory_space<hbm>> -> memref<128x128xf32, #tpu.memory_space<hbm>>
        %dma_start3A_109 = arith.constant 0 : i32
        %dma_start3A_110 = tpu.memref_slice %arg6[%add3A_104, %dma_start3A_109] : memref<10112x128xf32, #tpu.memory_space<hbm>> -> memref<128x128xf32, #tpu.memory_space<hbm>>
        %dma_start3A_111 = arith.constant 0 : i32
        %dma_start3A_112 = arith.constant 0 : i32
        %dma_start3A_113 = tpu.memref_slice %arg10[%dma_start3A_111, %dma_start3A_112] : memref<128x128xf32, #tpu.memory_space<vmem>> -> memref<128x128xf32, #tpu.memory_space<vmem>>
        tpu.enqueue_dma source(%dma_start3A_113 : memref<128x128xf32, #tpu.memory_space<vmem>>) target(%dma_start3A_110 : memref<128x128xf32, #tpu.memory_space<hbm>>) target_semaphore(%run_scoped3A : memref<!tpu.dma_semaphore, #tpu.memory_space<semaphore_mem>>)
        %dma_wait3A = arith.constant 0 : i32
        %dma_wait3A_114 = arith.constant 0 : i32
        %dma_wait3A_115 = tpu.memref_slice %arg10[%dma_wait3A, %dma_wait3A_114] : memref<128x128xf32, #tpu.memory_space<vmem>> -> memref<128x128xf32, #tpu.memory_space<vmem>>
        %dma_wait3A_116 = arith.constant 0 : i32
        %dma_wait3A_117 = tpu.memref_slice %arg6[%add3A_104, %dma_wait3A_116] : memref<10112x128xf32, #tpu.memory_space<hbm>> -> memref<128x128xf32, #tpu.memory_space<hbm>>
        %dma_wait3A_118 = arith.constant 0 : i32
        %dma_wait3A_119 = tpu.memref_slice %arg6[%add3A_104, %dma_wait3A_118] : memref<10112x128xf32, #tpu.memory_space<hbm>> -> memref<128x128xf32, #tpu.memory_space<hbm>>
        %dma_wait3A_120 = arith.constant 0 : i32
        %dma_wait3A_121 = arith.constant 0 : i32
        %dma_wait3A_122 = tpu.memref_slice %arg10[%dma_wait3A_120, %dma_wait3A_121] : memref<128x128xf32, #tpu.memory_space<vmem>> -> memref<128x128xf32, #tpu.memory_space<vmem>>
        tpu.wait_dma2 semaphore(%run_scoped3A : memref<!tpu.dma_semaphore, #tpu.memory_space<semaphore_mem>>) src(%dma_wait3A_122 : memref<128x128xf32, #tpu.memory_space<vmem>>) dst(%dma_wait3A_119 : memref<128x128xf32, #tpu.memory_space<hbm>>)
        tpu.yield
      }) : () -> ()
    } else {
    }
    %eq3A_68 = arith.constant 1 : i32
    %eq3A_69 = arith.cmpi eq, %arg0, %eq3A_68 : i32
    %convert_element_type3A_70 = arith.extui %eq3A_69 : i1 to i32
    %cond3A_71 = arith.constant 0 : i32
    %cond3A_72 = arith.cmpi ne, %convert_element_type3A_70, %cond3A_71 : i32
    scf.if %cond3A_72 {
      %mul3A_101 = arith.constant 632 : i32
      %mul3A_102 = arith.muli %arg1, %mul3A_101 : i32
      %add3A_103 = arith.constant 256 : i32
      %add3A_104 = arith.addi %mul3A_102, %add3A_103 : i32
      "tpu.region"() ({
        %run_scoped3A = tpu.sem_alloc : memref<!tpu.dma_semaphore, #tpu.memory_space<semaphore_mem>>
        %dma_start3A = arith.constant 0 : i32
        %dma_start3A_105 = arith.constant 0 : i32
        %dma_start3A_106 = tpu.memref_slice %arg10[%dma_start3A, %dma_start3A_105] : memref<128x128xf32, #tpu.memory_space<vmem>> -> memref<128x128xf32, #tpu.memory_space<vmem>>
        %dma_start3A_107 = arith.constant 0 : i32
        %dma_start3A_108 = tpu.memref_slice %arg7[%add3A_104, %dma_start3A_107] : memref<10112x128xf32, #tpu.memory_space<hbm>> -> memref<128x128xf32, #tpu.memory_space<hbm>>
        %dma_start3A_109 = arith.constant 0 : i32
        %dma_start3A_110 = tpu.memref_slice %arg7[%add3A_104, %dma_start3A_109] : memref<10112x128xf32, #tpu.memory_space<hbm>> -> memref<128x128xf32, #tpu.memory_space<hbm>>
        %dma_start3A_111 = arith.constant 0 : i32
        %dma_start3A_112 = arith.constant 0 : i32
        %dma_start3A_113 = tpu.memref_slice %arg10[%dma_start3A_111, %dma_start3A_112] : memref<128x128xf32, #tpu.memory_space<vmem>> -> memref<128x128xf32, #tpu.memory_space<vmem>>
        tpu.enqueue_dma source(%dma_start3A_113 : memref<128x128xf32, #tpu.memory_space<vmem>>) target(%dma_start3A_110 : memref<128x128xf32, #tpu.memory_space<hbm>>) target_semaphore(%run_scoped3A : memref<!tpu.dma_semaphore, #tpu.memory_space<semaphore_mem>>)
        %dma_wait3A = arith.constant 0 : i32
        %dma_wait3A_114 = arith.constant 0 : i32
        %dma_wait3A_115 = tpu.memref_slice %arg10[%dma_wait3A, %dma_wait3A_114] : memref<128x128xf32, #tpu.memory_space<vmem>> -> memref<128x128xf32, #tpu.memory_space<vmem>>
        %dma_wait3A_116 = arith.constant 0 : i32
        %dma_wait3A_117 = tpu.memref_slice %arg7[%add3A_104, %dma_wait3A_116] : memref<10112x128xf32, #tpu.memory_space<hbm>> -> memref<128x128xf32, #tpu.memory_space<hbm>>
        %dma_wait3A_118 = arith.constant 0 : i32
        %dma_wait3A_119 = tpu.memref_slice %arg7[%add3A_104, %dma_wait3A_118] : memref<10112x128xf32, #tpu.memory_space<hbm>> -> memref<128x128xf32, #tpu.memory_space<hbm>>
        %dma_wait3A_120 = arith.constant 0 : i32
        %dma_wait3A_121 = arith.constant 0 : i32
        %dma_wait3A_122 = tpu.memref_slice %arg10[%dma_wait3A_120, %dma_wait3A_121] : memref<128x128xf32, #tpu.memory_space<vmem>> -> memref<128x128xf32, #tpu.memory_space<vmem>>
        tpu.wait_dma2 semaphore(%run_scoped3A : memref<!tpu.dma_semaphore, #tpu.memory_space<semaphore_mem>>) src(%dma_wait3A_122 : memref<128x128xf32, #tpu.memory_space<vmem>>) dst(%dma_wait3A_119 : memref<128x128xf32, #tpu.memory_space<hbm>>)
        tpu.yield
      }) : () -> ()
    } else {
    }
    %mul3A_73 = arith.constant 632 : i32
    %mul3A_74 = arith.muli %arg1, %mul3A_73 : i32
    %add3A_75 = arith.constant 384 : i32
    %add3A_76 = arith.addi %mul3A_74, %add3A_75 : i32
    "tpu.region"() ({
      %run_scoped3A = tpu.sem_alloc : memref<!tpu.dma_semaphore, #tpu.memory_space<semaphore_mem>>
      %dma_start3A = arith.constant 0 : i32
      %dma_start3A_101 = arith.constant 0 : i32
      %dma_start3A_102 = tpu.memref_slice %arg10[%dma_start3A, %dma_start3A_101] : memref<128x128xf32, #tpu.memory_space<vmem>> -> memref<128x128xf32, #tpu.memory_space<vmem>>
      %dma_start3A_103 = arith.constant 0 : i32
      %dma_start3A_104 = tpu.memref_slice %arg12[%add3A_76, %dma_start3A_103] : memref<10112x128xf32, #tpu.memory_space<vmem_shared>> -> memref<128x128xf32, #tpu.memory_space<vmem_shared>>
      %dma_start3A_105 = arith.constant 0 : i32
      %dma_start3A_106 = arith.constant 0 : i32
      %dma_start3A_107 = tpu.memref_slice %arg10[%dma_start3A_105, %dma_start3A_106] : memref<128x128xf32, #tpu.memory_space<vmem>> -> memref<128x128xf32, #tpu.memory_space<vmem>>
      %dma_start3A_108 = arith.constant 0 : i32
      %dma_start3A_109 = tpu.memref_slice %arg12[%add3A_76, %dma_start3A_108] : memref<10112x128xf32, #tpu.memory_space<vmem_shared>> -> memref<128x128xf32, #tpu.memory_space<vmem_shared>>
      tpu.enqueue_dma source(%dma_start3A_109 : memref<128x128xf32, #tpu.memory_space<vmem_shared>>) target(%dma_start3A_107 : memref<128x128xf32, #tpu.memory_space<vmem>>) target_semaphore(%run_scoped3A : memref<!tpu.dma_semaphore, #tpu.memory_space<semaphore_mem>>)
      %dma_wait3A = arith.constant 0 : i32
      %dma_wait3A_110 = arith.constant 0 : i32
      %dma_wait3A_111 = tpu.memref_slice %arg10[%dma_wait3A, %dma_wait3A_110] : memref<128x128xf32, #tpu.memory_space<vmem>> -> memref<128x128xf32, #tpu.memory_space<vmem>>
      %dma_wait3A_112 = arith.constant 0 : i32
      %dma_wait3A_113 = tpu.memref_slice %arg12[%add3A_76, %dma_wait3A_112] : memref<10112x128xf32, #tpu.memory_space<vmem_shared>> -> memref<128x128xf32, #tpu.memory_space<vmem_shared>>
      %dma_wait3A_114 = arith.constant 0 : i32
      %dma_wait3A_115 = arith.constant 0 : i32
      %dma_wait3A_116 = tpu.memref_slice %arg10[%dma_wait3A_114, %dma_wait3A_115] : memref<128x128xf32, #tpu.memory_space<vmem>> -> memref<128x128xf32, #tpu.memory_space<vmem>>
      %dma_wait3A_117 = arith.constant 0 : i32
      %dma_wait3A_118 = tpu.memref_slice %arg12[%add3A_76, %dma_wait3A_117] : memref<10112x128xf32, #tpu.memory_space<vmem_shared>> -> memref<128x128xf32, #tpu.memory_space<vmem_shared>>
      tpu.wait_dma2 semaphore(%run_scoped3A : memref<!tpu.dma_semaphore, #tpu.memory_space<semaphore_mem>>) src(%dma_wait3A_118 : memref<128x128xf32, #tpu.memory_space<vmem_shared>>) dst(%dma_wait3A_116 : memref<128x128xf32, #tpu.memory_space<vmem>>)
      tpu.yield
    }) : () -> ()
    %eq3A_77 = arith.constant 0 : i32
    %eq3A_78 = arith.cmpi eq, %arg0, %eq3A_77 : i32
    %convert_element_type3A_79 = arith.extui %eq3A_78 : i1 to i32
    %cond3A_80 = arith.constant 0 : i32
    %cond3A_81 = arith.cmpi ne, %convert_element_type3A_79, %cond3A_80 : i32
    scf.if %cond3A_81 {
      %mul3A_101 = arith.constant 632 : i32
      %mul3A_102 = arith.muli %arg1, %mul3A_101 : i32
      %add3A_103 = arith.constant 384 : i32
      %add3A_104 = arith.addi %mul3A_102, %add3A_103 : i32
      "tpu.region"() ({
        %run_scoped3A = tpu.sem_alloc : memref<!tpu.dma_semaphore, #tpu.memory_space<semaphore_mem>>
        %dma_start3A = arith.constant 0 : i32
        %dma_start3A_105 = arith.constant 0 : i32
        %dma_start3A_106 = tpu.memref_slice %arg10[%dma_start3A, %dma_start3A_105] : memref<128x128xf32, #tpu.memory_space<vmem>> -> memref<128x128xf32, #tpu.memory_space<vmem>>
        %dma_start3A_107 = arith.constant 0 : i32
        %dma_start3A_108 = tpu.memref_slice %arg6[%add3A_104, %dma_start3A_107] : memref<10112x128xf32, #tpu.memory_space<hbm>> -> memref<128x128xf32, #tpu.memory_space<hbm>>
        %dma_start3A_109 = arith.constant 0 : i32
        %dma_start3A_110 = tpu.memref_slice %arg6[%add3A_104, %dma_start3A_109] : memref<10112x128xf32, #tpu.memory_space<hbm>> -> memref<128x128xf32, #tpu.memory_space<hbm>>
        %dma_start3A_111 = arith.constant 0 : i32
        %dma_start3A_112 = arith.constant 0 : i32
        %dma_start3A_113 = tpu.memref_slice %arg10[%dma_start3A_111, %dma_start3A_112] : memref<128x128xf32, #tpu.memory_space<vmem>> -> memref<128x128xf32, #tpu.memory_space<vmem>>
        tpu.enqueue_dma source(%dma_start3A_113 : memref<128x128xf32, #tpu.memory_space<vmem>>) target(%dma_start3A_110 : memref<128x128xf32, #tpu.memory_space<hbm>>) target_semaphore(%run_scoped3A : memref<!tpu.dma_semaphore, #tpu.memory_space<semaphore_mem>>)
        %dma_wait3A = arith.constant 0 : i32
        %dma_wait3A_114 = arith.constant 0 : i32
        %dma_wait3A_115 = tpu.memref_slice %arg10[%dma_wait3A, %dma_wait3A_114] : memref<128x128xf32, #tpu.memory_space<vmem>> -> memref<128x128xf32, #tpu.memory_space<vmem>>
        %dma_wait3A_116 = arith.constant 0 : i32
        %dma_wait3A_117 = tpu.memref_slice %arg6[%add3A_104, %dma_wait3A_116] : memref<10112x128xf32, #tpu.memory_space<hbm>> -> memref<128x128xf32, #tpu.memory_space<hbm>>
        %dma_wait3A_118 = arith.constant 0 : i32
        %dma_wait3A_119 = tpu.memref_slice %arg6[%add3A_104, %dma_wait3A_118] : memref<10112x128xf32, #tpu.memory_space<hbm>> -> memref<128x128xf32, #tpu.memory_space<hbm>>
        %dma_wait3A_120 = arith.constant 0 : i32
        %dma_wait3A_121 = arith.constant 0 : i32
        %dma_wait3A_122 = tpu.memref_slice %arg10[%dma_wait3A_120, %dma_wait3A_121] : memref<128x128xf32, #tpu.memory_space<vmem>> -> memref<128x128xf32, #tpu.memory_space<vmem>>
        tpu.wait_dma2 semaphore(%run_scoped3A : memref<!tpu.dma_semaphore, #tpu.memory_space<semaphore_mem>>) src(%dma_wait3A_122 : memref<128x128xf32, #tpu.memory_space<vmem>>) dst(%dma_wait3A_119 : memref<128x128xf32, #tpu.memory_space<hbm>>)
        tpu.yield
      }) : () -> ()
    } else {
    }
    %eq3A_82 = arith.constant 1 : i32
    %eq3A_83 = arith.cmpi eq, %arg0, %eq3A_82 : i32
    %convert_element_type3A_84 = arith.extui %eq3A_83 : i1 to i32
    %cond3A_85 = arith.constant 0 : i32
    %cond3A_86 = arith.cmpi ne, %convert_element_type3A_84, %cond3A_85 : i32
    scf.if %cond3A_86 {
      %mul3A_101 = arith.constant 632 : i32
      %mul3A_102 = arith.muli %arg1, %mul3A_101 : i32
      %add3A_103 = arith.constant 384 : i32
      %add3A_104 = arith.addi %mul3A_102, %add3A_103 : i32
      "tpu.region"() ({
        %run_scoped3A = tpu.sem_alloc : memref<!tpu.dma_semaphore, #tpu.memory_space<semaphore_mem>>
        %dma_start3A = arith.constant 0 : i32
        %dma_start3A_105 = arith.constant 0 : i32
        %dma_start3A_106 = tpu.memref_slice %arg10[%dma_start3A, %dma_start3A_105] : memref<128x128xf32, #tpu.memory_space<vmem>> -> memref<128x128xf32, #tpu.memory_space<vmem>>
        %dma_start3A_107 = arith.constant 0 : i32
        %dma_start3A_108 = tpu.memref_slice %arg7[%add3A_104, %dma_start3A_107] : memref<10112x128xf32, #tpu.memory_space<hbm>> -> memref<128x128xf32, #tpu.memory_space<hbm>>
        %dma_start3A_109 = arith.constant 0 : i32
        %dma_start3A_110 = tpu.memref_slice %arg7[%add3A_104, %dma_start3A_109] : memref<10112x128xf32, #tpu.memory_space<hbm>> -> memref<128x128xf32, #tpu.memory_space<hbm>>
        %dma_start3A_111 = arith.constant 0 : i32
        %dma_start3A_112 = arith.constant 0 : i32
        %dma_start3A_113 = tpu.memref_slice %arg10[%dma_start3A_111, %dma_start3A_112] : memref<128x128xf32, #tpu.memory_space<vmem>> -> memref<128x128xf32, #tpu.memory_space<vmem>>
        tpu.enqueue_dma source(%dma_start3A_113 : memref<128x128xf32, #tpu.memory_space<vmem>>) target(%dma_start3A_110 : memref<128x128xf32, #tpu.memory_space<hbm>>) target_semaphore(%run_scoped3A : memref<!tpu.dma_semaphore, #tpu.memory_space<semaphore_mem>>)
        %dma_wait3A = arith.constant 0 : i32
        %dma_wait3A_114 = arith.constant 0 : i32
        %dma_wait3A_115 = tpu.memref_slice %arg10[%dma_wait3A, %dma_wait3A_114] : memref<128x128xf32, #tpu.memory_space<vmem>> -> memref<128x128xf32, #tpu.memory_space<vmem>>
        %dma_wait3A_116 = arith.constant 0 : i32
        %dma_wait3A_117 = tpu.memref_slice %arg7[%add3A_104, %dma_wait3A_116] : memref<10112x128xf32, #tpu.memory_space<hbm>> -> memref<128x128xf32, #tpu.memory_space<hbm>>
        %dma_wait3A_118 = arith.constant 0 : i32
        %dma_wait3A_119 = tpu.memref_slice %arg7[%add3A_104, %dma_wait3A_118] : memref<10112x128xf32, #tpu.memory_space<hbm>> -> memref<128x128xf32, #tpu.memory_space<hbm>>
        %dma_wait3A_120 = arith.constant 0 : i32
        %dma_wait3A_121 = arith.constant 0 : i32
        %dma_wait3A_122 = tpu.memref_slice %arg10[%dma_wait3A_120, %dma_wait3A_121] : memref<128x128xf32, #tpu.memory_space<vmem>> -> memref<128x128xf32, #tpu.memory_space<vmem>>
        tpu.wait_dma2 semaphore(%run_scoped3A : memref<!tpu.dma_semaphore, #tpu.memory_space<semaphore_mem>>) src(%dma_wait3A_122 : memref<128x128xf32, #tpu.memory_space<vmem>>) dst(%dma_wait3A_119 : memref<128x128xf32, #tpu.memory_space<hbm>>)
        tpu.yield
      }) : () -> ()
    } else {
    }
    %mul3A_87 = arith.constant 632 : i32
    %mul3A_88 = arith.muli %arg1, %mul3A_87 : i32
    %add3A_89 = arith.constant 512 : i32
    %add3A_90 = arith.addi %mul3A_88, %add3A_89 : i32
    "tpu.region"() ({
      %run_scoped3A = tpu.sem_alloc : memref<!tpu.dma_semaphore, #tpu.memory_space<semaphore_mem>>
      %dma_start3A = arith.constant 0 : i32
      %dma_start3A_101 = arith.constant 0 : i32
      %dma_start3A_102 = tpu.memref_slice %arg10[%dma_start3A, %dma_start3A_101] : memref<128x128xf32, #tpu.memory_space<vmem>> -> memref<120x128xf32, #tpu.memory_space<vmem>>
      %dma_start3A_103 = arith.constant 0 : i32
      %dma_start3A_104 = tpu.memref_slice %arg12[%add3A_90, %dma_start3A_103] : memref<10112x128xf32, #tpu.memory_space<vmem_shared>> -> memref<120x128xf32, #tpu.memory_space<vmem_shared>>
      %dma_start3A_105 = arith.constant 0 : i32
      %dma_start3A_106 = arith.constant 0 : i32
      %dma_start3A_107 = tpu.memref_slice %arg10[%dma_start3A_105, %dma_start3A_106] : memref<128x128xf32, #tpu.memory_space<vmem>> -> memref<120x128xf32, #tpu.memory_space<vmem>>
      %dma_start3A_108 = arith.constant 0 : i32
      %dma_start3A_109 = tpu.memref_slice %arg12[%add3A_90, %dma_start3A_108] : memref<10112x128xf32, #tpu.memory_space<vmem_shared>> -> memref<120x128xf32, #tpu.memory_space<vmem_shared>>
      tpu.enqueue_dma source(%dma_start3A_109 : memref<120x128xf32, #tpu.memory_space<vmem_shared>>) target(%dma_start3A_107 : memref<120x128xf32, #tpu.memory_space<vmem>>) target_semaphore(%run_scoped3A : memref<!tpu.dma_semaphore, #tpu.memory_space<semaphore_mem>>)
      %dma_wait3A = arith.constant 0 : i32
      %dma_wait3A_110 = arith.constant 0 : i32
      %dma_wait3A_111 = tpu.memref_slice %arg10[%dma_wait3A, %dma_wait3A_110] : memref<128x128xf32, #tpu.memory_space<vmem>> -> memref<120x128xf32, #tpu.memory_space<vmem>>
      %dma_wait3A_112 = arith.constant 0 : i32
      %dma_wait3A_113 = tpu.memref_slice %arg12[%add3A_90, %dma_wait3A_112] : memref<10112x128xf32, #tpu.memory_space<vmem_shared>> -> memref<120x128xf32, #tpu.memory_space<vmem_shared>>
      %dma_wait3A_114 = arith.constant 0 : i32
      %dma_wait3A_115 = arith.constant 0 : i32
      %dma_wait3A_116 = tpu.memref_slice %arg10[%dma_wait3A_114, %dma_wait3A_115] : memref<128x128xf32, #tpu.memory_space<vmem>> -> memref<120x128xf32, #tpu.memory_space<vmem>>
      %dma_wait3A_117 = arith.constant 0 : i32
      %dma_wait3A_118 = tpu.memref_slice %arg12[%add3A_90, %dma_wait3A_117] : memref<10112x128xf32, #tpu.memory_space<vmem_shared>> -> memref<120x128xf32, #tpu.memory_space<vmem_shared>>
      tpu.wait_dma2 semaphore(%run_scoped3A : memref<!tpu.dma_semaphore, #tpu.memory_space<semaphore_mem>>) src(%dma_wait3A_118 : memref<120x128xf32, #tpu.memory_space<vmem_shared>>) dst(%dma_wait3A_116 : memref<120x128xf32, #tpu.memory_space<vmem>>)
      tpu.yield
    }) : () -> ()
    %eq3A_91 = arith.constant 0 : i32
    %eq3A_92 = arith.cmpi eq, %arg0, %eq3A_91 : i32
    %convert_element_type3A_93 = arith.extui %eq3A_92 : i1 to i32
    %cond3A_94 = arith.constant 0 : i32
    %cond3A_95 = arith.cmpi ne, %convert_element_type3A_93, %cond3A_94 : i32
    scf.if %cond3A_95 {
      %mul3A_101 = arith.constant 632 : i32
      %mul3A_102 = arith.muli %arg1, %mul3A_101 : i32
      %add3A_103 = arith.constant 512 : i32
      %add3A_104 = arith.addi %mul3A_102, %add3A_103 : i32
      "tpu.region"() ({
        %run_scoped3A = tpu.sem_alloc : memref<!tpu.dma_semaphore, #tpu.memory_space<semaphore_mem>>
        %dma_start3A = arith.constant 0 : i32
        %dma_start3A_105 = arith.constant 0 : i32
        %dma_start3A_106 = tpu.memref_slice %arg10[%dma_start3A, %dma_start3A_105] : memref<128x128xf32, #tpu.memory_space<vmem>> -> memref<120x128xf32, #tpu.memory_space<vmem>>
        %dma_start3A_107 = arith.constant 0 : i32
        %dma_start3A_108 = tpu.memref_slice %arg6[%add3A_104, %dma_start3A_107] : memref<10112x128xf32, #tpu.memory_space<hbm>> -> memref<120x128xf32, #tpu.memory_space<hbm>>
        %dma_start3A_109 = arith.constant 0 : i32
        %dma_start3A_110 = tpu.memref_slice %arg6[%add3A_104, %dma_start3A_109] : memref<10112x128xf32, #tpu.memory_space<hbm>> -> memref<120x128xf32, #tpu.memory_space<hbm>>
        %dma_start3A_111 = arith.constant 0 : i32
        %dma_start3A_112 = arith.constant 0 : i32
        %dma_start3A_113 = tpu.memref_slice %arg10[%dma_start3A_111, %dma_start3A_112] : memref<128x128xf32, #tpu.memory_space<vmem>> -> memref<120x128xf32, #tpu.memory_space<vmem>>
        tpu.enqueue_dma source(%dma_start3A_113 : memref<120x128xf32, #tpu.memory_space<vmem>>) target(%dma_start3A_110 : memref<120x128xf32, #tpu.memory_space<hbm>>) target_semaphore(%run_scoped3A : memref<!tpu.dma_semaphore, #tpu.memory_space<semaphore_mem>>)
        %dma_wait3A = arith.constant 0 : i32
        %dma_wait3A_114 = arith.constant 0 : i32
        %dma_wait3A_115 = tpu.memref_slice %arg10[%dma_wait3A, %dma_wait3A_114] : memref<128x128xf32, #tpu.memory_space<vmem>> -> memref<120x128xf32, #tpu.memory_space<vmem>>
        %dma_wait3A_116 = arith.constant 0 : i32
        %dma_wait3A_117 = tpu.memref_slice %arg6[%add3A_104, %dma_wait3A_116] : memref<10112x128xf32, #tpu.memory_space<hbm>> -> memref<120x128xf32, #tpu.memory_space<hbm>>
        %dma_wait3A_118 = arith.constant 0 : i32
        %dma_wait3A_119 = tpu.memref_slice %arg6[%add3A_104, %dma_wait3A_118] : memref<10112x128xf32, #tpu.memory_space<hbm>> -> memref<120x128xf32, #tpu.memory_space<hbm>>
        %dma_wait3A_120 = arith.constant 0 : i32
        %dma_wait3A_121 = arith.constant 0 : i32
        %dma_wait3A_122 = tpu.memref_slice %arg10[%dma_wait3A_120, %dma_wait3A_121] : memref<128x128xf32, #tpu.memory_space<vmem>> -> memref<120x128xf32, #tpu.memory_space<vmem>>
        tpu.wait_dma2 semaphore(%run_scoped3A : memref<!tpu.dma_semaphore, #tpu.memory_space<semaphore_mem>>) src(%dma_wait3A_122 : memref<120x128xf32, #tpu.memory_space<vmem>>) dst(%dma_wait3A_119 : memref<120x128xf32, #tpu.memory_space<hbm>>)
        tpu.yield
      }) : () -> ()
    } else {
    }
    %eq3A_96 = arith.constant 1 : i32
    %eq3A_97 = arith.cmpi eq, %arg0, %eq3A_96 : i32
    %convert_element_type3A_98 = arith.extui %eq3A_97 : i1 to i32
    %cond3A_99 = arith.constant 0 : i32
    %cond3A_100 = arith.cmpi ne, %convert_element_type3A_98, %cond3A_99 : i32
    scf.if %cond3A_100 {
      %mul3A_101 = arith.constant 632 : i32
      %mul3A_102 = arith.muli %arg1, %mul3A_101 : i32
      %add3A_103 = arith.constant 512 : i32
      %add3A_104 = arith.addi %mul3A_102, %add3A_103 : i32
      "tpu.region"() ({
        %run_scoped3A = tpu.sem_alloc : memref<!tpu.dma_semaphore, #tpu.memory_space<semaphore_mem>>
        %dma_start3A = arith.constant 0 : i32
        %dma_start3A_105 = arith.constant 0 : i32
        %dma_start3A_106 = tpu.memref_slice %arg10[%dma_start3A, %dma_start3A_105] : memref<128x128xf32, #tpu.memory_space<vmem>> -> memref<120x128xf32, #tpu.memory_space<vmem>>
        %dma_start3A_107 = arith.constant 0 : i32
        %dma_start3A_108 = tpu.memref_slice %arg7[%add3A_104, %dma_start3A_107] : memref<10112x128xf32, #tpu.memory_space<hbm>> -> memref<120x128xf32, #tpu.memory_space<hbm>>
        %dma_start3A_109 = arith.constant 0 : i32
        %dma_start3A_110 = tpu.memref_slice %arg7[%add3A_104, %dma_start3A_109] : memref<10112x128xf32, #tpu.memory_space<hbm>> -> memref<120x128xf32, #tpu.memory_space<hbm>>
        %dma_start3A_111 = arith.constant 0 : i32
        %dma_start3A_112 = arith.constant 0 : i32
        %dma_start3A_113 = tpu.memref_slice %arg10[%dma_start3A_111, %dma_start3A_112] : memref<128x128xf32, #tpu.memory_space<vmem>> -> memref<120x128xf32, #tpu.memory_space<vmem>>
        tpu.enqueue_dma source(%dma_start3A_113 : memref<120x128xf32, #tpu.memory_space<vmem>>) target(%dma_start3A_110 : memref<120x128xf32, #tpu.memory_space<hbm>>) target_semaphore(%run_scoped3A : memref<!tpu.dma_semaphore, #tpu.memory_space<semaphore_mem>>)
        %dma_wait3A = arith.constant 0 : i32
        %dma_wait3A_114 = arith.constant 0 : i32
        %dma_wait3A_115 = tpu.memref_slice %arg10[%dma_wait3A, %dma_wait3A_114] : memref<128x128xf32, #tpu.memory_space<vmem>> -> memref<120x128xf32, #tpu.memory_space<vmem>>
        %dma_wait3A_116 = arith.constant 0 : i32
        %dma_wait3A_117 = tpu.memref_slice %arg7[%add3A_104, %dma_wait3A_116] : memref<10112x128xf32, #tpu.memory_space<hbm>> -> memref<120x128xf32, #tpu.memory_space<hbm>>
        %dma_wait3A_118 = arith.constant 0 : i32
        %dma_wait3A_119 = tpu.memref_slice %arg7[%add3A_104, %dma_wait3A_118] : memref<10112x128xf32, #tpu.memory_space<hbm>> -> memref<120x128xf32, #tpu.memory_space<hbm>>
        %dma_wait3A_120 = arith.constant 0 : i32
        %dma_wait3A_121 = arith.constant 0 : i32
        %dma_wait3A_122 = tpu.memref_slice %arg10[%dma_wait3A_120, %dma_wait3A_121] : memref<128x128xf32, #tpu.memory_space<vmem>> -> memref<120x128xf32, #tpu.memory_space<vmem>>
        tpu.wait_dma2 semaphore(%run_scoped3A : memref<!tpu.dma_semaphore, #tpu.memory_space<semaphore_mem>>) src(%dma_wait3A_122 : memref<120x128xf32, #tpu.memory_space<vmem>>) dst(%dma_wait3A_119 : memref<120x128xf32, #tpu.memory_space<hbm>>)
        tpu.yield
      }) : () -> ()
    } else {
    }
    return
  }
}

#map = affine_map<(d0, d1) -> (0, 0)>
module attributes {stable_mosaic.version = 14 : i64} {
  func.func @body(%arg0: i32, %arg1: i32, %arg2: memref<327680x128xf32, #tpu.memory_space<hbm>>, %arg3: memref<2560x128xi32, #tpu.memory_space<hbm>>, %arg4: memref<10112x128xf32, #tpu.memory_space<hbm>>, %arg5: memref<10112x128xf32, #tpu.memory_space<hbm>>, %arg6: memref<2x128xi32, #tpu.memory_space<vmem>>, %arg7: memref<128x128xf32, #tpu.memory_space<vmem>>, %arg8: memref<128x128xf32, #tpu.memory_space<vmem>>, %arg9: memref<10112x128xf32, #tpu.memory_space<vmem_shared>>, %arg10: memref<!tpu.dma_semaphore, #tpu.memory_space<semaphore_mem>>, %arg11: memref<!tpu.dma_semaphore, #tpu.memory_space<semaphore_mem>>) attributes {dimension_semantics = [#tpu.dimension_semantics<core_parallel>, #tpu.dimension_semantics<subcore_parallel>], iteration_bounds = array<i64: 2, 16>, scalar_prefetch = 0 : i64, scratch_operands = 6 : i64, tpu.core_type = #tpu.core_type<sc_vector_subcore>, window_params = [{transform_indices = #map}, {transform_indices = #map}, {transform_indices = #map}, {transform_indices = #map}]} {
    %scan3A = arith.constant 0 : i32
    %scan3A_0 = arith.constant 0 : i32
    %scan3A_1 = arith.constant 128 : i32
    %scan3A_2 = arith.addi %scan3A_0, %scan3A_1 : i32
    %scan3A_3 = arith.constant 1 : i32
    scf.for %scan3A_101 = %scan3A_0 to %scan3A_2 step %scan3A_3  : i32 {
      %broadcast_in_dim3A = arith.constant 0.000000e+00 : f32
      %broadcast_in_dim3A_102 = vector.broadcast %broadcast_in_dim3A : f32 to vector<16xf32>
      %swap3A = arith.index_cast %scan3A_101 : i32 to index
      %swap3A_103 = arith.constant 0 : index
      %swap3A_104 = tpu.vector_load %arg7[%swap3A, %swap3A_103] {strides = array<i32>} : memref<128x128xf32, #tpu.memory_space<vmem>>, vector<1x16xf32>,
      %swap3A_105 = vector.shape_cast %swap3A_104 : vector<1x16xf32> to vector<16xf32>
      %swap3A_106 = vector.shape_cast %broadcast_in_dim3A_102 : vector<16xf32> to vector<1x16xf32>
      tpu.vector_store %arg7[%swap3A, %swap3A_103], %swap3A_106 {strides = array<i32>} : memref<128x128xf32, #tpu.memory_space<vmem>>, vector<1x16xf32>,
      %broadcast_in_dim3A_107 = arith.constant 0.000000e+00 : f32
      %broadcast_in_dim3A_108 = vector.broadcast %broadcast_in_dim3A_107 : f32 to vector<16xf32>
      %swap3A_109 = arith.index_cast %scan3A_101 : i32 to index
      %swap3A_110 = arith.constant 16 : index
      %swap3A_111 = tpu.vector_load %arg7[%swap3A_109, %swap3A_110] {strides = array<i32>} : memref<128x128xf32, #tpu.memory_space<vmem>>, vector<1x16xf32>,
      %swap3A_112 = vector.shape_cast %swap3A_111 : vector<1x16xf32> to vector<16xf32>
      %swap3A_113 = vector.shape_cast %broadcast_in_dim3A_108 : vector<16xf32> to vector<1x16xf32>
      tpu.vector_store %arg7[%swap3A_109, %swap3A_110], %swap3A_113 {strides = array<i32>} : memref<128x128xf32, #tpu.memory_space<vmem>>, vector<1x16xf32>,
      %broadcast_in_dim3A_114 = arith.constant 0.000000e+00 : f32
      %broadcast_in_dim3A_115 = vector.broadcast %broadcast_in_dim3A_114 : f32 to vector<16xf32>
      %swap3A_116 = arith.index_cast %scan3A_101 : i32 to index
      %swap3A_117 = arith.constant 32 : index
      %swap3A_118 = tpu.vector_load %arg7[%swap3A_116, %swap3A_117] {strides = array<i32>} : memref<128x128xf32, #tpu.memory_space<vmem>>, vector<1x16xf32>,
      %swap3A_119 = vector.shape_cast %swap3A_118 : vector<1x16xf32> to vector<16xf32>
      %swap3A_120 = vector.shape_cast %broadcast_in_dim3A_115 : vector<16xf32> to vector<1x16xf32>
      tpu.vector_store %arg7[%swap3A_116, %swap3A_117], %swap3A_120 {strides = array<i32>} : memref<128x128xf32, #tpu.memory_space<vmem>>, vector<1x16xf32>,
      %broadcast_in_dim3A_121 = arith.constant 0.000000e+00 : f32
      %broadcast_in_dim3A_122 = vector.broadcast %broadcast_in_dim3A_121 : f32 to vector<16xf32>
      %swap3A_123 = arith.index_cast %scan3A_101 : i32 to index
      %swap3A_124 = arith.constant 48 : index
      %swap3A_125 = tpu.vector_load %arg7[%swap3A_123, %swap3A_124] {strides = array<i32>} : memref<128x128xf32, #tpu.memory_space<vmem>>, vector<1x16xf32>,
      %swap3A_126 = vector.shape_cast %swap3A_125 : vector<1x16xf32> to vector<16xf32>
      %swap3A_127 = vector.shape_cast %broadcast_in_dim3A_122 : vector<16xf32> to vector<1x16xf32>
      tpu.vector_store %arg7[%swap3A_123, %swap3A_124], %swap3A_127 {strides = array<i32>} : memref<128x128xf32, #tpu.memory_space<vmem>>, vector<1x16xf32>,
      %broadcast_in_dim3A_128 = arith.constant 0.000000e+00 : f32
      %broadcast_in_dim3A_129 = vector.broadcast %broadcast_in_dim3A_128 : f32 to vector<16xf32>
      %swap3A_130 = arith.index_cast %scan3A_101 : i32 to index
      %swap3A_131 = arith.constant 64 : index
      %swap3A_132 = tpu.vector_load %arg7[%swap3A_130, %swap3A_131] {strides = array<i32>} : memref<128x128xf32, #tpu.memory_space<vmem>>, vector<1x16xf32>,
      %swap3A_133 = vector.shape_cast %swap3A_132 : vector<1x16xf32> to vector<16xf32>
      %swap3A_134 = vector.shape_cast %broadcast_in_dim3A_129 : vector<16xf32> to vector<1x16xf32>
      tpu.vector_store %arg7[%swap3A_130, %swap3A_131], %swap3A_134 {strides = array<i32>} : memref<128x128xf32, #tpu.memory_space<vmem>>, vector<1x16xf32>,
      %broadcast_in_dim3A_135 = arith.constant 0.000000e+00 : f32
      %broadcast_in_dim3A_136 = vector.broadcast %broadcast_in_dim3A_135 : f32 to vector<16xf32>
      %swap3A_137 = arith.index_cast %scan3A_101 : i32 to index
      %swap3A_138 = arith.constant 80 : index
      %swap3A_139 = tpu.vector_load %arg7[%swap3A_137, %swap3A_138] {strides = array<i32>} : memref<128x128xf32, #tpu.memory_space<vmem>>, vector<1x16xf32>,
      %swap3A_140 = vector.shape_cast %swap3A_139 : vector<1x16xf32> to vector<16xf32>
      %swap3A_141 = vector.shape_cast %broadcast_in_dim3A_136 : vector<16xf32> to vector<1x16xf32>
      tpu.vector_store %arg7[%swap3A_137, %swap3A_138], %swap3A_141 {strides = array<i32>} : memref<128x128xf32, #tpu.memory_space<vmem>>, vector<1x16xf32>,
      %broadcast_in_dim3A_142 = arith.constant 0.000000e+00 : f32
      %broadcast_in_dim3A_143 = vector.broadcast %broadcast_in_dim3A_142 : f32 to vector<16xf32>
      %swap3A_144 = arith.index_cast %scan3A_101 : i32 to index
      %swap3A_145 = arith.constant 96 : index
      %swap3A_146 = tpu.vector_load %arg7[%swap3A_144, %swap3A_145] {strides = array<i32>} : memref<128x128xf32, #tpu.memory_space<vmem>>, vector<1x16xf32>,
      %swap3A_147 = vector.shape_cast %swap3A_146 : vector<1x16xf32> to vector<16xf32>
      %swap3A_148 = vector.shape_cast %broadcast_in_dim3A_143 : vector<16xf32> to vector<1x16xf32>
      tpu.vector_store %arg7[%swap3A_144, %swap3A_145], %swap3A_148 {strides = array<i32>} : memref<128x128xf32, #tpu.memory_space<vmem>>, vector<1x16xf32>,
      %broadcast_in_dim3A_149 = arith.constant 0.000000e+00 : f32
      %broadcast_in_dim3A_150 = vector.broadcast %broadcast_in_dim3A_149 : f32 to vector<16xf32>
      %swap3A_151 = arith.index_cast %scan3A_101 : i32 to index
      %swap3A_152 = arith.constant 112 : index
      %swap3A_153 = tpu.vector_load %arg7[%swap3A_151, %swap3A_152] {strides = array<i32>} : memref<128x128xf32, #tpu.memory_space<vmem>>, vector<1x16xf32>,
      %swap3A_154 = vector.shape_cast %swap3A_153 : vector<1x16xf32> to vector<16xf32>
      %swap3A_155 = vector.shape_cast %broadcast_in_dim3A_150 : vector<16xf32> to vector<1x16xf32>
      tpu.vector_store %arg7[%swap3A_151, %swap3A_152], %swap3A_155 {strides = array<i32>} : memref<128x128xf32, #tpu.memory_space<vmem>>, vector<1x16xf32>,
    }
    %scan3A_4 = arith.constant 128 : i32
    %mul3A = arith.constant 632 : i32
    %mul3A_5 = arith.muli %arg1, %mul3A : i32
    %add3A = arith.constant 0 : i32
    %add3A_6 = arith.addi %mul3A_5, %add3A : i32
    "tpu.region"() ({
      %run_scoped3A = tpu.sem_alloc : memref<!tpu.dma_semaphore, #tpu.memory_space<semaphore_mem>>
      %dma_start3A = arith.constant 0 : i32
      %dma_start3A_101 = arith.constant 0 : i32
      %dma_start3A_102 = tpu.memref_slice %arg7[%dma_start3A, %dma_start3A_101] : memref<128x128xf32, #tpu.memory_space<vmem>> -> memref<128x128xf32, #tpu.memory_space<vmem>>
      %dma_start3A_103 = arith.constant 0 : i32
      %dma_start3A_104 = tpu.memref_slice %arg9[%add3A_6, %dma_start3A_103] : memref<10112x128xf32, #tpu.memory_space<vmem_shared>> -> memref<128x128xf32, #tpu.memory_space<vmem_shared>>
      %dma_start3A_105 = arith.constant 0 : i32
      %dma_start3A_106 = tpu.memref_slice %arg9[%add3A_6, %dma_start3A_105] : memref<10112x128xf32, #tpu.memory_space<vmem_shared>> -> memref<128x128xf32, #tpu.memory_space<vmem_shared>>
      %dma_start3A_107 = arith.constant 0 : i32
      %dma_start3A_108 = arith.constant 0 : i32
      %dma_start3A_109 = tpu.memref_slice %arg7[%dma_start3A_107, %dma_start3A_108] : memref<128x128xf32, #tpu.memory_space<vmem>> -> memref<128x128xf32, #tpu.memory_space<vmem>>
      tpu.enqueue_dma source(%dma_start3A_109 : memref<128x128xf32, #tpu.memory_space<vmem>>) target(%dma_start3A_106 : memref<128x128xf32, #tpu.memory_space<vmem_shared>>) target_semaphore(%run_scoped3A : memref<!tpu.dma_semaphore, #tpu.memory_space<semaphore_mem>>)
      %dma_wait3A = arith.constant 0 : i32
      %dma_wait3A_110 = arith.constant 0 : i32
      %dma_wait3A_111 = tpu.memref_slice %arg7[%dma_wait3A, %dma_wait3A_110] : memref<128x128xf32, #tpu.memory_space<vmem>> -> memref<128x128xf32, #tpu.memory_space<vmem>>
      %dma_wait3A_112 = arith.constant 0 : i32
      %dma_wait3A_113 = tpu.memref_slice %arg9[%add3A_6, %dma_wait3A_112] : memref<10112x128xf32, #tpu.memory_space<vmem_shared>> -> memref<128x128xf32, #tpu.memory_space<vmem_shared>>
      %dma_wait3A_114 = arith.constant 0 : i32
      %dma_wait3A_115 = tpu.memref_slice %arg9[%add3A_6, %dma_wait3A_114] : memref<10112x128xf32, #tpu.memory_space<vmem_shared>> -> memref<128x128xf32, #tpu.memory_space<vmem_shared>>
      %dma_wait3A_116 = arith.constant 0 : i32
      %dma_wait3A_117 = arith.constant 0 : i32
      %dma_wait3A_118 = tpu.memref_slice %arg7[%dma_wait3A_116, %dma_wait3A_117] : memref<128x128xf32, #tpu.memory_space<vmem>> -> memref<128x128xf32, #tpu.memory_space<vmem>>
      tpu.wait_dma2 semaphore(%run_scoped3A : memref<!tpu.dma_semaphore, #tpu.memory_space<semaphore_mem>>) src(%dma_wait3A_118 : memref<128x128xf32, #tpu.memory_space<vmem>>) dst(%dma_wait3A_115 : memref<128x128xf32, #tpu.memory_space<vmem_shared>>)
      tpu.yield
    }) : () -> ()
    %mul3A_7 = arith.constant 632 : i32
    %mul3A_8 = arith.muli %arg1, %mul3A_7 : i32
    %add3A_9 = arith.constant 128 : i32
    %add3A_10 = arith.addi %mul3A_8, %add3A_9 : i32
    "tpu.region"() ({
      %run_scoped3A = tpu.sem_alloc : memref<!tpu.dma_semaphore, #tpu.memory_space<semaphore_mem>>
      %dma_start3A = arith.constant 0 : i32
      %dma_start3A_101 = arith.constant 0 : i32
      %dma_start3A_102 = tpu.memref_slice %arg7[%dma_start3A, %dma_start3A_101] : memref<128x128xf32, #tpu.memory_space<vmem>> -> memref<128x128xf32, #tpu.memory_space<vmem>>
      %dma_start3A_103 = arith.constant 0 : i32
      %dma_start3A_104 = tpu.memref_slice %arg9[%add3A_10, %dma_start3A_103] : memref<10112x128xf32, #tpu.memory_space<vmem_shared>> -> memref<128x128xf32, #tpu.memory_space<vmem_shared>>
      %dma_start3A_105 = arith.constant 0 : i32
      %dma_start3A_106 = tpu.memref_slice %arg9[%add3A_10, %dma_start3A_105] : memref<10112x128xf32, #tpu.memory_space<vmem_shared>> -> memref<128x128xf32, #tpu.memory_space<vmem_shared>>
      %dma_start3A_107 = arith.constant 0 : i32
      %dma_start3A_108 = arith.constant 0 : i32
      %dma_start3A_109 = tpu.memref_slice %arg7[%dma_start3A_107, %dma_start3A_108] : memref<128x128xf32, #tpu.memory_space<vmem>> -> memref<128x128xf32, #tpu.memory_space<vmem>>
      tpu.enqueue_dma source(%dma_start3A_109 : memref<128x128xf32, #tpu.memory_space<vmem>>) target(%dma_start3A_106 : memref<128x128xf32, #tpu.memory_space<vmem_shared>>) target_semaphore(%run_scoped3A : memref<!tpu.dma_semaphore, #tpu.memory_space<semaphore_mem>>)
      %dma_wait3A = arith.constant 0 : i32
      %dma_wait3A_110 = arith.constant 0 : i32
      %dma_wait3A_111 = tpu.memref_slice %arg7[%dma_wait3A, %dma_wait3A_110] : memref<128x128xf32, #tpu.memory_space<vmem>> -> memref<128x128xf32, #tpu.memory_space<vmem>>
      %dma_wait3A_112 = arith.constant 0 : i32
      %dma_wait3A_113 = tpu.memref_slice %arg9[%add3A_10, %dma_wait3A_112] : memref<10112x128xf32, #tpu.memory_space<vmem_shared>> -> memref<128x128xf32, #tpu.memory_space<vmem_shared>>
      %dma_wait3A_114 = arith.constant 0 : i32
      %dma_wait3A_115 = tpu.memref_slice %arg9[%add3A_10, %dma_wait3A_114] : memref<10112x128xf32, #tpu.memory_space<vmem_shared>> -> memref<128x128xf32, #tpu.memory_space<vmem_shared>>
      %dma_wait3A_116 = arith.constant 0 : i32
      %dma_wait3A_117 = arith.constant 0 : i32
      %dma_wait3A_118 = tpu.memref_slice %arg7[%dma_wait3A_116, %dma_wait3A_117] : memref<128x128xf32, #tpu.memory_space<vmem>> -> memref<128x128xf32, #tpu.memory_space<vmem>>
      tpu.wait_dma2 semaphore(%run_scoped3A : memref<!tpu.dma_semaphore, #tpu.memory_space<semaphore_mem>>) src(%dma_wait3A_118 : memref<128x128xf32, #tpu.memory_space<vmem>>) dst(%dma_wait3A_115 : memref<128x128xf32, #tpu.memory_space<vmem_shared>>)
      tpu.yield
    }) : () -> ()
    %mul3A_11 = arith.constant 632 : i32
    %mul3A_12 = arith.muli %arg1, %mul3A_11 : i32
    %add3A_13 = arith.constant 256 : i32
    %add3A_14 = arith.addi %mul3A_12, %add3A_13 : i32
    "tpu.region"() ({
      %run_scoped3A = tpu.sem_alloc : memref<!tpu.dma_semaphore, #tpu.memory_space<semaphore_mem>>
      %dma_start3A = arith.constant 0 : i32
      %dma_start3A_101 = arith.constant 0 : i32
      %dma_start3A_102 = tpu.memref_slice %arg7[%dma_start3A, %dma_start3A_101] : memref<128x128xf32, #tpu.memory_space<vmem>> -> memref<128x128xf32, #tpu.memory_space<vmem>>
      %dma_start3A_103 = arith.constant 0 : i32
      %dma_start3A_104 = tpu.memref_slice %arg9[%add3A_14, %dma_start3A_103] : memref<10112x128xf32, #tpu.memory_space<vmem_shared>> -> memref<128x128xf32, #tpu.memory_space<vmem_shared>>
      %dma_start3A_105 = arith.constant 0 : i32
      %dma_start3A_106 = tpu.memref_slice %arg9[%add3A_14, %dma_start3A_105] : memref<10112x128xf32, #tpu.memory_space<vmem_shared>> -> memref<128x128xf32, #tpu.memory_space<vmem_shared>>
      %dma_start3A_107 = arith.constant 0 : i32
      %dma_start3A_108 = arith.constant 0 : i32
      %dma_start3A_109 = tpu.memref_slice %arg7[%dma_start3A_107, %dma_start3A_108] : memref<128x128xf32, #tpu.memory_space<vmem>> -> memref<128x128xf32, #tpu.memory_space<vmem>>
      tpu.enqueue_dma source(%dma_start3A_109 : memref<128x128xf32, #tpu.memory_space<vmem>>) target(%dma_start3A_106 : memref<128x128xf32, #tpu.memory_space<vmem_shared>>) target_semaphore(%run_scoped3A : memref<!tpu.dma_semaphore, #tpu.memory_space<semaphore_mem>>)
      %dma_wait3A = arith.constant 0 : i32
      %dma_wait3A_110 = arith.constant 0 : i32
      %dma_wait3A_111 = tpu.memref_slice %arg7[%dma_wait3A, %dma_wait3A_110] : memref<128x128xf32, #tpu.memory_space<vmem>> -> memref<128x128xf32, #tpu.memory_space<vmem>>
      %dma_wait3A_112 = arith.constant 0 : i32
      %dma_wait3A_113 = tpu.memref_slice %arg9[%add3A_14, %dma_wait3A_112] : memref<10112x128xf32, #tpu.memory_space<vmem_shared>> -> memref<128x128xf32, #tpu.memory_space<vmem_shared>>
      %dma_wait3A_114 = arith.constant 0 : i32
      %dma_wait3A_115 = tpu.memref_slice %arg9[%add3A_14, %dma_wait3A_114] : memref<10112x128xf32, #tpu.memory_space<vmem_shared>> -> memref<128x128xf32, #tpu.memory_space<vmem_shared>>
      %dma_wait3A_116 = arith.constant 0 : i32
      %dma_wait3A_117 = arith.constant 0 : i32
      %dma_wait3A_118 = tpu.memref_slice %arg7[%dma_wait3A_116, %dma_wait3A_117] : memref<128x128xf32, #tpu.memory_space<vmem>> -> memref<128x128xf32, #tpu.memory_space<vmem>>
      tpu.wait_dma2 semaphore(%run_scoped3A : memref<!tpu.dma_semaphore, #tpu.memory_space<semaphore_mem>>) src(%dma_wait3A_118 : memref<128x128xf32, #tpu.memory_space<vmem>>) dst(%dma_wait3A_115 : memref<128x128xf32, #tpu.memory_space<vmem_shared>>)
      tpu.yield
    }) : () -> ()
    %mul3A_15 = arith.constant 632 : i32
    %mul3A_16 = arith.muli %arg1, %mul3A_15 : i32
    %add3A_17 = arith.constant 384 : i32
    %add3A_18 = arith.addi %mul3A_16, %add3A_17 : i32
    "tpu.region"() ({
      %run_scoped3A = tpu.sem_alloc : memref<!tpu.dma_semaphore, #tpu.memory_space<semaphore_mem>>
      %dma_start3A = arith.constant 0 : i32
      %dma_start3A_101 = arith.constant 0 : i32
      %dma_start3A_102 = tpu.memref_slice %arg7[%dma_start3A, %dma_start3A_101] : memref<128x128xf32, #tpu.memory_space<vmem>> -> memref<128x128xf32, #tpu.memory_space<vmem>>
      %dma_start3A_103 = arith.constant 0 : i32
      %dma_start3A_104 = tpu.memref_slice %arg9[%add3A_18, %dma_start3A_103] : memref<10112x128xf32, #tpu.memory_space<vmem_shared>> -> memref<128x128xf32, #tpu.memory_space<vmem_shared>>
      %dma_start3A_105 = arith.constant 0 : i32
      %dma_start3A_106 = tpu.memref_slice %arg9[%add3A_18, %dma_start3A_105] : memref<10112x128xf32, #tpu.memory_space<vmem_shared>> -> memref<128x128xf32, #tpu.memory_space<vmem_shared>>
      %dma_start3A_107 = arith.constant 0 : i32
      %dma_start3A_108 = arith.constant 0 : i32
      %dma_start3A_109 = tpu.memref_slice %arg7[%dma_start3A_107, %dma_start3A_108] : memref<128x128xf32, #tpu.memory_space<vmem>> -> memref<128x128xf32, #tpu.memory_space<vmem>>
      tpu.enqueue_dma source(%dma_start3A_109 : memref<128x128xf32, #tpu.memory_space<vmem>>) target(%dma_start3A_106 : memref<128x128xf32, #tpu.memory_space<vmem_shared>>) target_semaphore(%run_scoped3A : memref<!tpu.dma_semaphore, #tpu.memory_space<semaphore_mem>>)
      %dma_wait3A = arith.constant 0 : i32
      %dma_wait3A_110 = arith.constant 0 : i32
      %dma_wait3A_111 = tpu.memref_slice %arg7[%dma_wait3A, %dma_wait3A_110] : memref<128x128xf32, #tpu.memory_space<vmem>> -> memref<128x128xf32, #tpu.memory_space<vmem>>
      %dma_wait3A_112 = arith.constant 0 : i32
      %dma_wait3A_113 = tpu.memref_slice %arg9[%add3A_18, %dma_wait3A_112] : memref<10112x128xf32, #tpu.memory_space<vmem_shared>> -> memref<128x128xf32, #tpu.memory_space<vmem_shared>>
      %dma_wait3A_114 = arith.constant 0 : i32
      %dma_wait3A_115 = tpu.memref_slice %arg9[%add3A_18, %dma_wait3A_114] : memref<10112x128xf32, #tpu.memory_space<vmem_shared>> -> memref<128x128xf32, #tpu.memory_space<vmem_shared>>
      %dma_wait3A_116 = arith.constant 0 : i32
      %dma_wait3A_117 = arith.constant 0 : i32
      %dma_wait3A_118 = tpu.memref_slice %arg7[%dma_wait3A_116, %dma_wait3A_117] : memref<128x128xf32, #tpu.memory_space<vmem>> -> memref<128x128xf32, #tpu.memory_space<vmem>>
      tpu.wait_dma2 semaphore(%run_scoped3A : memref<!tpu.dma_semaphore, #tpu.memory_space<semaphore_mem>>) src(%dma_wait3A_118 : memref<128x128xf32, #tpu.memory_space<vmem>>) dst(%dma_wait3A_115 : memref<128x128xf32, #tpu.memory_space<vmem_shared>>)
      tpu.yield
    }) : () -> ()
    %mul3A_19 = arith.constant 632 : i32
    %mul3A_20 = arith.muli %arg1, %mul3A_19 : i32
    %add3A_21 = arith.constant 512 : i32
    %add3A_22 = arith.addi %mul3A_20, %add3A_21 : i32
    "tpu.region"() ({
      %run_scoped3A = tpu.sem_alloc : memref<!tpu.dma_semaphore, #tpu.memory_space<semaphore_mem>>
      %dma_start3A = arith.constant 0 : i32
      %dma_start3A_101 = arith.constant 0 : i32
      %dma_start3A_102 = tpu.memref_slice %arg7[%dma_start3A, %dma_start3A_101] : memref<128x128xf32, #tpu.memory_space<vmem>> -> memref<120x128xf32, #tpu.memory_space<vmem>>
      %dma_start3A_103 = arith.constant 0 : i32
      %dma_start3A_104 = tpu.memref_slice %arg9[%add3A_22, %dma_start3A_103] : memref<10112x128xf32, #tpu.memory_space<vmem_shared>> -> memref<120x128xf32, #tpu.memory_space<vmem_shared>>
      %dma_start3A_105 = arith.constant 0 : i32
      %dma_start3A_106 = tpu.memref_slice %arg9[%add3A_22, %dma_start3A_105] : memref<10112x128xf32, #tpu.memory_space<vmem_shared>> -> memref<120x128xf32, #tpu.memory_space<vmem_shared>>
      %dma_start3A_107 = arith.constant 0 : i32
      %dma_start3A_108 = arith.constant 0 : i32
      %dma_start3A_109 = tpu.memref_slice %arg7[%dma_start3A_107, %dma_start3A_108] : memref<128x128xf32, #tpu.memory_space<vmem>> -> memref<120x128xf32, #tpu.memory_space<vmem>>
      tpu.enqueue_dma source(%dma_start3A_109 : memref<120x128xf32, #tpu.memory_space<vmem>>) target(%dma_start3A_106 : memref<120x128xf32, #tpu.memory_space<vmem_shared>>) target_semaphore(%run_scoped3A : memref<!tpu.dma_semaphore, #tpu.memory_space<semaphore_mem>>)
      %dma_wait3A = arith.constant 0 : i32
      %dma_wait3A_110 = arith.constant 0 : i32
      %dma_wait3A_111 = tpu.memref_slice %arg7[%dma_wait3A, %dma_wait3A_110] : memref<128x128xf32, #tpu.memory_space<vmem>> -> memref<120x128xf32, #tpu.memory_space<vmem>>
      %dma_wait3A_112 = arith.constant 0 : i32
      %dma_wait3A_113 = tpu.memref_slice %arg9[%add3A_22, %dma_wait3A_112] : memref<10112x128xf32, #tpu.memory_space<vmem_shared>> -> memref<120x128xf32, #tpu.memory_space<vmem_shared>>
      %dma_wait3A_114 = arith.constant 0 : i32
      %dma_wait3A_115 = tpu.memref_slice %arg9[%add3A_22, %dma_wait3A_114] : memref<10112x128xf32, #tpu.memory_space<vmem_shared>> -> memref<120x128xf32, #tpu.memory_space<vmem_shared>>
      %dma_wait3A_116 = arith.constant 0 : i32
      %dma_wait3A_117 = arith.constant 0 : i32
      %dma_wait3A_118 = tpu.memref_slice %arg7[%dma_wait3A_116, %dma_wait3A_117] : memref<128x128xf32, #tpu.memory_space<vmem>> -> memref<120x128xf32, #tpu.memory_space<vmem>>
      tpu.wait_dma2 semaphore(%run_scoped3A : memref<!tpu.dma_semaphore, #tpu.memory_space<semaphore_mem>>) src(%dma_wait3A_118 : memref<120x128xf32, #tpu.memory_space<vmem>>) dst(%dma_wait3A_115 : memref<120x128xf32, #tpu.memory_space<vmem_shared>>)
      tpu.yield
    }) : () -> ()
    %barrier3A = arith.constant 0 : index
    tpu.barrier barrier_id(%barrier3A)
    %eq3A = arith.constant 0 : i32
    %eq3A_23 = arith.cmpi eq, %arg0, %eq3A : i32
    %convert_element_type3A = arith.extui %eq3A_23 : i1 to i32
    %cond3A = arith.constant 0 : i32
    %cond3A_24 = arith.cmpi ne, %convert_element_type3A, %cond3A : i32
    scf.if %cond3A_24 {
      %mul3A_101 = arith.constant 80 : i32
      %mul3A_102 = arith.muli %arg1, %mul3A_101 : i32
      %scan3A_103 = arith.constant 0 : i32
      %scan3A_104 = arith.constant 0 : i32
      %scan3A_105 = arith.constant 40 : i32
      %scan3A_106 = arith.addi %scan3A_104, %scan3A_105 : i32
      %scan3A_107 = arith.constant 1 : i32
      scf.for %scan3A_109 = %scan3A_104 to %scan3A_106 step %scan3A_107  : i32 {
        %mul3A_110 = arith.constant 2 : i32
        %mul3A_111 = arith.muli %mul3A_110, %scan3A_109 : i32
        %add3A_112 = arith.addi %mul3A_102, %mul3A_111 : i32
        %mul3A_113 = arith.constant 128 : i32
        %mul3A_114 = arith.muli %add3A_112, %mul3A_113 : i32
        %dma_start3A = arith.constant 0 : i32
        %dma_start3A_115 = tpu.memref_slice %arg2[%mul3A_114, %dma_start3A] : memref<327680x128xf32, #tpu.memory_space<hbm>> -> memref<128x128xf32, #tpu.memory_space<hbm>>
        %dma_start3A_116 = arith.constant 0 : i32
        %dma_start3A_117 = tpu.memref_slice %arg2[%mul3A_114, %dma_start3A_116] : memref<327680x128xf32, #tpu.memory_space<hbm>> -> memref<128x128xf32, #tpu.memory_space<hbm>>
        tpu.enqueue_dma source(%dma_start3A_117 : memref<128x128xf32, #tpu.memory_space<hbm>>) target(%arg7 : memref<128x128xf32, #tpu.memory_space<vmem>>) target_semaphore(%arg10 : memref<!tpu.dma_semaphore, #tpu.memory_space<semaphore_mem>>)
        %add3A_118 = arith.constant 1 : i32
        %add3A_119 = arith.addi %mul3A_111, %add3A_118 : i32
        %add3A_120 = arith.addi %mul3A_102, %add3A_119 : i32
        %mul3A_121 = arith.constant 128 : i32
        %mul3A_122 = arith.muli %add3A_120, %mul3A_121 : i32
        %dma_start3A_123 = arith.constant 0 : i32
        %dma_start3A_124 = tpu.memref_slice %arg2[%mul3A_122, %dma_start3A_123] : memref<327680x128xf32, #tpu.memory_space<hbm>> -> memref<128x128xf32, #tpu.memory_space<hbm>>
        %dma_start3A_125 = arith.constant 0 : i32
        %dma_start3A_126 = tpu.memref_slice %arg2[%mul3A_122, %dma_start3A_125] : memref<327680x128xf32, #tpu.memory_space<hbm>> -> memref<128x128xf32, #tpu.memory_space<hbm>>
        tpu.enqueue_dma source(%dma_start3A_126 : memref<128x128xf32, #tpu.memory_space<hbm>>) target(%arg8 : memref<128x128xf32, #tpu.memory_space<vmem>>) target_semaphore(%arg11 : memref<!tpu.dma_semaphore, #tpu.memory_space<semaphore_mem>>)
        %add3A_127 = arith.addi %mul3A_102, %mul3A_111 : i32
        "tpu.region"() ({
          %run_scoped3A_136 = tpu.sem_alloc : memref<!tpu.dma_semaphore, #tpu.memory_space<semaphore_mem>>
          %dma_start3A_137 = arith.constant 0 : i32
          %dma_start3A_138 = tpu.memref_slice %arg3[%add3A_127, %dma_start3A_137] : memref<2560x128xi32, #tpu.memory_space<hbm>> -> memref<2x128xi32, #tpu.memory_space<hbm>>
          %dma_start3A_139 = arith.constant 0 : i32
          %dma_start3A_140 = tpu.memref_slice %arg3[%add3A_127, %dma_start3A_139] : memref<2560x128xi32, #tpu.memory_space<hbm>> -> memref<2x128xi32, #tpu.memory_space<hbm>>
          tpu.enqueue_dma source(%dma_start3A_140 : memref<2x128xi32, #tpu.memory_space<hbm>>) target(%arg6 : memref<2x128xi32, #tpu.memory_space<vmem>>) target_semaphore(%run_scoped3A_136 : memref<!tpu.dma_semaphore, #tpu.memory_space<semaphore_mem>>)
          %dma_wait3A_141 = arith.constant 0 : i32
          %dma_wait3A_142 = tpu.memref_slice %arg3[%add3A_127, %dma_wait3A_141] : memref<2560x128xi32, #tpu.memory_space<hbm>> -> memref<2x128xi32, #tpu.memory_space<hbm>>
          %dma_wait3A_143 = arith.constant 0 : i32
          %dma_wait3A_144 = tpu.memref_slice %arg3[%add3A_127, %dma_wait3A_143] : memref<2560x128xi32, #tpu.memory_space<hbm>> -> memref<2x128xi32, #tpu.memory_space<hbm>>
          tpu.wait_dma2 semaphore(%run_scoped3A_136 : memref<!tpu.dma_semaphore, #tpu.memory_space<semaphore_mem>>) src(%dma_wait3A_144 : memref<2x128xi32, #tpu.memory_space<hbm>>) dst(%arg6 : memref<2x128xi32, #tpu.memory_space<vmem>>)
          tpu.yield
        }) : () -> ()
        %dma_wait3A = arith.constant 0 : i32
        %dma_wait3A_128 = tpu.memref_slice %arg2[%mul3A_114, %dma_wait3A] : memref<327680x128xf32, #tpu.memory_space<hbm>> -> memref<128x128xf32, #tpu.memory_space<hbm>>
        %dma_wait3A_129 = arith.constant 0 : i32
        %dma_wait3A_130 = tpu.memref_slice %arg2[%mul3A_114, %dma_wait3A_129] : memref<327680x128xf32, #tpu.memory_space<hbm>> -> memref<128x128xf32, #tpu.memory_space<hbm>>
        tpu.wait_dma2 semaphore(%arg10 : memref<!tpu.dma_semaphore, #tpu.memory_space<semaphore_mem>>) src(%dma_wait3A_130 : memref<128x128xf32, #tpu.memory_space<hbm>>) dst(%arg7 : memref<128x128xf32, #tpu.memory_space<vmem>>)
        %run_scoped3A = arith.constant 0 : i32
        "tpu.region"() ({
          %run_scoped3A_136 = tpu.sem_alloc : memref<!tpu.dma_semaphore, #tpu.memory_space<semaphore_mem>>
          %dma_start3A_137 = arith.constant 0 : i32
          %dma_start3A_138 = tpu.memref_slice %arg6[%run_scoped3A, %dma_start3A_137] : memref<2x128xi32, #tpu.memory_space<vmem>> -> memref<1x128xi32, #tpu.memory_space<vmem>>
          %dma_start3A_139 = tpu.memref_squeeze %dma_start3A_138 : memref<1x128xi32, #tpu.memory_space<vmem>> -> memref<128xi32, #tpu.memory_space<vmem>>
          %dma_start3A_140 = arith.constant 0 : i32
          %dma_start3A_141 = arith.constant 0 : i32
          %dma_start3A_142 = tpu.memref_slice %arg9[%dma_start3A_140, %dma_start3A_141] : memref<10112x128xf32, #tpu.memory_space<vmem_shared>> -> memref<10112x128xf32, #tpu.memory_space<vmem_shared>>
          tpu.enqueue_indirect_dma source(%arg7 : memref<128x128xf32, #tpu.memory_space<vmem>>) target(%dma_start3A_142 : memref<10112x128xf32, #tpu.memory_space<vmem_shared>>) offsets(%dma_start3A_139 : memref<128xi32, #tpu.memory_space<vmem>>) semaphore(%run_scoped3A_136 : memref<!tpu.dma_semaphore, #tpu.memory_space<semaphore_mem>>) {add = true}
          %dma_wait3A_143 = arith.constant 0 : i32
          %dma_wait3A_144 = tpu.memref_slice %arg6[%run_scoped3A, %dma_wait3A_143] : memref<2x128xi32, #tpu.memory_space<vmem>> -> memref<1x128xi32, #tpu.memory_space<vmem>>
          %dma_wait3A_145 = tpu.memref_squeeze %dma_wait3A_144 : memref<1x128xi32, #tpu.memory_space<vmem>> -> memref<128xi32, #tpu.memory_space<vmem>>
          %dma_wait3A_146 = arith.constant 0 : i32
          %dma_wait3A_147 = arith.constant 0 : i32
          %dma_wait3A_148 = tpu.memref_slice %arg9[%dma_wait3A_146, %dma_wait3A_147] : memref<10112x128xf32, #tpu.memory_space<vmem_shared>> -> memref<10112x128xf32, #tpu.memory_space<vmem_shared>>
          tpu.wait_indirect_dma semaphore(%run_scoped3A_136 : memref<!tpu.dma_semaphore, #tpu.memory_space<semaphore_mem>>) src(%arg7 : memref<128x128xf32, #tpu.memory_space<vmem>>) dst(%dma_wait3A_148 : memref<10112x128xf32, #tpu.memory_space<vmem_shared>>)
          tpu.yield
        }) : () -> ()
        %dma_wait3A_131 = arith.constant 0 : i32
        %dma_wait3A_132 = tpu.memref_slice %arg2[%mul3A_122, %dma_wait3A_131] : memref<327680x128xf32, #tpu.memory_space<hbm>> -> memref<128x128xf32, #tpu.memory_space<hbm>>
        %dma_wait3A_133 = arith.constant 0 : i32
        %dma_wait3A_134 = tpu.memref_slice %arg2[%mul3A_122, %dma_wait3A_133] : memref<327680x128xf32, #tpu.memory_space<hbm>> -> memref<128x128xf32, #tpu.memory_space<hbm>>
        tpu.wait_dma2 semaphore(%arg11 : memref<!tpu.dma_semaphore, #tpu.memory_space<semaphore_mem>>) src(%dma_wait3A_134 : memref<128x128xf32, #tpu.memory_space<hbm>>) dst(%arg8 : memref<128x128xf32, #tpu.memory_space<vmem>>)
        %run_scoped3A_135 = arith.constant 1 : i32
        "tpu.region"() ({
          %run_scoped3A_136 = tpu.sem_alloc : memref<!tpu.dma_semaphore, #tpu.memory_space<semaphore_mem>>
          %dma_start3A_137 = arith.constant 0 : i32
          %dma_start3A_138 = tpu.memref_slice %arg6[%run_scoped3A_135, %dma_start3A_137] : memref<2x128xi32, #tpu.memory_space<vmem>> -> memref<1x128xi32, #tpu.memory_space<vmem>>
          %dma_start3A_139 = tpu.memref_squeeze %dma_start3A_138 : memref<1x128xi32, #tpu.memory_space<vmem>> -> memref<128xi32, #tpu.memory_space<vmem>>
          %dma_start3A_140 = arith.constant 0 : i32
          %dma_start3A_141 = arith.constant 0 : i32
          %dma_start3A_142 = tpu.memref_slice %arg9[%dma_start3A_140, %dma_start3A_141] : memref<10112x128xf32, #tpu.memory_space<vmem_shared>> -> memref<10112x128xf32, #tpu.memory_space<vmem_shared>>
          tpu.enqueue_indirect_dma source(%arg8 : memref<128x128xf32, #tpu.memory_space<vmem>>) target(%dma_start3A_142 : memref<10112x128xf32, #tpu.memory_space<vmem_shared>>) offsets(%dma_start3A_139 : memref<128xi32, #tpu.memory_space<vmem>>) semaphore(%run_scoped3A_136 : memref<!tpu.dma_semaphore, #tpu.memory_space<semaphore_mem>>) {add = true}
          %dma_wait3A_143 = arith.constant 0 : i32
          %dma_wait3A_144 = tpu.memref_slice %arg6[%run_scoped3A_135, %dma_wait3A_143] : memref<2x128xi32, #tpu.memory_space<vmem>> -> memref<1x128xi32, #tpu.memory_space<vmem>>
          %dma_wait3A_145 = tpu.memref_squeeze %dma_wait3A_144 : memref<1x128xi32, #tpu.memory_space<vmem>> -> memref<128xi32, #tpu.memory_space<vmem>>
          %dma_wait3A_146 = arith.constant 0 : i32
          %dma_wait3A_147 = arith.constant 0 : i32
          %dma_wait3A_148 = tpu.memref_slice %arg9[%dma_wait3A_146, %dma_wait3A_147] : memref<10112x128xf32, #tpu.memory_space<vmem_shared>> -> memref<10112x128xf32, #tpu.memory_space<vmem_shared>>
          tpu.wait_indirect_dma semaphore(%run_scoped3A_136 : memref<!tpu.dma_semaphore, #tpu.memory_space<semaphore_mem>>) src(%arg8 : memref<128x128xf32, #tpu.memory_space<vmem>>) dst(%dma_wait3A_148 : memref<10112x128xf32, #tpu.memory_space<vmem_shared>>)
          tpu.yield
        }) : () -> ()
      }
      %scan3A_108 = arith.constant 40 : i32
    } else {
    }
    %eq3A_25 = arith.constant 1 : i32
    %eq3A_26 = arith.cmpi eq, %arg0, %eq3A_25 : i32
    %convert_element_type3A_27 = arith.extui %eq3A_26 : i1 to i32
    %cond3A_28 = arith.constant 0 : i32
    %cond3A_29 = arith.cmpi ne, %convert_element_type3A_27, %cond3A_28 : i32
    scf.if %cond3A_29 {
      %mul3A_101 = arith.constant 80 : i32
      %mul3A_102 = arith.muli %arg1, %mul3A_101 : i32
      %add3A_103 = arith.constant 1280 : i32
      %add3A_104 = arith.addi %add3A_103, %mul3A_102 : i32
      %scan3A_105 = arith.constant 0 : i32
      %scan3A_106 = arith.constant 0 : i32
      %scan3A_107 = arith.constant 40 : i32
      %scan3A_108 = arith.addi %scan3A_106, %scan3A_107 : i32
      %scan3A_109 = arith.constant 1 : i32
      scf.for %scan3A_111 = %scan3A_106 to %scan3A_108 step %scan3A_109  : i32 {
        %mul3A_112 = arith.constant 2 : i32
        %mul3A_113 = arith.muli %mul3A_112, %scan3A_111 : i32
        %add3A_114 = arith.addi %add3A_104, %mul3A_113 : i32
        %mul3A_115 = arith.constant 128 : i32
        %mul3A_116 = arith.muli %add3A_114, %mul3A_115 : i32
        %dma_start3A = arith.constant 0 : i32
        %dma_start3A_117 = tpu.memref_slice %arg2[%mul3A_116, %dma_start3A] : memref<327680x128xf32, #tpu.memory_space<hbm>> -> memref<128x128xf32, #tpu.memory_space<hbm>>
        %dma_start3A_118 = arith.constant 0 : i32
        %dma_start3A_119 = tpu.memref_slice %arg2[%mul3A_116, %dma_start3A_118] : memref<327680x128xf32, #tpu.memory_space<hbm>> -> memref<128x128xf32, #tpu.memory_space<hbm>>
        tpu.enqueue_dma source(%dma_start3A_119 : memref<128x128xf32, #tpu.memory_space<hbm>>) target(%arg7 : memref<128x128xf32, #tpu.memory_space<vmem>>) target_semaphore(%arg10 : memref<!tpu.dma_semaphore, #tpu.memory_space<semaphore_mem>>)
        %add3A_120 = arith.constant 1 : i32
        %add3A_121 = arith.addi %mul3A_113, %add3A_120 : i32
        %add3A_122 = arith.addi %add3A_104, %add3A_121 : i32
        %mul3A_123 = arith.constant 128 : i32
        %mul3A_124 = arith.muli %add3A_122, %mul3A_123 : i32
        %dma_start3A_125 = arith.constant 0 : i32
        %dma_start3A_126 = tpu.memref_slice %arg2[%mul3A_124, %dma_start3A_125] : memref<327680x128xf32, #tpu.memory_space<hbm>> -> memref<128x128xf32, #tpu.memory_space<hbm>>
        %dma_start3A_127 = arith.constant 0 : i32
        %dma_start3A_128 = tpu.memref_slice %arg2[%mul3A_124, %dma_start3A_127] : memref<327680x128xf32, #tpu.memory_space<hbm>> -> memref<128x128xf32, #tpu.memory_space<hbm>>
        tpu.enqueue_dma source(%dma_start3A_128 : memref<128x128xf32, #tpu.memory_space<hbm>>) target(%arg8 : memref<128x128xf32, #tpu.memory_space<vmem>>) target_semaphore(%arg11 : memref<!tpu.dma_semaphore, #tpu.memory_space<semaphore_mem>>)
        %add3A_129 = arith.addi %add3A_104, %mul3A_113 : i32
        "tpu.region"() ({
          %run_scoped3A_138 = tpu.sem_alloc : memref<!tpu.dma_semaphore, #tpu.memory_space<semaphore_mem>>
          %dma_start3A_139 = arith.constant 0 : i32
          %dma_start3A_140 = tpu.memref_slice %arg3[%add3A_129, %dma_start3A_139] : memref<2560x128xi32, #tpu.memory_space<hbm>> -> memref<2x128xi32, #tpu.memory_space<hbm>>
          %dma_start3A_141 = arith.constant 0 : i32
          %dma_start3A_142 = tpu.memref_slice %arg3[%add3A_129, %dma_start3A_141] : memref<2560x128xi32, #tpu.memory_space<hbm>> -> memref<2x128xi32, #tpu.memory_space<hbm>>
          tpu.enqueue_dma source(%dma_start3A_142 : memref<2x128xi32, #tpu.memory_space<hbm>>) target(%arg6 : memref<2x128xi32, #tpu.memory_space<vmem>>) target_semaphore(%run_scoped3A_138 : memref<!tpu.dma_semaphore, #tpu.memory_space<semaphore_mem>>)
          %dma_wait3A_143 = arith.constant 0 : i32
          %dma_wait3A_144 = tpu.memref_slice %arg3[%add3A_129, %dma_wait3A_143] : memref<2560x128xi32, #tpu.memory_space<hbm>> -> memref<2x128xi32, #tpu.memory_space<hbm>>
          %dma_wait3A_145 = arith.constant 0 : i32
          %dma_wait3A_146 = tpu.memref_slice %arg3[%add3A_129, %dma_wait3A_145] : memref<2560x128xi32, #tpu.memory_space<hbm>> -> memref<2x128xi32, #tpu.memory_space<hbm>>
          tpu.wait_dma2 semaphore(%run_scoped3A_138 : memref<!tpu.dma_semaphore, #tpu.memory_space<semaphore_mem>>) src(%dma_wait3A_146 : memref<2x128xi32, #tpu.memory_space<hbm>>) dst(%arg6 : memref<2x128xi32, #tpu.memory_space<vmem>>)
          tpu.yield
        }) : () -> ()
        %dma_wait3A = arith.constant 0 : i32
        %dma_wait3A_130 = tpu.memref_slice %arg2[%mul3A_116, %dma_wait3A] : memref<327680x128xf32, #tpu.memory_space<hbm>> -> memref<128x128xf32, #tpu.memory_space<hbm>>
        %dma_wait3A_131 = arith.constant 0 : i32
        %dma_wait3A_132 = tpu.memref_slice %arg2[%mul3A_116, %dma_wait3A_131] : memref<327680x128xf32, #tpu.memory_space<hbm>> -> memref<128x128xf32, #tpu.memory_space<hbm>>
        tpu.wait_dma2 semaphore(%arg10 : memref<!tpu.dma_semaphore, #tpu.memory_space<semaphore_mem>>) src(%dma_wait3A_132 : memref<128x128xf32, #tpu.memory_space<hbm>>) dst(%arg7 : memref<128x128xf32, #tpu.memory_space<vmem>>)
        %run_scoped3A = arith.constant 0 : i32
        "tpu.region"() ({
          %run_scoped3A_138 = tpu.sem_alloc : memref<!tpu.dma_semaphore, #tpu.memory_space<semaphore_mem>>
          %dma_start3A_139 = arith.constant 0 : i32
          %dma_start3A_140 = tpu.memref_slice %arg6[%run_scoped3A, %dma_start3A_139] : memref<2x128xi32, #tpu.memory_space<vmem>> -> memref<1x128xi32, #tpu.memory_space<vmem>>
          %dma_start3A_141 = tpu.memref_squeeze %dma_start3A_140 : memref<1x128xi32, #tpu.memory_space<vmem>> -> memref<128xi32, #tpu.memory_space<vmem>>
          %dma_start3A_142 = arith.constant 0 : i32
          %dma_start3A_143 = arith.constant 0 : i32
          %dma_start3A_144 = tpu.memref_slice %arg9[%dma_start3A_142, %dma_start3A_143] : memref<10112x128xf32, #tpu.memory_space<vmem_shared>> -> memref<10112x128xf32, #tpu.memory_space<vmem_shared>>
          tpu.enqueue_indirect_dma source(%arg7 : memref<128x128xf32, #tpu.memory_space<vmem>>) target(%dma_start3A_144 : memref<10112x128xf32, #tpu.memory_space<vmem_shared>>) offsets(%dma_start3A_141 : memref<128xi32, #tpu.memory_space<vmem>>) semaphore(%run_scoped3A_138 : memref<!tpu.dma_semaphore, #tpu.memory_space<semaphore_mem>>) {add = true}
          %dma_wait3A_145 = arith.constant 0 : i32
          %dma_wait3A_146 = tpu.memref_slice %arg6[%run_scoped3A, %dma_wait3A_145] : memref<2x128xi32, #tpu.memory_space<vmem>> -> memref<1x128xi32, #tpu.memory_space<vmem>>
          %dma_wait3A_147 = tpu.memref_squeeze %dma_wait3A_146 : memref<1x128xi32, #tpu.memory_space<vmem>> -> memref<128xi32, #tpu.memory_space<vmem>>
          %dma_wait3A_148 = arith.constant 0 : i32
          %dma_wait3A_149 = arith.constant 0 : i32
          %dma_wait3A_150 = tpu.memref_slice %arg9[%dma_wait3A_148, %dma_wait3A_149] : memref<10112x128xf32, #tpu.memory_space<vmem_shared>> -> memref<10112x128xf32, #tpu.memory_space<vmem_shared>>
          tpu.wait_indirect_dma semaphore(%run_scoped3A_138 : memref<!tpu.dma_semaphore, #tpu.memory_space<semaphore_mem>>) src(%arg7 : memref<128x128xf32, #tpu.memory_space<vmem>>) dst(%dma_wait3A_150 : memref<10112x128xf32, #tpu.memory_space<vmem_shared>>)
          tpu.yield
        }) : () -> ()
        %dma_wait3A_133 = arith.constant 0 : i32
        %dma_wait3A_134 = tpu.memref_slice %arg2[%mul3A_124, %dma_wait3A_133] : memref<327680x128xf32, #tpu.memory_space<hbm>> -> memref<128x128xf32, #tpu.memory_space<hbm>>
        %dma_wait3A_135 = arith.constant 0 : i32
        %dma_wait3A_136 = tpu.memref_slice %arg2[%mul3A_124, %dma_wait3A_135] : memref<327680x128xf32, #tpu.memory_space<hbm>> -> memref<128x128xf32, #tpu.memory_space<hbm>>
        tpu.wait_dma2 semaphore(%arg11 : memref<!tpu.dma_semaphore, #tpu.memory_space<semaphore_mem>>) src(%dma_wait3A_136 : memref<128x128xf32, #tpu.memory_space<hbm>>) dst(%arg8 : memref<128x128xf32, #tpu.memory_space<vmem>>)
        %run_scoped3A_137 = arith.constant 1 : i32
        "tpu.region"() ({
          %run_scoped3A_138 = tpu.sem_alloc : memref<!tpu.dma_semaphore, #tpu.memory_space<semaphore_mem>>
          %dma_start3A_139 = arith.constant 0 : i32
          %dma_start3A_140 = tpu.memref_slice %arg6[%run_scoped3A_137, %dma_start3A_139] : memref<2x128xi32, #tpu.memory_space<vmem>> -> memref<1x128xi32, #tpu.memory_space<vmem>>
          %dma_start3A_141 = tpu.memref_squeeze %dma_start3A_140 : memref<1x128xi32, #tpu.memory_space<vmem>> -> memref<128xi32, #tpu.memory_space<vmem>>
          %dma_start3A_142 = arith.constant 0 : i32
          %dma_start3A_143 = arith.constant 0 : i32
          %dma_start3A_144 = tpu.memref_slice %arg9[%dma_start3A_142, %dma_start3A_143] : memref<10112x128xf32, #tpu.memory_space<vmem_shared>> -> memref<10112x128xf32, #tpu.memory_space<vmem_shared>>
          tpu.enqueue_indirect_dma source(%arg8 : memref<128x128xf32, #tpu.memory_space<vmem>>) target(%dma_start3A_144 : memref<10112x128xf32, #tpu.memory_space<vmem_shared>>) offsets(%dma_start3A_141 : memref<128xi32, #tpu.memory_space<vmem>>) semaphore(%run_scoped3A_138 : memref<!tpu.dma_semaphore, #tpu.memory_space<semaphore_mem>>) {add = true}
          %dma_wait3A_145 = arith.constant 0 : i32
          %dma_wait3A_146 = tpu.memref_slice %arg6[%run_scoped3A_137, %dma_wait3A_145] : memref<2x128xi32, #tpu.memory_space<vmem>> -> memref<1x128xi32, #tpu.memory_space<vmem>>
          %dma_wait3A_147 = tpu.memref_squeeze %dma_wait3A_146 : memref<1x128xi32, #tpu.memory_space<vmem>> -> memref<128xi32, #tpu.memory_space<vmem>>
          %dma_wait3A_148 = arith.constant 0 : i32
          %dma_wait3A_149 = arith.constant 0 : i32
          %dma_wait3A_150 = tpu.memref_slice %arg9[%dma_wait3A_148, %dma_wait3A_149] : memref<10112x128xf32, #tpu.memory_space<vmem_shared>> -> memref<10112x128xf32, #tpu.memory_space<vmem_shared>>
          tpu.wait_indirect_dma semaphore(%run_scoped3A_138 : memref<!tpu.dma_semaphore, #tpu.memory_space<semaphore_mem>>) src(%arg8 : memref<128x128xf32, #tpu.memory_space<vmem>>) dst(%dma_wait3A_150 : memref<10112x128xf32, #tpu.memory_space<vmem_shared>>)
          tpu.yield
        }) : () -> ()
      }
      %scan3A_110 = arith.constant 40 : i32
    } else {
    }
    %barrier3A_30 = arith.constant 0 : index
    tpu.barrier barrier_id(%barrier3A_30)
    %mul3A_31 = arith.constant 632 : i32
    %mul3A_32 = arith.muli %arg1, %mul3A_31 : i32
    %add3A_33 = arith.constant 0 : i32
    %add3A_34 = arith.addi %mul3A_32, %add3A_33 : i32
    "tpu.region"() ({
      %run_scoped3A = tpu.sem_alloc : memref<!tpu.dma_semaphore, #tpu.memory_space<semaphore_mem>>
      %dma_start3A = arith.constant 0 : i32
      %dma_start3A_101 = arith.constant 0 : i32
      %dma_start3A_102 = tpu.memref_slice %arg7[%dma_start3A, %dma_start3A_101] : memref<128x128xf32, #tpu.memory_space<vmem>> -> memref<128x128xf32, #tpu.memory_space<vmem>>
      %dma_start3A_103 = arith.constant 0 : i32
      %dma_start3A_104 = tpu.memref_slice %arg9[%add3A_34, %dma_start3A_103] : memref<10112x128xf32, #tpu.memory_space<vmem_shared>> -> memref<128x128xf32, #tpu.memory_space<vmem_shared>>
      %dma_start3A_105 = arith.constant 0 : i32
      %dma_start3A_106 = arith.constant 0 : i32
      %dma_start3A_107 = tpu.memref_slice %arg7[%dma_start3A_105, %dma_start3A_106] : memref<128x128xf32, #tpu.memory_space<vmem>> -> memref<128x128xf32, #tpu.memory_space<vmem>>
      %dma_start3A_108 = arith.constant 0 : i32
      %dma_start3A_109 = tpu.memref_slice %arg9[%add3A_34, %dma_start3A_108] : memref<10112x128xf32, #tpu.memory_space<vmem_shared>> -> memref<128x128xf32, #tpu.memory_space<vmem_shared>>
      tpu.enqueue_dma source(%dma_start3A_109 : memref<128x128xf32, #tpu.memory_space<vmem_shared>>) target(%dma_start3A_107 : memref<128x128xf32, #tpu.memory_space<vmem>>) target_semaphore(%run_scoped3A : memref<!tpu.dma_semaphore, #tpu.memory_space<semaphore_mem>>)
      %dma_wait3A = arith.constant 0 : i32
      %dma_wait3A_110 = arith.constant 0 : i32
      %dma_wait3A_111 = tpu.memref_slice %arg7[%dma_wait3A, %dma_wait3A_110] : memref<128x128xf32, #tpu.memory_space<vmem>> -> memref<128x128xf32, #tpu.memory_space<vmem>>
      %dma_wait3A_112 = arith.constant 0 : i32
      %dma_wait3A_113 = tpu.memref_slice %arg9[%add3A_34, %dma_wait3A_112] : memref<10112x128xf32, #tpu.memory_space<vmem_shared>> -> memref<128x128xf32, #tpu.memory_space<vmem_shared>>
      %dma_wait3A_114 = arith.constant 0 : i32
      %dma_wait3A_115 = arith.constant 0 : i32
      %dma_wait3A_116 = tpu.memref_slice %arg7[%dma_wait3A_114, %dma_wait3A_115] : memref<128x128xf32, #tpu.memory_space<vmem>> -> memref<128x128xf32, #tpu.memory_space<vmem>>
      %dma_wait3A_117 = arith.constant 0 : i32
      %dma_wait3A_118 = tpu.memref_slice %arg9[%add3A_34, %dma_wait3A_117] : memref<10112x128xf32, #tpu.memory_space<vmem_shared>> -> memref<128x128xf32, #tpu.memory_space<vmem_shared>>
      tpu.wait_dma2 semaphore(%run_scoped3A : memref<!tpu.dma_semaphore, #tpu.memory_space<semaphore_mem>>) src(%dma_wait3A_118 : memref<128x128xf32, #tpu.memory_space<vmem_shared>>) dst(%dma_wait3A_116 : memref<128x128xf32, #tpu.memory_space<vmem>>)
      tpu.yield
    }) : () -> ()
    %eq3A_35 = arith.constant 0 : i32
    %eq3A_36 = arith.cmpi eq, %arg0, %eq3A_35 : i32
    %convert_element_type3A_37 = arith.extui %eq3A_36 : i1 to i32
    %cond3A_38 = arith.constant 0 : i32
    %cond3A_39 = arith.cmpi ne, %convert_element_type3A_37, %cond3A_38 : i32
    scf.if %cond3A_39 {
      %mul3A_101 = arith.constant 632 : i32
      %mul3A_102 = arith.muli %arg1, %mul3A_101 : i32
      %add3A_103 = arith.constant 0 : i32
      %add3A_104 = arith.addi %mul3A_102, %add3A_103 : i32
      "tpu.region"() ({
        %run_scoped3A = tpu.sem_alloc : memref<!tpu.dma_semaphore, #tpu.memory_space<semaphore_mem>>
        %dma_start3A = arith.constant 0 : i32
        %dma_start3A_105 = arith.constant 0 : i32
        %dma_start3A_106 = tpu.memref_slice %arg7[%dma_start3A, %dma_start3A_105] : memref<128x128xf32, #tpu.memory_space<vmem>> -> memref<128x128xf32, #tpu.memory_space<vmem>>
        %dma_start3A_107 = arith.constant 0 : i32
        %dma_start3A_108 = tpu.memref_slice %arg4[%add3A_104, %dma_start3A_107] : memref<10112x128xf32, #tpu.memory_space<hbm>> -> memref<128x128xf32, #tpu.memory_space<hbm>>
        %dma_start3A_109 = arith.constant 0 : i32
        %dma_start3A_110 = tpu.memref_slice %arg4[%add3A_104, %dma_start3A_109] : memref<10112x128xf32, #tpu.memory_space<hbm>> -> memref<128x128xf32, #tpu.memory_space<hbm>>
        %dma_start3A_111 = arith.constant 0 : i32
        %dma_start3A_112 = arith.constant 0 : i32
        %dma_start3A_113 = tpu.memref_slice %arg7[%dma_start3A_111, %dma_start3A_112] : memref<128x128xf32, #tpu.memory_space<vmem>> -> memref<128x128xf32, #tpu.memory_space<vmem>>
        tpu.enqueue_dma source(%dma_start3A_113 : memref<128x128xf32, #tpu.memory_space<vmem>>) target(%dma_start3A_110 : memref<128x128xf32, #tpu.memory_space<hbm>>) target_semaphore(%run_scoped3A : memref<!tpu.dma_semaphore, #tpu.memory_space<semaphore_mem>>)
        %dma_wait3A = arith.constant 0 : i32
        %dma_wait3A_114 = arith.constant 0 : i32
        %dma_wait3A_115 = tpu.memref_slice %arg7[%dma_wait3A, %dma_wait3A_114] : memref<128x128xf32, #tpu.memory_space<vmem>> -> memref<128x128xf32, #tpu.memory_space<vmem>>
        %dma_wait3A_116 = arith.constant 0 : i32
        %dma_wait3A_117 = tpu.memref_slice %arg4[%add3A_104, %dma_wait3A_116] : memref<10112x128xf32, #tpu.memory_space<hbm>> -> memref<128x128xf32, #tpu.memory_space<hbm>>
        %dma_wait3A_118 = arith.constant 0 : i32
        %dma_wait3A_119 = tpu.memref_slice %arg4[%add3A_104, %dma_wait3A_118] : memref<10112x128xf32, #tpu.memory_space<hbm>> -> memref<128x128xf32, #tpu.memory_space<hbm>>
        %dma_wait3A_120 = arith.constant 0 : i32
        %dma_wait3A_121 = arith.constant 0 : i32
        %dma_wait3A_122 = tpu.memref_slice %arg7[%dma_wait3A_120, %dma_wait3A_121] : memref<128x128xf32, #tpu.memory_space<vmem>> -> memref<128x128xf32, #tpu.memory_space<vmem>>
        tpu.wait_dma2 semaphore(%run_scoped3A : memref<!tpu.dma_semaphore, #tpu.memory_space<semaphore_mem>>) src(%dma_wait3A_122 : memref<128x128xf32, #tpu.memory_space<vmem>>) dst(%dma_wait3A_119 : memref<128x128xf32, #tpu.memory_space<hbm>>)
        tpu.yield
      }) : () -> ()
    } else {
    }
    %eq3A_40 = arith.constant 1 : i32
    %eq3A_41 = arith.cmpi eq, %arg0, %eq3A_40 : i32
    %convert_element_type3A_42 = arith.extui %eq3A_41 : i1 to i32
    %cond3A_43 = arith.constant 0 : i32
    %cond3A_44 = arith.cmpi ne, %convert_element_type3A_42, %cond3A_43 : i32
    scf.if %cond3A_44 {
      %mul3A_101 = arith.constant 632 : i32
      %mul3A_102 = arith.muli %arg1, %mul3A_101 : i32
      %add3A_103 = arith.constant 0 : i32
      %add3A_104 = arith.addi %mul3A_102, %add3A_103 : i32
      "tpu.region"() ({
        %run_scoped3A = tpu.sem_alloc : memref<!tpu.dma_semaphore, #tpu.memory_space<semaphore_mem>>
        %dma_start3A = arith.constant 0 : i32
        %dma_start3A_105 = arith.constant 0 : i32
        %dma_start3A_106 = tpu.memref_slice %arg7[%dma_start3A, %dma_start3A_105] : memref<128x128xf32, #tpu.memory_space<vmem>> -> memref<128x128xf32, #tpu.memory_space<vmem>>
        %dma_start3A_107 = arith.constant 0 : i32
        %dma_start3A_108 = tpu.memref_slice %arg5[%add3A_104, %dma_start3A_107] : memref<10112x128xf32, #tpu.memory_space<hbm>> -> memref<128x128xf32, #tpu.memory_space<hbm>>
        %dma_start3A_109 = arith.constant 0 : i32
        %dma_start3A_110 = tpu.memref_slice %arg5[%add3A_104, %dma_start3A_109] : memref<10112x128xf32, #tpu.memory_space<hbm>> -> memref<128x128xf32, #tpu.memory_space<hbm>>
        %dma_start3A_111 = arith.constant 0 : i32
        %dma_start3A_112 = arith.constant 0 : i32
        %dma_start3A_113 = tpu.memref_slice %arg7[%dma_start3A_111, %dma_start3A_112] : memref<128x128xf32, #tpu.memory_space<vmem>> -> memref<128x128xf32, #tpu.memory_space<vmem>>
        tpu.enqueue_dma source(%dma_start3A_113 : memref<128x128xf32, #tpu.memory_space<vmem>>) target(%dma_start3A_110 : memref<128x128xf32, #tpu.memory_space<hbm>>) target_semaphore(%run_scoped3A : memref<!tpu.dma_semaphore, #tpu.memory_space<semaphore_mem>>)
        %dma_wait3A = arith.constant 0 : i32
        %dma_wait3A_114 = arith.constant 0 : i32
        %dma_wait3A_115 = tpu.memref_slice %arg7[%dma_wait3A, %dma_wait3A_114] : memref<128x128xf32, #tpu.memory_space<vmem>> -> memref<128x128xf32, #tpu.memory_space<vmem>>
        %dma_wait3A_116 = arith.constant 0 : i32
        %dma_wait3A_117 = tpu.memref_slice %arg5[%add3A_104, %dma_wait3A_116] : memref<10112x128xf32, #tpu.memory_space<hbm>> -> memref<128x128xf32, #tpu.memory_space<hbm>>
        %dma_wait3A_118 = arith.constant 0 : i32
        %dma_wait3A_119 = tpu.memref_slice %arg5[%add3A_104, %dma_wait3A_118] : memref<10112x128xf32, #tpu.memory_space<hbm>> -> memref<128x128xf32, #tpu.memory_space<hbm>>
        %dma_wait3A_120 = arith.constant 0 : i32
        %dma_wait3A_121 = arith.constant 0 : i32
        %dma_wait3A_122 = tpu.memref_slice %arg7[%dma_wait3A_120, %dma_wait3A_121] : memref<128x128xf32, #tpu.memory_space<vmem>> -> memref<128x128xf32, #tpu.memory_space<vmem>>
        tpu.wait_dma2 semaphore(%run_scoped3A : memref<!tpu.dma_semaphore, #tpu.memory_space<semaphore_mem>>) src(%dma_wait3A_122 : memref<128x128xf32, #tpu.memory_space<vmem>>) dst(%dma_wait3A_119 : memref<128x128xf32, #tpu.memory_space<hbm>>)
        tpu.yield
      }) : () -> ()
    } else {
    }
    %mul3A_45 = arith.constant 632 : i32
    %mul3A_46 = arith.muli %arg1, %mul3A_45 : i32
    %add3A_47 = arith.constant 128 : i32
    %add3A_48 = arith.addi %mul3A_46, %add3A_47 : i32
    "tpu.region"() ({
      %run_scoped3A = tpu.sem_alloc : memref<!tpu.dma_semaphore, #tpu.memory_space<semaphore_mem>>
      %dma_start3A = arith.constant 0 : i32
      %dma_start3A_101 = arith.constant 0 : i32
      %dma_start3A_102 = tpu.memref_slice %arg7[%dma_start3A, %dma_start3A_101] : memref<128x128xf32, #tpu.memory_space<vmem>> -> memref<128x128xf32, #tpu.memory_space<vmem>>
      %dma_start3A_103 = arith.constant 0 : i32
      %dma_start3A_104 = tpu.memref_slice %arg9[%add3A_48, %dma_start3A_103] : memref<10112x128xf32, #tpu.memory_space<vmem_shared>> -> memref<128x128xf32, #tpu.memory_space<vmem_shared>>
      %dma_start3A_105 = arith.constant 0 : i32
      %dma_start3A_106 = arith.constant 0 : i32
      %dma_start3A_107 = tpu.memref_slice %arg7[%dma_start3A_105, %dma_start3A_106] : memref<128x128xf32, #tpu.memory_space<vmem>> -> memref<128x128xf32, #tpu.memory_space<vmem>>
      %dma_start3A_108 = arith.constant 0 : i32
      %dma_start3A_109 = tpu.memref_slice %arg9[%add3A_48, %dma_start3A_108] : memref<10112x128xf32, #tpu.memory_space<vmem_shared>> -> memref<128x128xf32, #tpu.memory_space<vmem_shared>>
      tpu.enqueue_dma source(%dma_start3A_109 : memref<128x128xf32, #tpu.memory_space<vmem_shared>>) target(%dma_start3A_107 : memref<128x128xf32, #tpu.memory_space<vmem>>) target_semaphore(%run_scoped3A : memref<!tpu.dma_semaphore, #tpu.memory_space<semaphore_mem>>)
      %dma_wait3A = arith.constant 0 : i32
      %dma_wait3A_110 = arith.constant 0 : i32
      %dma_wait3A_111 = tpu.memref_slice %arg7[%dma_wait3A, %dma_wait3A_110] : memref<128x128xf32, #tpu.memory_space<vmem>> -> memref<128x128xf32, #tpu.memory_space<vmem>>
      %dma_wait3A_112 = arith.constant 0 : i32
      %dma_wait3A_113 = tpu.memref_slice %arg9[%add3A_48, %dma_wait3A_112] : memref<10112x128xf32, #tpu.memory_space<vmem_shared>> -> memref<128x128xf32, #tpu.memory_space<vmem_shared>>
      %dma_wait3A_114 = arith.constant 0 : i32
      %dma_wait3A_115 = arith.constant 0 : i32
      %dma_wait3A_116 = tpu.memref_slice %arg7[%dma_wait3A_114, %dma_wait3A_115] : memref<128x128xf32, #tpu.memory_space<vmem>> -> memref<128x128xf32, #tpu.memory_space<vmem>>
      %dma_wait3A_117 = arith.constant 0 : i32
      %dma_wait3A_118 = tpu.memref_slice %arg9[%add3A_48, %dma_wait3A_117] : memref<10112x128xf32, #tpu.memory_space<vmem_shared>> -> memref<128x128xf32, #tpu.memory_space<vmem_shared>>
      tpu.wait_dma2 semaphore(%run_scoped3A : memref<!tpu.dma_semaphore, #tpu.memory_space<semaphore_mem>>) src(%dma_wait3A_118 : memref<128x128xf32, #tpu.memory_space<vmem_shared>>) dst(%dma_wait3A_116 : memref<128x128xf32, #tpu.memory_space<vmem>>)
      tpu.yield
    }) : () -> ()
    %eq3A_49 = arith.constant 0 : i32
    %eq3A_50 = arith.cmpi eq, %arg0, %eq3A_49 : i32
    %convert_element_type3A_51 = arith.extui %eq3A_50 : i1 to i32
    %cond3A_52 = arith.constant 0 : i32
    %cond3A_53 = arith.cmpi ne, %convert_element_type3A_51, %cond3A_52 : i32
    scf.if %cond3A_53 {
      %mul3A_101 = arith.constant 632 : i32
      %mul3A_102 = arith.muli %arg1, %mul3A_101 : i32
      %add3A_103 = arith.constant 128 : i32
      %add3A_104 = arith.addi %mul3A_102, %add3A_103 : i32
      "tpu.region"() ({
        %run_scoped3A = tpu.sem_alloc : memref<!tpu.dma_semaphore, #tpu.memory_space<semaphore_mem>>
        %dma_start3A = arith.constant 0 : i32
        %dma_start3A_105 = arith.constant 0 : i32
        %dma_start3A_106 = tpu.memref_slice %arg7[%dma_start3A, %dma_start3A_105] : memref<128x128xf32, #tpu.memory_space<vmem>> -> memref<128x128xf32, #tpu.memory_space<vmem>>
        %dma_start3A_107 = arith.constant 0 : i32
        %dma_start3A_108 = tpu.memref_slice %arg4[%add3A_104, %dma_start3A_107] : memref<10112x128xf32, #tpu.memory_space<hbm>> -> memref<128x128xf32, #tpu.memory_space<hbm>>
        %dma_start3A_109 = arith.constant 0 : i32
        %dma_start3A_110 = tpu.memref_slice %arg4[%add3A_104, %dma_start3A_109] : memref<10112x128xf32, #tpu.memory_space<hbm>> -> memref<128x128xf32, #tpu.memory_space<hbm>>
        %dma_start3A_111 = arith.constant 0 : i32
        %dma_start3A_112 = arith.constant 0 : i32
        %dma_start3A_113 = tpu.memref_slice %arg7[%dma_start3A_111, %dma_start3A_112] : memref<128x128xf32, #tpu.memory_space<vmem>> -> memref<128x128xf32, #tpu.memory_space<vmem>>
        tpu.enqueue_dma source(%dma_start3A_113 : memref<128x128xf32, #tpu.memory_space<vmem>>) target(%dma_start3A_110 : memref<128x128xf32, #tpu.memory_space<hbm>>) target_semaphore(%run_scoped3A : memref<!tpu.dma_semaphore, #tpu.memory_space<semaphore_mem>>)
        %dma_wait3A = arith.constant 0 : i32
        %dma_wait3A_114 = arith.constant 0 : i32
        %dma_wait3A_115 = tpu.memref_slice %arg7[%dma_wait3A, %dma_wait3A_114] : memref<128x128xf32, #tpu.memory_space<vmem>> -> memref<128x128xf32, #tpu.memory_space<vmem>>
        %dma_wait3A_116 = arith.constant 0 : i32
        %dma_wait3A_117 = tpu.memref_slice %arg4[%add3A_104, %dma_wait3A_116] : memref<10112x128xf32, #tpu.memory_space<hbm>> -> memref<128x128xf32, #tpu.memory_space<hbm>>
        %dma_wait3A_118 = arith.constant 0 : i32
        %dma_wait3A_119 = tpu.memref_slice %arg4[%add3A_104, %dma_wait3A_118] : memref<10112x128xf32, #tpu.memory_space<hbm>> -> memref<128x128xf32, #tpu.memory_space<hbm>>
        %dma_wait3A_120 = arith.constant 0 : i32
        %dma_wait3A_121 = arith.constant 0 : i32
        %dma_wait3A_122 = tpu.memref_slice %arg7[%dma_wait3A_120, %dma_wait3A_121] : memref<128x128xf32, #tpu.memory_space<vmem>> -> memref<128x128xf32, #tpu.memory_space<vmem>>
        tpu.wait_dma2 semaphore(%run_scoped3A : memref<!tpu.dma_semaphore, #tpu.memory_space<semaphore_mem>>) src(%dma_wait3A_122 : memref<128x128xf32, #tpu.memory_space<vmem>>) dst(%dma_wait3A_119 : memref<128x128xf32, #tpu.memory_space<hbm>>)
        tpu.yield
      }) : () -> ()
    } else {
    }
    %eq3A_54 = arith.constant 1 : i32
    %eq3A_55 = arith.cmpi eq, %arg0, %eq3A_54 : i32
    %convert_element_type3A_56 = arith.extui %eq3A_55 : i1 to i32
    %cond3A_57 = arith.constant 0 : i32
    %cond3A_58 = arith.cmpi ne, %convert_element_type3A_56, %cond3A_57 : i32
    scf.if %cond3A_58 {
      %mul3A_101 = arith.constant 632 : i32
      %mul3A_102 = arith.muli %arg1, %mul3A_101 : i32
      %add3A_103 = arith.constant 128 : i32
      %add3A_104 = arith.addi %mul3A_102, %add3A_103 : i32
      "tpu.region"() ({
        %run_scoped3A = tpu.sem_alloc : memref<!tpu.dma_semaphore, #tpu.memory_space<semaphore_mem>>
        %dma_start3A = arith.constant 0 : i32
        %dma_start3A_105 = arith.constant 0 : i32
        %dma_start3A_106 = tpu.memref_slice %arg7[%dma_start3A, %dma_start3A_105] : memref<128x128xf32, #tpu.memory_space<vmem>> -> memref<128x128xf32, #tpu.memory_space<vmem>>
        %dma_start3A_107 = arith.constant 0 : i32
        %dma_start3A_108 = tpu.memref_slice %arg5[%add3A_104, %dma_start3A_107] : memref<10112x128xf32, #tpu.memory_space<hbm>> -> memref<128x128xf32, #tpu.memory_space<hbm>>
        %dma_start3A_109 = arith.constant 0 : i32
        %dma_start3A_110 = tpu.memref_slice %arg5[%add3A_104, %dma_start3A_109] : memref<10112x128xf32, #tpu.memory_space<hbm>> -> memref<128x128xf32, #tpu.memory_space<hbm>>
        %dma_start3A_111 = arith.constant 0 : i32
        %dma_start3A_112 = arith.constant 0 : i32
        %dma_start3A_113 = tpu.memref_slice %arg7[%dma_start3A_111, %dma_start3A_112] : memref<128x128xf32, #tpu.memory_space<vmem>> -> memref<128x128xf32, #tpu.memory_space<vmem>>
        tpu.enqueue_dma source(%dma_start3A_113 : memref<128x128xf32, #tpu.memory_space<vmem>>) target(%dma_start3A_110 : memref<128x128xf32, #tpu.memory_space<hbm>>) target_semaphore(%run_scoped3A : memref<!tpu.dma_semaphore, #tpu.memory_space<semaphore_mem>>)
        %dma_wait3A = arith.constant 0 : i32
        %dma_wait3A_114 = arith.constant 0 : i32
        %dma_wait3A_115 = tpu.memref_slice %arg7[%dma_wait3A, %dma_wait3A_114] : memref<128x128xf32, #tpu.memory_space<vmem>> -> memref<128x128xf32, #tpu.memory_space<vmem>>
        %dma_wait3A_116 = arith.constant 0 : i32
        %dma_wait3A_117 = tpu.memref_slice %arg5[%add3A_104, %dma_wait3A_116] : memref<10112x128xf32, #tpu.memory_space<hbm>> -> memref<128x128xf32, #tpu.memory_space<hbm>>
        %dma_wait3A_118 = arith.constant 0 : i32
        %dma_wait3A_119 = tpu.memref_slice %arg5[%add3A_104, %dma_wait3A_118] : memref<10112x128xf32, #tpu.memory_space<hbm>> -> memref<128x128xf32, #tpu.memory_space<hbm>>
        %dma_wait3A_120 = arith.constant 0 : i32
        %dma_wait3A_121 = arith.constant 0 : i32
        %dma_wait3A_122 = tpu.memref_slice %arg7[%dma_wait3A_120, %dma_wait3A_121] : memref<128x128xf32, #tpu.memory_space<vmem>> -> memref<128x128xf32, #tpu.memory_space<vmem>>
        tpu.wait_dma2 semaphore(%run_scoped3A : memref<!tpu.dma_semaphore, #tpu.memory_space<semaphore_mem>>) src(%dma_wait3A_122 : memref<128x128xf32, #tpu.memory_space<vmem>>) dst(%dma_wait3A_119 : memref<128x128xf32, #tpu.memory_space<hbm>>)
        tpu.yield
      }) : () -> ()
    } else {
    }
    %mul3A_59 = arith.constant 632 : i32
    %mul3A_60 = arith.muli %arg1, %mul3A_59 : i32
    %add3A_61 = arith.constant 256 : i32
    %add3A_62 = arith.addi %mul3A_60, %add3A_61 : i32
    "tpu.region"() ({
      %run_scoped3A = tpu.sem_alloc : memref<!tpu.dma_semaphore, #tpu.memory_space<semaphore_mem>>
      %dma_start3A = arith.constant 0 : i32
      %dma_start3A_101 = arith.constant 0 : i32
      %dma_start3A_102 = tpu.memref_slice %arg7[%dma_start3A, %dma_start3A_101] : memref<128x128xf32, #tpu.memory_space<vmem>> -> memref<128x128xf32, #tpu.memory_space<vmem>>
      %dma_start3A_103 = arith.constant 0 : i32
      %dma_start3A_104 = tpu.memref_slice %arg9[%add3A_62, %dma_start3A_103] : memref<10112x128xf32, #tpu.memory_space<vmem_shared>> -> memref<128x128xf32, #tpu.memory_space<vmem_shared>>
      %dma_start3A_105 = arith.constant 0 : i32
      %dma_start3A_106 = arith.constant 0 : i32
      %dma_start3A_107 = tpu.memref_slice %arg7[%dma_start3A_105, %dma_start3A_106] : memref<128x128xf32, #tpu.memory_space<vmem>> -> memref<128x128xf32, #tpu.memory_space<vmem>>
      %dma_start3A_108 = arith.constant 0 : i32
      %dma_start3A_109 = tpu.memref_slice %arg9[%add3A_62, %dma_start3A_108] : memref<10112x128xf32, #tpu.memory_space<vmem_shared>> -> memref<128x128xf32, #tpu.memory_space<vmem_shared>>
      tpu.enqueue_dma source(%dma_start3A_109 : memref<128x128xf32, #tpu.memory_space<vmem_shared>>) target(%dma_start3A_107 : memref<128x128xf32, #tpu.memory_space<vmem>>) target_semaphore(%run_scoped3A : memref<!tpu.dma_semaphore, #tpu.memory_space<semaphore_mem>>)
      %dma_wait3A = arith.constant 0 : i32
      %dma_wait3A_110 = arith.constant 0 : i32
      %dma_wait3A_111 = tpu.memref_slice %arg7[%dma_wait3A, %dma_wait3A_110] : memref<128x128xf32, #tpu.memory_space<vmem>> -> memref<128x128xf32, #tpu.memory_space<vmem>>
      %dma_wait3A_112 = arith.constant 0 : i32
      %dma_wait3A_113 = tpu.memref_slice %arg9[%add3A_62, %dma_wait3A_112] : memref<10112x128xf32, #tpu.memory_space<vmem_shared>> -> memref<128x128xf32, #tpu.memory_space<vmem_shared>>
      %dma_wait3A_114 = arith.constant 0 : i32
      %dma_wait3A_115 = arith.constant 0 : i32
      %dma_wait3A_116 = tpu.memref_slice %arg7[%dma_wait3A_114, %dma_wait3A_115] : memref<128x128xf32, #tpu.memory_space<vmem>> -> memref<128x128xf32, #tpu.memory_space<vmem>>
      %dma_wait3A_117 = arith.constant 0 : i32
      %dma_wait3A_118 = tpu.memref_slice %arg9[%add3A_62, %dma_wait3A_117] : memref<10112x128xf32, #tpu.memory_space<vmem_shared>> -> memref<128x128xf32, #tpu.memory_space<vmem_shared>>
      tpu.wait_dma2 semaphore(%run_scoped3A : memref<!tpu.dma_semaphore, #tpu.memory_space<semaphore_mem>>) src(%dma_wait3A_118 : memref<128x128xf32, #tpu.memory_space<vmem_shared>>) dst(%dma_wait3A_116 : memref<128x128xf32, #tpu.memory_space<vmem>>)
      tpu.yield
    }) : () -> ()
    %eq3A_63 = arith.constant 0 : i32
    %eq3A_64 = arith.cmpi eq, %arg0, %eq3A_63 : i32
    %convert_element_type3A_65 = arith.extui %eq3A_64 : i1 to i32
    %cond3A_66 = arith.constant 0 : i32
    %cond3A_67 = arith.cmpi ne, %convert_element_type3A_65, %cond3A_66 : i32
    scf.if %cond3A_67 {
      %mul3A_101 = arith.constant 632 : i32
      %mul3A_102 = arith.muli %arg1, %mul3A_101 : i32
      %add3A_103 = arith.constant 256 : i32
      %add3A_104 = arith.addi %mul3A_102, %add3A_103 : i32
      "tpu.region"() ({
        %run_scoped3A = tpu.sem_alloc : memref<!tpu.dma_semaphore, #tpu.memory_space<semaphore_mem>>
        %dma_start3A = arith.constant 0 : i32
        %dma_start3A_105 = arith.constant 0 : i32
        %dma_start3A_106 = tpu.memref_slice %arg7[%dma_start3A, %dma_start3A_105] : memref<128x128xf32, #tpu.memory_space<vmem>> -> memref<128x128xf32, #tpu.memory_space<vmem>>
        %dma_start3A_107 = arith.constant 0 : i32
        %dma_start3A_108 = tpu.memref_slice %arg4[%add3A_104, %dma_start3A_107] : memref<10112x128xf32, #tpu.memory_space<hbm>> -> memref<128x128xf32, #tpu.memory_space<hbm>>
        %dma_start3A_109 = arith.constant 0 : i32
        %dma_start3A_110 = tpu.memref_slice %arg4[%add3A_104, %dma_start3A_109] : memref<10112x128xf32, #tpu.memory_space<hbm>> -> memref<128x128xf32, #tpu.memory_space<hbm>>
        %dma_start3A_111 = arith.constant 0 : i32
        %dma_start3A_112 = arith.constant 0 : i32
        %dma_start3A_113 = tpu.memref_slice %arg7[%dma_start3A_111, %dma_start3A_112] : memref<128x128xf32, #tpu.memory_space<vmem>> -> memref<128x128xf32, #tpu.memory_space<vmem>>
        tpu.enqueue_dma source(%dma_start3A_113 : memref<128x128xf32, #tpu.memory_space<vmem>>) target(%dma_start3A_110 : memref<128x128xf32, #tpu.memory_space<hbm>>) target_semaphore(%run_scoped3A : memref<!tpu.dma_semaphore, #tpu.memory_space<semaphore_mem>>)
        %dma_wait3A = arith.constant 0 : i32
        %dma_wait3A_114 = arith.constant 0 : i32
        %dma_wait3A_115 = tpu.memref_slice %arg7[%dma_wait3A, %dma_wait3A_114] : memref<128x128xf32, #tpu.memory_space<vmem>> -> memref<128x128xf32, #tpu.memory_space<vmem>>
        %dma_wait3A_116 = arith.constant 0 : i32
        %dma_wait3A_117 = tpu.memref_slice %arg4[%add3A_104, %dma_wait3A_116] : memref<10112x128xf32, #tpu.memory_space<hbm>> -> memref<128x128xf32, #tpu.memory_space<hbm>>
        %dma_wait3A_118 = arith.constant 0 : i32
        %dma_wait3A_119 = tpu.memref_slice %arg4[%add3A_104, %dma_wait3A_118] : memref<10112x128xf32, #tpu.memory_space<hbm>> -> memref<128x128xf32, #tpu.memory_space<hbm>>
        %dma_wait3A_120 = arith.constant 0 : i32
        %dma_wait3A_121 = arith.constant 0 : i32
        %dma_wait3A_122 = tpu.memref_slice %arg7[%dma_wait3A_120, %dma_wait3A_121] : memref<128x128xf32, #tpu.memory_space<vmem>> -> memref<128x128xf32, #tpu.memory_space<vmem>>
        tpu.wait_dma2 semaphore(%run_scoped3A : memref<!tpu.dma_semaphore, #tpu.memory_space<semaphore_mem>>) src(%dma_wait3A_122 : memref<128x128xf32, #tpu.memory_space<vmem>>) dst(%dma_wait3A_119 : memref<128x128xf32, #tpu.memory_space<hbm>>)
        tpu.yield
      }) : () -> ()
    } else {
    }
    %eq3A_68 = arith.constant 1 : i32
    %eq3A_69 = arith.cmpi eq, %arg0, %eq3A_68 : i32
    %convert_element_type3A_70 = arith.extui %eq3A_69 : i1 to i32
    %cond3A_71 = arith.constant 0 : i32
    %cond3A_72 = arith.cmpi ne, %convert_element_type3A_70, %cond3A_71 : i32
    scf.if %cond3A_72 {
      %mul3A_101 = arith.constant 632 : i32
      %mul3A_102 = arith.muli %arg1, %mul3A_101 : i32
      %add3A_103 = arith.constant 256 : i32
      %add3A_104 = arith.addi %mul3A_102, %add3A_103 : i32
      "tpu.region"() ({
        %run_scoped3A = tpu.sem_alloc : memref<!tpu.dma_semaphore, #tpu.memory_space<semaphore_mem>>
        %dma_start3A = arith.constant 0 : i32
        %dma_start3A_105 = arith.constant 0 : i32
        %dma_start3A_106 = tpu.memref_slice %arg7[%dma_start3A, %dma_start3A_105] : memref<128x128xf32, #tpu.memory_space<vmem>> -> memref<128x128xf32, #tpu.memory_space<vmem>>
        %dma_start3A_107 = arith.constant 0 : i32
        %dma_start3A_108 = tpu.memref_slice %arg5[%add3A_104, %dma_start3A_107] : memref<10112x128xf32, #tpu.memory_space<hbm>> -> memref<128x128xf32, #tpu.memory_space<hbm>>
        %dma_start3A_109 = arith.constant 0 : i32
        %dma_start3A_110 = tpu.memref_slice %arg5[%add3A_104, %dma_start3A_109] : memref<10112x128xf32, #tpu.memory_space<hbm>> -> memref<128x128xf32, #tpu.memory_space<hbm>>
        %dma_start3A_111 = arith.constant 0 : i32
        %dma_start3A_112 = arith.constant 0 : i32
        %dma_start3A_113 = tpu.memref_slice %arg7[%dma_start3A_111, %dma_start3A_112] : memref<128x128xf32, #tpu.memory_space<vmem>> -> memref<128x128xf32, #tpu.memory_space<vmem>>
        tpu.enqueue_dma source(%dma_start3A_113 : memref<128x128xf32, #tpu.memory_space<vmem>>) target(%dma_start3A_110 : memref<128x128xf32, #tpu.memory_space<hbm>>) target_semaphore(%run_scoped3A : memref<!tpu.dma_semaphore, #tpu.memory_space<semaphore_mem>>)
        %dma_wait3A = arith.constant 0 : i32
        %dma_wait3A_114 = arith.constant 0 : i32
        %dma_wait3A_115 = tpu.memref_slice %arg7[%dma_wait3A, %dma_wait3A_114] : memref<128x128xf32, #tpu.memory_space<vmem>> -> memref<128x128xf32, #tpu.memory_space<vmem>>
        %dma_wait3A_116 = arith.constant 0 : i32
        %dma_wait3A_117 = tpu.memref_slice %arg5[%add3A_104, %dma_wait3A_116] : memref<10112x128xf32, #tpu.memory_space<hbm>> -> memref<128x128xf32, #tpu.memory_space<hbm>>
        %dma_wait3A_118 = arith.constant 0 : i32
        %dma_wait3A_119 = tpu.memref_slice %arg5[%add3A_104, %dma_wait3A_118] : memref<10112x128xf32, #tpu.memory_space<hbm>> -> memref<128x128xf32, #tpu.memory_space<hbm>>
        %dma_wait3A_120 = arith.constant 0 : i32
        %dma_wait3A_121 = arith.constant 0 : i32
        %dma_wait3A_122 = tpu.memref_slice %arg7[%dma_wait3A_120, %dma_wait3A_121] : memref<128x128xf32, #tpu.memory_space<vmem>> -> memref<128x128xf32, #tpu.memory_space<vmem>>
        tpu.wait_dma2 semaphore(%run_scoped3A : memref<!tpu.dma_semaphore, #tpu.memory_space<semaphore_mem>>) src(%dma_wait3A_122 : memref<128x128xf32, #tpu.memory_space<vmem>>) dst(%dma_wait3A_119 : memref<128x128xf32, #tpu.memory_space<hbm>>)
        tpu.yield
      }) : () -> ()
    } else {
    }
    %mul3A_73 = arith.constant 632 : i32
    %mul3A_74 = arith.muli %arg1, %mul3A_73 : i32
    %add3A_75 = arith.constant 384 : i32
    %add3A_76 = arith.addi %mul3A_74, %add3A_75 : i32
    "tpu.region"() ({
      %run_scoped3A = tpu.sem_alloc : memref<!tpu.dma_semaphore, #tpu.memory_space<semaphore_mem>>
      %dma_start3A = arith.constant 0 : i32
      %dma_start3A_101 = arith.constant 0 : i32
      %dma_start3A_102 = tpu.memref_slice %arg7[%dma_start3A, %dma_start3A_101] : memref<128x128xf32, #tpu.memory_space<vmem>> -> memref<128x128xf32, #tpu.memory_space<vmem>>
      %dma_start3A_103 = arith.constant 0 : i32
      %dma_start3A_104 = tpu.memref_slice %arg9[%add3A_76, %dma_start3A_103] : memref<10112x128xf32, #tpu.memory_space<vmem_shared>> -> memref<128x128xf32, #tpu.memory_space<vmem_shared>>
      %dma_start3A_105 = arith.constant 0 : i32
      %dma_start3A_106 = arith.constant 0 : i32
      %dma_start3A_107 = tpu.memref_slice %arg7[%dma_start3A_105, %dma_start3A_106] : memref<128x128xf32, #tpu.memory_space<vmem>> -> memref<128x128xf32, #tpu.memory_space<vmem>>
      %dma_start3A_108 = arith.constant 0 : i32
      %dma_start3A_109 = tpu.memref_slice %arg9[%add3A_76, %dma_start3A_108] : memref<10112x128xf32, #tpu.memory_space<vmem_shared>> -> memref<128x128xf32, #tpu.memory_space<vmem_shared>>
      tpu.enqueue_dma source(%dma_start3A_109 : memref<128x128xf32, #tpu.memory_space<vmem_shared>>) target(%dma_start3A_107 : memref<128x128xf32, #tpu.memory_space<vmem>>) target_semaphore(%run_scoped3A : memref<!tpu.dma_semaphore, #tpu.memory_space<semaphore_mem>>)
      %dma_wait3A = arith.constant 0 : i32
      %dma_wait3A_110 = arith.constant 0 : i32
      %dma_wait3A_111 = tpu.memref_slice %arg7[%dma_wait3A, %dma_wait3A_110] : memref<128x128xf32, #tpu.memory_space<vmem>> -> memref<128x128xf32, #tpu.memory_space<vmem>>
      %dma_wait3A_112 = arith.constant 0 : i32
      %dma_wait3A_113 = tpu.memref_slice %arg9[%add3A_76, %dma_wait3A_112] : memref<10112x128xf32, #tpu.memory_space<vmem_shared>> -> memref<128x128xf32, #tpu.memory_space<vmem_shared>>
      %dma_wait3A_114 = arith.constant 0 : i32
      %dma_wait3A_115 = arith.constant 0 : i32
      %dma_wait3A_116 = tpu.memref_slice %arg7[%dma_wait3A_114, %dma_wait3A_115] : memref<128x128xf32, #tpu.memory_space<vmem>> -> memref<128x128xf32, #tpu.memory_space<vmem>>
      %dma_wait3A_117 = arith.constant 0 : i32
      %dma_wait3A_118 = tpu.memref_slice %arg9[%add3A_76, %dma_wait3A_117] : memref<10112x128xf32, #tpu.memory_space<vmem_shared>> -> memref<128x128xf32, #tpu.memory_space<vmem_shared>>
      tpu.wait_dma2 semaphore(%run_scoped3A : memref<!tpu.dma_semaphore, #tpu.memory_space<semaphore_mem>>) src(%dma_wait3A_118 : memref<128x128xf32, #tpu.memory_space<vmem_shared>>) dst(%dma_wait3A_116 : memref<128x128xf32, #tpu.memory_space<vmem>>)
      tpu.yield
    }) : () -> ()
    %eq3A_77 = arith.constant 0 : i32
    %eq3A_78 = arith.cmpi eq, %arg0, %eq3A_77 : i32
    %convert_element_type3A_79 = arith.extui %eq3A_78 : i1 to i32
    %cond3A_80 = arith.constant 0 : i32
    %cond3A_81 = arith.cmpi ne, %convert_element_type3A_79, %cond3A_80 : i32
    scf.if %cond3A_81 {
      %mul3A_101 = arith.constant 632 : i32
      %mul3A_102 = arith.muli %arg1, %mul3A_101 : i32
      %add3A_103 = arith.constant 384 : i32
      %add3A_104 = arith.addi %mul3A_102, %add3A_103 : i32
      "tpu.region"() ({
        %run_scoped3A = tpu.sem_alloc : memref<!tpu.dma_semaphore, #tpu.memory_space<semaphore_mem>>
        %dma_start3A = arith.constant 0 : i32
        %dma_start3A_105 = arith.constant 0 : i32
        %dma_start3A_106 = tpu.memref_slice %arg7[%dma_start3A, %dma_start3A_105] : memref<128x128xf32, #tpu.memory_space<vmem>> -> memref<128x128xf32, #tpu.memory_space<vmem>>
        %dma_start3A_107 = arith.constant 0 : i32
        %dma_start3A_108 = tpu.memref_slice %arg4[%add3A_104, %dma_start3A_107] : memref<10112x128xf32, #tpu.memory_space<hbm>> -> memref<128x128xf32, #tpu.memory_space<hbm>>
        %dma_start3A_109 = arith.constant 0 : i32
        %dma_start3A_110 = tpu.memref_slice %arg4[%add3A_104, %dma_start3A_109] : memref<10112x128xf32, #tpu.memory_space<hbm>> -> memref<128x128xf32, #tpu.memory_space<hbm>>
        %dma_start3A_111 = arith.constant 0 : i32
        %dma_start3A_112 = arith.constant 0 : i32
        %dma_start3A_113 = tpu.memref_slice %arg7[%dma_start3A_111, %dma_start3A_112] : memref<128x128xf32, #tpu.memory_space<vmem>> -> memref<128x128xf32, #tpu.memory_space<vmem>>
        tpu.enqueue_dma source(%dma_start3A_113 : memref<128x128xf32, #tpu.memory_space<vmem>>) target(%dma_start3A_110 : memref<128x128xf32, #tpu.memory_space<hbm>>) target_semaphore(%run_scoped3A : memref<!tpu.dma_semaphore, #tpu.memory_space<semaphore_mem>>)
        %dma_wait3A = arith.constant 0 : i32
        %dma_wait3A_114 = arith.constant 0 : i32
        %dma_wait3A_115 = tpu.memref_slice %arg7[%dma_wait3A, %dma_wait3A_114] : memref<128x128xf32, #tpu.memory_space<vmem>> -> memref<128x128xf32, #tpu.memory_space<vmem>>
        %dma_wait3A_116 = arith.constant 0 : i32
        %dma_wait3A_117 = tpu.memref_slice %arg4[%add3A_104, %dma_wait3A_116] : memref<10112x128xf32, #tpu.memory_space<hbm>> -> memref<128x128xf32, #tpu.memory_space<hbm>>
        %dma_wait3A_118 = arith.constant 0 : i32
        %dma_wait3A_119 = tpu.memref_slice %arg4[%add3A_104, %dma_wait3A_118] : memref<10112x128xf32, #tpu.memory_space<hbm>> -> memref<128x128xf32, #tpu.memory_space<hbm>>
        %dma_wait3A_120 = arith.constant 0 : i32
        %dma_wait3A_121 = arith.constant 0 : i32
        %dma_wait3A_122 = tpu.memref_slice %arg7[%dma_wait3A_120, %dma_wait3A_121] : memref<128x128xf32, #tpu.memory_space<vmem>> -> memref<128x128xf32, #tpu.memory_space<vmem>>
        tpu.wait_dma2 semaphore(%run_scoped3A : memref<!tpu.dma_semaphore, #tpu.memory_space<semaphore_mem>>) src(%dma_wait3A_122 : memref<128x128xf32, #tpu.memory_space<vmem>>) dst(%dma_wait3A_119 : memref<128x128xf32, #tpu.memory_space<hbm>>)
        tpu.yield
      }) : () -> ()
    } else {
    }
    %eq3A_82 = arith.constant 1 : i32
    %eq3A_83 = arith.cmpi eq, %arg0, %eq3A_82 : i32
    %convert_element_type3A_84 = arith.extui %eq3A_83 : i1 to i32
    %cond3A_85 = arith.constant 0 : i32
    %cond3A_86 = arith.cmpi ne, %convert_element_type3A_84, %cond3A_85 : i32
    scf.if %cond3A_86 {
      %mul3A_101 = arith.constant 632 : i32
      %mul3A_102 = arith.muli %arg1, %mul3A_101 : i32
      %add3A_103 = arith.constant 384 : i32
      %add3A_104 = arith.addi %mul3A_102, %add3A_103 : i32
      "tpu.region"() ({
        %run_scoped3A = tpu.sem_alloc : memref<!tpu.dma_semaphore, #tpu.memory_space<semaphore_mem>>
        %dma_start3A = arith.constant 0 : i32
        %dma_start3A_105 = arith.constant 0 : i32
        %dma_start3A_106 = tpu.memref_slice %arg7[%dma_start3A, %dma_start3A_105] : memref<128x128xf32, #tpu.memory_space<vmem>> -> memref<128x128xf32, #tpu.memory_space<vmem>>
        %dma_start3A_107 = arith.constant 0 : i32
        %dma_start3A_108 = tpu.memref_slice %arg5[%add3A_104, %dma_start3A_107] : memref<10112x128xf32, #tpu.memory_space<hbm>> -> memref<128x128xf32, #tpu.memory_space<hbm>>
        %dma_start3A_109 = arith.constant 0 : i32
        %dma_start3A_110 = tpu.memref_slice %arg5[%add3A_104, %dma_start3A_109] : memref<10112x128xf32, #tpu.memory_space<hbm>> -> memref<128x128xf32, #tpu.memory_space<hbm>>
        %dma_start3A_111 = arith.constant 0 : i32
        %dma_start3A_112 = arith.constant 0 : i32
        %dma_start3A_113 = tpu.memref_slice %arg7[%dma_start3A_111, %dma_start3A_112] : memref<128x128xf32, #tpu.memory_space<vmem>> -> memref<128x128xf32, #tpu.memory_space<vmem>>
        tpu.enqueue_dma source(%dma_start3A_113 : memref<128x128xf32, #tpu.memory_space<vmem>>) target(%dma_start3A_110 : memref<128x128xf32, #tpu.memory_space<hbm>>) target_semaphore(%run_scoped3A : memref<!tpu.dma_semaphore, #tpu.memory_space<semaphore_mem>>)
        %dma_wait3A = arith.constant 0 : i32
        %dma_wait3A_114 = arith.constant 0 : i32
        %dma_wait3A_115 = tpu.memref_slice %arg7[%dma_wait3A, %dma_wait3A_114] : memref<128x128xf32, #tpu.memory_space<vmem>> -> memref<128x128xf32, #tpu.memory_space<vmem>>
        %dma_wait3A_116 = arith.constant 0 : i32
        %dma_wait3A_117 = tpu.memref_slice %arg5[%add3A_104, %dma_wait3A_116] : memref<10112x128xf32, #tpu.memory_space<hbm>> -> memref<128x128xf32, #tpu.memory_space<hbm>>
        %dma_wait3A_118 = arith.constant 0 : i32
        %dma_wait3A_119 = tpu.memref_slice %arg5[%add3A_104, %dma_wait3A_118] : memref<10112x128xf32, #tpu.memory_space<hbm>> -> memref<128x128xf32, #tpu.memory_space<hbm>>
        %dma_wait3A_120 = arith.constant 0 : i32
        %dma_wait3A_121 = arith.constant 0 : i32
        %dma_wait3A_122 = tpu.memref_slice %arg7[%dma_wait3A_120, %dma_wait3A_121] : memref<128x128xf32, #tpu.memory_space<vmem>> -> memref<128x128xf32, #tpu.memory_space<vmem>>
        tpu.wait_dma2 semaphore(%run_scoped3A : memref<!tpu.dma_semaphore, #tpu.memory_space<semaphore_mem>>) src(%dma_wait3A_122 : memref<128x128xf32, #tpu.memory_space<vmem>>) dst(%dma_wait3A_119 : memref<128x128xf32, #tpu.memory_space<hbm>>)
        tpu.yield
      }) : () -> ()
    } else {
    }
    %mul3A_87 = arith.constant 632 : i32
    %mul3A_88 = arith.muli %arg1, %mul3A_87 : i32
    %add3A_89 = arith.constant 512 : i32
    %add3A_90 = arith.addi %mul3A_88, %add3A_89 : i32
    "tpu.region"() ({
      %run_scoped3A = tpu.sem_alloc : memref<!tpu.dma_semaphore, #tpu.memory_space<semaphore_mem>>
      %dma_start3A = arith.constant 0 : i32
      %dma_start3A_101 = arith.constant 0 : i32
      %dma_start3A_102 = tpu.memref_slice %arg7[%dma_start3A, %dma_start3A_101] : memref<128x128xf32, #tpu.memory_space<vmem>> -> memref<120x128xf32, #tpu.memory_space<vmem>>
      %dma_start3A_103 = arith.constant 0 : i32
      %dma_start3A_104 = tpu.memref_slice %arg9[%add3A_90, %dma_start3A_103] : memref<10112x128xf32, #tpu.memory_space<vmem_shared>> -> memref<120x128xf32, #tpu.memory_space<vmem_shared>>
      %dma_start3A_105 = arith.constant 0 : i32
      %dma_start3A_106 = arith.constant 0 : i32
      %dma_start3A_107 = tpu.memref_slice %arg7[%dma_start3A_105, %dma_start3A_106] : memref<128x128xf32, #tpu.memory_space<vmem>> -> memref<120x128xf32, #tpu.memory_space<vmem>>
      %dma_start3A_108 = arith.constant 0 : i32
      %dma_start3A_109 = tpu.memref_slice %arg9[%add3A_90, %dma_start3A_108] : memref<10112x128xf32, #tpu.memory_space<vmem_shared>> -> memref<120x128xf32, #tpu.memory_space<vmem_shared>>
      tpu.enqueue_dma source(%dma_start3A_109 : memref<120x128xf32, #tpu.memory_space<vmem_shared>>) target(%dma_start3A_107 : memref<120x128xf32, #tpu.memory_space<vmem>>) target_semaphore(%run_scoped3A : memref<!tpu.dma_semaphore, #tpu.memory_space<semaphore_mem>>)
      %dma_wait3A = arith.constant 0 : i32
      %dma_wait3A_110 = arith.constant 0 : i32
      %dma_wait3A_111 = tpu.memref_slice %arg7[%dma_wait3A, %dma_wait3A_110] : memref<128x128xf32, #tpu.memory_space<vmem>> -> memref<120x128xf32, #tpu.memory_space<vmem>>
      %dma_wait3A_112 = arith.constant 0 : i32
      %dma_wait3A_113 = tpu.memref_slice %arg9[%add3A_90, %dma_wait3A_112] : memref<10112x128xf32, #tpu.memory_space<vmem_shared>> -> memref<120x128xf32, #tpu.memory_space<vmem_shared>>
      %dma_wait3A_114 = arith.constant 0 : i32
      %dma_wait3A_115 = arith.constant 0 : i32
      %dma_wait3A_116 = tpu.memref_slice %arg7[%dma_wait3A_114, %dma_wait3A_115] : memref<128x128xf32, #tpu.memory_space<vmem>> -> memref<120x128xf32, #tpu.memory_space<vmem>>
      %dma_wait3A_117 = arith.constant 0 : i32
      %dma_wait3A_118 = tpu.memref_slice %arg9[%add3A_90, %dma_wait3A_117] : memref<10112x128xf32, #tpu.memory_space<vmem_shared>> -> memref<120x128xf32, #tpu.memory_space<vmem_shared>>
      tpu.wait_dma2 semaphore(%run_scoped3A : memref<!tpu.dma_semaphore, #tpu.memory_space<semaphore_mem>>) src(%dma_wait3A_118 : memref<120x128xf32, #tpu.memory_space<vmem_shared>>) dst(%dma_wait3A_116 : memref<120x128xf32, #tpu.memory_space<vmem>>)
      tpu.yield
    }) : () -> ()
    %eq3A_91 = arith.constant 0 : i32
    %eq3A_92 = arith.cmpi eq, %arg0, %eq3A_91 : i32
    %convert_element_type3A_93 = arith.extui %eq3A_92 : i1 to i32
    %cond3A_94 = arith.constant 0 : i32
    %cond3A_95 = arith.cmpi ne, %convert_element_type3A_93, %cond3A_94 : i32
    scf.if %cond3A_95 {
      %mul3A_101 = arith.constant 632 : i32
      %mul3A_102 = arith.muli %arg1, %mul3A_101 : i32
      %add3A_103 = arith.constant 512 : i32
      %add3A_104 = arith.addi %mul3A_102, %add3A_103 : i32
      "tpu.region"() ({
        %run_scoped3A = tpu.sem_alloc : memref<!tpu.dma_semaphore, #tpu.memory_space<semaphore_mem>>
        %dma_start3A = arith.constant 0 : i32
        %dma_start3A_105 = arith.constant 0 : i32
        %dma_start3A_106 = tpu.memref_slice %arg7[%dma_start3A, %dma_start3A_105] : memref<128x128xf32, #tpu.memory_space<vmem>> -> memref<120x128xf32, #tpu.memory_space<vmem>>
        %dma_start3A_107 = arith.constant 0 : i32
        %dma_start3A_108 = tpu.memref_slice %arg4[%add3A_104, %dma_start3A_107] : memref<10112x128xf32, #tpu.memory_space<hbm>> -> memref<120x128xf32, #tpu.memory_space<hbm>>
        %dma_start3A_109 = arith.constant 0 : i32
        %dma_start3A_110 = tpu.memref_slice %arg4[%add3A_104, %dma_start3A_109] : memref<10112x128xf32, #tpu.memory_space<hbm>> -> memref<120x128xf32, #tpu.memory_space<hbm>>
        %dma_start3A_111 = arith.constant 0 : i32
        %dma_start3A_112 = arith.constant 0 : i32
        %dma_start3A_113 = tpu.memref_slice %arg7[%dma_start3A_111, %dma_start3A_112] : memref<128x128xf32, #tpu.memory_space<vmem>> -> memref<120x128xf32, #tpu.memory_space<vmem>>
        tpu.enqueue_dma source(%dma_start3A_113 : memref<120x128xf32, #tpu.memory_space<vmem>>) target(%dma_start3A_110 : memref<120x128xf32, #tpu.memory_space<hbm>>) target_semaphore(%run_scoped3A : memref<!tpu.dma_semaphore, #tpu.memory_space<semaphore_mem>>)
        %dma_wait3A = arith.constant 0 : i32
        %dma_wait3A_114 = arith.constant 0 : i32
        %dma_wait3A_115 = tpu.memref_slice %arg7[%dma_wait3A, %dma_wait3A_114] : memref<128x128xf32, #tpu.memory_space<vmem>> -> memref<120x128xf32, #tpu.memory_space<vmem>>
        %dma_wait3A_116 = arith.constant 0 : i32
        %dma_wait3A_117 = tpu.memref_slice %arg4[%add3A_104, %dma_wait3A_116] : memref<10112x128xf32, #tpu.memory_space<hbm>> -> memref<120x128xf32, #tpu.memory_space<hbm>>
        %dma_wait3A_118 = arith.constant 0 : i32
        %dma_wait3A_119 = tpu.memref_slice %arg4[%add3A_104, %dma_wait3A_118] : memref<10112x128xf32, #tpu.memory_space<hbm>> -> memref<120x128xf32, #tpu.memory_space<hbm>>
        %dma_wait3A_120 = arith.constant 0 : i32
        %dma_wait3A_121 = arith.constant 0 : i32
        %dma_wait3A_122 = tpu.memref_slice %arg7[%dma_wait3A_120, %dma_wait3A_121] : memref<128x128xf32, #tpu.memory_space<vmem>> -> memref<120x128xf32, #tpu.memory_space<vmem>>
        tpu.wait_dma2 semaphore(%run_scoped3A : memref<!tpu.dma_semaphore, #tpu.memory_space<semaphore_mem>>) src(%dma_wait3A_122 : memref<120x128xf32, #tpu.memory_space<vmem>>) dst(%dma_wait3A_119 : memref<120x128xf32, #tpu.memory_space<hbm>>)
        tpu.yield
      }) : () -> ()
    } else {
    }
    %eq3A_96 = arith.constant 1 : i32
    %eq3A_97 = arith.cmpi eq, %arg0, %eq3A_96 : i32
    %convert_element_type3A_98 = arith.extui %eq3A_97 : i1 to i32
    %cond3A_99 = arith.constant 0 : i32
    %cond3A_100 = arith.cmpi ne, %convert_element_type3A_98, %cond3A_99 : i32
    scf.if %cond3A_100 {
      %mul3A_101 = arith.constant 632 : i32
      %mul3A_102 = arith.muli %arg1, %mul3A_101 : i32
      %add3A_103 = arith.constant 512 : i32
      %add3A_104 = arith.addi %mul3A_102, %add3A_103 : i32
      "tpu.region"() ({
        %run_scoped3A = tpu.sem_alloc : memref<!tpu.dma_semaphore, #tpu.memory_space<semaphore_mem>>
        %dma_start3A = arith.constant 0 : i32
        %dma_start3A_105 = arith.constant 0 : i32
        %dma_start3A_106 = tpu.memref_slice %arg7[%dma_start3A, %dma_start3A_105] : memref<128x128xf32, #tpu.memory_space<vmem>> -> memref<120x128xf32, #tpu.memory_space<vmem>>
        %dma_start3A_107 = arith.constant 0 : i32
        %dma_start3A_108 = tpu.memref_slice %arg5[%add3A_104, %dma_start3A_107] : memref<10112x128xf32, #tpu.memory_space<hbm>> -> memref<120x128xf32, #tpu.memory_space<hbm>>
        %dma_start3A_109 = arith.constant 0 : i32
        %dma_start3A_110 = tpu.memref_slice %arg5[%add3A_104, %dma_start3A_109] : memref<10112x128xf32, #tpu.memory_space<hbm>> -> memref<120x128xf32, #tpu.memory_space<hbm>>
        %dma_start3A_111 = arith.constant 0 : i32
        %dma_start3A_112 = arith.constant 0 : i32
        %dma_start3A_113 = tpu.memref_slice %arg7[%dma_start3A_111, %dma_start3A_112] : memref<128x128xf32, #tpu.memory_space<vmem>> -> memref<120x128xf32, #tpu.memory_space<vmem>>
        tpu.enqueue_dma source(%dma_start3A_113 : memref<120x128xf32, #tpu.memory_space<vmem>>) target(%dma_start3A_110 : memref<120x128xf32, #tpu.memory_space<hbm>>) target_semaphore(%run_scoped3A : memref<!tpu.dma_semaphore, #tpu.memory_space<semaphore_mem>>)
        %dma_wait3A = arith.constant 0 : i32
        %dma_wait3A_114 = arith.constant 0 : i32
        %dma_wait3A_115 = tpu.memref_slice %arg7[%dma_wait3A, %dma_wait3A_114] : memref<128x128xf32, #tpu.memory_space<vmem>> -> memref<120x128xf32, #tpu.memory_space<vmem>>
        %dma_wait3A_116 = arith.constant 0 : i32
        %dma_wait3A_117 = tpu.memref_slice %arg5[%add3A_104, %dma_wait3A_116] : memref<10112x128xf32, #tpu.memory_space<hbm>> -> memref<120x128xf32, #tpu.memory_space<hbm>>
        %dma_wait3A_118 = arith.constant 0 : i32
        %dma_wait3A_119 = tpu.memref_slice %arg5[%add3A_104, %dma_wait3A_118] : memref<10112x128xf32, #tpu.memory_space<hbm>> -> memref<120x128xf32, #tpu.memory_space<hbm>>
        %dma_wait3A_120 = arith.constant 0 : i32
        %dma_wait3A_121 = arith.constant 0 : i32
        %dma_wait3A_122 = tpu.memref_slice %arg7[%dma_wait3A_120, %dma_wait3A_121] : memref<128x128xf32, #tpu.memory_space<vmem>> -> memref<120x128xf32, #tpu.memory_space<vmem>>
        tpu.wait_dma2 semaphore(%run_scoped3A : memref<!tpu.dma_semaphore, #tpu.memory_space<semaphore_mem>>) src(%dma_wait3A_122 : memref<120x128xf32, #tpu.memory_space<vmem>>) dst(%dma_wait3A_119 : memref<120x128xf32, #tpu.memory_space<hbm>>)
        tpu.yield
      }) : () -> ()
    } else {
    }
    return
  }
}

module attributes {stable_mosaic.version = 14 : i64} {
  func.func @_proj_body(%arg0: i32, %arg1: memref<1000x128xf32, #tpu.memory_space<vmem>>, %arg2: memref<128x128xf32, #tpu.memory_space<vmem>>, %arg3: memref<1x128xf32, #tpu.memory_space<vmem>>, %arg4: memref<1000x128xf32, #tpu.memory_space<vmem>>, %arg5: memref<1000x128xf32, #tpu.memory_space<vmem>>) attributes {dimension_semantics = [#tpu.dimension_semantics<arbitrary>], iteration_bounds = array<i64: 10>, scalar_prefetch = 0 : i64, scratch_operands = 0 : i64, tpu.core_type = #tpu.core_type<tc>, window_params = [{transform_indices = @transform_0, window_bounds = array<i64: 1000, 128>}, {pipeline_mode = #tpu.pipeline_mode<synchronous>, transform_indices = @transform_1, window_bounds = array<i64: 128, 128>}, {pipeline_mode = #tpu.pipeline_mode<synchronous>, transform_indices = @transform_2, window_bounds = array<i64: 1, 128>}, {transform_indices = @transform_3, window_bounds = array<i64: 1000, 128>}, {transform_indices = @transform_4, window_bounds = array<i64: 1000, 128>}]} {
    %get3A = arith.constant 0 : index
    %get3A_0 = arith.constant 0 : index
    %get3A_1 = vector.load %arg1[%get3A, %get3A_0] : memref<1000x128xf32, #tpu.memory_space<vmem>>, vector<1000x128xf32>
    %get3A_2 = arith.constant 0 : index
    %get3A_3 = arith.constant 0 : index
    %get3A_4 = vector.load %arg2[%get3A_2, %get3A_3] : memref<128x128xf32, #tpu.memory_space<vmem>>, vector<128x128xf32>
    %dot_general3A = arith.constant dense<0.000000e+00> : vector<1000x128xf32>
    %dot_general3A_5 = tpu.matmul %get3A_1, %get3A_4, %dot_general3A {dimension_numbers = #tpu.dot_dimension_numbers<[1], [0], [0], [1], [0, 0, 1, 1], [], []>, transpose_lhs_hint = false} : vector<1000x128xf32>, vector<128x128xf32>, vector<1000x128xf32> -> vector<1000x128xf32>
    %get3A_6 = arith.constant 0 : index
    %get3A_7 = arith.constant 0 : index
    %get3A_8 = vector.load %arg3[%get3A_6, %get3A_7] : memref<1x128xf32, #tpu.memory_space<vmem>>, vector<1x128xf32>
    %add3A = vector.broadcast %get3A_8 : vector<1x128xf32> to vector<1000x128xf32>
    %add3A_9 = arith.addf %dot_general3A_5, %add3A : vector<1000x128xf32>
    %max3A = arith.constant 0.000000e+00 : f32
    %max3A_10 = vector.broadcast %max3A : f32 to vector<1000x128xf32>
    %max3A_11 = arith.maximumf %add3A_9, %max3A_10 : vector<1000x128xf32>
    %swap3A = arith.constant 0 : index
    %swap3A_12 = arith.constant 0 : index
    %swap3A_13 = vector.load %arg4[%swap3A, %swap3A_12] : memref<1000x128xf32, #tpu.memory_space<vmem>>, vector<1000x128xf32>
    tpu.vector_store %arg4[%swap3A, %swap3A_12], %max3A_11 {strides = array<i32>} : memref<1000x128xf32, #tpu.memory_space<vmem>>, vector<1000x128xf32>,
    %swap3A_14 = arith.constant 0 : index
    %swap3A_15 = arith.constant 0 : index
    %swap3A_16 = vector.load %arg5[%swap3A_14, %swap3A_15] : memref<1000x128xf32, #tpu.memory_space<vmem>>, vector<1000x128xf32>
    tpu.vector_store %arg5[%swap3A_14, %swap3A_15], %max3A_11 {strides = array<i32>} : memref<1000x128xf32, #tpu.memory_space<vmem>>, vector<1000x128xf32>,
    return
  }
  func.func @transform_0(%arg0: i32) -> (i32, i32) {
    %c0_i32 = arith.constant 0 : i32
    %c0_i32_0 = arith.constant 0 : i32
    return %arg0, %c0_i32 : i32, i32
  }
  func.func @transform_1(%arg0: i32) -> (i32, i32) {
    %c0_i32 = arith.constant 0 : i32
    %c0_i32_0 = arith.constant 0 : i32
    %c0_i32_1 = arith.constant 0 : i32
    return %c0_i32, %c0_i32_0 : i32, i32
  }
  func.func @transform_2(%arg0: i32) -> (i32, i32) {
    %c0_i32 = arith.constant 0 : i32
    %c0_i32_0 = arith.constant 0 : i32
    %c0_i32_1 = arith.constant 0 : i32
    return %c0_i32, %c0_i32_0 : i32, i32
  }
  func.func @transform_3(%arg0: i32) -> (i32, i32) {
    %c0_i32 = arith.constant 0 : i32
    %c0_i32_0 = arith.constant 0 : i32
    return %arg0, %c0_i32 : i32, i32
  }
  func.func @transform_4(%arg0: i32) -> (i32, i32) {
    %c0_i32 = arith.constant 0 : i32
    %c0_i32_0 = arith.constant 0 : i32
    return %arg0, %c0_i32 : i32, i32
  }
}

module attributes {stable_mosaic.version = 14 : i64} {
  func.func @_proj_body(%arg0: i32, %arg1: memref<2048x16xf32, #tpu.memory_space<vmem>>, %arg2: memref<16x128xf32, #tpu.memory_space<vmem>>, %arg3: memref<1x128xf32, #tpu.memory_space<vmem>>, %arg4: memref<2048x128xf32, #tpu.memory_space<vmem>>) attributes {dimension_semantics = [#tpu.dimension_semantics<arbitrary>], iteration_bounds = array<i64: 160>, scalar_prefetch = 0 : i64, scratch_operands = 0 : i64, tpu.core_type = #tpu.core_type<tc>, window_params = [{transform_indices = @transform_0, window_bounds = array<i64: 2048, 16>}, {pipeline_mode = #tpu.pipeline_mode<synchronous>, transform_indices = @transform_1, window_bounds = array<i64: 16, 128>}, {pipeline_mode = #tpu.pipeline_mode<synchronous>, transform_indices = @transform_2, window_bounds = array<i64: 1, 128>}, {transform_indices = @transform_3, window_bounds = array<i64: 2048, 128>}]} {
    %get3A = arith.constant 0 : index
    %get3A_0 = arith.constant 0 : index
    %get3A_1 = vector.load %arg1[%get3A, %get3A_0] : memref<2048x16xf32, #tpu.memory_space<vmem>>, vector<2048x16xf32>
    %get3A_2 = arith.constant 0 : index
    %get3A_3 = arith.constant 0 : index
    %get3A_4 = vector.load %arg2[%get3A_2, %get3A_3] : memref<16x128xf32, #tpu.memory_space<vmem>>, vector<16x128xf32>
    %dot_general3A = arith.constant dense<0.000000e+00> : vector<2048x128xf32>
    %dot_general3A_5 = tpu.matmul %get3A_1, %get3A_4, %dot_general3A {dimension_numbers = #tpu.dot_dimension_numbers<[1], [0], [0], [1], [0, 0, 1, 1], [], []>, transpose_lhs_hint = false} : vector<2048x16xf32>, vector<16x128xf32>, vector<2048x128xf32> -> vector<2048x128xf32>
    %get3A_6 = arith.constant 0 : index
    %get3A_7 = arith.constant 0 : index
    %get3A_8 = vector.load %arg3[%get3A_6, %get3A_7] : memref<1x128xf32, #tpu.memory_space<vmem>>, vector<1x128xf32>
    %add3A = vector.broadcast %get3A_8 : vector<1x128xf32> to vector<2048x128xf32>
    %add3A_9 = arith.addf %dot_general3A_5, %add3A : vector<2048x128xf32>
    %max3A = arith.constant 0.000000e+00 : f32
    %max3A_10 = vector.broadcast %max3A : f32 to vector<2048x128xf32>
    %max3A_11 = arith.maximumf %add3A_9, %max3A_10 : vector<2048x128xf32>
    %swap3A = arith.constant 0 : index
    %swap3A_12 = arith.constant 0 : index
    %swap3A_13 = vector.load %arg4[%swap3A, %swap3A_12] : memref<2048x128xf32, #tpu.memory_space<vmem>>, vector<2048x128xf32>
    tpu.vector_store %arg4[%swap3A, %swap3A_12], %max3A_11 {strides = array<i32>} : memref<2048x128xf32, #tpu.memory_space<vmem>>, vector<2048x128xf32>,
    return
  }
  func.func @transform_0(%arg0: i32) -> (i32, i32) {
    %c0_i32 = arith.constant 0 : i32
    %c0_i32_0 = arith.constant 0 : i32
    return %arg0, %c0_i32 : i32, i32
  }
  func.func @transform_1(%arg0: i32) -> (i32, i32) {
    %c0_i32 = arith.constant 0 : i32
    %c0_i32_0 = arith.constant 0 : i32
    %c0_i32_1 = arith.constant 0 : i32
    return %c0_i32, %c0_i32_0 : i32, i32
  }
  func.func @transform_2(%arg0: i32) -> (i32, i32) {
    %c0_i32 = arith.constant 0 : i32
    %c0_i32_0 = arith.constant 0 : i32
    %c0_i32_1 = arith.constant 0 : i32
    return %c0_i32, %c0_i32_0 : i32, i32
  }
  func.func @transform_3(%arg0: i32) -> (i32, i32) {
    %c0_i32 = arith.constant 0 : i32
    %c0_i32_0 = arith.constant 0 : i32
    return %arg0, %c0_i32 : i32, i32
  }
}

module attributes {stable_mosaic.version = 14 : i64} {
  func.func @_layer_body(%arg0: i32, %arg1: memref<1000x128xf32, #tpu.memory_space<vmem>>, %arg2: memref<1000x128xf32, #tpu.memory_space<vmem>>, %arg3: memref<1000x128xf32, #tpu.memory_space<vmem>>, %arg4: memref<1000x128xf32, #tpu.memory_space<vmem>>, %arg5: memref<1000x128xf32, #tpu.memory_space<vmem>>, %arg6: memref<128x128xf32, #tpu.memory_space<vmem>>, %arg7: memref<128x128xf32, #tpu.memory_space<vmem>>, %arg8: memref<1x128xf32, #tpu.memory_space<vmem>>, %arg9: memref<1000x128xf32, #tpu.memory_space<vmem>>, %arg10: memref<1000x128xf32, #tpu.memory_space<vmem>>) attributes {dimension_semantics = [#tpu.dimension_semantics<arbitrary>], iteration_bounds = array<i64: 10>, scalar_prefetch = 0 : i64, scratch_operands = 0 : i64, tpu.core_type = #tpu.core_type<tc>, window_params = [{transform_indices = @transform_0, window_bounds = array<i64: 1000, 128>}, {transform_indices = @transform_1, window_bounds = array<i64: 1000, 128>}, {transform_indices = @transform_2, window_bounds = array<i64: 1000, 128>}, {transform_indices = @transform_3, window_bounds = array<i64: 1000, 128>}, {transform_indices = @transform_4, window_bounds = array<i64: 1000, 128>}, {pipeline_mode = #tpu.pipeline_mode<synchronous>, transform_indices = @transform_5, window_bounds = array<i64: 128, 128>}, {pipeline_mode = #tpu.pipeline_mode<synchronous>, transform_indices = @transform_6, window_bounds = array<i64: 128, 128>}, {pipeline_mode = #tpu.pipeline_mode<synchronous>, transform_indices = @transform_7, window_bounds = array<i64: 1, 128>}, {transform_indices = @transform_8, window_bounds = array<i64: 1000, 128>}, {transform_indices = @transform_9, window_bounds = array<i64: 1000, 128>}]} {
    %get3A = arith.constant 0 : index
    %get3A_0 = arith.constant 0 : index
    %get3A_1 = vector.load %arg2[%get3A, %get3A_0] : memref<1000x128xf32, #tpu.memory_space<vmem>>, vector<1000x128xf32>
    %get3A_2 = arith.constant 0 : index
    %get3A_3 = arith.constant 0 : index
    %get3A_4 = vector.load %arg3[%get3A_2, %get3A_3] : memref<1000x128xf32, #tpu.memory_space<vmem>>, vector<1000x128xf32>
    %add3A = arith.addf %get3A_1, %get3A_4 : vector<1000x128xf32>
    %get3A_5 = arith.constant 0 : index
    %get3A_6 = arith.constant 0 : index
    %get3A_7 = vector.load %arg4[%get3A_5, %get3A_6] : memref<1000x128xf32, #tpu.memory_space<vmem>>, vector<1000x128xf32>
    %add3A_8 = arith.addf %add3A, %get3A_7 : vector<1000x128xf32>
    %get3A_9 = arith.constant 0 : index
    %get3A_10 = arith.constant 0 : index
    %get3A_11 = vector.load %arg5[%get3A_9, %get3A_10] : memref<1000x128xf32, #tpu.memory_space<vmem>>, vector<1000x128xf32>
    %add3A_12 = arith.addf %add3A_8, %get3A_11 : vector<1000x128xf32>
    %get3A_13 = arith.constant 0 : index
    %get3A_14 = arith.constant 0 : index
    %get3A_15 = vector.load %arg1[%get3A_13, %get3A_14] : memref<1000x128xf32, #tpu.memory_space<vmem>>, vector<1000x128xf32>
    %get3A_16 = arith.constant 0 : index
    %get3A_17 = arith.constant 0 : index
    %get3A_18 = vector.load %arg6[%get3A_16, %get3A_17] : memref<128x128xf32, #tpu.memory_space<vmem>>, vector<128x128xf32>
    %dot_general3A = arith.constant dense<0.000000e+00> : vector<1000x128xf32>
    %dot_general3A_19 = tpu.matmul %get3A_15, %get3A_18, %dot_general3A {dimension_numbers = #tpu.dot_dimension_numbers<[1], [0], [0], [1], [0, 0, 1, 1], [], []>, transpose_lhs_hint = false} : vector<1000x128xf32>, vector<128x128xf32>, vector<1000x128xf32> -> vector<1000x128xf32>
    %get3A_20 = arith.constant 0 : index
    %get3A_21 = arith.constant 0 : index
    %get3A_22 = vector.load %arg7[%get3A_20, %get3A_21] : memref<128x128xf32, #tpu.memory_space<vmem>>, vector<128x128xf32>
    %dot_general3A_23 = arith.constant dense<0.000000e+00> : vector<1000x128xf32>
    %dot_general3A_24 = tpu.matmul %add3A_12, %get3A_22, %dot_general3A_23 {dimension_numbers = #tpu.dot_dimension_numbers<[1], [0], [0], [1], [0, 0, 1, 1], [], []>, transpose_lhs_hint = false} : vector<1000x128xf32>, vector<128x128xf32>, vector<1000x128xf32> -> vector<1000x128xf32>
    %add3A_25 = arith.addf %dot_general3A_19, %dot_general3A_24 : vector<1000x128xf32>
    %get3A_26 = arith.constant 0 : index
    %get3A_27 = arith.constant 0 : index
    %get3A_28 = vector.load %arg8[%get3A_26, %get3A_27] : memref<1x128xf32, #tpu.memory_space<vmem>>, vector<1x128xf32>
    %add3A_29 = vector.broadcast %get3A_28 : vector<1x128xf32> to vector<1000x128xf32>
    %add3A_30 = arith.addf %add3A_25, %add3A_29 : vector<1000x128xf32>
    %max3A = arith.constant 0.000000e+00 : f32
    %max3A_31 = vector.broadcast %max3A : f32 to vector<1000x128xf32>
    %max3A_32 = arith.maximumf %add3A_30, %max3A_31 : vector<1000x128xf32>
    %swap3A = arith.constant 0 : index
    %swap3A_33 = arith.constant 0 : index
    %swap3A_34 = vector.load %arg9[%swap3A, %swap3A_33] : memref<1000x128xf32, #tpu.memory_space<vmem>>, vector<1000x128xf32>
    tpu.vector_store %arg9[%swap3A, %swap3A_33], %max3A_32 {strides = array<i32>} : memref<1000x128xf32, #tpu.memory_space<vmem>>, vector<1000x128xf32>,
    %swap3A_35 = arith.constant 0 : index
    %swap3A_36 = arith.constant 0 : index
    %swap3A_37 = vector.load %arg10[%swap3A_35, %swap3A_36] : memref<1000x128xf32, #tpu.memory_space<vmem>>, vector<1000x128xf32>
    tpu.vector_store %arg10[%swap3A_35, %swap3A_36], %max3A_32 {strides = array<i32>} : memref<1000x128xf32, #tpu.memory_space<vmem>>, vector<1000x128xf32>,
    return
  }
  func.func @transform_0(%arg0: i32) -> (i32, i32) {
    %c0_i32 = arith.constant 0 : i32
    %c0_i32_0 = arith.constant 0 : i32
    return %arg0, %c0_i32 : i32, i32
  }
  func.func @transform_1(%arg0: i32) -> (i32, i32) {
    %c0_i32 = arith.constant 0 : i32
    %c0_i32_0 = arith.constant 0 : i32
    return %arg0, %c0_i32 : i32, i32
  }
  func.func @transform_2(%arg0: i32) -> (i32, i32) {
    %c0_i32 = arith.constant 0 : i32
    %c0_i32_0 = arith.constant 0 : i32
    return %arg0, %c0_i32 : i32, i32
  }
  func.func @transform_3(%arg0: i32) -> (i32, i32) {
    %c0_i32 = arith.constant 0 : i32
    %c0_i32_0 = arith.constant 0 : i32
    return %arg0, %c0_i32 : i32, i32
  }
  func.func @transform_4(%arg0: i32) -> (i32, i32) {
    %c0_i32 = arith.constant 0 : i32
    %c0_i32_0 = arith.constant 0 : i32
    return %arg0, %c0_i32 : i32, i32
  }
  func.func @transform_5(%arg0: i32) -> (i32, i32) {
    %c0_i32 = arith.constant 0 : i32
    %c0_i32_0 = arith.constant 0 : i32
    %c0_i32_1 = arith.constant 0 : i32
    return %c0_i32, %c0_i32_0 : i32, i32
  }
  func.func @transform_6(%arg0: i32) -> (i32, i32) {
    %c0_i32 = arith.constant 0 : i32
    %c0_i32_0 = arith.constant 0 : i32
    %c0_i32_1 = arith.constant 0 : i32
    return %c0_i32, %c0_i32_0 : i32, i32
  }
  func.func @transform_7(%arg0: i32) -> (i32, i32) {
    %c0_i32 = arith.constant 0 : i32
    %c0_i32_0 = arith.constant 0 : i32
    %c0_i32_1 = arith.constant 0 : i32
    return %c0_i32, %c0_i32_0 : i32, i32
  }
  func.func @transform_8(%arg0: i32) -> (i32, i32) {
    %c0_i32 = arith.constant 0 : i32
    %c0_i32_0 = arith.constant 0 : i32
    return %arg0, %c0_i32 : i32, i32
  }
  func.func @transform_9(%arg0: i32) -> (i32, i32) {
    %c0_i32 = arith.constant 0 : i32
    %c0_i32_0 = arith.constant 0 : i32
    return %arg0, %c0_i32 : i32, i32
  }
}

module attributes {stable_mosaic.version = 14 : i64} {
  func.func @_layer_body(%arg0: i32, %arg1: memref<1000x128xf32, #tpu.memory_space<vmem>>, %arg2: memref<1000x128xf32, #tpu.memory_space<vmem>>, %arg3: memref<1000x128xf32, #tpu.memory_space<vmem>>, %arg4: memref<1000x128xf32, #tpu.memory_space<vmem>>, %arg5: memref<1000x128xf32, #tpu.memory_space<vmem>>, %arg6: memref<128x128xf32, #tpu.memory_space<vmem>>, %arg7: memref<128x128xf32, #tpu.memory_space<vmem>>, %arg8: memref<1x128xf32, #tpu.memory_space<vmem>>, %arg9: memref<1000x128xf32, #tpu.memory_space<vmem>>, %arg10: memref<1x128xf32, #tpu.memory_space<vmem>>) attributes {dimension_semantics = [#tpu.dimension_semantics<arbitrary>], iteration_bounds = array<i64: 10>, scalar_prefetch = 0 : i64, scratch_operands = 0 : i64, tpu.core_type = #tpu.core_type<tc>, window_params = [{transform_indices = @transform_0, window_bounds = array<i64: 1000, 128>}, {transform_indices = @transform_1, window_bounds = array<i64: 1000, 128>}, {transform_indices = @transform_2, window_bounds = array<i64: 1000, 128>}, {transform_indices = @transform_3, window_bounds = array<i64: 1000, 128>}, {transform_indices = @transform_4, window_bounds = array<i64: 1000, 128>}, {pipeline_mode = #tpu.pipeline_mode<synchronous>, transform_indices = @transform_5, window_bounds = array<i64: 128, 128>}, {pipeline_mode = #tpu.pipeline_mode<synchronous>, transform_indices = @transform_6, window_bounds = array<i64: 128, 128>}, {pipeline_mode = #tpu.pipeline_mode<synchronous>, transform_indices = @transform_7, window_bounds = array<i64: 1, 128>}, {transform_indices = @transform_8, window_bounds = array<i64: 1000, 128>}, {pipeline_mode = #tpu.pipeline_mode<synchronous>, transform_indices = @transform_9, window_bounds = array<i64: 1, 128>}]} {
    %get3A = arith.constant 0 : index
    %get3A_0 = arith.constant 0 : index
    %get3A_1 = vector.load %arg2[%get3A, %get3A_0] : memref<1000x128xf32, #tpu.memory_space<vmem>>, vector<1000x128xf32>
    %get3A_2 = arith.constant 0 : index
    %get3A_3 = arith.constant 0 : index
    %get3A_4 = vector.load %arg3[%get3A_2, %get3A_3] : memref<1000x128xf32, #tpu.memory_space<vmem>>, vector<1000x128xf32>
    %add3A = arith.addf %get3A_1, %get3A_4 : vector<1000x128xf32>
    %get3A_5 = arith.constant 0 : index
    %get3A_6 = arith.constant 0 : index
    %get3A_7 = vector.load %arg4[%get3A_5, %get3A_6] : memref<1000x128xf32, #tpu.memory_space<vmem>>, vector<1000x128xf32>
    %add3A_8 = arith.addf %add3A, %get3A_7 : vector<1000x128xf32>
    %get3A_9 = arith.constant 0 : index
    %get3A_10 = arith.constant 0 : index
    %get3A_11 = vector.load %arg5[%get3A_9, %get3A_10] : memref<1000x128xf32, #tpu.memory_space<vmem>>, vector<1000x128xf32>
    %add3A_12 = arith.addf %add3A_8, %get3A_11 : vector<1000x128xf32>
    %get3A_13 = arith.constant 0 : index
    %get3A_14 = arith.constant 0 : index
    %get3A_15 = vector.load %arg1[%get3A_13, %get3A_14] : memref<1000x128xf32, #tpu.memory_space<vmem>>, vector<1000x128xf32>
    %get3A_16 = arith.constant 0 : index
    %get3A_17 = arith.constant 0 : index
    %get3A_18 = vector.load %arg6[%get3A_16, %get3A_17] : memref<128x128xf32, #tpu.memory_space<vmem>>, vector<128x128xf32>
    %dot_general3A = arith.constant dense<0.000000e+00> : vector<1000x128xf32>
    %dot_general3A_19 = tpu.matmul %get3A_15, %get3A_18, %dot_general3A {dimension_numbers = #tpu.dot_dimension_numbers<[1], [0], [0], [1], [0, 0, 1, 1], [], []>, transpose_lhs_hint = false} : vector<1000x128xf32>, vector<128x128xf32>, vector<1000x128xf32> -> vector<1000x128xf32>
    %get3A_20 = arith.constant 0 : index
    %get3A_21 = arith.constant 0 : index
    %get3A_22 = vector.load %arg7[%get3A_20, %get3A_21] : memref<128x128xf32, #tpu.memory_space<vmem>>, vector<128x128xf32>
    %dot_general3A_23 = arith.constant dense<0.000000e+00> : vector<1000x128xf32>
    %dot_general3A_24 = tpu.matmul %add3A_12, %get3A_22, %dot_general3A_23 {dimension_numbers = #tpu.dot_dimension_numbers<[1], [0], [0], [1], [0, 0, 1, 1], [], []>, transpose_lhs_hint = false} : vector<1000x128xf32>, vector<128x128xf32>, vector<1000x128xf32> -> vector<1000x128xf32>
    %add3A_25 = arith.addf %dot_general3A_19, %dot_general3A_24 : vector<1000x128xf32>
    %get3A_26 = arith.constant 0 : index
    %get3A_27 = arith.constant 0 : index
    %get3A_28 = vector.load %arg8[%get3A_26, %get3A_27] : memref<1x128xf32, #tpu.memory_space<vmem>>, vector<1x128xf32>
    %add3A_29 = vector.broadcast %get3A_28 : vector<1x128xf32> to vector<1000x128xf32>
    %add3A_30 = arith.addf %add3A_25, %add3A_29 : vector<1000x128xf32>
    %max3A = arith.constant 0.000000e+00 : f32
    %max3A_31 = vector.broadcast %max3A : f32 to vector<1000x128xf32>
    %max3A_32 = arith.maximumf %add3A_30, %max3A_31 : vector<1000x128xf32>
    %swap3A = arith.constant 0 : index
    %swap3A_33 = arith.constant 0 : index
    %swap3A_34 = vector.load %arg9[%swap3A, %swap3A_33] : memref<1000x128xf32, #tpu.memory_space<vmem>>, vector<1000x128xf32>
    tpu.vector_store %arg9[%swap3A, %swap3A_33], %max3A_32 {strides = array<i32>} : memref<1000x128xf32, #tpu.memory_space<vmem>>, vector<1000x128xf32>,
    %eq3A = arith.constant 0 : i32
    %eq3A_35 = arith.cmpi eq, %arg0, %eq3A : i32
    %convert_element_type3A = arith.extui %eq3A_35 : i1 to i32
    %cond3A = arith.constant 0 : i32
    %cond3A_36 = arith.cmpi ne, %convert_element_type3A, %cond3A : i32
    scf.if %cond3A_36 {
      %broadcast_in_dim3A_45 = arith.constant 0.000000e+00 : f32
      %broadcast_in_dim3A_46 = vector.broadcast %broadcast_in_dim3A_45 : f32 to vector<1x128xf32>
      %swap3A_47 = arith.constant 0 : index
      %swap3A_48 = arith.constant 0 : index
      %swap3A_49 = vector.load %arg10[%swap3A_47, %swap3A_48] : memref<1x128xf32, #tpu.memory_space<vmem>>, vector<1x128xf32>
      tpu.vector_store %arg10[%swap3A_47, %swap3A_48], %broadcast_in_dim3A_46 {strides = array<i32>} : memref<1x128xf32, #tpu.memory_space<vmem>>, vector<1x128xf32>,
    } else {
    }
    %get3A_37 = arith.constant 0 : index
    %get3A_38 = arith.constant 0 : index
    %get3A_39 = vector.load %arg10[%get3A_37, %get3A_38] : memref<1x128xf32, #tpu.memory_space<vmem>>, vector<1x128xf32>
    %reduce_sum3A = arith.constant dense<0.000000e+00> : vector<128xf32>
    %reduce_sum3A_40 = vector.multi_reduction <add>, %max3A_32, %reduce_sum3A [0] : vector<1000x128xf32> to vector<128xf32>
    %broadcast_in_dim3A = vector.shape_cast %reduce_sum3A_40 : vector<128xf32> to vector<1x128xf32>
    %add3A_41 = arith.addf %get3A_39, %broadcast_in_dim3A : vector<1x128xf32>
    %swap3A_42 = arith.constant 0 : index
    %swap3A_43 = arith.constant 0 : index
    %swap3A_44 = vector.load %arg10[%swap3A_42, %swap3A_43] : memref<1x128xf32, #tpu.memory_space<vmem>>, vector<1x128xf32>
    tpu.vector_store %arg10[%swap3A_42, %swap3A_43], %add3A_41 {strides = array<i32>} : memref<1x128xf32, #tpu.memory_space<vmem>>, vector<1x128xf32>,
    return
  }
  func.func @transform_0(%arg0: i32) -> (i32, i32) {
    %c0_i32 = arith.constant 0 : i32
    %c0_i32_0 = arith.constant 0 : i32
    return %arg0, %c0_i32 : i32, i32
  }
  func.func @transform_1(%arg0: i32) -> (i32, i32) {
    %c0_i32 = arith.constant 0 : i32
    %c0_i32_0 = arith.constant 0 : i32
    return %arg0, %c0_i32 : i32, i32
  }
  func.func @transform_2(%arg0: i32) -> (i32, i32) {
    %c0_i32 = arith.constant 0 : i32
    %c0_i32_0 = arith.constant 0 : i32
    return %arg0, %c0_i32 : i32, i32
  }
  func.func @transform_3(%arg0: i32) -> (i32, i32) {
    %c0_i32 = arith.constant 0 : i32
    %c0_i32_0 = arith.constant 0 : i32
    return %arg0, %c0_i32 : i32, i32
  }
  func.func @transform_4(%arg0: i32) -> (i32, i32) {
    %c0_i32 = arith.constant 0 : i32
    %c0_i32_0 = arith.constant 0 : i32
    return %arg0, %c0_i32 : i32, i32
  }
  func.func @transform_5(%arg0: i32) -> (i32, i32) {
    %c0_i32 = arith.constant 0 : i32
    %c0_i32_0 = arith.constant 0 : i32
    %c0_i32_1 = arith.constant 0 : i32
    return %c0_i32, %c0_i32_0 : i32, i32
  }
  func.func @transform_6(%arg0: i32) -> (i32, i32) {
    %c0_i32 = arith.constant 0 : i32
    %c0_i32_0 = arith.constant 0 : i32
    %c0_i32_1 = arith.constant 0 : i32
    return %c0_i32, %c0_i32_0 : i32, i32
  }
  func.func @transform_7(%arg0: i32) -> (i32, i32) {
    %c0_i32 = arith.constant 0 : i32
    %c0_i32_0 = arith.constant 0 : i32
    %c0_i32_1 = arith.constant 0 : i32
    return %c0_i32, %c0_i32_0 : i32, i32
  }
  func.func @transform_8(%arg0: i32) -> (i32, i32) {
    %c0_i32 = arith.constant 0 : i32
    %c0_i32_0 = arith.constant 0 : i32
    return %arg0, %c0_i32 : i32, i32
  }
  func.func @transform_9(%arg0: i32) -> (i32, i32) {
    %c0_i32 = arith.constant 0 : i32
    %c0_i32_0 = arith.constant 0 : i32
    %c0_i32_1 = arith.constant 0 : i32
    return %c0_i32, %c0_i32_0 : i32, i32
  }
}

module attributes {stable_mosaic.version = 14 : i64} {
  func.func @_head_body(%arg0: memref<4096x128xf32, #tpu.memory_space<vmem>>, %arg1: memref<4096x128xf32, #tpu.memory_space<vmem>>, %arg2: memref<128x64xf32, #tpu.memory_space<vmem>>, %arg3: memref<128x64xf32, #tpu.memory_space<vmem>>, %arg4: memref<1x64xf32, #tpu.memory_space<vmem>>, %arg5: memref<1x64xf32, #tpu.memory_space<vmem>>, %arg6: memref<1x1xf32, #tpu.memory_space<vmem>>, %arg7: memref<1x128xf32, #tpu.memory_space<vmem>>, %arg8: memref<1x4xf32, #tpu.memory_space<vmem>>, %arg9: memref<128x32xf32, #tpu.memory_space<vmem>>, %arg10: memref<4x32xf32, #tpu.memory_space<vmem>>, %arg11: memref<1x32xf32, #tpu.memory_space<vmem>>, %arg12: memref<32x16xf32, #tpu.memory_space<vmem>>, %arg13: memref<1x16xf32, #tpu.memory_space<vmem>>, %arg14: memref<16x1xf32, #tpu.memory_space<vmem>>, %arg15: memref<1x1xf32, #tpu.memory_space<vmem>>, %arg16: memref<1x4096xf32, #tpu.memory_space<vmem>>, %arg17: memref<1x1xf32, #tpu.memory_space<vmem>>, %arg18: memref<1x1xi32, #tpu.memory_space<vmem>>) attributes {dimension_semantics = [], scalar_prefetch = 0 : i64, scratch_operands = 0 : i64, tpu.core_type = #tpu.core_type<tc>} {
    %get3A = arith.constant 0 : index
    %get3A_0 = arith.constant 0 : index
    %get3A_1 = vector.load %arg0[%get3A, %get3A_0] : memref<4096x128xf32, #tpu.memory_space<vmem>>, vector<4096x128xf32>
    %get3A_2 = arith.constant 0 : index
    %get3A_3 = arith.constant 0 : index
    %get3A_4 = vector.load %arg2[%get3A_2, %get3A_3] : memref<128x64xf32, #tpu.memory_space<vmem>>, vector<128x64xf32>
    %dot_general3A = arith.constant dense<0.000000e+00> : vector<4096x64xf32>
    %dot_general3A_5 = tpu.matmul %get3A_1, %get3A_4, %dot_general3A {dimension_numbers = #tpu.dot_dimension_numbers<[1], [0], [0], [1], [0, 0, 1, 1], [], []>, transpose_lhs_hint = false} : vector<4096x128xf32>, vector<128x64xf32>, vector<4096x64xf32> -> vector<4096x64xf32>
    %get3A_6 = arith.constant 0 : index
    %get3A_7 = arith.constant 0 : index
    %get3A_8 = vector.load %arg1[%get3A_6, %get3A_7] : memref<4096x128xf32, #tpu.memory_space<vmem>>, vector<4096x128xf32>
    %get3A_9 = arith.constant 0 : index
    %get3A_10 = arith.constant 0 : index
    %get3A_11 = vector.load %arg3[%get3A_9, %get3A_10] : memref<128x64xf32, #tpu.memory_space<vmem>>, vector<128x64xf32>
    %dot_general3A_12 = arith.constant dense<0.000000e+00> : vector<4096x64xf32>
    %dot_general3A_13 = tpu.matmul %get3A_8, %get3A_11, %dot_general3A_12 {dimension_numbers = #tpu.dot_dimension_numbers<[1], [0], [0], [1], [0, 0, 1, 1], [], []>, transpose_lhs_hint = false} : vector<4096x128xf32>, vector<128x64xf32>, vector<4096x64xf32> -> vector<4096x64xf32>
    %add3A = arith.addf %dot_general3A_5, %dot_general3A_13 : vector<4096x64xf32>
    %get3A_14 = arith.constant 0 : index
    %get3A_15 = arith.constant 0 : index
    %get3A_16 = vector.load %arg4[%get3A_14, %get3A_15] : memref<1x64xf32, #tpu.memory_space<vmem>>, vector<1x64xf32>
    %add3A_17 = vector.broadcast %get3A_16 : vector<1x64xf32> to vector<4096x64xf32>
    %add3A_18 = arith.addf %add3A, %add3A_17 : vector<4096x64xf32>
    %max3A = arith.constant 0.000000e+00 : f32
    %max3A_19 = vector.broadcast %max3A : f32 to vector<4096x64xf32>
    %max3A_20 = arith.maximumf %add3A_18, %max3A_19 : vector<4096x64xf32>
    %get3A_21 = arith.constant 0 : index
    %get3A_22 = arith.constant 0 : index
    %get3A_23 = vector.load %arg5[%get3A_21, %get3A_22] : memref<1x64xf32, #tpu.memory_space<vmem>>, vector<1x64xf32>
    %dot_general3A_24 = arith.constant dense<0.000000e+00> : vector<1x4096xf32>
    %dot_general3A_25 = tpu.matmul %get3A_23, %max3A_20, %dot_general3A_24 {dimension_numbers = #tpu.dot_dimension_numbers<[1], [1], [0], [0], [0, 0, 1, 0], [], []>, transpose_lhs_hint = false} : vector<1x64xf32>, vector<4096x64xf32>, vector<1x4096xf32> -> vector<1x4096xf32>
    %get3A_26 = arith.constant 0 : index
    %get3A_27 = arith.constant 0 : index
    %get3A_28 = vector.load %arg6[%get3A_26, %get3A_27] : memref<1x1xf32, #tpu.memory_space<vmem>>, vector<1x1xf32>
    %add3A_29 = vector.broadcast %get3A_28 : vector<1x1xf32> to vector<1x4096xf32>
    %add3A_30 = arith.addf %dot_general3A_25, %add3A_29 : vector<1x4096xf32>
    %swap3A = arith.constant 0 : index
    %swap3A_31 = arith.constant 0 : index
    %swap3A_32 = vector.load %arg16[%swap3A, %swap3A_31] : memref<1x4096xf32, #tpu.memory_space<vmem>>, vector<1x4096xf32>
    tpu.vector_store %arg16[%swap3A, %swap3A_31], %add3A_30 {strides = array<i32>} : memref<1x4096xf32, #tpu.memory_space<vmem>>, vector<1x4096xf32>,
    %get3A_33 = arith.constant 0 : index
    %get3A_34 = arith.constant 0 : index
    %get3A_35 = vector.load %arg7[%get3A_33, %get3A_34] : memref<1x128xf32, #tpu.memory_space<vmem>>, vector<1x128xf32>
    %mul3A = arith.constant 9.99999974E-5 : f32
    %mul3A_36 = vector.broadcast %mul3A : f32 to vector<1x128xf32>
    %mul3A_37 = arith.mulf %get3A_35, %mul3A_36 : vector<1x128xf32>
    %get3A_38 = arith.constant 0 : index
    %get3A_39 = arith.constant 0 : index
    %get3A_40 = vector.load %arg9[%get3A_38, %get3A_39] : memref<128x32xf32, #tpu.memory_space<vmem>>, vector<128x32xf32>
    %dot_general3A_41 = arith.constant dense<0.000000e+00> : vector<1x32xf32>
    %dot_general3A_42 = tpu.matmul %mul3A_37, %get3A_40, %dot_general3A_41 {dimension_numbers = #tpu.dot_dimension_numbers<[1], [0], [0], [1], [0, 0, 1, 1], [], []>, transpose_lhs_hint = false} : vector<1x128xf32>, vector<128x32xf32>, vector<1x32xf32> -> vector<1x32xf32>
    %get3A_43 = arith.constant 0 : index
    %get3A_44 = arith.constant 0 : index
    %get3A_45 = vector.load %arg8[%get3A_43, %get3A_44] : memref<1x4xf32, #tpu.memory_space<vmem>>, vector<1x4xf32>
    %get3A_46 = arith.constant 0 : index
    %get3A_47 = arith.constant 0 : index
    %get3A_48 = vector.load %arg10[%get3A_46, %get3A_47] : memref<4x32xf32, #tpu.memory_space<vmem>>, vector<4x32xf32>
    %dot_general3A_49 = arith.constant dense<0.000000e+00> : vector<1x32xf32>
    %dot_general3A_50 = tpu.matmul %get3A_45, %get3A_48, %dot_general3A_49 {dimension_numbers = #tpu.dot_dimension_numbers<[1], [0], [0], [1], [0, 0, 1, 1], [], []>, transpose_lhs_hint = false} : vector<1x4xf32>, vector<4x32xf32>, vector<1x32xf32> -> vector<1x32xf32>
    %add3A_51 = arith.addf %dot_general3A_42, %dot_general3A_50 : vector<1x32xf32>
    %get3A_52 = arith.constant 0 : index
    %get3A_53 = arith.constant 0 : index
    %get3A_54 = vector.load %arg11[%get3A_52, %get3A_53] : memref<1x32xf32, #tpu.memory_space<vmem>>, vector<1x32xf32>
    %add3A_55 = arith.addf %add3A_51, %get3A_54 : vector<1x32xf32>
    %max3A_56 = arith.constant 0.000000e+00 : f32
    %max3A_57 = vector.broadcast %max3A_56 : f32 to vector<1x32xf32>
    %max3A_58 = arith.maximumf %add3A_55, %max3A_57 : vector<1x32xf32>
    %get3A_59 = arith.constant 0 : index
    %get3A_60 = arith.constant 0 : index
    %get3A_61 = vector.load %arg12[%get3A_59, %get3A_60] : memref<32x16xf32, #tpu.memory_space<vmem>>, vector<32x16xf32>
    %dot_general3A_62 = arith.constant dense<0.000000e+00> : vector<1x16xf32>
    %dot_general3A_63 = tpu.matmul %max3A_58, %get3A_61, %dot_general3A_62 {dimension_numbers = #tpu.dot_dimension_numbers<[1], [0], [0], [1], [0, 0, 1, 1], [], []>, transpose_lhs_hint = false} : vector<1x32xf32>, vector<32x16xf32>, vector<1x16xf32> -> vector<1x16xf32>
    %get3A_64 = arith.constant 0 : index
    %get3A_65 = arith.constant 0 : index
    %get3A_66 = vector.load %arg13[%get3A_64, %get3A_65] : memref<1x16xf32, #tpu.memory_space<vmem>>, vector<1x16xf32>
    %add3A_67 = arith.addf %dot_general3A_63, %get3A_66 : vector<1x16xf32>
    %max3A_68 = arith.constant 0.000000e+00 : f32
    %max3A_69 = vector.broadcast %max3A_68 : f32 to vector<1x16xf32>
    %max3A_70 = arith.maximumf %add3A_67, %max3A_69 : vector<1x16xf32>
    %get3A_71 = arith.constant 0 : index
    %get3A_72 = arith.constant 0 : index
    %get3A_73 = vector.load %arg14[%get3A_71, %get3A_72] : memref<16x1xf32, #tpu.memory_space<vmem>>, vector<16x1xf32>
    %dot_general3A_74 = arith.constant dense<0.000000e+00> : vector<1x1xf32>
    %dot_general3A_75 = tpu.matmul %max3A_70, %get3A_73, %dot_general3A_74 {dimension_numbers = #tpu.dot_dimension_numbers<[1], [0], [0], [1], [0, 0, 1, 1], [], []>, transpose_lhs_hint = false} : vector<1x16xf32>, vector<16x1xf32>, vector<1x1xf32> -> vector<1x1xf32>
    %get3A_76 = arith.constant 0 : index
    %get3A_77 = arith.constant 0 : index
    %get3A_78 = vector.load %arg15[%get3A_76, %get3A_77] : memref<1x1xf32, #tpu.memory_space<vmem>>, vector<1x1xf32>
    %add3A_79 = arith.addf %dot_general3A_75, %get3A_78 : vector<1x1xf32>
    %neg3A = arith.constant 0.000000e+00 : f32
    %neg3A_80 = vector.broadcast %neg3A : f32 to vector<1x1xf32>
    %neg3A_81 = arith.subf %neg3A_80, %add3A_79 : vector<1x1xf32>
    %exp3A = math.exp %neg3A_81 : vector<1x1xf32>
    %add3A_82 = arith.constant 1.000000e+00 : f32
    %add3A_83 = vector.broadcast %add3A_82 : f32 to vector<1x1xf32>
    %add3A_84 = arith.addf %add3A_83, %exp3A : vector<1x1xf32>
    %div3A = arith.constant 4.900000e+01 : f32
    %div3A_85 = vector.broadcast %div3A : f32 to vector<1x1xf32>
    %div3A_86 = arith.divf %div3A_85, %add3A_84 : vector<1x1xf32>
    %add3A_87 = arith.constant 1.000000e+00 : f32
    %add3A_88 = vector.broadcast %add3A_87 : f32 to vector<1x1xf32>
    %add3A_89 = arith.addf %add3A_88, %div3A_86 : vector<1x1xf32>
    %swap3A_90 = arith.constant 0 : index
    %swap3A_91 = arith.constant 0 : index
    %swap3A_92 = vector.load %arg17[%swap3A_90, %swap3A_91] : memref<1x1xf32, #tpu.memory_space<vmem>>, vector<1x1xf32>
    tpu.vector_store %arg17[%swap3A_90, %swap3A_91], %add3A_89 {strides = array<i32>} : memref<1x1xf32, #tpu.memory_space<vmem>>, vector<1x1xf32>,
    %round3A = math.roundeven %add3A_89 : vector<1x1xf32>
    %jit3A = arith.constant 1.000000e+00 : f32
    %jit3A_93 = arith.constant 5.000000e+01 : f32
    %max3A_94 = vector.broadcast %jit3A : f32 to vector<1x1xf32>
    %max3A_95 = arith.maximumf %max3A_94, %round3A : vector<1x1xf32>
    %min3A = vector.broadcast %jit3A_93 : f32 to vector<1x1xf32>
    %min3A_96 = arith.minimumf %min3A, %max3A_95 : vector<1x1xf32>
    %convert_element_type3A = arith.fptosi %min3A_96 : vector<1x1xf32> to vector<1x1xi32>
    %swap3A_97 = arith.constant 0 : index
    %swap3A_98 = arith.constant 0 : index
    %swap3A_99 = vector.load %arg18[%swap3A_97, %swap3A_98] : memref<1x1xi32, #tpu.memory_space<vmem>>, vector<1x1xi32>
    tpu.vector_store %arg18[%swap3A_97, %swap3A_98], %convert_element_type3A {strides = array<i32>} : memref<1x1xi32, #tpu.memory_space<vmem>>, vector<1x1xi32>,
    return
  }
}

</mosaic_0001>

<sc_bundles>
// kernel: kernel.11.cloned.1.call-start
scs
__scs_entry_jumppad:
0x0: {  	(pc) =	sbr.rel $0x88, $3  }
0x1: {  	(tag) =	ssettag $0x0;
	lr =	simm.s32 $0x1  }
0x2: {  	[smem:$0x3F88] =	sst lr;
	_ =	strace $0xD0000000  }
0x3: {  	_ = 	snop  }
0x4: {  	_ = 	snop  }
0x5: {  	_ = 	snop  }
0x6: {  	_ = 	snop  }
0x7: {  	_ = 	snop  }
__scs_overlays_trampoline_lowered:
0x8: {  	[smem:$0x3F97] =	sst s0  }
0x9: {  	[smem:$0x3F98] =	sst s1  }
0xa: {  	[smem:$0x3F99] =	sst s2  }
0xb: {  	[smem:$0x3F9A] =	sst s3  }
0xc: {  	[smem:$0x3F9B] =	sst s4  }
0xd: {  	[smem:$0x3F9C] =	sst s5  }
0xe: {  	[smem:$0x3F9D] =	sst s6  }
0xf: {  	[smem:$0x3F9E] =	sst s7  }
0x10: {  	[smem:$0x3F9F] =	sst s8  }
0x11: {  	[smem:$0x3FA0] =	sst s9;
	s0 =	simm.s32 @!p0 $0x0  }
0x12: {  	s1 =	sld [smem:$0x3F86];
	s0 =	simm.s32 @p0 $0x1  }
0x13: {  	[smem:$0x3FA1] =	sst s0;
	s0 =	simm.s32 @!p1 $0x0  }
0x14: {  	s2 =	sld [smem:$0x3F85];
	s0 =	simm.s32 @p1 $0x1  }
0x15: {  	[smem:$0x3FA2] =	sst s0;
	s0 =	simm.s32 @!p2 $0x0  }
0x16: {  	s3 =	sld [smem:$0x3FDB];
	s0 =	simm.s32 @p2 $0x1  }
0x17: {  	s4 =	simm.s32 $0x1BF5;
	[smem:$0x3FA4] =	sst s0  }
0x18: {  	s0 =	sld [smem:$0x3F87];
	_ =	swait.ge [sflag:s4], $0x0  }
0x19: {  	s7 =	sld [smem:$0x3F88]  }
0x1a: {  	s8 =	sadd.s32 $0xFFFFE003, lr  }
0x1b: {  	s9 =	sadd.s32 $0xFFFFFEF7, lr;
	s5 =	simm.s32 $0xFFFFFFFF;
	p2 =	slt.u32 s8, $0xFFFFF086  }
0x1c: {  	p1 =	slt.u32 s9, $0xF7A;
	s5 =	simm.s32 @!p2 $0x0  }
0x1d: {  	s5 =	simm.s32 @p1 $0x1;
	p0 =	seq.s32 s7, s2  }
0x1e: {  	s7 =	smul.u32 @!p0 $0xF7A, s2;
	p2 =	seq.s32 @!p0 s5, $0x0  }
0x1f: {  	s9 =	smul.u32 $0xF7A, s1;
	s8 =	simm.s32 @!p0 $0x1BF5;
	p2 =	por !p2, p0  }
0x20: {  	[sflag:s8] =	ssyncset.s32 @!p0 $0xFFFFF086;
	s6 =	sadd.s32 @!p0 s3, s7;
	s7 =	simm.s32 @!p0 $0x108  }
0x21: {  	s3 =	sadd.s32 s3, s9;
	s6 =	sadd.s32 @!p0 $0x88, s6;
	s7 =	simm.s32 @p2 $0x1082  }
0x22: {  	[simem:s7], [sflag:s8] =	dma.local @!p0 [hbm:s6], $0xF7A  }
0x23: {  	s9 =	sor.u32 $0xD0000000, s2;
	s6 =	simm.s32 $0x108;
	_ =	swait.ge @!p0 [sflag:s8], $0x0  }
0x24: {  	s3 =	sadd.s32 $0x88, s3;
	s6 =	simm.s32 @!p1 $0x1082;
	[sflag:s4] =	ssyncset.s32 $0xFFFFF086  }
0x25: {  	[simem:s6], [sflag:s4] =	dma.local [hbm:s3], $0xF7A  }
0x26: {  	[smem:$0x3F88] =	sst s1;
	(tag) =	ssettag s2;
	_ =	strace s9  }
0x27: {  	s1 =	sld [smem:$0x3F98]  }
0x28: {  	s2 =	sld [smem:$0x3F99]  }
0x29: {  	s4 =	sld [smem:$0x3F9B]  }
0x2a: {  	p0 =	seq.s32 s5, $0x0;
	s5 =	sld [smem:$0x3F9C]  }
0x2b: {  	s6 =	sld [smem:$0x3F9D]  }
0x2c: {  	s7 =	sld [smem:$0x3F9E]  }
0x2d: {  	s3 =	simm.s32 $0x108;
	s8 =	sld [smem:$0x3F9F]  }
0x2e: {  	s3 =	simm.s32 @!p0 $0x1082;
	s9 =	sld [smem:$0x3FA0]  }
0x2f: {  	lr =	sadd.s32 s0, s3;
	s0 =	sld [smem:$0x3F97]  }
0x30: {  	s3 =	sld [smem:$0x3F9A]  }
0x31: {  	[smem:$0x3FA3] =	sst s10  }
0x32: {  	s10 =	sld [smem:$0x3FA1];
	_ =	sdelay $0x3  }
0x33: {  	p0 =	seq.s32 s10, $0x1;
	s10 =	sld [smem:$0x3FA3];
	_ =	sdelay $0x3  }
0x34: {  	[smem:$0x3FA3] =	sst s10  }
0x35: {  	s10 =	sld [smem:$0x3FA2];
	_ =	sdelay $0x3  }
0x36: {  	p1 =	seq.s32 s10, $0x1;
	s10 =	sld [smem:$0x3FA3];
	_ =	sdelay $0x3  }
0x37: {  	[smem:$0x3FA3] =	sst s10  }
0x38: {  	s10 =	sld [smem:$0x3FA4]  }
0x39: {  	_ = 	snop;
	(pc) =	sbr.ind lr, $3  }
0x3a: {  	_ = 	snop  }
0x3b: {  	_ = 	snop  }
0x3c: {  	p2 =	seq.s32 s10, $0x1;
	s10 =	sld [smem:$0x3FA3]  }
0x3d: {  	_ =	shalt  }
0x3e: {  	_ =	shalt  }
0x3f: {  	_ =	shalt  }
0x40: {  	_ =	shalt  }
0x41: {  	_ =	shalt  }
0x42: {  	_ =	shalt  }
0x43: {  	_ =	shalt  }
0x44: {  	_ =	shalt  }
0x45: {  	_ =	shalt  }
0x46: {  	_ =	shalt  }
0x47: {  	_ =	shalt  }
0x48: {  	_ =	shalt  }
0x49: {  	_ =	shalt  }
0x4a: {  	_ =	shalt  }
0x4b: {  	_ =	shalt  }
0x4c: {  	_ =	shalt  }
0x4d: {  	_ =	shalt  }
0x4e: {  	_ =	shalt  }
0x4f: {  	_ =	shalt  }
0x50: {  	_ =	shalt  }
0x51: {  	_ =	shalt  }
0x52: {  	_ =	shalt  }
0x53: {  	_ =	shalt  }
0x54: {  	_ =	shalt  }
0x55: {  	_ =	shalt  }
0x56: {  	_ =	shalt  }
0x57: {  	_ =	shalt  }
0x58: {  	_ =	shalt  }
0x59: {  	_ =	shalt  }
0x5a: {  	_ =	shalt  }
0x5b: {  	_ =	shalt  }
0x5c: {  	_ =	shalt  }
0x5d: {  	_ =	shalt  }
0x5e: {  	_ =	shalt  }
0x5f: {  	_ =	shalt  }
0x60: {  	_ =	shalt  }
0x61: {  	_ =	shalt  }
0x62: {  	_ =	shalt  }
0x63: {  	_ =	shalt  }
0x64: {  	_ =	shalt  }
0x65: {  	_ =	shalt  }
0x66: {  	_ =	shalt  }
0x67: {  	_ =	shalt  }
0x68: {  	_ =	shalt  }
0x69: {  	_ =	shalt  }
0x6a: {  	_ =	shalt  }
0x6b: {  	_ =	shalt  }
0x6c: {  	_ =	shalt  }
0x6d: {  	_ =	shalt  }
0x6e: {  	_ =	shalt  }
0x6f: {  	_ =	shalt  }
0x70: {  	_ =	shalt  }
0x71: {  	_ =	shalt  }
0x72: {  	_ =	shalt  }
0x73: {  	_ =	shalt  }
0x74: {  	_ =	shalt  }
0x75: {  	_ =	shalt  }
0x76: {  	_ =	shalt  }
0x77: {  	_ =	shalt  }
0x78: {  	_ =	shalt  }
0x79: {  	_ =	shalt  }
0x7a: {  	_ =	shalt  }
0x7b: {  	_ =	shalt  }
0x7c: {  	_ =	shalt  }
0x7d: {  	_ =	shalt  }
0x7e: {  	_ =	shalt  }
0x7f: {  	_ =	shalt  }
0x80: {  	_ =	shalt  }
0x81: {  	_ =	shalt  }
0x82: {  	_ =	shalt  }
0x83: {  	_ =	shalt  }
0x84: {  	_ =	shalt  }
0x85: {  	_ =	shalt  }
0x86: {  	_ =	shalt  }
0x87: {  	_ =	shalt  }
.Lfunc_end0:
.L_simem_size_0:
called_computation_lowered:
.L_overlay_start_0:
0x88: {  	s2 =	sld [smem:$0x3FD9]  }
0x89: {  	s3 =	sld [smem:$0x3FFE];
	_ =	sdelay $0x1  }
0x8a: {  	s1 =	srdreg.scid  }
0x8b: {  	s0 =	sand.u32 $0x1, s1  }
0x8c: {  	s17 =	sshll.u32 s0, $0xA;
	s2 =	sadd.s32 s3, s2  }
0x8d: {  	s2 =	sadd.s32 s2, s17  }
0x8e: {  	[smem:$0x3FAF] =	sst s2  }
0x8f: {  	_ = 	snop  }
0x90: {  	(tm) =	ssettm $0x1  }
0x91: {  	s18 =	sld [smem:$0x3FFB];
	_ =	sdelay $0x3  }
0x92: {  	_ =	strace s18  }
0x93: {  	s2 =	sld [smem:$0x3FFC];
	_ =	sdelay $0x3  }
0x94: {  	_ =	strace s2  }
0x95: {  	s2 =	sld [smem:$0x3FFD];
	_ =	sdelay $0x3  }
0x96: {  	_ =	strace s2  }
0x97: {  	_ =	strace $0x8FFFFFFF  }
0x98: {  	s19 =	sld [smem:$0x3FDB];
	_ =	sdelay $0x1  }
0x99: {  	s20 =	simm.s32 $_scs_section_size  }
0x9a: {  	s4 =	simm.s32 $_size__tile_overlayer_lowered;
	s5 =	simm.s32 $_tile_overlayer_lowered  }
0x9b: {  	s6 =	simm.s32 $0x1BFF;
	s21 =	sshll.u32 s5, $0x1;
	s3 =	sadd.s32 s20, s19  }
0x9c: {  	s22 =	simm.s32 $0x0;
	s4 =	sshll.u32 s4, $0x1;
	s5 =	sadd.s32 s21, s3  }
0x9d: {  	[timem:s22], [sflag:s6] =	dma.local [hbm:s5], s4  }
0x9e: {  	_ =	swait.ge [sflag:s6], s4  }
0x9f: {  	s4 =	ssub.s32 $0x0, s4;
	[sflag:s6] =	ssyncset.done $0x0  }
0xa0: {  	[sflag:s6] =	ssyncadd.s32 s4;
	_ =	sdelay $0x1  }
0xa1: {  	s23 =	simm.s32 $0x1B8B  }
0xa2: {  	_ =	swait.ge [sflag:s23], $0x1  }
0xa3: {  	[sflag:s23] =	ssyncset.done $0x0  }
0xa4: {  	[sflag:s23] =	ssyncadd.s32 $0xFFFFFFFF  }
0xa5: {  	s4 =	sld [smem:$0x0]  }
0xa6: {  	s5 =	sand.u32 $0xFFFFFFFE, s1  }
0xa7: {  	p0 =	sne.s32 s1, s5  }
0xa8: {  	s5 =	sshll.u32 @p0 s5, $0xE  }
0xa9: {  	s5 =	sadd.s32 @p0 $0x11B8D, s5;
	s6 =	sshll.u32 @p0 s4, $0x11  }
0xaa: {  	s5 =	sor.u32 @p0 s6, s5  }
0xab: {  	[sflag:s5] =	ssyncadd.remote.s32 @p0 $0x1;
	_ =	sdelay $0x1  }
0xac: {  	s5 =	simm.s32 @p0 $0x1B8D  }
0xad: {  	_ =	swait.eq @p0 [sflag:s5], $0x1  }
0xae: {  	[sflag:s5] =	ssyncadd.s32 @p0 $0xFFFFFFFF  }
0xaf: {  	s6 =	sshll.u32 @!p0 s1, $0xE  }
0xb0: {  	s6 =	sor.u32 @!p0 $0x4000, s6;
	s5 =	simm.s32 @!p0 $0x1B8D  }
0xb1: {  	s4 =	sshll.u32 @!p0 s4, $0x11;
	s6 =	sadd.s32 @!p0 $0x11B8D, s6;
	_ =	swait.eq @!p0 [sflag:s5], $0x1  }
0xb2: {  	s4 =	sor.u32 @!p0 s4, s6;
	[sflag:s5] =	ssyncadd.s32 @!p0 $0xFFFFFFFF  }
0xb3: {  	s25 =	simm.s32 $0x1B8E;
	s24 =	sld [smem:$0x3FFE];
	[sflag:s4] =	ssyncadd.remote.s32 @!p0 $0x1  }
0xb4: {  	s26 =	simm.s32 $execute0_lowered;
	[smem:$0x3FD2] =	sst s25  }
0xb5: {  	s5 =	sshll.u32 s26, $0x1;
	_ =	strace $0x80000049;
	[dreg:$0x1] =	wrdreg $0xFFFFFFFF  }
0xb6: {  	s28 =	simm.s32 $_size_execute0_lowered;
	s3 =	sadd.s32 s3, s5;
	[dreg:$0x0] =	wrdreg $0x0  }
0xb7: {  	s5 =	sshll.u32 s28, $0x1;
	[dreg:$0x2] =	wrdreg s3  }
0xb8: {  	[dreg:$0x3] =	wrdreg s5  }
0xb9: {  	[dreg:$0x4] =	wrdreg $0xC0  }
0xba: {  	_ =	task [dreg:s22], $0x5FFFF  }
0xbb: {  	[dreg:$0x1] =	wrdreg $0xFFFFFFFF  }
0xbc: {  	[dreg:$0x0] =	wrdreg $0x60  }
0xbd: {  	[dreg:$0x2] =	wrdreg s24  }
0xbe: {  	[dreg:$0x3] =	wrdreg $0x81000  }
0xbf: {  	[dreg:$0x4] =	wrdreg $0x9  }
0xc0: {  	_ =	task.clear_ibuf [dreg:s22], $0x5FFFF;
	_ =	strace $0x90000049  }
0xc1: {  	s29 =	simm.s32 $0x9;
	_ =	strace $0x8000004B  }
0xc2: {  	_ =	swait.ge [sflag:s29], $0x1  }
0xc3: {  	[sflag:s29] =	ssyncadd.s32 $0xFFFFFFFF  }
0xc4: {  	_ =	strace $0x9000004B  }
0xc5: {  	_ =	sfence  }
0xc6: {  	s30 =	sld [smem:$0x0];
	_ =	sdelay $0x2  }
0xc7: {  	s31 =	sshll.u32 s1, $0xD;
	s1 =	sshrl.u32 s1, $0x2  }
0xc8: {  	s4 =	sand.u32 $0x4000, s31;
	s1 =	sadd.s32 s1, s30  }
0xc9: {  	s0 =	sor.u32 s4, s0;
	s1 =	sshll.u32 s1, $0x11  }
0xca: {  	s0 =	sor.u32 s1, s0  }
0xcb: {  	s0 =	sadd.s32 $0x8F2B, s0  }
0xcc: {  	[sflag:s0] =	ssyncadd.remote.s32 $0x1  }
0xcd: {  	_ =	sfence.sel $0xFFFF  }
0xce: {  	[dreg:$0x0] =	wrdreg $0xFFFFFFFF;
	(pc) =	sbr.abs _section_cstart, $3  }
0xcf: {  	[dreg:$0x1] =	wrdreg $0xFFFFFFFF  }
0xd0: {  	_ =	task.clear_ibuf [dreg:s22], $0x2FFFF;
	_ =	strace $0x9FFFFFFF  }
0xd1: {  	(tm) =	ssettm $0x7FFFFFFF  }
tec
execute0_lowered:
.L_overlay_start_1:
0x0: {  	(tag) =	ssettag $0x1  }
0x1: {  	s6 =	rddreg [dreg:$0x0]  }
0x2: {  	s2 =	rddreg [dreg:$0x1];
	s3 =	simm.s32 $0x0  }
0x3: {  	s0 =	stileid.u32;
	s5 =	srdreg.scid;
	s23 =	simm.s32 $0x3  }
0x4: {  	s24 =	simm.s32 $0x4100;
	s25 =	simm.s32 $0x1;
	s4 =	smul.u32 $0x28000, s0  }
0x5: {  	s28 =	simm.s32 $0x2;
	s29 =	simm.s32 $0x0;
	s10 =	smul.u32 $0x278, s0  }
0x6: {  	[smem:$0x7FF] =	sst s3;
	s22 =	sand.u32 $0x1, s5;
	s8 =	smul.u32 $0x4F000, s0  }
0x7: {  	s5 =	sadd.s32 $0xB9000, s6;
	s14 =	smul.u32 $0x500, s0;
	_ =	strace $0x8000004A  }
0x8: {  	s7 =	ssub.s32 $0x2, s22;
	p0 =	sne.s32 s22, $0x0;
	s22 =	simm.s32 $0x100  }
0x9: {  	s21 =	sadd.s32 s4, s6;
	s4 =	sadd.s32 $0x7C00, s6;
	s6 =	sadd.s32 $0xE0800, s6  }
0xa: {  	s9 =	sshrl.u32 s7, $0x1;
	s26 =	sshrl.u32 s8, $0x2;
	s13 =	sadd.s32 $0x80, s10  }
0xb: {  	s15 =	sadd.s32 $0x100, s10;
	s16 =	sadd.s32 $0x180, s10;
	s17 =	sadd.s32 $0x200, s10  }
0xc: {  	s20 =	sadd.s32 $0x5000, s14;
	s18 =	ssub.s32 s7, s9;
	s7 =	sadd.s32 s26, s2  }
0xd: {  	s30 =	sshll.u32 s13, $0x7;
	s31 =	sshll.u32 s15, $0x7;
	s11 =	sshll.u32 s16, $0x7  }
.Ltmp0:
0xe: {  	s12 =	sshll.u32 s17, $0x7;
	s13 =	sshll.u32 s13, $0x4;
	(pc) =	sbr.rel .LBB2_1-.Ltmp0, $4  }
0xf: {  	s15 =	sshll.u32 s15, $0x4;
	s16 =	sshll.u32 s16, $0x4;
	s17 =	sshll.u32 s17, $0x4  }
0x10: {  	s19 =	sadd.s32 $0xD1B800, s21;
	s21 =	sadd.s32 $0xA9B800, s21;
	s26 =	simm.s32 $0x80  }
0x11: {  	s8 =	sadd.s32 s30, s2;
	s9 =	sadd.s32 s31, s2;
	s10 =	sadd.s32 s11, s2  }
0x12: {  	v0 =	vimm.f32 $0.0e+00;
	s11 =	smul.u32 $0x2780, s0;
	s12 =	sadd.s32 s12, s2;
	s18 =	smax.u32 s18, $0x1  }
.LBB2_9:
0x13: {  	[sflag:s23] =	ssyncset.done $0x0  }
0x14: {  	s30 =	smov.u32 s6;
	[sflag:s23] =	ssyncadd.s32 $0xFFFFC000  }
.LBB2_10:
0x15: {  	[bflag:$0x0] =	sbarrier.arrive $0xFFFF  }
0x16: {  	[tilespmem:s22], [sflag:$0x3] =	stream.linear.gather [spmem:s7], $0x4000, $0x38;
	[tilespmem:$0x1BD00] =	vst v63  }
0x17: {  	_ =	swait.ge [sflag:s23], $0x4000  }
0x18: {  	[sflag:s23] =	ssyncset.done $0x0  }
0x19: {  	s0 =	sadd.s32 s30, s11;
	[sflag:s23] =	ssyncadd.s32 $0xFFFFC000  }
0x1a: {  	[hbm4b:s0+s3] =	stream.linear.scatter [tilespmem:s22], [sflag:$0x3], $0x4000, $0x38;
	[tilespmem:$0x1BD00] =	vst v63  }
0x1b: {  	_ =	swait.ge [sflag:s23], $0x4000  }
0x1c: {  	[sflag:s23] =	ssyncset.done $0x0  }
0x1d: {  	[sflag:s23] =	ssyncadd.s32 $0xFFFFC000  }
0x1e: {  	[tilespmem:s22], [sflag:$0x3] =	stream.linear.gather [spmem:s8], $0x4000, $0x38;
	[tilespmem:$0x1BD00] =	vst v63  }
0x1f: {  	_ =	swait.ge [sflag:s23], $0x4000  }
0x20: {  	[sflag:s23] =	ssyncset.done $0x0  }
0x21: {  	s1 =	sadd.s32 s30, s13;
	[sflag:s23] =	ssyncadd.s32 $0xFFFFC000  }
0x22: {  	[hbm4b:s1+s3] =	stream.linear.scatter [tilespmem:s22], [sflag:$0x3], $0x4000, $0x38;
	[tilespmem:$0x1BD00] =	vst v63  }
0x23: {  	_ =	swait.ge [sflag:s23], $0x4000  }
0x24: {  	[sflag:s23] =	ssyncset.done $0x0  }
0x25: {  	[sflag:s23] =	ssyncadd.s32 $0xFFFFC000  }
0x26: {  	[tilespmem:s22], [sflag:$0x3] =	stream.linear.gather [spmem:s9], $0x4000, $0x38;
	[tilespmem:$0x1BD00] =	vst v63  }
0x27: {  	_ =	swait.ge [sflag:s23], $0x4000  }
0x28: {  	[sflag:s23] =	ssyncset.done $0x0  }
0x29: {  	s31 =	sadd.s32 s30, s15;
	[sflag:s23] =	ssyncadd.s32 $0xFFFFC000  }
0x2a: {  	[hbm4b:s31+s3] =	stream.linear.scatter [tilespmem:s22], [sflag:$0x3], $0x4000, $0x38;
	[tilespmem:$0x1BD00] =	vst v63  }
0x2b: {  	_ =	swait.ge [sflag:s23], $0x4000  }
0x2c: {  	[sflag:s23] =	ssyncset.done $0x0  }
0x2d: {  	[sflag:s23] =	ssyncadd.s32 $0xFFFFC000  }
0x2e: {  	[tilespmem:s22], [sflag:$0x3] =	stream.linear.gather [spmem:s10], $0x4000, $0x38;
	[tilespmem:$0x1BD00] =	vst v63  }
0x2f: {  	_ =	swait.ge [sflag:s23], $0x4000  }
0x30: {  	[sflag:s23] =	ssyncset.done $0x0  }
0x31: {  	s1 =	sadd.s32 s30, s16;
	[sflag:s23] =	ssyncadd.s32 $0xFFFFC000  }
0x32: {  	[hbm4b:s1+s3] =	stream.linear.scatter [tilespmem:s22], [sflag:$0x3], $0x4000, $0x38;
	[tilespmem:$0x1BD00] =	vst v63  }
0x33: {  	_ =	swait.ge [sflag:s23], $0x4000  }
0x34: {  	[sflag:s23] =	ssyncset.done $0x0  }
0x35: {  	[sflag:s23] =	ssyncadd.s32 $0xFFFFC000  }
0x36: {  	[tilespmem:s22], [sflag:$0x3] =	stream.linear.gather [spmem:s12], $0x3C00, $0x38;
	[tilespmem:$0x1BD00] =	vst v63  }
0x37: {  	s29 =	sadd.s32 $0x1, s29;
	_ =	swait.ge [sflag:s23], $0x3C00  }
0x38: {  	p1 =	sne.s32 s29, s18;
	[sflag:s23] =	ssyncset.done $0x0  }
.Ltmp1:
0x39: {  	s31 =	sadd.s32 s30, s17;
	[sflag:s23] =	ssyncadd.s32 $0xFFFFC400;
	(pc) =	sbr.rel @!p1 .LBB2_11-.Ltmp1, $4  }
0x3a: {  	[hbm4b:s31+s3] =	stream.linear.scatter [tilespmem:s22], [sflag:$0x3], $0x3C00, $0x38;
	[tilespmem:$0x1BD00] =	vst v63  }
0x3b: {  	_ =	swait.ge [sflag:s23], $0x3C00  }
0x3c: {  	[sflag:s23] =	ssyncset.done $0x0  }
0x3d: {  	[sflag:s23] =	ssyncadd.s32 $0xFFFFC400  }
.LBB2_1:
0x3e: {  	s30 =	simm.s32 $0x0;
	s31 =	simm.s32 $0x200  }
.LBB2_2:
0x3f: {  	p1 =	sne.s32 s31, $0xFE00;
	[tilespmem:s30+$0x170] =	vst v0  }
0x40: {  	[tilespmem:s30+$0x100] =	vst v0  }
0x41: {  	[tilespmem:s30+$0x110] =	vst v0  }
.Ltmp2:
0x42: {  	[tilespmem:s30+$0x120] =	vst v0;
	(pc) =	sbr.rel @p1 .LBB2_2-.Ltmp2, $4  }
0x43: {  	[tilespmem:s30+$0x130] =	vst v0  }
0x44: {  	[tilespmem:s30+$0x140] =	vst v0  }
0x45: {  	[tilespmem:s30+$0x150] =	vst v0  }
0x46: {  	[tilespmem:s30+$0x160] =	vst v0;
	s30 =	sshra.s32 s31, $0x2;
	s31 =	sadd.s32 $0x200, s31  }
0x47: {  	[tilespmem:s30+$0x170] =	vst v0  }
0x48: {  	[tilespmem:s30+$0x100] =	vst v0  }
0x49: {  	[tilespmem:s30+$0x110] =	vst v0  }
0x4a: {  	[tilespmem:s30+$0x120] =	vst v0  }
0x4b: {  	[tilespmem:s30+$0x130] =	vst v0  }
0x4c: {  	[tilespmem:s30+$0x140] =	vst v0  }
0x4d: {  	[tilespmem:s30+$0x150] =	vst v0  }
0x4e: {  	[tilespmem:s30+$0x160] =	vst v0  }
0x4f: {  	[spmem:s7] =	stream.linear.scatter [tilespmem:s22], [sflag:$0x3], $0x4000, $0x38;
	[tilespmem:$0x1BD00] =	vst v63  }
0x50: {  	_ =	swait.ge [sflag:s23], $0x4000  }
0x51: {  	[sflag:s23] =	ssyncset.done $0x0  }
0x52: {  	[sflag:s23] =	ssyncadd.s32 $0xFFFFC000  }
0x53: {  	[spmem:s8] =	stream.linear.scatter [tilespmem:s22], [sflag:$0x3], $0x4000, $0x38;
	[tilespmem:$0x1BD00] =	vst v63  }
0x54: {  	_ =	swait.ge [sflag:s23], $0x4000  }
0x55: {  	[sflag:s23] =	ssyncset.done $0x0  }
0x56: {  	[sflag:s23] =	ssyncadd.s32 $0xFFFFC000  }
0x57: {  	[spmem:s9] =	stream.linear.scatter [tilespmem:s22], [sflag:$0x3], $0x4000, $0x38;
	[tilespmem:$0x1BD00] =	vst v63  }
0x58: {  	_ =	swait.ge [sflag:s23], $0x4000  }
0x59: {  	[sflag:s23] =	ssyncset.done $0x0  }
0x5a: {  	[sflag:s23] =	ssyncadd.s32 $0xFFFFC000  }
0x5b: {  	[spmem:s10] =	stream.linear.scatter [tilespmem:s22], [sflag:$0x3], $0x4000, $0x38;
	[tilespmem:$0x1BD00] =	vst v63  }
0x5c: {  	_ =	swait.ge [sflag:s23], $0x4000  }
0x5d: {  	[sflag:s23] =	ssyncset.done $0x0  }
0x5e: {  	[sflag:s23] =	ssyncadd.s32 $0xFFFFC000  }
0x5f: {  	[spmem:s12] =	stream.linear.scatter [tilespmem:s22], [sflag:$0x3], $0x3C00, $0x38;
	[tilespmem:$0x1BD00] =	vst v63  }
.Ltmp3:
0x60: {  	_ =	swait.ge [sflag:s23], $0x3C00;
	(pc) =	sbr.rel @p0 .LBB2_7-.Ltmp3, $4  }
0x61: {  	[sflag:s23] =	ssyncset.done $0x0  }
0x62: {  	[sflag:s23] =	ssyncadd.s32 $0xFFFFC400  }
0x63: {  	[bflag:$0x0] =	sbarrier.arrive $0xFFFF  }
0x64: {  	s30 =	simm.s32 $0x0  }
0x65: {  	s31 =	sadd.s32 $0xFFFFF800, s21  }
0x66: {  	[tilespmem:s22], [sflag:$0x1] =	stream.linear.gather [hbm4b:s31+s3], $0x4000, $0x38;
	[tilespmem:$0x1BD00] =	vst v63  }
0x67: {  	s30 =	sand.u32 $0x60, s30;
	s31 =	sadd.s32 $0x0, s14  }
0x68: {  	s30 =	sadd.s32 s4, s30;
	s31 =	sand.u32 $0xFF80, s31  }
0x69: {  	[tilespmem:s24], [sflag:$0x2] =	stream.linear.gather [hbm4b:s21+s3], $0x4000, $0x38;
	[tilespmem:$0x1BD00] =	vst v63  }
0x6a: {  	s30 =	sadd.s32 s31, s30  }
0x6b: {  	[tilespmem:s3], [sflag:$0x3] =	stream.linear.gather [hbm4b:s30+s3], $0x100, $0x38;
	[tilespmem:$0x1BD00] =	vst v63  }
0x6c: {  	_ =	swait.ge [sflag:s23], $0x100  }
0x6d: {  	[sflag:s23] =	ssyncset.done $0x0  }
0x6e: {  	[sflag:s23] =	ssyncadd.s32 $0xFFFFFF00  }
0x6f: {  	_ =	swait.ge [sflag:s25], $0x4000  }
0x70: {  	[sflag:s25] =	ssyncset.done $0x0  }
0x71: {  	[sflag:s25] =	ssyncadd.s32 $0xFFFFC000  }
0x72: {  	[spmem:s2] =	stream.indirect.scatter.add.f32 [tilespmem:s22], [sflag:$0x3], $0x80, s3, s26, $0xb8;
	[tilespmem:$0x1BD00] =	vst v63  }
0x73: {  	_ =	swait.ge [sflag:s23], $0x4000  }
0x74: {  	[sflag:s23] =	ssyncset.done $0x0  }
0x75: {  	[sflag:s23] =	ssyncadd.s32 $0xFFFFC000  }
0x76: {  	_ =	swait.ge [sflag:s28], $0x4000  }
0x77: {  	[sflag:s28] =	ssyncset.done $0x0  }
0x78: {  	[sflag:s28] =	ssyncadd.s32 $0xFFFFC000  }
0x79: {  	[spmem:s2] =	stream.indirect.scatter.add.f32 [tilespmem:s24], [sflag:$0x3], $0x80, s26, s26, $0xb8;
	[tilespmem:$0x1BD00] =	vst v63  }
0x7a: {  	s31 =	smov.u32 s21;
	s30 =	simm.s32 $0x20;
	_ =	swait.ge [sflag:s23], $0x4000  }
.LBB2_5:
0x7b: {  	p1 =	seq.s32 s30, $0x4E0  }
0x7c: {  	[sflag:s23] =	ssyncset.done $0x0;
	s31 =	sadd.s32 $0x1000, s31;
	s0 =	smov.u32 s30  }
0x7d: {  	s30 =	sadd.s32 $0x20, s30;
	s1 =	sadd.s32 $0xFFFFF800, s31;
	[sflag:s23] =	ssyncadd.s32 $0xFFFFC000  }
0x7e: {  	[tilespmem:s22], [sflag:$0x1] =	stream.linear.gather [hbm4b:s1+s3], $0x4000, $0x38;
	[tilespmem:$0x1BD00] =	vst v63  }
0x7f: {  	s1 =	sadd.s32 s0, s14;
	s0 =	sand.u32 $0x60, s0  }
0x80: {  	s1 =	sand.u32 $0xFF80, s1;
	s0 =	sadd.s32 s4, s0  }
0x81: {  	[tilespmem:s24], [sflag:$0x2] =	stream.linear.gather [hbm4b:s31+s3], $0x4000, $0x38;
	[tilespmem:$0x1BD00] =	vst v63  }
0x82: {  	s0 =	sadd.s32 s1, s0  }
0x83: {  	[tilespmem:s3], [sflag:$0x3] =	stream.linear.gather [hbm4b:s0+s3], $0x100, $0x38;
	[tilespmem:$0x1BD00] =	vst v63  }
0x84: {  	_ =	swait.ge [sflag:s23], $0x100  }
0x85: {  	[sflag:s23] =	ssyncset.done $0x0  }
0x86: {  	[sflag:s23] =	ssyncadd.s32 $0xFFFFFF00  }
0x87: {  	_ =	swait.ge [sflag:s25], $0x4000  }
0x88: {  	[sflag:s25] =	ssyncset.done $0x0  }
0x89: {  	[sflag:s25] =	ssyncadd.s32 $0xFFFFC000  }
0x8a: {  	[spmem:s2] =	stream.indirect.scatter.add.f32 [tilespmem:s22], [sflag:$0x3], $0x80, s3, s26, $0xb8;
	[tilespmem:$0x1BD00] =	vst v63  }
0x8b: {  	_ =	swait.ge [sflag:s23], $0x4000  }
0x8c: {  	[sflag:s23] =	ssyncset.done $0x0  }
0x8d: {  	[sflag:s23] =	ssyncadd.s32 $0xFFFFC000  }
.Ltmp4:
0x8e: {  	_ =	swait.ge [sflag:s28], $0x4000;
	(pc) =	sbr.rel @!p1 .LBB2_5-.Ltmp4, $4  }
0x8f: {  	[sflag:s28] =	ssyncset.done $0x0  }
0x90: {  	[sflag:s28] =	ssyncadd.s32 $0xFFFFC000  }
0x91: {  	[spmem:s2] =	stream.indirect.scatter.add.f32 [tilespmem:s24], [sflag:$0x3], $0x80, s26, s26, $0xb8;
	[tilespmem:$0x1BD00] =	vst v63  }
0x92: {  	_ =	swait.ge [sflag:s23], $0x4000  }
.Ltmp5:
0x93: {  	(pc) =	sbr.rel .LBB2_10-.Ltmp5, $3  }
0x94: {  	_ =	sdelay $0x1  }
0x95: {  	[sflag:s23] =	ssyncset.done $0x0  }
0x96: {  	s30 =	smov.u32 s5;
	[sflag:s23] =	ssyncadd.s32 $0xFFFFC000  }
.LBB2_7:
0x97: {  	s0 =	sadd.s32 $0xFFFFF800, s19  }
0x98: {  	[tilespmem:s22], [sflag:$0x1] =	stream.linear.gather [hbm4b:s0+s3], $0x4000, $0x38;
	[tilespmem:$0x1BD00] =	vst v63  }
0x99: {  	s1 =	sand.u32 $0x60, s30;
	s0 =	sadd.s32 $0x0, s20  }
0x9a: {  	s1 =	sadd.s32 s4, s1;
	s0 =	sand.u32 $0x1FF80, s0  }
0x9b: {  	[tilespmem:s24], [sflag:$0x2] =	stream.linear.gather [hbm4b:s19+s3], $0x4000, $0x38;
	[tilespmem:$0x1BD00] =	vst v63  }
0x9c: {  	s0 =	sadd.s32 s0, s1  }
0x9d: {  	[tilespmem:s3], [sflag:$0x3] =	stream.linear.gather [hbm4b:s0+s3], $0x100, $0x38;
	[tilespmem:$0x1BD00] =	vst v63  }
0x9e: {  	_ =	swait.ge [sflag:s23], $0x100  }
0x9f: {  	[sflag:s23] =	ssyncset.done $0x0  }
0xa0: {  	[sflag:s23] =	ssyncadd.s32 $0xFFFFFF00  }
0xa1: {  	_ =	swait.ge [sflag:s25], $0x4000  }
0xa2: {  	[sflag:s25] =	ssyncset.done $0x0  }
0xa3: {  	[sflag:s25] =	ssyncadd.s32 $0xFFFFC000  }
0xa4: {  	[spmem:s2] =	stream.indirect.scatter.add.f32 [tilespmem:s22], [sflag:$0x3], $0x80, s3, s26, $0xb8;
	[tilespmem:$0x1BD00] =	vst v63  }
0xa5: {  	_ =	swait.ge [sflag:s23], $0x4000  }
0xa6: {  	[sflag:s23] =	ssyncset.done $0x0  }
0xa7: {  	[sflag:s23] =	ssyncadd.s32 $0xFFFFC000  }
0xa8: {  	_ =	swait.ge [sflag:s28], $0x4000  }
0xa9: {  	[sflag:s28] =	ssyncset.done $0x0  }
0xaa: {  	[sflag:s28] =	ssyncadd.s32 $0xFFFFC000  }
0xab: {  	[spmem:s2] =	stream.indirect.scatter.add.f32 [tilespmem:s24], [sflag:$0x3], $0x80, s26, s26, $0xb8;
	[tilespmem:$0x1BD00] =	vst v63  }
0xac: {  	s30 =	simm.s32 $0x20;
	s31 =	smov.u32 s19;
	_ =	swait.ge [sflag:s23], $0x4000  }
.LBB2_8:
0xad: {  	p1 =	sne.s32 s30, $0x4E0  }
0xae: {  	[sflag:s23] =	ssyncset.done $0x0;
	s31 =	sadd.s32 $0x1000, s31;
	s0 =	smov.u32 s30  }
0xaf: {  	s30 =	sadd.s32 $0x20, s30;
	s1 =	sadd.s32 $0xFFFFF800, s31;
	[sflag:s23] =	ssyncadd.s32 $0xFFFFC000  }
0xb0: {  	[tilespmem:s22], [sflag:$0x1] =	stream.linear.gather [hbm4b:s1+s3], $0x4000, $0x38;
	[tilespmem:$0x1BD00] =	vst v63  }
0xb1: {  	s1 =	sadd.s32 s0, s20;
	s0 =	sand.u32 $0x60, s0  }
0xb2: {  	s1 =	sand.u32 $0x1FF80, s1;
	s0 =	sadd.s32 s4, s0  }
0xb3: {  	[tilespmem:s24], [sflag:$0x2] =	stream.linear.gather [hbm4b:s31+s3], $0x4000, $0x38;
	[tilespmem:$0x1BD00] =	vst v63  }
0xb4: {  	s0 =	sadd.s32 s1, s0  }
0xb5: {  	[tilespmem:s3], [sflag:$0x3] =	stream.linear.gather [hbm4b:s0+s3], $0x100, $0x38;
	[tilespmem:$0x1BD00] =	vst v63  }
0xb6: {  	_ =	swait.ge [sflag:s23], $0x100  }
0xb7: {  	[sflag:s23] =	ssyncset.done $0x0  }
0xb8: {  	[sflag:s23] =	ssyncadd.s32 $0xFFFFFF00  }
0xb9: {  	_ =	swait.ge [sflag:s25], $0x4000  }
0xba: {  	[sflag:s25] =	ssyncset.done $0x0  }
0xbb: {  	[sflag:s25] =	ssyncadd.s32 $0xFFFFC000  }
0xbc: {  	[spmem:s2] =	stream.indirect.scatter.add.f32 [tilespmem:s22], [sflag:$0x3], $0x80, s3, s26, $0xb8;
	[tilespmem:$0x1BD00] =	vst v63  }
0xbd: {  	_ =	swait.ge [sflag:s23], $0x4000  }
0xbe: {  	[sflag:s23] =	ssyncset.done $0x0  }
0xbf: {  	[sflag:s23] =	ssyncadd.s32 $0xFFFFC000  }
.Ltmp6:
0xc0: {  	_ =	swait.ge [sflag:s28], $0x4000;
	(pc) =	sbr.rel @p1 .LBB2_8-.Ltmp6, $4  }
0xc1: {  	[sflag:s28] =	ssyncset.done $0x0  }
0xc2: {  	[sflag:s28] =	ssyncadd.s32 $0xFFFFC000  }
0xc3: {  	[spmem:s2] =	stream.indirect.scatter.add.f32 [tilespmem:s24], [sflag:$0x3], $0x80, s26, s26, $0xb8;
	[tilespmem:$0x1BD00] =	vst v63  }
0xc4: {  	_ =	swait.ge [sflag:s23], $0x4000  }
.Ltmp7:
0xc5: {  	_ = 	snop;
	(pc) =	sbr.rel .LBB2_9-.Ltmp7, $1  }
0xc6: {  	_ =	sdelay $0x3  }
.LBB2_11:
0xc7: {  	_ =	sfence.sel $0x180000  }
0xc8: {  	[bflag:$0x0] =	sbarrier.arrive $0xFFFF  }
0xc9: {  	_ =	strace $0x9000004A  }
0xca: {  	s0 =	stileid.u32;
	[bflag:$0x2] =	sbarrier.arrive $0xFFFF  }
0xcb: {  	p0 =	sne.s32 s0, $0x0;
	s0 =	rddreg [dreg:$0x2]  }
0xcc: {  	s0 =	sadd.s32 @!p0 $0x100000, s0  }
0xcd: {  	[sflag:s0] =	ssyncadd.tile.s32 @!p0 $0x1;
	_ =	shalt  }
.Lfunc_end2:
_tile_overlayer_lowered:
.L_overlay_start_2:
0xce: {  	(tag) =	ssettag $0x2  }
0xcf: {  	s0 =	rddreg [dreg:$0x0];
	s2 =	stileid.u32  }
0xd0: {  	s1 =	rddreg [dreg:$0x1];
	p0 =	sne.s32 s2, $0x0  }
0xd1: {  	s3 =	rddreg [dreg:$0x2];
	[bflag:$0x3] =	sbarrier.arrive $0xFFFF;
	s2 =	simm.s32 @!p0 $0x1C03  }
0xd2: {  	[timem:s3], [sflag:s2] =	dma.local @!p0 [hbm:s0], s1  }
0xd3: {  	s0 =	simm.s32 @!p0 $0x3  }
0xd4: {  	_ =	swait.ge @!p0 [sflag:s0], s1  }
0xd5: {  	s1 =	ssub.s32 @!p0 $0x0, s1;
	[sflag:s0] =	ssyncset.done @!p0 $0x0  }
0xd6: {  	[sflag:s0] =	ssyncadd.s32 @!p0 s1  }
0xd7: {  	[bflag:$0x3] =	sbarrier.arrive $0xFFFF  }
0xd8: {  	_ =	shalt  }

// kernel: kernel.14.cloned.1.call-start
scs
__scs_entry_jumppad:
0x0: {  	(pc) =	sbr.rel $0x88, $3  }
0x1: {  	(tag) =	ssettag $0x0;
	lr =	simm.s32 $0x1  }
0x2: {  	[smem:$0x3F88] =	sst lr;
	_ =	strace $0xD0000000  }
0x3: {  	_ = 	snop  }
0x4: {  	_ = 	snop  }
0x5: {  	_ = 	snop  }
0x6: {  	_ = 	snop  }
0x7: {  	_ = 	snop  }
__scs_overlays_trampoline_lowered:
0x8: {  	[smem:$0x3F97] =	sst s0  }
0x9: {  	[smem:$0x3F98] =	sst s1  }
0xa: {  	[smem:$0x3F99] =	sst s2  }
0xb: {  	[smem:$0x3F9A] =	sst s3  }
0xc: {  	[smem:$0x3F9B] =	sst s4  }
0xd: {  	[smem:$0x3F9C] =	sst s5  }
0xe: {  	[smem:$0x3F9D] =	sst s6  }
0xf: {  	[smem:$0x3F9E] =	sst s7  }
0x10: {  	[smem:$0x3F9F] =	sst s8  }
0x11: {  	[smem:$0x3FA0] =	sst s9;
	s0 =	simm.s32 @!p0 $0x0  }
0x12: {  	s1 =	sld [smem:$0x3F86];
	s0 =	simm.s32 @p0 $0x1  }
0x13: {  	[smem:$0x3FA1] =	sst s0;
	s0 =	simm.s32 @!p1 $0x0  }
0x14: {  	s2 =	sld [smem:$0x3F85];
	s0 =	simm.s32 @p1 $0x1  }
0x15: {  	[smem:$0x3FA2] =	sst s0;
	s0 =	simm.s32 @!p2 $0x0  }
0x16: {  	s3 =	sld [smem:$0x3FDB];
	s0 =	simm.s32 @p2 $0x1  }
0x17: {  	s4 =	simm.s32 $0x1BF5;
	[smem:$0x3FA4] =	sst s0  }
0x18: {  	s0 =	sld [smem:$0x3F87];
	_ =	swait.ge [sflag:s4], $0x0  }
0x19: {  	s7 =	sld [smem:$0x3F88]  }
0x1a: {  	s8 =	sadd.s32 $0xFFFFE003, lr  }
0x1b: {  	s9 =	sadd.s32 $0xFFFFFEF7, lr;
	s5 =	simm.s32 $0xFFFFFFFF;
	p2 =	slt.u32 s8, $0xFFFFF086  }
0x1c: {  	p1 =	slt.u32 s9, $0xF7A;
	s5 =	simm.s32 @!p2 $0x0  }
0x1d: {  	s5 =	simm.s32 @p1 $0x1;
	p0 =	seq.s32 s7, s2  }
0x1e: {  	s7 =	smul.u32 @!p0 $0xF7A, s2;
	p2 =	seq.s32 @!p0 s5, $0x0  }
0x1f: {  	s9 =	smul.u32 $0xF7A, s1;
	s8 =	simm.s32 @!p0 $0x1BF5;
	p2 =	por !p2, p0  }
0x20: {  	[sflag:s8] =	ssyncset.s32 @!p0 $0xFFFFF086;
	s6 =	sadd.s32 @!p0 s3, s7;
	s7 =	simm.s32 @!p0 $0x108  }
0x21: {  	s3 =	sadd.s32 s3, s9;
	s6 =	sadd.s32 @!p0 $0x88, s6;
	s7 =	simm.s32 @p2 $0x1082  }
0x22: {  	[simem:s7], [sflag:s8] =	dma.local @!p0 [hbm:s6], $0xF7A  }
0x23: {  	s9 =	sor.u32 $0xD0000000, s2;
	s6 =	simm.s32 $0x108;
	_ =	swait.ge @!p0 [sflag:s8], $0x0  }
0x24: {  	s3 =	sadd.s32 $0x88, s3;
	s6 =	simm.s32 @!p1 $0x1082;
	[sflag:s4] =	ssyncset.s32 $0xFFFFF086  }
0x25: {  	[simem:s6], [sflag:s4] =	dma.local [hbm:s3], $0xF7A  }
0x26: {  	[smem:$0x3F88] =	sst s1;
	(tag) =	ssettag s2;
	_ =	strace s9  }
0x27: {  	s1 =	sld [smem:$0x3F98]  }
0x28: {  	s2 =	sld [smem:$0x3F99]  }
0x29: {  	s4 =	sld [smem:$0x3F9B]  }
0x2a: {  	p0 =	seq.s32 s5, $0x0;
	s5 =	sld [smem:$0x3F9C]  }
0x2b: {  	s6 =	sld [smem:$0x3F9D]  }
0x2c: {  	s7 =	sld [smem:$0x3F9E]  }
0x2d: {  	s3 =	simm.s32 $0x108;
	s8 =	sld [smem:$0x3F9F]  }
0x2e: {  	s3 =	simm.s32 @!p0 $0x1082;
	s9 =	sld [smem:$0x3FA0]  }
0x2f: {  	lr =	sadd.s32 s0, s3;
	s0 =	sld [smem:$0x3F97]  }
0x30: {  	s3 =	sld [smem:$0x3F9A]  }
0x31: {  	[smem:$0x3FA3] =	sst s10  }
0x32: {  	s10 =	sld [smem:$0x3FA1];
	_ =	sdelay $0x3  }
0x33: {  	p0 =	seq.s32 s10, $0x1;
	s10 =	sld [smem:$0x3FA3];
	_ =	sdelay $0x3  }
0x34: {  	[smem:$0x3FA3] =	sst s10  }
0x35: {  	s10 =	sld [smem:$0x3FA2];
	_ =	sdelay $0x3  }
0x36: {  	p1 =	seq.s32 s10, $0x1;
	s10 =	sld [smem:$0x3FA3];
	_ =	sdelay $0x3  }
0x37: {  	[smem:$0x3FA3] =	sst s10  }
0x38: {  	s10 =	sld [smem:$0x3FA4]  }
0x39: {  	_ = 	snop;
	(pc) =	sbr.ind lr, $3  }
0x3a: {  	_ = 	snop  }
0x3b: {  	_ = 	snop  }
0x3c: {  	p2 =	seq.s32 s10, $0x1;
	s10 =	sld [smem:$0x3FA3]  }
0x3d: {  	_ =	shalt  }
0x3e: {  	_ =	shalt  }
0x3f: {  	_ =	shalt  }
0x40: {  	_ =	shalt  }
0x41: {  	_ =	shalt  }
0x42: {  	_ =	shalt  }
0x43: {  	_ =	shalt  }
0x44: {  	_ =	shalt  }
0x45: {  	_ =	shalt  }
0x46: {  	_ =	shalt  }
0x47: {  	_ =	shalt  }
0x48: {  	_ =	shalt  }
0x49: {  	_ =	shalt  }
0x4a: {  	_ =	shalt  }
0x4b: {  	_ =	shalt  }
0x4c: {  	_ =	shalt  }
0x4d: {  	_ =	shalt  }
0x4e: {  	_ =	shalt  }
0x4f: {  	_ =	shalt  }
0x50: {  	_ =	shalt  }
0x51: {  	_ =	shalt  }
0x52: {  	_ =	shalt  }
0x53: {  	_ =	shalt  }
0x54: {  	_ =	shalt  }
0x55: {  	_ =	shalt  }
0x56: {  	_ =	shalt  }
0x57: {  	_ =	shalt  }
0x58: {  	_ =	shalt  }
0x59: {  	_ =	shalt  }
0x5a: {  	_ =	shalt  }
0x5b: {  	_ =	shalt  }
0x5c: {  	_ =	shalt  }
0x5d: {  	_ =	shalt  }
0x5e: {  	_ =	shalt  }
0x5f: {  	_ =	shalt  }
0x60: {  	_ =	shalt  }
0x61: {  	_ =	shalt  }
0x62: {  	_ =	shalt  }
0x63: {  	_ =	shalt  }
0x64: {  	_ =	shalt  }
0x65: {  	_ =	shalt  }
0x66: {  	_ =	shalt  }
0x67: {  	_ =	shalt  }
0x68: {  	_ =	shalt  }
0x69: {  	_ =	shalt  }
0x6a: {  	_ =	shalt  }
0x6b: {  	_ =	shalt  }
0x6c: {  	_ =	shalt  }
0x6d: {  	_ =	shalt  }
0x6e: {  	_ =	shalt  }
0x6f: {  	_ =	shalt  }
0x70: {  	_ =	shalt  }
0x71: {  	_ =	shalt  }
0x72: {  	_ =	shalt  }
0x73: {  	_ =	shalt  }
0x74: {  	_ =	shalt  }
0x75: {  	_ =	shalt  }
0x76: {  	_ =	shalt  }
0x77: {  	_ =	shalt  }
0x78: {  	_ =	shalt  }
0x79: {  	_ =	shalt  }
0x7a: {  	_ =	shalt  }
0x7b: {  	_ =	shalt  }
0x7c: {  	_ =	shalt  }
0x7d: {  	_ =	shalt  }
0x7e: {  	_ =	shalt  }
0x7f: {  	_ =	shalt  }
0x80: {  	_ =	shalt  }
0x81: {  	_ =	shalt  }
0x82: {  	_ =	shalt  }
0x83: {  	_ =	shalt  }
0x84: {  	_ =	shalt  }
0x85: {  	_ =	shalt  }
0x86: {  	_ =	shalt  }
0x87: {  	_ =	shalt  }
.Lfunc_end0:
.L_simem_size_0:
called_computation.1_lowered:
.L_overlay_start_0:
0x88: {  	s2 =	sld [smem:$0x3FD9]  }
0x89: {  	s3 =	sld [smem:$0x3FFE];
	_ =	sdelay $0x1  }
0x8a: {  	s1 =	srdreg.scid  }
0x8b: {  	s0 =	sand.u32 $0x1, s1  }
0x8c: {  	s16 =	sshll.u32 s0, $0xA;
	s2 =	sadd.s32 s3, s2  }
0x8d: {  	s2 =	sadd.s32 s2, s16  }
0x8e: {  	[smem:$0x3FAF] =	sst s2  }
0x8f: {  	_ = 	snop  }
0x90: {  	(tm) =	ssettm $0x1  }
0x91: {  	s17 =	sld [smem:$0x3FFB];
	_ =	sdelay $0x3  }
0x92: {  	_ =	strace s17  }
0x93: {  	s2 =	sld [smem:$0x3FFC];
	_ =	sdelay $0x3  }
0x94: {  	_ =	strace s2  }
0x95: {  	s2 =	sld [smem:$0x3FFD];
	_ =	sdelay $0x3  }
0x96: {  	_ =	strace s2  }
0x97: {  	_ =	strace $0x8FFFFFFF  }
0x98: {  	s18 =	sld [smem:$0x3FDB];
	_ =	sdelay $0x1  }
0x99: {  	s19 =	simm.s32 $_scs_section_size  }
0x9a: {  	s4 =	simm.s32 $_size__tile_overlayer_lowered;
	s5 =	simm.s32 $_tile_overlayer_lowered  }
0x9b: {  	s22 =	simm.s32 $0x1BFF;
	s21 =	sshll.u32 s5, $0x1;
	s2 =	sadd.s32 s19, s18  }
0x9c: {  	s6 =	simm.s32 $0x0;
	s20 =	sshll.u32 s4, $0x1;
	s4 =	sadd.s32 s21, s2  }
0x9d: {  	[timem:s6], [sflag:s22] =	dma.local [hbm:s4], s20  }
0x9e: {  	_ =	swait.ge [sflag:s22], s20  }
0x9f: {  	s3 =	ssub.s32 $0x0, s20;
	[sflag:s22] =	ssyncset.done $0x0  }
0xa0: {  	[sflag:s22] =	ssyncadd.s32 s3;
	_ =	sdelay $0x1  }
0xa1: {  	s23 =	simm.s32 $0x1B8B  }
0xa2: {  	_ =	swait.ge [sflag:s23], $0x1  }
0xa3: {  	[sflag:s23] =	ssyncset.done $0x0  }
0xa4: {  	s25 =	simm.s32 $0x1B8E;
	s24 =	sld [smem:$0x3FFE];
	[sflag:s23] =	ssyncadd.s32 $0xFFFFFFFF  }
0xa5: {  	s26 =	simm.s32 $execute0_lowered;
	[smem:$0x3FD2] =	sst s25  }
0xa6: {  	s4 =	sshll.u32 s26, $0x1;
	_ =	strace $0x80000046;
	[dreg:$0x1] =	wrdreg $0xFFFFFFFF  }
0xa7: {  	s28 =	simm.s32 $_size_execute0_lowered;
	s2 =	sadd.s32 s2, s4;
	[dreg:$0x0] =	wrdreg $0x0  }
0xa8: {  	s4 =	sshll.u32 s28, $0x1;
	[dreg:$0x2] =	wrdreg s2  }
0xa9: {  	[dreg:$0x3] =	wrdreg s4  }
0xaa: {  	[dreg:$0x4] =	wrdreg $0xC0  }
0xab: {  	_ =	task [dreg:s6], $0x5FFFF  }
0xac: {  	[dreg:$0x1] =	wrdreg $0xFFFFFFFF  }
0xad: {  	[dreg:$0x0] =	wrdreg $0x60  }
0xae: {  	[dreg:$0x2] =	wrdreg s24  }
0xaf: {  	[dreg:$0x3] =	wrdreg $0xBD000  }
0xb0: {  	[dreg:$0x4] =	wrdreg $0xA  }
0xb1: {  	_ =	task.clear_ibuf [dreg:s6], $0x5FFFF;
	_ =	strace $0x90000046  }
0xb2: {  	s29 =	simm.s32 $0xA;
	_ =	strace $0x80000048  }
0xb3: {  	_ =	swait.ge [sflag:s29], $0x1  }
0xb4: {  	[sflag:s29] =	ssyncadd.s32 $0xFFFFFFFF  }
0xb5: {  	_ =	strace $0x90000048  }
0xb6: {  	_ =	sfence  }
0xb7: {  	s30 =	sld [smem:$0x0];
	_ =	sdelay $0x2  }
0xb8: {  	s31 =	sshll.u32 s1, $0xD;
	s1 =	sshrl.u32 s1, $0x2  }
0xb9: {  	s3 =	sand.u32 $0x4000, s31;
	s1 =	sadd.s32 s1, s30  }
0xba: {  	s0 =	sor.u32 s3, s0;
	s1 =	sshll.u32 s1, $0x11  }
0xbb: {  	s0 =	sor.u32 s1, s0  }
0xbc: {  	s0 =	sadd.s32 $0x8F2B, s0  }
0xbd: {  	[sflag:s0] =	ssyncadd.remote.s32 $0x1  }
0xbe: {  	_ =	sfence.sel $0xFFFF  }
0xbf: {  	[dreg:$0x0] =	wrdreg $0xFFFFFFFF;
	(pc) =	sbr.abs _section_cstart, $3  }
0xc0: {  	[dreg:$0x1] =	wrdreg $0xFFFFFFFF  }
0xc1: {  	_ =	task.clear_ibuf [dreg:s6], $0x2FFFF;
	_ =	strace $0x9FFFFFFF  }
0xc2: {  	(tm) =	ssettm $0x7FFFFFFF  }
0xc3: {  	_ =	shalt  }
tec
execute0_lowered:
.L_overlay_start_1:
0x0: {  	(tag) =	ssettag $0x1  }
0x1: {  	s0 =	rddreg [dreg:$0x0]  }
0x2: {  	s1 =	rddreg [dreg:$0x1];
	s2 =	simm.s32 $0x0  }
0x3: {  	s3 =	srdreg.scid;
	s15 =	stileid.u32;
	s28 =	simm.s32 $0x7D00  }
0x4: {  	s29 =	simm.s32 $0x3C00;
	s30 =	simm.s32 $0x1;
	s31 =	simm.s32 $0x2  }
0x5: {  	[smem:$0x7FF] =	sst s2;
	s4 =	sadd.s32 $0x1BC00, s0;
	s12 =	smul.u32 $0x278, s15  }
0x6: {  	s5 =	sadd.s32 $0x42E00, s0;
	s3 =	sand.u32 $0x1, s3;
	s10 =	smul.u32 $0x4F000, s15  }
0x7: {  	s7 =	sadd.s32 $0x11C00, s0;
	s6 =	sadd.s32 $0x7C00, s0;
	s14 =	smul.u32 $0x280, s15  }
0x8: {  	s11 =	sadd.s32 $0x6A000, s0;
	s0 =	sadd.s32 $0x91800, s0;
	s17 =	smul.u32 $0x780, s15  }
0x9: {  	s19 =	smul.u32 $0x2780, s15;
	_ =	strace $0x80000047;
	[dreg:$0x3] =	wrdreg s11  }
0xa: {  	s8 =	ssub.s32 $0x2, s3;
	[dreg:$0x4] =	wrdreg s0;
	p0 =	sne.s32 s3, $0x0  }
0xb: {  	s3 =	simm.s32 $0x0;
	s9 =	sshrl.u32 s8, $0x1;
	s22 =	sshrl.u32 s10, $0x2  }
0xc: {  	s16 =	sadd.s32 $0x80, s12;
	s20 =	sadd.s32 $0x100, s12;
	s25 =	sadd.s32 $0x180, s12  }
0xd: {  	s14 =	sadd.s32 $0x7800, s14;
	s0 =	ssub.s32 s8, s9;
	s9 =	sadd.s32 s22, s1  }
0xe: {  	s23 =	sshll.u32 s16, $0x7;
	s24 =	sshll.u32 s20, $0x7;
	s13 =	sshll.u32 s25, $0x7  }
0xf: {  	s22 =	sadd.s32 $0x200, s12;
	s18 =	sadd.s32 s7, s14;
	s7 =	sadd.s32 s7, s17  }
0x10: {  	s17 =	sshll.u32 s16, $0x4;
	s20 =	sshll.u32 s20, $0x4;
	s21 =	sshll.u32 s25, $0x4  }
0x11: {  	s25 =	simm.s32 $0x3;
	s10 =	sadd.s32 s23, s1;
	s11 =	sadd.s32 s24, s1  }
.Ltmp0:
0x12: {  	s12 =	sadd.s32 s13, s1;
	[dreg:$0x5] =	wrdreg s18;
	(pc) =	sbr.rel .LBB2_1-.Ltmp0, $4  }
0x13: {  	s26 =	sshll.u32 s22, $0x7;
	[dreg:$0x6] =	wrdreg s7;
	s22 =	sshll.u32 s22, $0x4  }
0x14: {  	s18 =	smul.u32 $0x3C00, s15;
	s23 =	smax.u32 s0, $0x1;
	[dreg:$0x8] =	wrdreg s22  }
0x15: {  	s24 =	simm.s32 $0x3D00;
	s13 =	sadd.s32 s26, s1;
	[dreg:$0x9] =	wrdreg s23  }
0x16: {  	v0 =	vimm.f32 $0.0e+00;
	s0 =	simm.s32 $0x3C80;
	s26 =	simm.s32 $0x80;
	[dreg:$0x7] =	wrdreg s13  }
.LBB2_9:
0x17: {  	[sflag:s25] =	ssyncset.done $0x0  }
0x18: {  	s7 =	rddreg [dreg:$0x4];
	[sflag:s25] =	ssyncadd.s32 $0xFFFFC000  }
.LBB2_10:
0x19: {  	[bflag:$0x0] =	sbarrier.arrive $0xFFFF  }
0x1a: {  	[tilespmem:s24], [sflag:$0x3] =	stream.linear.gather [spmem:s9], $0x4000, $0x38;
	[tilespmem:$0x1F900] =	vst v63  }
0x1b: {  	_ =	swait.ge [sflag:s25], $0x4000  }
0x1c: {  	[sflag:s25] =	ssyncset.done $0x0  }
0x1d: {  	s8 =	sadd.s32 s7, s19;
	[sflag:s25] =	ssyncadd.s32 $0xFFFFC000  }
0x1e: {  	[hbm4b:s8+s2] =	stream.linear.scatter [tilespmem:s24], [sflag:$0x3], $0x4000, $0x38;
	[tilespmem:$0x1F900] =	vst v63  }
0x1f: {  	_ =	swait.ge [sflag:s25], $0x4000  }
0x20: {  	[sflag:s25] =	ssyncset.done $0x0  }
0x21: {  	[sflag:s25] =	ssyncadd.s32 $0xFFFFC000  }
0x22: {  	[tilespmem:s24], [sflag:$0x3] =	stream.linear.gather [spmem:s10], $0x4000, $0x38;
	[tilespmem:$0x1F900] =	vst v63  }
0x23: {  	_ =	swait.ge [sflag:s25], $0x4000  }
0x24: {  	[sflag:s25] =	ssyncset.done $0x0  }
0x25: {  	s15 =	sadd.s32 s7, s17;
	[sflag:s25] =	ssyncadd.s32 $0xFFFFC000  }
0x26: {  	[hbm4b:s15+s2] =	stream.linear.scatter [tilespmem:s24], [sflag:$0x3], $0x4000, $0x38;
	[tilespmem:$0x1F900] =	vst v63  }
0x27: {  	_ =	swait.ge [sflag:s25], $0x4000  }
0x28: {  	[sflag:s25] =	ssyncset.done $0x0  }
0x29: {  	[sflag:s25] =	ssyncadd.s32 $0xFFFFC000  }
0x2a: {  	[tilespmem:s24], [sflag:$0x3] =	stream.linear.gather [spmem:s11], $0x4000, $0x38;
	[tilespmem:$0x1F900] =	vst v63  }
0x2b: {  	_ =	swait.ge [sflag:s25], $0x4000  }
0x2c: {  	[sflag:s25] =	ssyncset.done $0x0  }
0x2d: {  	s16 =	sadd.s32 s7, s20;
	[sflag:s25] =	ssyncadd.s32 $0xFFFFC000  }
0x2e: {  	[hbm4b:s16+s2] =	stream.linear.scatter [tilespmem:s24], [sflag:$0x3], $0x4000, $0x38;
	[tilespmem:$0x1F900] =	vst v63  }
0x2f: {  	_ =	swait.ge [sflag:s25], $0x4000  }
0x30: {  	[sflag:s25] =	ssyncset.done $0x0  }
0x31: {  	[sflag:s25] =	ssyncadd.s32 $0xFFFFC000  }
0x32: {  	[tilespmem:s24], [sflag:$0x3] =	stream.linear.gather [spmem:s12], $0x4000, $0x38;
	[tilespmem:$0x1F900] =	vst v63  }
0x33: {  	_ =	swait.ge [sflag:s25], $0x4000  }
0x34: {  	[sflag:s25] =	ssyncset.done $0x0  }
0x35: {  	s15 =	sadd.s32 s7, s21;
	[sflag:s25] =	ssyncadd.s32 $0xFFFFC000  }
0x36: {  	[hbm4b:s15+s2] =	stream.linear.scatter [tilespmem:s24], [sflag:$0x3], $0x4000, $0x38;
	[tilespmem:$0x1F900] =	vst v63  }
0x37: {  	_ =	swait.ge [sflag:s25], $0x4000  }
0x38: {  	[sflag:s25] =	ssyncset.done $0x0  }
0x39: {  	[sflag:s25] =	ssyncadd.s32 $0xFFFFC000  }
0x3a: {  	[tilespmem:s24], [sflag:$0x3] =	stream.linear.gather [spmem:s13], $0x3C00, $0x38;
	[tilespmem:$0x1F900] =	vst v63  }
0x3b: {  	s3 =	sadd.s32 $0x1, s3;
	_ =	swait.ge [sflag:s25], $0x3C00  }
0x3c: {  	p1 =	sne.s32 s3, s23;
	[sflag:s25] =	ssyncset.done $0x0  }
.Ltmp1:
0x3d: {  	s16 =	sadd.s32 s7, s22;
	[sflag:s25] =	ssyncadd.s32 $0xFFFFC400;
	(pc) =	sbr.rel @!p1 .LBB2_11-.Ltmp1, $4  }
0x3e: {  	[hbm4b:s16+s2] =	stream.linear.scatter [tilespmem:s24], [sflag:$0x3], $0x3C00, $0x38;
	[tilespmem:$0x1F900] =	vst v63  }
0x3f: {  	_ =	swait.ge [sflag:s25], $0x3C00  }
0x40: {  	[sflag:s25] =	ssyncset.done $0x0  }
0x41: {  	[sflag:s25] =	ssyncadd.s32 $0xFFFFC400  }
.LBB2_1:
0x42: {  	s7 =	simm.s32 $0x0;
	s8 =	simm.s32 $0x200  }
.LBB2_2:
0x43: {  	p1 =	sne.s32 s8, $0xFE00;
	[tilespmem:s7+$0x3D70] =	vst v0  }
0x44: {  	[tilespmem:s7+$0x3D00] =	vst v0  }
0x45: {  	[tilespmem:s7+$0x3D10] =	vst v0  }
.Ltmp2:
0x46: {  	[tilespmem:s7+$0x3D20] =	vst v0;
	(pc) =	sbr.rel @p1 .LBB2_2-.Ltmp2, $4  }
0x47: {  	[tilespmem:s7+$0x3D30] =	vst v0  }
0x48: {  	[tilespmem:s7+$0x3D40] =	vst v0  }
0x49: {  	[tilespmem:s7+$0x3D50] =	vst v0  }
0x4a: {  	[tilespmem:s7+$0x3D60] =	vst v0;
	s7 =	sshra.s32 s8, $0x2;
	s8 =	sadd.s32 $0x200, s8  }
0x4b: {  	[tilespmem:s7+$0x3D70] =	vst v0  }
0x4c: {  	[tilespmem:s7+$0x3D00] =	vst v0  }
0x4d: {  	[tilespmem:s7+$0x3D10] =	vst v0  }
0x4e: {  	[tilespmem:s7+$0x3D20] =	vst v0  }
0x4f: {  	[tilespmem:s7+$0x3D30] =	vst v0  }
0x50: {  	[tilespmem:s7+$0x3D40] =	vst v0  }
0x51: {  	[tilespmem:s7+$0x3D50] =	vst v0  }
0x52: {  	[tilespmem:s7+$0x3D60] =	vst v0  }
0x53: {  	[spmem:s9] =	stream.linear.scatter [tilespmem:s24], [sflag:$0x3], $0x4000, $0x38;
	[tilespmem:$0x1F900] =	vst v63  }
0x54: {  	_ =	swait.ge [sflag:s25], $0x4000  }
0x55: {  	[sflag:s25] =	ssyncset.done $0x0  }
0x56: {  	[sflag:s25] =	ssyncadd.s32 $0xFFFFC000  }
0x57: {  	[spmem:s10] =	stream.linear.scatter [tilespmem:s24], [sflag:$0x3], $0x4000, $0x38;
	[tilespmem:$0x1F900] =	vst v63  }
0x58: {  	_ =	swait.ge [sflag:s25], $0x4000  }
0x59: {  	[sflag:s25] =	ssyncset.done $0x0  }
0x5a: {  	[sflag:s25] =	ssyncadd.s32 $0xFFFFC000  }
0x5b: {  	[spmem:s11] =	stream.linear.scatter [tilespmem:s24], [sflag:$0x3], $0x4000, $0x38;
	[tilespmem:$0x1F900] =	vst v63  }
0x5c: {  	_ =	swait.ge [sflag:s25], $0x4000  }
0x5d: {  	[sflag:s25] =	ssyncset.done $0x0  }
0x5e: {  	[sflag:s25] =	ssyncadd.s32 $0xFFFFC000  }
0x5f: {  	[spmem:s12] =	stream.linear.scatter [tilespmem:s24], [sflag:$0x3], $0x4000, $0x38;
	[tilespmem:$0x1F900] =	vst v63  }
0x60: {  	_ =	swait.ge [sflag:s25], $0x4000  }
0x61: {  	[sflag:s25] =	ssyncset.done $0x0  }
0x62: {  	[sflag:s25] =	ssyncadd.s32 $0xFFFFC000  }
0x63: {  	[spmem:s13] =	stream.linear.scatter [tilespmem:s24], [sflag:$0x3], $0x3C00, $0x38;
	[tilespmem:$0x1F900] =	vst v63  }
.Ltmp3:
0x64: {  	_ =	swait.ge [sflag:s25], $0x3C00;
	(pc) =	sbr.rel @p0 .LBB2_7-.Ltmp3, $3  }
0x65: {  	[sflag:s25] =	ssyncset.done $0x0  }
0x66: {  	[sflag:s25] =	ssyncadd.s32 $0xFFFFC400  }
0x67: {  	[bflag:$0x0] =	sbarrier.arrive $0xFFFF;
	_ =	sdelay $0x1  }
0x68: {  	s13 =	smov.u32 s12  }
0x69: {  	s12 =	smov.u32 s11;
	s11 =	smov.u32 s10;
	s10 =	smov.u32 s9  }
0x6a: {  	s9 =	smov.u32 s21;
	s7 =	simm.s32 $0x0;
	s8 =	rddreg [dreg:$0x6]  }
0x6b: {  	[tilespmem:s7], [sflag:$0x3] =	stream.linear.gather [hbm4b:s8+s7], $0x3C00, $0x38;
	[tilespmem:$0x1F900] =	vst v63  }
0x6c: {  	s21 =	smov.u32 s19;
	s19 =	sadd.s32 $0x0, s18;
	_ =	swait.ge [sflag:s25], $0x3C00  }
0x6d: {  	s8 =	sand.u32 $0x7FC00, s19;
	s7 =	sand.u32 $0x300, s7;
	[sflag:s25] =	ssyncset.done $0x0  }
0x6e: {  	s16 =	simm.s32 $0x0;
	s7 =	sor.u32 s7, s8;
	[sflag:s25] =	ssyncadd.s32 $0xFFFFC400  }
0x6f: {  	[tilespmem:s24], [sflag:$0x1] =	stream.indirect.gather [hbm4b:s4+s26], $0x80, s16, s26, $0xb8;
	[tilespmem:$0x1F900] =	vst v63  }
0x70: {  	s23 =	smov.u32 s20;
	s20 =	simm.s32 $0x80;
	s7 =	sshrl.u32 s7, $0x3  }
0x71: {  	[tilespmem:s28], [sflag:$0x2] =	stream.indirect.gather [hbm4b:s4+s26], $0x80, s20, s26, $0xb8;
	[tilespmem:$0x1F900] =	vst v63  }
0x72: {  	s7 =	sadd.s32 s6, s7  }
0x73: {  	[tilespmem:s29], [sflag:$0x3] =	stream.linear.gather [hbm4b:s7+s2], $0x100, $0x38;
	[tilespmem:$0x1F900] =	vst v63  }
0x74: {  	_ =	swait.ge [sflag:s25], $0x100  }
0x75: {  	[sflag:s25] =	ssyncset.done $0x0  }
0x76: {  	[sflag:s25] =	ssyncadd.s32 $0xFFFFFF00  }
0x77: {  	_ =	swait.ge [sflag:s30], $0x4000  }
0x78: {  	[sflag:s30] =	ssyncset.done $0x0  }
0x79: {  	[sflag:s30] =	ssyncadd.s32 $0xFFFFC000  }
0x7a: {  	[spmem:s1] =	stream.indirect.scatter.add.f32 [tilespmem:s24], [sflag:$0x3], $0x80, s29, s26, $0xb8;
	[tilespmem:$0x1F900] =	vst v63  }
0x7b: {  	_ =	swait.ge [sflag:s25], $0x4000  }
0x7c: {  	[sflag:s25] =	ssyncset.done $0x0  }
0x7d: {  	[sflag:s25] =	ssyncadd.s32 $0xFFFFC000  }
0x7e: {  	_ =	swait.ge [sflag:s31], $0x4000  }
0x7f: {  	s22 =	smov.u32 s17;
	s8 =	simm.s32 $0x100;
	[sflag:s31] =	ssyncset.done $0x0  }
0x80: {  	s16 =	simm.s32 $0x200;
	s7 =	simm.s32 $0x180;
	[sflag:s31] =	ssyncadd.s32 $0xFFFFC000  }
0x81: {  	[spmem:s1] =	stream.indirect.scatter.add.f32 [tilespmem:s28], [sflag:$0x3], $0x80, s0, s26, $0xb8;
	[tilespmem:$0x1F900] =	vst v63  }
.LBB2_5:
0x82: {  	s17 =	sadd.s32 $0xFFFFFF80, s7  }
0x83: {  	s15 =	sadd.s32 s8, s18;
	_ =	swait.ge [sflag:s25], $0x4000;
	s19 =	smov.u32 s16  }
0x84: {  	s8 =	sand.u32 $0x300, s8;
	s15 =	sand.u32 $0x7FC00, s15;
	[sflag:s25] =	ssyncset.done $0x0  }
0x85: {  	s20 =	sadd.s32 $0x100, s16;
	s8 =	sor.u32 s8, s15;
	[sflag:s25] =	ssyncadd.s32 $0xFFFFC000  }
0x86: {  	[tilespmem:s24], [sflag:$0x1] =	stream.indirect.gather [hbm4b:s4+s26], $0x80, s17, s26, $0xb8;
	[tilespmem:$0x1F900] =	vst v63  }
0x87: {  	p1 =	seq.s32 s16, $0x3B00;
	s15 =	sshrl.u32 s8, $0x3;
	s8 =	smov.u32 s19  }
0x88: {  	[tilespmem:s28], [sflag:$0x2] =	stream.indirect.gather [hbm4b:s4+s26], $0x80, s7, s26, $0xb8;
	[tilespmem:$0x1F900] =	vst v63  }
0x89: {  	s15 =	sadd.s32 s6, s15  }
0x8a: {  	[tilespmem:s29], [sflag:$0x3] =	stream.linear.gather [hbm4b:s15+s2], $0x100, $0x38;
	[tilespmem:$0x1F900] =	vst v63  }
0x8b: {  	_ =	swait.ge [sflag:s25], $0x100  }
0x8c: {  	[sflag:s25] =	ssyncset.done $0x0  }
0x8d: {  	[sflag:s25] =	ssyncadd.s32 $0xFFFFFF00  }
0x8e: {  	_ =	swait.ge [sflag:s30], $0x4000  }
0x8f: {  	[sflag:s30] =	ssyncset.done $0x0  }
0x90: {  	[sflag:s30] =	ssyncadd.s32 $0xFFFFC000  }
0x91: {  	[spmem:s1] =	stream.indirect.scatter.add.f32 [tilespmem:s24], [sflag:$0x3], $0x80, s29, s26, $0xb8;
	[tilespmem:$0x1F900] =	vst v63  }
0x92: {  	_ =	swait.ge [sflag:s25], $0x4000  }
0x93: {  	[sflag:s25] =	ssyncset.done $0x0  }
.Ltmp4:
0x94: {  	[sflag:s25] =	ssyncadd.s32 $0xFFFFC000;
	(pc) =	sbr.rel @!p1 .LBB2_5-.Ltmp4, $4  }
0x95: {  	_ =	swait.ge [sflag:s31], $0x4000  }
0x96: {  	[sflag:s31] =	ssyncset.done $0x0  }
0x97: {  	s16 =	smov.u32 s20;
	s7 =	sadd.s32 $0x100, s7;
	[sflag:s31] =	ssyncadd.s32 $0xFFFFC000  }
0x98: {  	[spmem:s1] =	stream.indirect.scatter.add.f32 [tilespmem:s28], [sflag:$0x3], $0x80, s0, s26, $0xb8;
	[tilespmem:$0x1F900] =	vst v63  }
0x99: {  	s15 =	sadd.s32 s8, s18;
	_ =	swait.ge [sflag:s25], $0x4000  }
0x9a: {  	s19 =	sand.u32 $0x300, s8;
	s15 =	sand.u32 $0x7FC00, s15;
	[sflag:s25] =	ssyncset.done $0x0  }
0x9b: {  	s16 =	sadd.s32 $0xFFFFFF80, s7;
	s8 =	sor.u32 s19, s15;
	[sflag:s25] =	ssyncadd.s32 $0xFFFFC000  }
0x9c: {  	[tilespmem:s24], [sflag:$0x1] =	stream.indirect.gather [hbm4b:s4+s26], $0x80, s16, s26, $0xb8;
	[tilespmem:$0x1F900] =	vst v63  }
0x9d: {  	s8 =	sshrl.u32 s8, $0x3  }
0x9e: {  	[tilespmem:s28], [sflag:$0x2] =	stream.indirect.gather [hbm4b:s4+s26], $0x80, s7, s26, $0xb8;
	[tilespmem:$0x1F900] =	vst v63  }
0x9f: {  	s20 =	sadd.s32 s6, s8  }
0xa0: {  	[tilespmem:s29], [sflag:$0x3] =	stream.linear.gather [hbm4b:s20+s2], $0x100, $0x38;
	[tilespmem:$0x1F900] =	vst v63  }
0xa1: {  	_ =	swait.ge [sflag:s25], $0x100  }
0xa2: {  	[sflag:s25] =	ssyncset.done $0x0  }
0xa3: {  	[sflag:s25] =	ssyncadd.s32 $0xFFFFFF00  }
0xa4: {  	_ =	swait.ge [sflag:s30], $0x4000  }
0xa5: {  	[sflag:s30] =	ssyncset.done $0x0  }
0xa6: {  	[sflag:s30] =	ssyncadd.s32 $0xFFFFC000  }
0xa7: {  	[spmem:s1] =	stream.indirect.scatter.add.f32 [tilespmem:s24], [sflag:$0x3], $0x80, s29, s26, $0xb8;
	[tilespmem:$0x1F900] =	vst v63  }
0xa8: {  	_ =	swait.ge [sflag:s25], $0x4000  }
0xa9: {  	[sflag:s25] =	ssyncset.done $0x0  }
0xaa: {  	[sflag:s25] =	ssyncadd.s32 $0xFFFFC000  }
0xab: {  	_ =	swait.ge [sflag:s31], $0x4000  }
0xac: {  	[sflag:s31] =	ssyncset.done $0x0  }
0xad: {  	s19 =	smov.u32 s21;
	[sflag:s31] =	ssyncadd.s32 $0xFFFFC000  }
0xae: {  	[spmem:s1] =	stream.indirect.scatter.add.f32 [tilespmem:s28], [sflag:$0x3], $0x80, s0, s26, $0xb8;
	[tilespmem:$0x1F900] =	vst v63  }
.Ltmp5:
0xaf: {  	s21 =	smov.u32 s9;
	_ =	swait.ge [sflag:s25], $0x4000;
	(pc) =	sbr.rel .LBB2_10-.Ltmp5, $4  }
0xb0: {  	s9 =	smov.u32 s10;
	s10 =	smov.u32 s11;
	s7 =	rddreg [dreg:$0x3]  }
0xb1: {  	s11 =	smov.u32 s12;
	s12 =	smov.u32 s13;
	s13 =	rddreg [dreg:$0x7]  }
0xb2: {  	s17 =	smov.u32 s22;
	[sflag:s25] =	ssyncset.done $0x0;
	s22 =	rddreg [dreg:$0x8]  }
0xb3: {  	s20 =	smov.u32 s23;
	s23 =	rddreg [dreg:$0x9];
	[sflag:s25] =	ssyncadd.s32 $0xFFFFC000  }
.LBB2_7:
0xb4: {  	s7 =	simm.s32 $0x0;
	s8 =	rddreg [dreg:$0x5]  }
0xb5: {  	[tilespmem:s7], [sflag:$0x3] =	stream.linear.gather [hbm4b:s8+s7], $0x1400, $0x38;
	[tilespmem:$0x1F900] =	vst v63  }
0xb6: {  	_ =	swait.ge [sflag:s25], $0x1400  }
0xb7: {  	[sflag:s25] =	ssyncset.done $0x0  }
0xb8: {  	s15 =	simm.s32 $0x0;
	[sflag:s25] =	ssyncadd.s32 $0xFFFFEC00  }
0xb9: {  	[tilespmem:s24], [sflag:$0x1] =	stream.indirect.gather [hbm4b:s5+s26], $0x80, s15, s26, $0xb8;
	[tilespmem:$0x1F900] =	vst v63  }
0xba: {  	s16 =	sadd.s32 $0x0, s14;
	s15 =	sand.u32 $0x60, s7  }
0xbb: {  	s8 =	sand.u32 $0x1FF80, s16;
	s7 =	simm.s32 $0x80;
	s15 =	sadd.s32 s6, s15  }
0xbc: {  	[tilespmem:s28], [sflag:$0x2] =	stream.indirect.gather [hbm4b:s5+s26], $0x80, s7, s26, $0xb8;
	[tilespmem:$0x1F900] =	vst v63  }
0xbd: {  	s8 =	sadd.s32 s8, s15  }
0xbe: {  	[tilespmem:s29], [sflag:$0x3] =	stream.linear.gather [hbm4b:s8+s2], $0x100, $0x38;
	[tilespmem:$0x1F900] =	vst v63  }
0xbf: {  	_ =	swait.ge [sflag:s25], $0x100  }
0xc0: {  	[sflag:s25] =	ssyncset.done $0x0  }
0xc1: {  	[sflag:s25] =	ssyncadd.s32 $0xFFFFFF00  }
0xc2: {  	_ =	swait.ge [sflag:s30], $0x4000  }
0xc3: {  	[sflag:s30] =	ssyncset.done $0x0  }
0xc4: {  	[sflag:s30] =	ssyncadd.s32 $0xFFFFC000  }
0xc5: {  	[spmem:s1] =	stream.indirect.scatter.add.f32 [tilespmem:s24], [sflag:$0x3], $0x80, s29, s26, $0xb8;
	[tilespmem:$0x1F900] =	vst v63  }
0xc6: {  	_ =	swait.ge [sflag:s25], $0x4000  }
0xc7: {  	[sflag:s25] =	ssyncset.done $0x0  }
0xc8: {  	[sflag:s25] =	ssyncadd.s32 $0xFFFFC000  }
0xc9: {  	_ =	swait.ge [sflag:s31], $0x4000  }
0xca: {  	[sflag:s31] =	ssyncset.done $0x0  }
0xcb: {  	[sflag:s31] =	ssyncadd.s32 $0xFFFFC000  }
0xcc: {  	[spmem:s1] =	stream.indirect.scatter.add.f32 [tilespmem:s28], [sflag:$0x3], $0x80, s0, s26, $0xb8;
	[tilespmem:$0x1F900] =	vst v63  }
0xcd: {  	s8 =	simm.s32 $0x20;
	_ =	swait.ge [sflag:s25], $0x4000  }
.LBB2_8:
0xce: {  	p1 =	sne.s32 s8, $0x260  }
0xcf: {  	[sflag:s25] =	ssyncset.done $0x0;
	s7 =	sadd.s32 $0x100, s7;
	s15 =	smov.u32 s8  }
0xd0: {  	s8 =	sadd.s32 $0x20, s8;
	s16 =	sadd.s32 $0xFFFFFF80, s7;
	[sflag:s25] =	ssyncadd.s32 $0xFFFFC000  }
0xd1: {  	[tilespmem:s24], [sflag:$0x1] =	stream.indirect.gather [hbm4b:s5+s26], $0x80, s16, s26, $0xb8;
	[tilespmem:$0x1F900] =	vst v63  }
0xd2: {  	s16 =	sadd.s32 s15, s14;
	s15 =	sand.u32 $0x60, s15  }
0xd3: {  	s16 =	sand.u32 $0x1FF80, s16;
	s15 =	sadd.s32 s6, s15  }
0xd4: {  	[tilespmem:s28], [sflag:$0x2] =	stream.indirect.gather [hbm4b:s5+s26], $0x80, s7, s26, $0xb8;
	[tilespmem:$0x1F900] =	vst v63  }
0xd5: {  	s15 =	sadd.s32 s16, s15  }
0xd6: {  	[tilespmem:s29], [sflag:$0x3] =	stream.linear.gather [hbm4b:s15+s2], $0x100, $0x38;
	[tilespmem:$0x1F900] =	vst v63  }
0xd7: {  	_ =	swait.ge [sflag:s25], $0x100  }
0xd8: {  	[sflag:s25] =	ssyncset.done $0x0  }
0xd9: {  	[sflag:s25] =	ssyncadd.s32 $0xFFFFFF00  }
0xda: {  	_ =	swait.ge [sflag:s30], $0x4000  }
0xdb: {  	[sflag:s30] =	ssyncset.done $0x0  }
0xdc: {  	[sflag:s30] =	ssyncadd.s32 $0xFFFFC000  }
0xdd: {  	[spmem:s1] =	stream.indirect.scatter.add.f32 [tilespmem:s24], [sflag:$0x3], $0x80, s29, s26, $0xb8;
	[tilespmem:$0x1F900] =	vst v63  }
0xde: {  	_ =	swait.ge [sflag:s25], $0x4000  }
0xdf: {  	[sflag:s25] =	ssyncset.done $0x0  }
0xe0: {  	[sflag:s25] =	ssyncadd.s32 $0xFFFFC000  }
.Ltmp6:
0xe1: {  	_ =	swait.ge [sflag:s31], $0x4000;
	(pc) =	sbr.rel @p1 .LBB2_8-.Ltmp6, $4  }
0xe2: {  	[sflag:s31] =	ssyncset.done $0x0  }
0xe3: {  	[sflag:s31] =	ssyncadd.s32 $0xFFFFC000  }
0xe4: {  	[spmem:s1] =	stream.indirect.scatter.add.f32 [tilespmem:s28], [sflag:$0x3], $0x80, s0, s26, $0xb8;
	[tilespmem:$0x1F900] =	vst v63  }
0xe5: {  	_ =	swait.ge [sflag:s25], $0x4000  }
.Ltmp7:
0xe6: {  	_ = 	snop;
	(pc) =	sbr.rel .LBB2_9-.Ltmp7, $1  }
0xe7: {  	_ =	sdelay $0x3  }
.LBB2_11:
0xe8: {  	_ =	sfence.sel $0x180000  }
0xe9: {  	[bflag:$0x0] =	sbarrier.arrive $0xFFFF  }
0xea: {  	_ =	strace $0x90000047  }
0xeb: {  	s0 =	stileid.u32;
	[bflag:$0x2] =	sbarrier.arrive $0xFFFF  }
0xec: {  	p0 =	sne.s32 s0, $0x0;
	s0 =	rddreg [dreg:$0x2]  }
0xed: {  	s0 =	sadd.s32 @!p0 $0x100000, s0  }
0xee: {  	[sflag:s0] =	ssyncadd.tile.s32 @!p0 $0x1;
	_ =	shalt  }
.Lfunc_end2:
_tile_overlayer_lowered:
.L_overlay_start_2:
0xef: {  	(tag) =	ssettag $0x2  }
0xf0: {  	s0 =	rddreg [dreg:$0x0];
	s2 =	stileid.u32  }
0xf1: {  	s1 =	rddreg [dreg:$0x1];
	p0 =	sne.s32 s2, $0x0  }
0xf2: {  	s3 =	rddreg [dreg:$0x2];
	[bflag:$0x3] =	sbarrier.arrive $0xFFFF;
	s2 =	simm.s32 @!p0 $0x1C03  }
0xf3: {  	[timem:s3], [sflag:s2] =	dma.local @!p0 [hbm:s0], s1  }
0xf4: {  	s0 =	simm.s32 @!p0 $0x3  }
0xf5: {  	_ =	swait.ge @!p0 [sflag:s0], s1  }
0xf6: {  	s1 =	ssub.s32 @!p0 $0x0, s1;
	[sflag:s0] =	ssyncset.done @!p0 $0x0  }
0xf7: {  	[sflag:s0] =	ssyncadd.s32 @!p0 s1  }
0xf8: {  	[bflag:$0x3] =	sbarrier.arrive $0xFFFF  }
0xf9: {  	_ =	shalt  }

// kernel: kernel.17.cloned.1.call-start
scs
__scs_entry_jumppad:
0x0: {  	(pc) =	sbr.rel $0x88, $3  }
0x1: {  	(tag) =	ssettag $0x0;
	lr =	simm.s32 $0x1  }
0x2: {  	[smem:$0x3F88] =	sst lr;
	_ =	strace $0xD0000000  }
0x3: {  	_ = 	snop  }
0x4: {  	_ = 	snop  }
0x5: {  	_ = 	snop  }
0x6: {  	_ = 	snop  }
0x7: {  	_ = 	snop  }
__scs_overlays_trampoline_lowered:
0x8: {  	[smem:$0x3F97] =	sst s0  }
0x9: {  	[smem:$0x3F98] =	sst s1  }
0xa: {  	[smem:$0x3F99] =	sst s2  }
0xb: {  	[smem:$0x3F9A] =	sst s3  }
0xc: {  	[smem:$0x3F9B] =	sst s4  }
0xd: {  	[smem:$0x3F9C] =	sst s5  }
0xe: {  	[smem:$0x3F9D] =	sst s6  }
0xf: {  	[smem:$0x3F9E] =	sst s7  }
0x10: {  	[smem:$0x3F9F] =	sst s8  }
0x11: {  	[smem:$0x3FA0] =	sst s9;
	s0 =	simm.s32 @!p0 $0x0  }
0x12: {  	s1 =	sld [smem:$0x3F86];
	s0 =	simm.s32 @p0 $0x1  }
0x13: {  	[smem:$0x3FA1] =	sst s0;
	s0 =	simm.s32 @!p1 $0x0  }
0x14: {  	s2 =	sld [smem:$0x3F85];
	s0 =	simm.s32 @p1 $0x1  }
0x15: {  	[smem:$0x3FA2] =	sst s0;
	s0 =	simm.s32 @!p2 $0x0  }
0x16: {  	s3 =	sld [smem:$0x3FDB];
	s0 =	simm.s32 @p2 $0x1  }
0x17: {  	s4 =	simm.s32 $0x1BF5;
	[smem:$0x3FA4] =	sst s0  }
0x18: {  	s0 =	sld [smem:$0x3F87];
	_ =	swait.ge [sflag:s4], $0x0  }
0x19: {  	s7 =	sld [smem:$0x3F88]  }
0x1a: {  	s8 =	sadd.s32 $0xFFFFE003, lr  }
0x1b: {  	s9 =	sadd.s32 $0xFFFFFEF7, lr;
	s5 =	simm.s32 $0xFFFFFFFF;
	p2 =	slt.u32 s8, $0xFFFFF086  }
0x1c: {  	p1 =	slt.u32 s9, $0xF7A;
	s5 =	simm.s32 @!p2 $0x0  }
0x1d: {  	s5 =	simm.s32 @p1 $0x1;
	p0 =	seq.s32 s7, s2  }
0x1e: {  	s7 =	smul.u32 @!p0 $0xF7A, s2;
	p2 =	seq.s32 @!p0 s5, $0x0  }
0x1f: {  	s9 =	smul.u32 $0xF7A, s1;
	s8 =	simm.s32 @!p0 $0x1BF5;
	p2 =	por !p2, p0  }
0x20: {  	[sflag:s8] =	ssyncset.s32 @!p0 $0xFFFFF086;
	s6 =	sadd.s32 @!p0 s3, s7;
	s7 =	simm.s32 @!p0 $0x108  }
0x21: {  	s3 =	sadd.s32 s3, s9;
	s6 =	sadd.s32 @!p0 $0x88, s6;
	s7 =	simm.s32 @p2 $0x1082  }
0x22: {  	[simem:s7], [sflag:s8] =	dma.local @!p0 [hbm:s6], $0xF7A  }
0x23: {  	s9 =	sor.u32 $0xD0000000, s2;
	s6 =	simm.s32 $0x108;
	_ =	swait.ge @!p0 [sflag:s8], $0x0  }
0x24: {  	s3 =	sadd.s32 $0x88, s3;
	s6 =	simm.s32 @!p1 $0x1082;
	[sflag:s4] =	ssyncset.s32 $0xFFFFF086  }
0x25: {  	[simem:s6], [sflag:s4] =	dma.local [hbm:s3], $0xF7A  }
0x26: {  	[smem:$0x3F88] =	sst s1;
	(tag) =	ssettag s2;
	_ =	strace s9  }
0x27: {  	s1 =	sld [smem:$0x3F98]  }
0x28: {  	s2 =	sld [smem:$0x3F99]  }
0x29: {  	s4 =	sld [smem:$0x3F9B]  }
0x2a: {  	p0 =	seq.s32 s5, $0x0;
	s5 =	sld [smem:$0x3F9C]  }
0x2b: {  	s6 =	sld [smem:$0x3F9D]  }
0x2c: {  	s7 =	sld [smem:$0x3F9E]  }
0x2d: {  	s3 =	simm.s32 $0x108;
	s8 =	sld [smem:$0x3F9F]  }
0x2e: {  	s3 =	simm.s32 @!p0 $0x1082;
	s9 =	sld [smem:$0x3FA0]  }
0x2f: {  	lr =	sadd.s32 s0, s3;
	s0 =	sld [smem:$0x3F97]  }
0x30: {  	s3 =	sld [smem:$0x3F9A]  }
0x31: {  	[smem:$0x3FA3] =	sst s10  }
0x32: {  	s10 =	sld [smem:$0x3FA1];
	_ =	sdelay $0x3  }
0x33: {  	p0 =	seq.s32 s10, $0x1;
	s10 =	sld [smem:$0x3FA3];
	_ =	sdelay $0x3  }
0x34: {  	[smem:$0x3FA3] =	sst s10  }
0x35: {  	s10 =	sld [smem:$0x3FA2];
	_ =	sdelay $0x3  }
0x36: {  	p1 =	seq.s32 s10, $0x1;
	s10 =	sld [smem:$0x3FA3];
	_ =	sdelay $0x3  }
0x37: {  	[smem:$0x3FA3] =	sst s10  }
0x38: {  	s10 =	sld [smem:$0x3FA4]  }
0x39: {  	_ = 	snop;
	(pc) =	sbr.ind lr, $3  }
0x3a: {  	_ = 	snop  }
0x3b: {  	_ = 	snop  }
0x3c: {  	p2 =	seq.s32 s10, $0x1;
	s10 =	sld [smem:$0x3FA3]  }
0x3d: {  	_ =	shalt  }
0x3e: {  	_ =	shalt  }
0x3f: {  	_ =	shalt  }
0x40: {  	_ =	shalt  }
0x41: {  	_ =	shalt  }
0x42: {  	_ =	shalt  }
0x43: {  	_ =	shalt  }
0x44: {  	_ =	shalt  }
0x45: {  	_ =	shalt  }
0x46: {  	_ =	shalt  }
0x47: {  	_ =	shalt  }
0x48: {  	_ =	shalt  }
0x49: {  	_ =	shalt  }
0x4a: {  	_ =	shalt  }
0x4b: {  	_ =	shalt  }
0x4c: {  	_ =	shalt  }
0x4d: {  	_ =	shalt  }
0x4e: {  	_ =	shalt  }
0x4f: {  	_ =	shalt  }
0x50: {  	_ =	shalt  }
0x51: {  	_ =	shalt  }
0x52: {  	_ =	shalt  }
0x53: {  	_ =	shalt  }
0x54: {  	_ =	shalt  }
0x55: {  	_ =	shalt  }
0x56: {  	_ =	shalt  }
0x57: {  	_ =	shalt  }
0x58: {  	_ =	shalt  }
0x59: {  	_ =	shalt  }
0x5a: {  	_ =	shalt  }
0x5b: {  	_ =	shalt  }
0x5c: {  	_ =	shalt  }
0x5d: {  	_ =	shalt  }
0x5e: {  	_ =	shalt  }
0x5f: {  	_ =	shalt  }
0x60: {  	_ =	shalt  }
0x61: {  	_ =	shalt  }
0x62: {  	_ =	shalt  }
0x63: {  	_ =	shalt  }
0x64: {  	_ =	shalt  }
0x65: {  	_ =	shalt  }
0x66: {  	_ =	shalt  }
0x67: {  	_ =	shalt  }
0x68: {  	_ =	shalt  }
0x69: {  	_ =	shalt  }
0x6a: {  	_ =	shalt  }
0x6b: {  	_ =	shalt  }
0x6c: {  	_ =	shalt  }
0x6d: {  	_ =	shalt  }
0x6e: {  	_ =	shalt  }
0x6f: {  	_ =	shalt  }
0x70: {  	_ =	shalt  }
0x71: {  	_ =	shalt  }
0x72: {  	_ =	shalt  }
0x73: {  	_ =	shalt  }
0x74: {  	_ =	shalt  }
0x75: {  	_ =	shalt  }
0x76: {  	_ =	shalt  }
0x77: {  	_ =	shalt  }
0x78: {  	_ =	shalt  }
0x79: {  	_ =	shalt  }
0x7a: {  	_ =	shalt  }
0x7b: {  	_ =	shalt  }
0x7c: {  	_ =	shalt  }
0x7d: {  	_ =	shalt  }
0x7e: {  	_ =	shalt  }
0x7f: {  	_ =	shalt  }
0x80: {  	_ =	shalt  }
0x81: {  	_ =	shalt  }
0x82: {  	_ =	shalt  }
0x83: {  	_ =	shalt  }
0x84: {  	_ =	shalt  }
0x85: {  	_ =	shalt  }
0x86: {  	_ =	shalt  }
0x87: {  	_ =	shalt  }
.Lfunc_end0:
.L_simem_size_0:
called_computation.2_lowered:
.L_overlay_start_0:
0x88: {  	s2 =	sld [smem:$0x3FD9]  }
0x89: {  	s3 =	sld [smem:$0x3FFE];
	_ =	sdelay $0x1  }
0x8a: {  	s1 =	srdreg.scid  }
0x8b: {  	s0 =	sand.u32 $0x1, s1  }
0x8c: {  	s16 =	sshll.u32 s0, $0xA;
	s2 =	sadd.s32 s3, s2  }
0x8d: {  	s2 =	sadd.s32 s2, s16  }
0x8e: {  	[smem:$0x3FAF] =	sst s2  }
0x8f: {  	_ = 	snop  }
0x90: {  	(tm) =	ssettm $0x1  }
0x91: {  	s17 =	sld [smem:$0x3FFB];
	_ =	sdelay $0x3  }
0x92: {  	_ =	strace s17  }
0x93: {  	s2 =	sld [smem:$0x3FFC];
	_ =	sdelay $0x3  }
0x94: {  	_ =	strace s2  }
0x95: {  	s2 =	sld [smem:$0x3FFD];
	_ =	sdelay $0x3  }
0x96: {  	_ =	strace s2  }
0x97: {  	_ =	strace $0x8FFFFFFF  }
0x98: {  	s18 =	sld [smem:$0x3FDB];
	_ =	sdelay $0x1  }
0x99: {  	s19 =	simm.s32 $_scs_section_size  }
0x9a: {  	s4 =	simm.s32 $_size__tile_overlayer_lowered;
	s5 =	simm.s32 $_tile_overlayer_lowered  }
0x9b: {  	s22 =	simm.s32 $0x1BFF;
	s21 =	sshll.u32 s5, $0x1;
	s2 =	sadd.s32 s19, s18  }
0x9c: {  	s6 =	simm.s32 $0x0;
	s20 =	sshll.u32 s4, $0x1;
	s4 =	sadd.s32 s21, s2  }
0x9d: {  	[timem:s6], [sflag:s22] =	dma.local [hbm:s4], s20  }
0x9e: {  	_ =	swait.ge [sflag:s22], s20  }
0x9f: {  	s3 =	ssub.s32 $0x0, s20;
	[sflag:s22] =	ssyncset.done $0x0  }
0xa0: {  	[sflag:s22] =	ssyncadd.s32 s3;
	_ =	sdelay $0x1  }
0xa1: {  	s23 =	simm.s32 $0x1B8B  }
0xa2: {  	_ =	swait.ge [sflag:s23], $0x1  }
0xa3: {  	[sflag:s23] =	ssyncset.done $0x0  }
0xa4: {  	s25 =	simm.s32 $0x1B8E;
	s24 =	sld [smem:$0x3FFE];
	[sflag:s23] =	ssyncadd.s32 $0xFFFFFFFF  }
0xa5: {  	s26 =	simm.s32 $execute0_lowered;
	[smem:$0x3FD2] =	sst s25  }
0xa6: {  	s4 =	sshll.u32 s26, $0x1;
	_ =	strace $0x8000004C;
	[dreg:$0x1] =	wrdreg $0xFFFFFFFF  }
0xa7: {  	s28 =	simm.s32 $_size_execute0_lowered;
	s2 =	sadd.s32 s2, s4;
	[dreg:$0x0] =	wrdreg $0x0  }
0xa8: {  	s4 =	sshll.u32 s28, $0x1;
	[dreg:$0x2] =	wrdreg s2  }
0xa9: {  	[dreg:$0x3] =	wrdreg s4  }
0xaa: {  	[dreg:$0x4] =	wrdreg $0xC0  }
0xab: {  	_ =	task [dreg:s6], $0x5FFFF  }
0xac: {  	[dreg:$0x1] =	wrdreg $0xFFFFFFFF  }
0xad: {  	[dreg:$0x0] =	wrdreg $0x60  }
0xae: {  	[dreg:$0x2] =	wrdreg s24  }
0xaf: {  	[dreg:$0x3] =	wrdreg $0xBD000  }
0xb0: {  	[dreg:$0x4] =	wrdreg $0x9  }
0xb1: {  	_ =	task.clear_ibuf [dreg:s6], $0x5FFFF;
	_ =	strace $0x9000004C  }
0xb2: {  	s29 =	simm.s32 $0x9;
	_ =	strace $0x8000004E  }
0xb3: {  	_ =	swait.ge [sflag:s29], $0x1  }
0xb4: {  	[sflag:s29] =	ssyncadd.s32 $0xFFFFFFFF  }
0xb5: {  	_ =	strace $0x9000004E  }
0xb6: {  	_ =	sfence  }
0xb7: {  	s30 =	sld [smem:$0x0];
	_ =	sdelay $0x2  }
0xb8: {  	s31 =	sshll.u32 s1, $0xD;
	s1 =	sshrl.u32 s1, $0x2  }
0xb9: {  	s3 =	sand.u32 $0x4000, s31;
	s1 =	sadd.s32 s1, s30  }
0xba: {  	s0 =	sor.u32 s3, s0;
	s1 =	sshll.u32 s1, $0x11  }
0xbb: {  	s0 =	sor.u32 s1, s0  }
0xbc: {  	s0 =	sadd.s32 $0x8F2B, s0  }
0xbd: {  	[sflag:s0] =	ssyncadd.remote.s32 $0x1  }
0xbe: {  	_ =	sfence.sel $0xFFFF  }
0xbf: {  	[dreg:$0x0] =	wrdreg $0xFFFFFFFF;
	(pc) =	sbr.abs _section_cstart, $3  }
0xc0: {  	[dreg:$0x1] =	wrdreg $0xFFFFFFFF  }
0xc1: {  	_ =	task.clear_ibuf [dreg:s6], $0x2FFFF;
	_ =	strace $0x9FFFFFFF  }
0xc2: {  	(tm) =	ssettm $0x7FFFFFFF  }
0xc3: {  	_ =	shalt  }
tec
execute0_lowered:
.L_overlay_start_1:
0x0: {  	(tag) =	ssettag $0x1  }
0x1: {  	s0 =	rddreg [dreg:$0x0]  }
0x2: {  	s1 =	rddreg [dreg:$0x1];
	s2 =	simm.s32 $0x0  }
0x3: {  	s3 =	srdreg.scid;
	s15 =	stileid.u32;
	s28 =	simm.s32 $0x7D00  }
0x4: {  	s29 =	simm.s32 $0x3C00;
	s30 =	simm.s32 $0x1;
	s31 =	simm.s32 $0x2  }
0x5: {  	[smem:$0x7FF] =	sst s2;
	s4 =	sadd.s32 $0x1BC00, s0;
	s12 =	smul.u32 $0x278, s15  }
0x6: {  	s5 =	sadd.s32 $0x42E00, s0;
	s3 =	sand.u32 $0x1, s3;
	s10 =	smul.u32 $0x4F000, s15  }
0x7: {  	s7 =	sadd.s32 $0x11C00, s0;
	s6 =	sadd.s32 $0x7C00, s0;
	s14 =	smul.u32 $0x280, s15  }
0x8: {  	s11 =	sadd.s32 $0x6A000, s0;
	s0 =	sadd.s32 $0x91800, s0;
	s17 =	smul.u32 $0x780, s15  }
0x9: {  	s19 =	smul.u32 $0x2780, s15;
	_ =	strace $0x8000004D;
	[dreg:$0x3] =	wrdreg s11  }
0xa: {  	s8 =	ssub.s32 $0x2, s3;
	[dreg:$0x4] =	wrdreg s0;
	p0 =	sne.s32 s3, $0x0  }
0xb: {  	s3 =	simm.s32 $0x0;
	s9 =	sshrl.u32 s8, $0x1;
	s22 =	sshrl.u32 s10, $0x2  }
0xc: {  	s16 =	sadd.s32 $0x80, s12;
	s20 =	sadd.s32 $0x100, s12;
	s25 =	sadd.s32 $0x180, s12  }
0xd: {  	s14 =	sadd.s32 $0x7800, s14;
	s0 =	ssub.s32 s8, s9;
	s9 =	sadd.s32 s22, s1  }
0xe: {  	s23 =	sshll.u32 s16, $0x7;
	s24 =	sshll.u32 s20, $0x7;
	s13 =	sshll.u32 s25, $0x7  }
0xf: {  	s22 =	sadd.s32 $0x200, s12;
	s18 =	sadd.s32 s7, s14;
	s7 =	sadd.s32 s7, s17  }
0x10: {  	s17 =	sshll.u32 s16, $0x4;
	s20 =	sshll.u32 s20, $0x4;
	s21 =	sshll.u32 s25, $0x4  }
0x11: {  	s25 =	simm.s32 $0x3;
	s10 =	sadd.s32 s23, s1;
	s11 =	sadd.s32 s24, s1  }
.Ltmp0:
0x12: {  	s12 =	sadd.s32 s13, s1;
	[dreg:$0x5] =	wrdreg s18;
	(pc) =	sbr.rel .LBB2_1-.Ltmp0, $4  }
0x13: {  	s26 =	sshll.u32 s22, $0x7;
	[dreg:$0x6] =	wrdreg s7;
	s22 =	sshll.u32 s22, $0x4  }
0x14: {  	s18 =	smul.u32 $0x3C00, s15;
	s23 =	smax.u32 s0, $0x1;
	[dreg:$0x8] =	wrdreg s22  }
0x15: {  	s24 =	simm.s32 $0x3D00;
	s13 =	sadd.s32 s26, s1;
	[dreg:$0x9] =	wrdreg s23  }
0x16: {  	v0 =	vimm.f32 $0.0e+00;
	s0 =	simm.s32 $0x3C80;
	s26 =	simm.s32 $0x80;
	[dreg:$0x7] =	wrdreg s13  }
.LBB2_9:
0x17: {  	[sflag:s25] =	ssyncset.done $0x0  }
0x18: {  	s7 =	rddreg [dreg:$0x4];
	[sflag:s25] =	ssyncadd.s32 $0xFFFFC000  }
.LBB2_10:
0x19: {  	[bflag:$0x0] =	sbarrier.arrive $0xFFFF  }
0x1a: {  	[tilespmem:s24], [sflag:$0x3] =	stream.linear.gather [spmem:s9], $0x4000, $0x38;
	[tilespmem:$0x1F900] =	vst v63  }
0x1b: {  	_ =	swait.ge [sflag:s25], $0x4000  }
0x1c: {  	[sflag:s25] =	ssyncset.done $0x0  }
0x1d: {  	s8 =	sadd.s32 s7, s19;
	[sflag:s25] =	ssyncadd.s32 $0xFFFFC000  }
0x1e: {  	[hbm4b:s8+s2] =	stream.linear.scatter [tilespmem:s24], [sflag:$0x3], $0x4000, $0x38;
	[tilespmem:$0x1F900] =	vst v63  }
0x1f: {  	_ =	swait.ge [sflag:s25], $0x4000  }
0x20: {  	[sflag:s25] =	ssyncset.done $0x0  }
0x21: {  	[sflag:s25] =	ssyncadd.s32 $0xFFFFC000  }
0x22: {  	[tilespmem:s24], [sflag:$0x3] =	stream.linear.gather [spmem:s10], $0x4000, $0x38;
	[tilespmem:$0x1F900] =	vst v63  }
0x23: {  	_ =	swait.ge [sflag:s25], $0x4000  }
0x24: {  	[sflag:s25] =	ssyncset.done $0x0  }
0x25: {  	s15 =	sadd.s32 s7, s17;
	[sflag:s25] =	ssyncadd.s32 $0xFFFFC000  }
0x26: {  	[hbm4b:s15+s2] =	stream.linear.scatter [tilespmem:s24], [sflag:$0x3], $0x4000, $0x38;
	[tilespmem:$0x1F900] =	vst v63  }
0x27: {  	_ =	swait.ge [sflag:s25], $0x4000  }
0x28: {  	[sflag:s25] =	ssyncset.done $0x0  }
0x29: {  	[sflag:s25] =	ssyncadd.s32 $0xFFFFC000  }
0x2a: {  	[tilespmem:s24], [sflag:$0x3] =	stream.linear.gather [spmem:s11], $0x4000, $0x38;
	[tilespmem:$0x1F900] =	vst v63  }
0x2b: {  	_ =	swait.ge [sflag:s25], $0x4000  }
0x2c: {  	[sflag:s25] =	ssyncset.done $0x0  }
0x2d: {  	s16 =	sadd.s32 s7, s20;
	[sflag:s25] =	ssyncadd.s32 $0xFFFFC000  }
0x2e: {  	[hbm4b:s16+s2] =	stream.linear.scatter [tilespmem:s24], [sflag:$0x3], $0x4000, $0x38;
	[tilespmem:$0x1F900] =	vst v63  }
0x2f: {  	_ =	swait.ge [sflag:s25], $0x4000  }
0x30: {  	[sflag:s25] =	ssyncset.done $0x0  }
0x31: {  	[sflag:s25] =	ssyncadd.s32 $0xFFFFC000  }
0x32: {  	[tilespmem:s24], [sflag:$0x3] =	stream.linear.gather [spmem:s12], $0x4000, $0x38;
	[tilespmem:$0x1F900] =	vst v63  }
0x33: {  	_ =	swait.ge [sflag:s25], $0x4000  }
0x34: {  	[sflag:s25] =	ssyncset.done $0x0  }
0x35: {  	s15 =	sadd.s32 s7, s21;
	[sflag:s25] =	ssyncadd.s32 $0xFFFFC000  }
0x36: {  	[hbm4b:s15+s2] =	stream.linear.scatter [tilespmem:s24], [sflag:$0x3], $0x4000, $0x38;
	[tilespmem:$0x1F900] =	vst v63  }
0x37: {  	_ =	swait.ge [sflag:s25], $0x4000  }
0x38: {  	[sflag:s25] =	ssyncset.done $0x0  }
0x39: {  	[sflag:s25] =	ssyncadd.s32 $0xFFFFC000  }
0x3a: {  	[tilespmem:s24], [sflag:$0x3] =	stream.linear.gather [spmem:s13], $0x3C00, $0x38;
	[tilespmem:$0x1F900] =	vst v63  }
0x3b: {  	s3 =	sadd.s32 $0x1, s3;
	_ =	swait.ge [sflag:s25], $0x3C00  }
0x3c: {  	p1 =	sne.s32 s3, s23;
	[sflag:s25] =	ssyncset.done $0x0  }
.Ltmp1:
0x3d: {  	s16 =	sadd.s32 s7, s22;
	[sflag:s25] =	ssyncadd.s32 $0xFFFFC400;
	(pc) =	sbr.rel @!p1 .LBB2_11-.Ltmp1, $4  }
0x3e: {  	[hbm4b:s16+s2] =	stream.linear.scatter [tilespmem:s24], [sflag:$0x3], $0x3C00, $0x38;
	[tilespmem:$0x1F900] =	vst v63  }
0x3f: {  	_ =	swait.ge [sflag:s25], $0x3C00  }
0x40: {  	[sflag:s25] =	ssyncset.done $0x0  }
0x41: {  	[sflag:s25] =	ssyncadd.s32 $0xFFFFC400  }
.LBB2_1:
0x42: {  	s7 =	simm.s32 $0x0;
	s8 =	simm.s32 $0x200  }
.LBB2_2:
0x43: {  	p1 =	sne.s32 s8, $0xFE00;
	[tilespmem:s7+$0x3D70] =	vst v0  }
0x44: {  	[tilespmem:s7+$0x3D00] =	vst v0  }
0x45: {  	[tilespmem:s7+$0x3D10] =	vst v0  }
.Ltmp2:
0x46: {  	[tilespmem:s7+$0x3D20] =	vst v0;
	(pc) =	sbr.rel @p1 .LBB2_2-.Ltmp2, $4  }
0x47: {  	[tilespmem:s7+$0x3D30] =	vst v0  }
0x48: {  	[tilespmem:s7+$0x3D40] =	vst v0  }
0x49: {  	[tilespmem:s7+$0x3D50] =	vst v0  }
0x4a: {  	[tilespmem:s7+$0x3D60] =	vst v0;
	s7 =	sshra.s32 s8, $0x2;
	s8 =	sadd.s32 $0x200, s8  }
0x4b: {  	[tilespmem:s7+$0x3D70] =	vst v0  }
0x4c: {  	[tilespmem:s7+$0x3D00] =	vst v0  }
0x4d: {  	[tilespmem:s7+$0x3D10] =	vst v0  }
0x4e: {  	[tilespmem:s7+$0x3D20] =	vst v0  }
0x4f: {  	[tilespmem:s7+$0x3D30] =	vst v0  }
0x50: {  	[tilespmem:s7+$0x3D40] =	vst v0  }
0x51: {  	[tilespmem:s7+$0x3D50] =	vst v0  }
0x52: {  	[tilespmem:s7+$0x3D60] =	vst v0  }
0x53: {  	[spmem:s9] =	stream.linear.scatter [tilespmem:s24], [sflag:$0x3], $0x4000, $0x38;
	[tilespmem:$0x1F900] =	vst v63  }
0x54: {  	_ =	swait.ge [sflag:s25], $0x4000  }
0x55: {  	[sflag:s25] =	ssyncset.done $0x0  }
0x56: {  	[sflag:s25] =	ssyncadd.s32 $0xFFFFC000  }
0x57: {  	[spmem:s10] =	stream.linear.scatter [tilespmem:s24], [sflag:$0x3], $0x4000, $0x38;
	[tilespmem:$0x1F900] =	vst v63  }
0x58: {  	_ =	swait.ge [sflag:s25], $0x4000  }
0x59: {  	[sflag:s25] =	ssyncset.done $0x0  }
0x5a: {  	[sflag:s25] =	ssyncadd.s32 $0xFFFFC000  }
0x5b: {  	[spmem:s11] =	stream.linear.scatter [tilespmem:s24], [sflag:$0x3], $0x4000, $0x38;
	[tilespmem:$0x1F900] =	vst v63  }
0x5c: {  	_ =	swait.ge [sflag:s25], $0x4000  }
0x5d: {  	[sflag:s25] =	ssyncset.done $0x0  }
0x5e: {  	[sflag:s25] =	ssyncadd.s32 $0xFFFFC000  }
0x5f: {  	[spmem:s12] =	stream.linear.scatter [tilespmem:s24], [sflag:$0x3], $0x4000, $0x38;
	[tilespmem:$0x1F900] =	vst v63  }
0x60: {  	_ =	swait.ge [sflag:s25], $0x4000  }
0x61: {  	[sflag:s25] =	ssyncset.done $0x0  }
0x62: {  	[sflag:s25] =	ssyncadd.s32 $0xFFFFC000  }
0x63: {  	[spmem:s13] =	stream.linear.scatter [tilespmem:s24], [sflag:$0x3], $0x3C00, $0x38;
	[tilespmem:$0x1F900] =	vst v63  }
.Ltmp3:
0x64: {  	_ =	swait.ge [sflag:s25], $0x3C00;
	(pc) =	sbr.rel @p0 .LBB2_7-.Ltmp3, $3  }
0x65: {  	[sflag:s25] =	ssyncset.done $0x0  }
0x66: {  	[sflag:s25] =	ssyncadd.s32 $0xFFFFC400  }
0x67: {  	[bflag:$0x0] =	sbarrier.arrive $0xFFFF;
	_ =	sdelay $0x1  }
0x68: {  	s13 =	smov.u32 s12  }
0x69: {  	s12 =	smov.u32 s11;
	s11 =	smov.u32 s10;
	s10 =	smov.u32 s9  }
0x6a: {  	s9 =	smov.u32 s21;
	s7 =	simm.s32 $0x0;
	s8 =	rddreg [dreg:$0x6]  }
0x6b: {  	[tilespmem:s7], [sflag:$0x3] =	stream.linear.gather [hbm4b:s8+s7], $0x3C00, $0x38;
	[tilespmem:$0x1F900] =	vst v63  }
0x6c: {  	s21 =	smov.u32 s19;
	s19 =	sadd.s32 $0x0, s18;
	_ =	swait.ge [sflag:s25], $0x3C00  }
0x6d: {  	s8 =	sand.u32 $0x7FC00, s19;
	s7 =	sand.u32 $0x300, s7;
	[sflag:s25] =	ssyncset.done $0x0  }
0x6e: {  	s16 =	simm.s32 $0x0;
	s7 =	sor.u32 s7, s8;
	[sflag:s25] =	ssyncadd.s32 $0xFFFFC400  }
0x6f: {  	[tilespmem:s24], [sflag:$0x1] =	stream.indirect.gather [hbm4b:s4+s26], $0x80, s16, s26, $0xb8;
	[tilespmem:$0x1F900] =	vst v63  }
0x70: {  	s23 =	smov.u32 s20;
	s20 =	simm.s32 $0x80;
	s7 =	sshrl.u32 s7, $0x3  }
0x71: {  	[tilespmem:s28], [sflag:$0x2] =	stream.indirect.gather [hbm4b:s4+s26], $0x80, s20, s26, $0xb8;
	[tilespmem:$0x1F900] =	vst v63  }
0x72: {  	s7 =	sadd.s32 s6, s7  }
0x73: {  	[tilespmem:s29], [sflag:$0x3] =	stream.linear.gather [hbm4b:s7+s2], $0x100, $0x38;
	[tilespmem:$0x1F900] =	vst v63  }
0x74: {  	_ =	swait.ge [sflag:s25], $0x100  }
0x75: {  	[sflag:s25] =	ssyncset.done $0x0  }
0x76: {  	[sflag:s25] =	ssyncadd.s32 $0xFFFFFF00  }
0x77: {  	_ =	swait.ge [sflag:s30], $0x4000  }
0x78: {  	[sflag:s30] =	ssyncset.done $0x0  }
0x79: {  	[sflag:s30] =	ssyncadd.s32 $0xFFFFC000  }
0x7a: {  	[spmem:s1] =	stream.indirect.scatter.add.f32 [tilespmem:s24], [sflag:$0x3], $0x80, s29, s26, $0xb8;
	[tilespmem:$0x1F900] =	vst v63  }
0x7b: {  	_ =	swait.ge [sflag:s25], $0x4000  }
0x7c: {  	[sflag:s25] =	ssyncset.done $0x0  }
0x7d: {  	[sflag:s25] =	ssyncadd.s32 $0xFFFFC000  }
0x7e: {  	_ =	swait.ge [sflag:s31], $0x4000  }
0x7f: {  	s22 =	smov.u32 s17;
	s8 =	simm.s32 $0x100;
	[sflag:s31] =	ssyncset.done $0x0  }
0x80: {  	s16 =	simm.s32 $0x200;
	s7 =	simm.s32 $0x180;
	[sflag:s31] =	ssyncadd.s32 $0xFFFFC000  }
0x81: {  	[spmem:s1] =	stream.indirect.scatter.add.f32 [tilespmem:s28], [sflag:$0x3], $0x80, s0, s26, $0xb8;
	[tilespmem:$0x1F900] =	vst v63  }
.LBB2_5:
0x82: {  	s17 =	sadd.s32 $0xFFFFFF80, s7  }
0x83: {  	s15 =	sadd.s32 s8, s18;
	_ =	swait.ge [sflag:s25], $0x4000;
	s19 =	smov.u32 s16  }
0x84: {  	s8 =	sand.u32 $0x300, s8;
	s15 =	sand.u32 $0x7FC00, s15;
	[sflag:s25] =	ssyncset.done $0x0  }
0x85: {  	s20 =	sadd.s32 $0x100, s16;
	s8 =	sor.u32 s8, s15;
	[sflag:s25] =	ssyncadd.s32 $0xFFFFC000  }
0x86: {  	[tilespmem:s24], [sflag:$0x1] =	stream.indirect.gather [hbm4b:s4+s26], $0x80, s17, s26, $0xb8;
	[tilespmem:$0x1F900] =	vst v63  }
0x87: {  	p1 =	seq.s32 s16, $0x3B00;
	s15 =	sshrl.u32 s8, $0x3;
	s8 =	smov.u32 s19  }
0x88: {  	[tilespmem:s28], [sflag:$0x2] =	stream.indirect.gather [hbm4b:s4+s26], $0x80, s7, s26, $0xb8;
	[tilespmem:$0x1F900] =	vst v63  }
0x89: {  	s15 =	sadd.s32 s6, s15  }
0x8a: {  	[tilespmem:s29], [sflag:$0x3] =	stream.linear.gather [hbm4b:s15+s2], $0x100, $0x38;
	[tilespmem:$0x1F900] =	vst v63  }
0x8b: {  	_ =	swait.ge [sflag:s25], $0x100  }
0x8c: {  	[sflag:s25] =	ssyncset.done $0x0  }
0x8d: {  	[sflag:s25] =	ssyncadd.s32 $0xFFFFFF00  }
0x8e: {  	_ =	swait.ge [sflag:s30], $0x4000  }
0x8f: {  	[sflag:s30] =	ssyncset.done $0x0  }
0x90: {  	[sflag:s30] =	ssyncadd.s32 $0xFFFFC000  }
0x91: {  	[spmem:s1] =	stream.indirect.scatter.add.f32 [tilespmem:s24], [sflag:$0x3], $0x80, s29, s26, $0xb8;
	[tilespmem:$0x1F900] =	vst v63  }
0x92: {  	_ =	swait.ge [sflag:s25], $0x4000  }
0x93: {  	[sflag:s25] =	ssyncset.done $0x0  }
.Ltmp4:
0x94: {  	[sflag:s25] =	ssyncadd.s32 $0xFFFFC000;
	(pc) =	sbr.rel @!p1 .LBB2_5-.Ltmp4, $4  }
0x95: {  	_ =	swait.ge [sflag:s31], $0x4000  }
0x96: {  	[sflag:s31] =	ssyncset.done $0x0  }
0x97: {  	s16 =	smov.u32 s20;
	s7 =	sadd.s32 $0x100, s7;
	[sflag:s31] =	ssyncadd.s32 $0xFFFFC000  }
0x98: {  	[spmem:s1] =	stream.indirect.scatter.add.f32 [tilespmem:s28], [sflag:$0x3], $0x80, s0, s26, $0xb8;
	[tilespmem:$0x1F900] =	vst v63  }
0x99: {  	s15 =	sadd.s32 s8, s18;
	_ =	swait.ge [sflag:s25], $0x4000  }
0x9a: {  	s19 =	sand.u32 $0x300, s8;
	s15 =	sand.u32 $0x7FC00, s15;
	[sflag:s25] =	ssyncset.done $0x0  }
0x9b: {  	s16 =	sadd.s32 $0xFFFFFF80, s7;
	s8 =	sor.u32 s19, s15;
	[sflag:s25] =	ssyncadd.s32 $0xFFFFC000  }
0x9c: {  	[tilespmem:s24], [sflag:$0x1] =	stream.indirect.gather [hbm4b:s4+s26], $0x80, s16, s26, $0xb8;
	[tilespmem:$0x1F900] =	vst v63  }
0x9d: {  	s8 =	sshrl.u32 s8, $0x3  }
0x9e: {  	[tilespmem:s28], [sflag:$0x2] =	stream.indirect.gather [hbm4b:s4+s26], $0x80, s7, s26, $0xb8;
	[tilespmem:$0x1F900] =	vst v63  }
0x9f: {  	s20 =	sadd.s32 s6, s8  }
0xa0: {  	[tilespmem:s29], [sflag:$0x3] =	stream.linear.gather [hbm4b:s20+s2], $0x100, $0x38;
	[tilespmem:$0x1F900] =	vst v63  }
0xa1: {  	_ =	swait.ge [sflag:s25], $0x100  }
0xa2: {  	[sflag:s25] =	ssyncset.done $0x0  }
0xa3: {  	[sflag:s25] =	ssyncadd.s32 $0xFFFFFF00  }
0xa4: {  	_ =	swait.ge [sflag:s30], $0x4000  }
0xa5: {  	[sflag:s30] =	ssyncset.done $0x0  }
0xa6: {  	[sflag:s30] =	ssyncadd.s32 $0xFFFFC000  }
0xa7: {  	[spmem:s1] =	stream.indirect.scatter.add.f32 [tilespmem:s24], [sflag:$0x3], $0x80, s29, s26, $0xb8;
	[tilespmem:$0x1F900] =	vst v63  }
0xa8: {  	_ =	swait.ge [sflag:s25], $0x4000  }
0xa9: {  	[sflag:s25] =	ssyncset.done $0x0  }
0xaa: {  	[sflag:s25] =	ssyncadd.s32 $0xFFFFC000  }
0xab: {  	_ =	swait.ge [sflag:s31], $0x4000  }
0xac: {  	[sflag:s31] =	ssyncset.done $0x0  }
0xad: {  	s19 =	smov.u32 s21;
	[sflag:s31] =	ssyncadd.s32 $0xFFFFC000  }
0xae: {  	[spmem:s1] =	stream.indirect.scatter.add.f32 [tilespmem:s28], [sflag:$0x3], $0x80, s0, s26, $0xb8;
	[tilespmem:$0x1F900] =	vst v63  }
.Ltmp5:
0xaf: {  	s21 =	smov.u32 s9;
	_ =	swait.ge [sflag:s25], $0x4000;
	(pc) =	sbr.rel .LBB2_10-.Ltmp5, $4  }
0xb0: {  	s9 =	smov.u32 s10;
	s10 =	smov.u32 s11;
	s7 =	rddreg [dreg:$0x3]  }
0xb1: {  	s11 =	smov.u32 s12;
	s12 =	smov.u32 s13;
	s13 =	rddreg [dreg:$0x7]  }
0xb2: {  	s17 =	smov.u32 s22;
	[sflag:s25] =	ssyncset.done $0x0;
	s22 =	rddreg [dreg:$0x8]  }
0xb3: {  	s20 =	smov.u32 s23;
	s23 =	rddreg [dreg:$0x9];
	[sflag:s25] =	ssyncadd.s32 $0xFFFFC000  }
.LBB2_7:
0xb4: {  	s7 =	simm.s32 $0x0;
	s8 =	rddreg [dreg:$0x5]  }
0xb5: {  	[tilespmem:s7], [sflag:$0x3] =	stream.linear.gather [hbm4b:s8+s7], $0x1400, $0x38;
	[tilespmem:$0x1F900] =	vst v63  }
0xb6: {  	_ =	swait.ge [sflag:s25], $0x1400  }
0xb7: {  	[sflag:s25] =	ssyncset.done $0x0  }
0xb8: {  	s15 =	simm.s32 $0x0;
	[sflag:s25] =	ssyncadd.s32 $0xFFFFEC00  }
0xb9: {  	[tilespmem:s24], [sflag:$0x1] =	stream.indirect.gather [hbm4b:s5+s26], $0x80, s15, s26, $0xb8;
	[tilespmem:$0x1F900] =	vst v63  }
0xba: {  	s16 =	sadd.s32 $0x0, s14;
	s15 =	sand.u32 $0x60, s7  }
0xbb: {  	s8 =	sand.u32 $0x1FF80, s16;
	s7 =	simm.s32 $0x80;
	s15 =	sadd.s32 s6, s15  }
0xbc: {  	[tilespmem:s28], [sflag:$0x2] =	stream.indirect.gather [hbm4b:s5+s26], $0x80, s7, s26, $0xb8;
	[tilespmem:$0x1F900] =	vst v63  }
0xbd: {  	s8 =	sadd.s32 s8, s15  }
0xbe: {  	[tilespmem:s29], [sflag:$0x3] =	stream.linear.gather [hbm4b:s8+s2], $0x100, $0x38;
	[tilespmem:$0x1F900] =	vst v63  }
0xbf: {  	_ =	swait.ge [sflag:s25], $0x100  }
0xc0: {  	[sflag:s25] =	ssyncset.done $0x0  }
0xc1: {  	[sflag:s25] =	ssyncadd.s32 $0xFFFFFF00  }
0xc2: {  	_ =	swait.ge [sflag:s30], $0x4000  }
0xc3: {  	[sflag:s30] =	ssyncset.done $0x0  }
0xc4: {  	[sflag:s30] =	ssyncadd.s32 $0xFFFFC000  }
0xc5: {  	[spmem:s1] =	stream.indirect.scatter.add.f32 [tilespmem:s24], [sflag:$0x3], $0x80, s29, s26, $0xb8;
	[tilespmem:$0x1F900] =	vst v63  }
0xc6: {  	_ =	swait.ge [sflag:s25], $0x4000  }
0xc7: {  	[sflag:s25] =	ssyncset.done $0x0  }
0xc8: {  	[sflag:s25] =	ssyncadd.s32 $0xFFFFC000  }
0xc9: {  	_ =	swait.ge [sflag:s31], $0x4000  }
0xca: {  	[sflag:s31] =	ssyncset.done $0x0  }
0xcb: {  	[sflag:s31] =	ssyncadd.s32 $0xFFFFC000  }
0xcc: {  	[spmem:s1] =	stream.indirect.scatter.add.f32 [tilespmem:s28], [sflag:$0x3], $0x80, s0, s26, $0xb8;
	[tilespmem:$0x1F900] =	vst v63  }
0xcd: {  	s8 =	simm.s32 $0x20;
	_ =	swait.ge [sflag:s25], $0x4000  }
.LBB2_8:
0xce: {  	p1 =	sne.s32 s8, $0x260  }
0xcf: {  	[sflag:s25] =	ssyncset.done $0x0;
	s7 =	sadd.s32 $0x100, s7;
	s15 =	smov.u32 s8  }
0xd0: {  	s8 =	sadd.s32 $0x20, s8;
	s16 =	sadd.s32 $0xFFFFFF80, s7;
	[sflag:s25] =	ssyncadd.s32 $0xFFFFC000  }
0xd1: {  	[tilespmem:s24], [sflag:$0x1] =	stream.indirect.gather [hbm4b:s5+s26], $0x80, s16, s26, $0xb8;
	[tilespmem:$0x1F900] =	vst v63  }
0xd2: {  	s16 =	sadd.s32 s15, s14;
	s15 =	sand.u32 $0x60, s15  }
0xd3: {  	s16 =	sand.u32 $0x1FF80, s16;
	s15 =	sadd.s32 s6, s15  }
0xd4: {  	[tilespmem:s28], [sflag:$0x2] =	stream.indirect.gather [hbm4b:s5+s26], $0x80, s7, s26, $0xb8;
	[tilespmem:$0x1F900] =	vst v63  }
0xd5: {  	s15 =	sadd.s32 s16, s15  }
0xd6: {  	[tilespmem:s29], [sflag:$0x3] =	stream.linear.gather [hbm4b:s15+s2], $0x100, $0x38;
	[tilespmem:$0x1F900] =	vst v63  }
0xd7: {  	_ =	swait.ge [sflag:s25], $0x100  }
0xd8: {  	[sflag:s25] =	ssyncset.done $0x0  }
0xd9: {  	[sflag:s25] =	ssyncadd.s32 $0xFFFFFF00  }
0xda: {  	_ =	swait.ge [sflag:s30], $0x4000  }
0xdb: {  	[sflag:s30] =	ssyncset.done $0x0  }
0xdc: {  	[sflag:s30] =	ssyncadd.s32 $0xFFFFC000  }
0xdd: {  	[spmem:s1] =	stream.indirect.scatter.add.f32 [tilespmem:s24], [sflag:$0x3], $0x80, s29, s26, $0xb8;
	[tilespmem:$0x1F900] =	vst v63  }
0xde: {  	_ =	swait.ge [sflag:s25], $0x4000  }
0xdf: {  	[sflag:s25] =	ssyncset.done $0x0  }
0xe0: {  	[sflag:s25] =	ssyncadd.s32 $0xFFFFC000  }
.Ltmp6:
0xe1: {  	_ =	swait.ge [sflag:s31], $0x4000;
	(pc) =	sbr.rel @p1 .LBB2_8-.Ltmp6, $4  }
0xe2: {  	[sflag:s31] =	ssyncset.done $0x0  }
0xe3: {  	[sflag:s31] =	ssyncadd.s32 $0xFFFFC000  }
0xe4: {  	[spmem:s1] =	stream.indirect.scatter.add.f32 [tilespmem:s28], [sflag:$0x3], $0x80, s0, s26, $0xb8;
	[tilespmem:$0x1F900] =	vst v63  }
0xe5: {  	_ =	swait.ge [sflag:s25], $0x4000  }
.Ltmp7:
0xe6: {  	_ = 	snop;
	(pc) =	sbr.rel .LBB2_9-.Ltmp7, $1  }
0xe7: {  	_ =	sdelay $0x3  }
.LBB2_11:
0xe8: {  	_ =	sfence.sel $0x180000  }
0xe9: {  	[bflag:$0x0] =	sbarrier.arrive $0xFFFF  }
0xea: {  	_ =	strace $0x9000004D  }
0xeb: {  	s0 =	stileid.u32;
	[bflag:$0x2] =	sbarrier.arrive $0xFFFF  }
0xec: {  	p0 =	sne.s32 s0, $0x0;
	s0 =	rddreg [dreg:$0x2]  }
0xed: {  	s0 =	sadd.s32 @!p0 $0x100000, s0  }
0xee: {  	[sflag:s0] =	ssyncadd.tile.s32 @!p0 $0x1;
	_ =	shalt  }
.Lfunc_end2:
_tile_overlayer_lowered:
.L_overlay_start_2:
0xef: {  	(tag) =	ssettag $0x2  }
0xf0: {  	s0 =	rddreg [dreg:$0x0];
	s2 =	stileid.u32  }
0xf1: {  	s1 =	rddreg [dreg:$0x1];
	p0 =	sne.s32 s2, $0x0  }
0xf2: {  	s3 =	rddreg [dreg:$0x2];
	[bflag:$0x3] =	sbarrier.arrive $0xFFFF;
	s2 =	simm.s32 @!p0 $0x1C03  }
0xf3: {  	[timem:s3], [sflag:s2] =	dma.local @!p0 [hbm:s0], s1  }
0xf4: {  	s0 =	simm.s32 @!p0 $0x3  }
0xf5: {  	_ =	swait.ge @!p0 [sflag:s0], s1  }
0xf6: {  	s1 =	ssub.s32 @!p0 $0x0, s1;
	[sflag:s0] =	ssyncset.done @!p0 $0x0  }
0xf7: {  	[sflag:s0] =	ssyncadd.s32 @!p0 s1  }
0xf8: {  	[bflag:$0x3] =	sbarrier.arrive $0xFFFF  }
0xf9: {  	_ =	shalt  }

// kernel: kernel.20.cloned.1.call-start
scs
__scs_entry_jumppad:
0x0: {  	(pc) =	sbr.rel $0x88, $3  }
0x1: {  	(tag) =	ssettag $0x0;
	lr =	simm.s32 $0x1  }
0x2: {  	[smem:$0x3F88] =	sst lr;
	_ =	strace $0xD0000000  }
0x3: {  	_ = 	snop  }
0x4: {  	_ = 	snop  }
0x5: {  	_ = 	snop  }
0x6: {  	_ = 	snop  }
0x7: {  	_ = 	snop  }
__scs_overlays_trampoline_lowered:
0x8: {  	[smem:$0x3F97] =	sst s0  }
0x9: {  	[smem:$0x3F98] =	sst s1  }
0xa: {  	[smem:$0x3F99] =	sst s2  }
0xb: {  	[smem:$0x3F9A] =	sst s3  }
0xc: {  	[smem:$0x3F9B] =	sst s4  }
0xd: {  	[smem:$0x3F9C] =	sst s5  }
0xe: {  	[smem:$0x3F9D] =	sst s6  }
0xf: {  	[smem:$0x3F9E] =	sst s7  }
0x10: {  	[smem:$0x3F9F] =	sst s8  }
0x11: {  	[smem:$0x3FA0] =	sst s9;
	s0 =	simm.s32 @!p0 $0x0  }
0x12: {  	s1 =	sld [smem:$0x3F86];
	s0 =	simm.s32 @p0 $0x1  }
0x13: {  	[smem:$0x3FA1] =	sst s0;
	s0 =	simm.s32 @!p1 $0x0  }
0x14: {  	s2 =	sld [smem:$0x3F85];
	s0 =	simm.s32 @p1 $0x1  }
0x15: {  	[smem:$0x3FA2] =	sst s0;
	s0 =	simm.s32 @!p2 $0x0  }
0x16: {  	s3 =	sld [smem:$0x3FDB];
	s0 =	simm.s32 @p2 $0x1  }
0x17: {  	s4 =	simm.s32 $0x1BF5;
	[smem:$0x3FA4] =	sst s0  }
0x18: {  	s0 =	sld [smem:$0x3F87];
	_ =	swait.ge [sflag:s4], $0x0  }
0x19: {  	s7 =	sld [smem:$0x3F88]  }
0x1a: {  	s8 =	sadd.s32 $0xFFFFE003, lr  }
0x1b: {  	s9 =	sadd.s32 $0xFFFFFEF7, lr;
	s5 =	simm.s32 $0xFFFFFFFF;
	p2 =	slt.u32 s8, $0xFFFFF086  }
0x1c: {  	p1 =	slt.u32 s9, $0xF7A;
	s5 =	simm.s32 @!p2 $0x0  }
0x1d: {  	s5 =	simm.s32 @p1 $0x1;
	p0 =	seq.s32 s7, s2  }
0x1e: {  	s7 =	smul.u32 @!p0 $0xF7A, s2;
	p2 =	seq.s32 @!p0 s5, $0x0  }
0x1f: {  	s9 =	smul.u32 $0xF7A, s1;
	s8 =	simm.s32 @!p0 $0x1BF5;
	p2 =	por !p2, p0  }
0x20: {  	[sflag:s8] =	ssyncset.s32 @!p0 $0xFFFFF086;
	s6 =	sadd.s32 @!p0 s3, s7;
	s7 =	simm.s32 @!p0 $0x108  }
0x21: {  	s3 =	sadd.s32 s3, s9;
	s6 =	sadd.s32 @!p0 $0x88, s6;
	s7 =	simm.s32 @p2 $0x1082  }
0x22: {  	[simem:s7], [sflag:s8] =	dma.local @!p0 [hbm:s6], $0xF7A  }
0x23: {  	s9 =	sor.u32 $0xD0000000, s2;
	s6 =	simm.s32 $0x108;
	_ =	swait.ge @!p0 [sflag:s8], $0x0  }
0x24: {  	s3 =	sadd.s32 $0x88, s3;
	s6 =	simm.s32 @!p1 $0x1082;
	[sflag:s4] =	ssyncset.s32 $0xFFFFF086  }
0x25: {  	[simem:s6], [sflag:s4] =	dma.local [hbm:s3], $0xF7A  }
0x26: {  	[smem:$0x3F88] =	sst s1;
	(tag) =	ssettag s2;
	_ =	strace s9  }
0x27: {  	s1 =	sld [smem:$0x3F98]  }
0x28: {  	s2 =	sld [smem:$0x3F99]  }
0x29: {  	s4 =	sld [smem:$0x3F9B]  }
0x2a: {  	p0 =	seq.s32 s5, $0x0;
	s5 =	sld [smem:$0x3F9C]  }
0x2b: {  	s6 =	sld [smem:$0x3F9D]  }
0x2c: {  	s7 =	sld [smem:$0x3F9E]  }
0x2d: {  	s3 =	simm.s32 $0x108;
	s8 =	sld [smem:$0x3F9F]  }
0x2e: {  	s3 =	simm.s32 @!p0 $0x1082;
	s9 =	sld [smem:$0x3FA0]  }
0x2f: {  	lr =	sadd.s32 s0, s3;
	s0 =	sld [smem:$0x3F97]  }
0x30: {  	s3 =	sld [smem:$0x3F9A]  }
0x31: {  	[smem:$0x3FA3] =	sst s10  }
0x32: {  	s10 =	sld [smem:$0x3FA1];
	_ =	sdelay $0x3  }
0x33: {  	p0 =	seq.s32 s10, $0x1;
	s10 =	sld [smem:$0x3FA3];
	_ =	sdelay $0x3  }
0x34: {  	[smem:$0x3FA3] =	sst s10  }
0x35: {  	s10 =	sld [smem:$0x3FA2];
	_ =	sdelay $0x3  }
0x36: {  	p1 =	seq.s32 s10, $0x1;
	s10 =	sld [smem:$0x3FA3];
	_ =	sdelay $0x3  }
0x37: {  	[smem:$0x3FA3] =	sst s10  }
0x38: {  	s10 =	sld [smem:$0x3FA4]  }
0x39: {  	_ = 	snop;
	(pc) =	sbr.ind lr, $3  }
0x3a: {  	_ = 	snop  }
0x3b: {  	_ = 	snop  }
0x3c: {  	p2 =	seq.s32 s10, $0x1;
	s10 =	sld [smem:$0x3FA3]  }
0x3d: {  	_ =	shalt  }
0x3e: {  	_ =	shalt  }
0x3f: {  	_ =	shalt  }
0x40: {  	_ =	shalt  }
0x41: {  	_ =	shalt  }
0x42: {  	_ =	shalt  }
0x43: {  	_ =	shalt  }
0x44: {  	_ =	shalt  }
0x45: {  	_ =	shalt  }
0x46: {  	_ =	shalt  }
0x47: {  	_ =	shalt  }
0x48: {  	_ =	shalt  }
0x49: {  	_ =	shalt  }
0x4a: {  	_ =	shalt  }
0x4b: {  	_ =	shalt  }
0x4c: {  	_ =	shalt  }
0x4d: {  	_ =	shalt  }
0x4e: {  	_ =	shalt  }
0x4f: {  	_ =	shalt  }
0x50: {  	_ =	shalt  }
0x51: {  	_ =	shalt  }
0x52: {  	_ =	shalt  }
0x53: {  	_ =	shalt  }
0x54: {  	_ =	shalt  }
0x55: {  	_ =	shalt  }
0x56: {  	_ =	shalt  }
0x57: {  	_ =	shalt  }
0x58: {  	_ =	shalt  }
0x59: {  	_ =	shalt  }
0x5a: {  	_ =	shalt  }
0x5b: {  	_ =	shalt  }
0x5c: {  	_ =	shalt  }
0x5d: {  	_ =	shalt  }
0x5e: {  	_ =	shalt  }
0x5f: {  	_ =	shalt  }
0x60: {  	_ =	shalt  }
0x61: {  	_ =	shalt  }
0x62: {  	_ =	shalt  }
0x63: {  	_ =	shalt  }
0x64: {  	_ =	shalt  }
0x65: {  	_ =	shalt  }
0x66: {  	_ =	shalt  }
0x67: {  	_ =	shalt  }
0x68: {  	_ =	shalt  }
0x69: {  	_ =	shalt  }
0x6a: {  	_ =	shalt  }
0x6b: {  	_ =	shalt  }
0x6c: {  	_ =	shalt  }
0x6d: {  	_ =	shalt  }
0x6e: {  	_ =	shalt  }
0x6f: {  	_ =	shalt  }
0x70: {  	_ =	shalt  }
0x71: {  	_ =	shalt  }
0x72: {  	_ =	shalt  }
0x73: {  	_ =	shalt  }
0x74: {  	_ =	shalt  }
0x75: {  	_ =	shalt  }
0x76: {  	_ =	shalt  }
0x77: {  	_ =	shalt  }
0x78: {  	_ =	shalt  }
0x79: {  	_ =	shalt  }
0x7a: {  	_ =	shalt  }
0x7b: {  	_ =	shalt  }
0x7c: {  	_ =	shalt  }
0x7d: {  	_ =	shalt  }
0x7e: {  	_ =	shalt  }
0x7f: {  	_ =	shalt  }
0x80: {  	_ =	shalt  }
0x81: {  	_ =	shalt  }
0x82: {  	_ =	shalt  }
0x83: {  	_ =	shalt  }
0x84: {  	_ =	shalt  }
0x85: {  	_ =	shalt  }
0x86: {  	_ =	shalt  }
0x87: {  	_ =	shalt  }
.Lfunc_end0:
.L_simem_size_0:
called_computation.3_lowered:
.L_overlay_start_0:
0x88: {  	s2 =	sld [smem:$0x3FD9]  }
0x89: {  	s3 =	sld [smem:$0x3FFE];
	_ =	sdelay $0x1  }
0x8a: {  	s1 =	srdreg.scid  }
0x8b: {  	s0 =	sand.u32 $0x1, s1  }
0x8c: {  	s14 =	sshll.u32 s0, $0xA;
	s2 =	sadd.s32 s3, s2  }
0x8d: {  	s2 =	sadd.s32 s2, s14  }
0x8e: {  	[smem:$0x3FAF] =	sst s2  }
0x8f: {  	_ = 	snop  }
0x90: {  	s2 =	sld [smem:$0x3FD0];
	_ =	sdelay $0x2  }
0x91: {  	s15 =	simm.s32 $0xB;
	s4 =	simm.s32 $0x10  }
0x92: {  	[smem:s4], [sflag:s15] =	dma.local [hbm:s2], $0x1  }
0x93: {  	_ =	swait.eq [sflag:s15], $0x1  }
0x94: {  	[sflag:s15] =	ssyncset.done $0x0  }
0x95: {  	[sflag:s15] =	ssyncadd.s32 $0xFFFFFFFF  }
0x96: {  	s16 =	sld [smem:$0x10];
	(tm) =	ssettm $0x1  }
0x97: {  	s17 =	sld [smem:$0x3FFB];
	_ =	sdelay $0x3  }
0x98: {  	_ =	strace s17  }
0x99: {  	s3 =	sld [smem:$0x3FFC];
	_ =	sdelay $0x3  }
0x9a: {  	_ =	strace s3  }
0x9b: {  	s3 =	sld [smem:$0x3FFD];
	_ =	sdelay $0x3  }
0x9c: {  	_ =	strace s3  }
0x9d: {  	_ =	strace $0x8FFFFFFF  }
0x9e: {  	s18 =	sld [smem:$0x3FDB];
	_ =	sdelay $0x1  }
0x9f: {  	s19 =	simm.s32 $_scs_section_size  }
0xa0: {  	s5 =	simm.s32 $_size__tile_overlayer_lowered;
	s6 =	simm.s32 $_tile_overlayer_lowered  }
0xa1: {  	s22 =	simm.s32 $0x1BFF;
	s21 =	sshll.u32 s6, $0x1;
	s3 =	sadd.s32 s19, s18  }
0xa2: {  	s7 =	simm.s32 $0x0;
	s20 =	sshll.u32 s5, $0x1;
	s5 =	sadd.s32 s21, s3  }
0xa3: {  	[timem:s7], [sflag:s22] =	dma.local [hbm:s5], s20  }
0xa4: {  	_ =	swait.ge [sflag:s22], s20  }
0xa5: {  	s4 =	ssub.s32 $0x0, s20;
	[sflag:s22] =	ssyncset.done $0x0  }
0xa6: {  	[sflag:s22] =	ssyncadd.s32 s4;
	_ =	sdelay $0x1  }
0xa7: {  	s23 =	simm.s32 $0x1B8B  }
0xa8: {  	_ =	swait.ge [sflag:s23], $0x1  }
0xa9: {  	[sflag:s23] =	ssyncset.done $0x0  }
0xaa: {  	s25 =	simm.s32 $0x1B8E;
	s24 =	sld [smem:$0x3FFE];
	[sflag:s23] =	ssyncadd.s32 $0xFFFFFFFF  }
0xab: {  	s26 =	simm.s32 $execute0_lowered;
	[smem:$0x3FD2] =	sst s25  }
0xac: {  	s5 =	sshll.u32 s26, $0x1;
	_ =	strace $0x8000004F;
	[dreg:$0x1] =	wrdreg $0xFFFFFFFF  }
0xad: {  	s28 =	simm.s32 $_size_execute0_lowered;
	s3 =	sadd.s32 s3, s5;
	[dreg:$0x0] =	wrdreg $0x0  }
0xae: {  	s5 =	sshll.u32 s28, $0x1;
	[dreg:$0x2] =	wrdreg s3  }
0xaf: {  	[dreg:$0x3] =	wrdreg s5  }
0xb0: {  	[dreg:$0x4] =	wrdreg $0xC0  }
0xb1: {  	_ =	task [dreg:s7], $0x5FFFF  }
0xb2: {  	[dreg:$0x1] =	wrdreg $0xFFFFFFFF  }
0xb3: {  	[dreg:$0x0] =	wrdreg $0x60  }
0xb4: {  	[dreg:$0x2] =	wrdreg s24  }
0xb5: {  	[dreg:$0x3] =	wrdreg s16  }
0xb6: {  	[dreg:$0x4] =	wrdreg $0x9  }
0xb7: {  	_ =	task.clear_ibuf [dreg:s7], $0x5FFFF;
	_ =	strace $0x9000004F  }
0xb8: {  	s29 =	simm.s32 $0x9;
	_ =	strace $0x80000051  }
0xb9: {  	_ =	swait.ge [sflag:s29], $0x1  }
0xba: {  	[sflag:s29] =	ssyncadd.s32 $0xFFFFFFFF  }
0xbb: {  	_ =	strace $0x90000051  }
0xbc: {  	_ =	sfence  }
0xbd: {  	s30 =	sld [smem:$0x0];
	_ =	sdelay $0x2  }
0xbe: {  	s31 =	sshll.u32 s1, $0xD;
	s1 =	sshrl.u32 s1, $0x2  }
0xbf: {  	s3 =	sand.u32 $0x4000, s31;
	s1 =	sadd.s32 s1, s30  }
0xc0: {  	s0 =	sor.u32 s3, s0;
	s1 =	sshll.u32 s1, $0x11  }
0xc1: {  	s0 =	sor.u32 s1, s0  }
0xc2: {  	s0 =	sadd.s32 $0x8F2B, s0  }
0xc3: {  	[sflag:s0] =	ssyncadd.remote.s32 $0x1  }
0xc4: {  	_ =	sfence.sel $0xFFFF  }
0xc5: {  	[dreg:$0x0] =	wrdreg $0xFFFFFFFF;
	(pc) =	sbr.abs _section_cstart, $3  }
0xc6: {  	[dreg:$0x1] =	wrdreg $0xFFFFFFFF  }
0xc7: {  	_ =	task.clear_ibuf [dreg:s7], $0x2FFFF;
	_ =	strace $0x9FFFFFFF  }
0xc8: {  	(tm) =	ssettm $0x7FFFFFFF  }
0xc9: {  	_ =	shalt  }
tec
execute0_lowered:
.L_overlay_start_1:
0x0: {  	(tag) =	ssettag $0x1  }
0x1: {  	s1 =	srdreg.scid;
	s0 =	stileid.u32  }
0x2: {  	s8 =	rddreg [dreg:$0x0];
	s10 =	sand.u32 $0x1, s1;
	s29 =	sshll.u32 s0, $0x1  }
0x3: {  	s9 =	rddreg [dreg:$0x1];
	s11 =	sor.u32 s10, s29  }
0x4: {  	s2 =	simm.s32 $0x0;
	s1 =	rddreg [dreg:$0x2];
	s12 =	sshll.u32 s11, $0x4  }
0x5: {  	[smem:$0x7FF] =	sst s2;
	s3 =	sadd.s32 s12, s8  }
0x6: {  	_ =	strace $0x80000050;
	s4 =	sadd.s32 $0x108000, s3;
	s3 =	simm.s32 $0x2  }
0x7: {  	[tilespmem:s2], [sflag:$0x2] =	stream.linear.gather [hbm4b:s4+s2], $0x80, $0x38;
	[tilespmem:$0x4080] =	vst v63  }
0x8: {  	_ =	swait.ge [sflag:s3], $0x80  }
0x9: {  	s6 =	simm.s32 $0x80;
	[sflag:s3] =	ssyncset.done $0x0  }
0xa: {  	s7 =	simm.s32 $0x1;
	s5 =	sadd.s32 $0x7C00, s8;
	[sflag:s3] =	ssyncadd.s32 $0xFFFFFF80  }
0xb: {  	[tilespmem:s6], [sflag:$0x1] =	stream.indirect.gather [hbm4b:s5+s6], $0x80, s2, s6, $0xb8;
	[tilespmem:$0x4080] =	vst v63  }
0xc: {  	s11 =	sshll.u32 s11, $0xB;
	_ =	swait.ge [sflag:s7], $0x4000  }
0xd: {  	s11 =	sadd.s32 s11, s8;
	[sflag:s7] =	ssyncset.done $0x0  }
0xe: {  	s8 =	sadd.s32 $0x2EE00, s11;
	[sflag:s7] =	ssyncadd.s32 $0xFFFFC000  }
0xf: {  	[hbm4b:s8+s2] =	stream.linear.scatter [tilespmem:s6], [sflag:$0x2], $0x4000, $0x38;
	[tilespmem:$0x4080] =	vst v63  }
0x10: {  	_ =	swait.ge [sflag:s3], $0x4000  }
0x11: {  	[sflag:s3] =	ssyncset.done $0x0  }
0x12: {  	s10 =	ssub.s32 $0x2, s10;
	s9 =	sadd.s32 s9, s12;
	[sflag:s3] =	ssyncadd.s32 $0xFFFFC000  }
0x13: {  	[tilespmem:s2], [sflag:$0x2] =	stream.linear.gather [hbm4b:s9+s2], $0x80, $0x38;
	[tilespmem:$0x4080] =	vst v63  }
0x14: {  	s30 =	sshrl.u32 s10, $0x1;
	_ =	swait.ge [sflag:s3], $0x80  }
0x15: {  	s12 =	ssub.s32 s10, s30;
	[sflag:s3] =	ssyncset.done $0x0  }
0x16: {  	s31 =	smax.u32 s12, $0x1;
	[sflag:s3] =	ssyncadd.s32 $0xFFFFFF80  }
0x17: {  	[tilespmem:s6], [sflag:$0x1] =	stream.indirect.gather [hbm4b:s5+s6], $0x80, s2, s6, $0xb8;
	[tilespmem:$0x4080] =	vst v63  }
0x18: {  	p0 =	sne.s32 s31, $0x1;
	_ =	swait.ge [sflag:s7], $0x4000  }
.Ltmp0:
0x19: {  	[sflag:s7] =	ssyncset.done $0x0;
	(pc) =	sbr.rel @!p0 .LBB2_2-.Ltmp0, $4  }
0x1a: {  	s10 =	sadd.s32 $0x3EE00, s11;
	[sflag:s7] =	ssyncadd.s32 $0xFFFFC000  }
0x1b: {  	[hbm4b:s10+s2] =	stream.linear.scatter [tilespmem:s6], [sflag:$0x2], $0x4000, $0x38;
	[tilespmem:$0x4080] =	vst v63  }
0x1c: {  	_ =	swait.ge [sflag:s3], $0x4000  }
0x1d: {  	s11 =	sadd.s32 $0xFFFFFFFF, s31;
	[sflag:s3] =	ssyncset.done $0x0  }
.LBB2_1:
0x1e: {  	p0 =	sne.s32 s11, $0x1;
	s11 =	sadd.s32 $0xFFFFFFFF, s11;
	[sflag:s3] =	ssyncadd.s32 $0xFFFFC000  }
0x1f: {  	[tilespmem:s2], [sflag:$0x2] =	stream.linear.gather [hbm4b:s4+s2], $0x80, $0x38;
	[tilespmem:$0x4080] =	vst v63  }
0x20: {  	_ =	swait.ge [sflag:s3], $0x80  }
0x21: {  	[sflag:s3] =	ssyncset.done $0x0  }
0x22: {  	[sflag:s3] =	ssyncadd.s32 $0xFFFFFF80  }
0x23: {  	[tilespmem:s6], [sflag:$0x1] =	stream.indirect.gather [hbm4b:s5+s6], $0x80, s2, s6, $0xb8;
	[tilespmem:$0x4080] =	vst v63  }
0x24: {  	_ =	swait.ge [sflag:s7], $0x4000  }
0x25: {  	[sflag:s7] =	ssyncset.done $0x0  }
0x26: {  	[sflag:s7] =	ssyncadd.s32 $0xFFFFC000  }
0x27: {  	[hbm4b:s8+s2] =	stream.linear.scatter [tilespmem:s6], [sflag:$0x2], $0x4000, $0x38;
	[tilespmem:$0x4080] =	vst v63  }
0x28: {  	_ =	swait.ge [sflag:s3], $0x4000  }
0x29: {  	[sflag:s3] =	ssyncset.done $0x0  }
0x2a: {  	[sflag:s3] =	ssyncadd.s32 $0xFFFFC000  }
0x2b: {  	[tilespmem:s2], [sflag:$0x2] =	stream.linear.gather [hbm4b:s9+s2], $0x80, $0x38;
	[tilespmem:$0x4080] =	vst v63  }
0x2c: {  	_ =	swait.ge [sflag:s3], $0x80  }
0x2d: {  	[sflag:s3] =	ssyncset.done $0x0  }
0x2e: {  	[sflag:s3] =	ssyncadd.s32 $0xFFFFFF80  }
0x2f: {  	[tilespmem:s6], [sflag:$0x1] =	stream.indirect.gather [hbm4b:s5+s6], $0x80, s2, s6, $0xb8;
	[tilespmem:$0x4080] =	vst v63  }
0x30: {  	_ =	swait.ge [sflag:s7], $0x4000  }
.Ltmp1:
0x31: {  	[sflag:s7] =	ssyncset.done $0x0;
	(pc) =	sbr.rel @p0 .LBB2_1-.Ltmp1, $4  }
0x32: {  	[sflag:s7] =	ssyncadd.s32 $0xFFFFC000  }
0x33: {  	[hbm4b:s10+s2] =	stream.linear.scatter [tilespmem:s6], [sflag:$0x2], $0x4000, $0x38;
	[tilespmem:$0x4080] =	vst v63  }
0x34: {  	_ =	swait.ge [sflag:s3], $0x4000  }
0x35: {  	[sflag:s3] =	ssyncset.done $0x0  }
.LBB2_2:
0x36: {  	[sflag:s3] =	ssyncadd.s32 $0xFFFFC000  }
0x37: {  	_ =	sfence.sel $0x180000  }
0x38: {  	[bflag:$0x0] =	sbarrier.arrive $0xFFFF  }
0x39: {  	p0 =	sne.s32 s0, $0x0;
	_ =	strace $0x90000050  }
0x3a: {  	s0 =	sadd.s32 @!p0 $0x100000, s1;
	[bflag:$0x2] =	sbarrier.arrive $0xFFFF  }
0x3b: {  	[sflag:s0] =	ssyncadd.tile.s32 @!p0 $0x1;
	_ =	shalt  }
.Lfunc_end2:
_tile_overlayer_lowered:
.L_overlay_start_2:
0x3c: {  	(tag) =	ssettag $0x2  }
0x3d: {  	s0 =	rddreg [dreg:$0x0];
	s2 =	stileid.u32  }
0x3e: {  	s1 =	rddreg [dreg:$0x1];
	p0 =	sne.s32 s2, $0x0  }
0x3f: {  	s3 =	rddreg [dreg:$0x2];
	[bflag:$0x3] =	sbarrier.arrive $0xFFFF;
	s2 =	simm.s32 @!p0 $0x1C02  }
0x40: {  	[timem:s3], [sflag:s2] =	dma.local @!p0 [hbm:s0], s1  }
0x41: {  	s0 =	simm.s32 @!p0 $0x2  }
0x42: {  	_ =	swait.ge @!p0 [sflag:s0], s1  }
0x43: {  	s1 =	ssub.s32 @!p0 $0x0, s1;
	[sflag:s0] =	ssyncset.done @!p0 $0x0  }
0x44: {  	[sflag:s0] =	ssyncadd.s32 @!p0 s1  }
0x45: {  	[bflag:$0x3] =	sbarrier.arrive $0xFFFF  }
0x46: {  	_ =	shalt  }

</sc_bundles>
